<compile_context>
chip_gen: v7x
topology: tpu7x:2x2x1
jax: 0.10.2.dev20260603
libtpu: 0.0.44.dev20260713+nightly
codegen_flags: <defaults>
</compile_context>

<pallas_src>
import functools

import jax
import jax.numpy as jnp
from jax import lax
from jax.experimental import pallas as pl
from jax.experimental.pallas import tpu as pltpu
from jax.experimental.pallas import tpu_sc as plsc

N = 10000
E = 320000
D = 128

NC = 2
NS = 16
NW = NC * NS
EPT = E // NW
K = 80
NCHUNK = EPT // K
ZCH = 80
NZ = N // ZCH
ZITER = (NZ + NS - 1) // NS
LANES = D // 16


_BCAST_DN = lax.GatherDimensionNumbers(
    offset_dims=(), collapsed_slice_dims=(0,), start_index_map=(0,))


def _mm_body(x_ref, w_ref, o_ref):
    y = jnp.dot(x_ref[...], w_ref[...], preferred_element_type=jnp.float32)
    o_ref[...] = jnp.where(y >= 0, y, 0.01 * y)


def _combine_body(p_ref, o_ref):
    o_ref[...] = p_ref[0] + p_ref[1]


def _spmm_body(support_hbm, src_hbm, dst_hbm, w_hbm, out_hbm,
               src_v, dst_v, w_v, rows_a, rows_b, acc, sem_a, sem_b):
    c = lax.axis_index("c")
    s = lax.axis_index("s")
    wid = s * NC + c

    def zrow(i, carry):
        for l in range(LANES):
            rows_a[i, pl.ds(l * 16, 16)] = jnp.zeros((16,), jnp.float32)
        return carry

    lax.fori_loop(0, ZCH, zrow, 0)

    def zcp(r, carry):
        z = s + r * NS

        @pl.when(z < NZ)
        def _():
            pltpu.sync_copy(rows_a, acc.at[pl.ds(z * ZCH, ZCH)])

        return carry

    lax.fori_loop(0, ZITER, zcp, 0)

    pltpu.sync_copy(src_hbm.at[wid], src_v)
    pltpu.sync_copy(dst_hbm.at[wid], dst_v)
    pltpu.sync_copy(w_hbm.at[wid], w_v)
    plsc.subcore_barrier()

    def gather_start(ci, buf, sem):
        pltpu.async_copy(
            support_hbm.at[src_v.at[pl.ds(ci * K, K)]], buf, sem)

    def gather_wait(ci, buf, sem):
        pltpu.make_async_copy(
            support_hbm.at[src_v.at[pl.ds(ci * K, K)]], buf, sem).wait()

    def process(ci, buf):
        def scale_grp(g, carry2):
            off = pl.multiple_of(ci * K + g * 16, 16)
            wv = w_v[pl.ds(off, 16)]
            for j in range(16):
                wsp = lax.gather(
                    wv, jnp.full((16, 1), j, jnp.int32), _BCAST_DN, (1,),
                    mode=lax.GatherScatterMode.PROMISE_IN_BOUNDS)
                row = g * 16 + j
                for l in range(LANES):
                    sl = pl.ds(l * 16, 16)
                    buf[row, sl] = buf[row, sl] * wsp
            return carry2

        lax.fori_loop(0, K // 16, scale_grp, 0)

        pltpu.sync_copy(buf, acc.at[dst_v.at[pl.ds(ci * K, K)]], add=True)

    gather_start(0, rows_a, sem_a)

    def chunk_pair(i, carry):
        c0 = 2 * i
        gather_start(c0 + 1, rows_b, sem_b)
        gather_wait(c0, rows_a, sem_a)
        process(c0, rows_a)
        gather_start(c0 + 2, rows_a, sem_a)
        gather_wait(c0 + 1, rows_b, sem_b)
        process(c0 + 1, rows_b)
        return carry

    lax.fori_loop(0, (NCHUNK - 1) // 2, chunk_pair, 0)
    gather_wait(NCHUNK - 1, rows_a, sem_a)
    process(NCHUNK - 1, rows_a)
    plsc.subcore_barrier()

    def wb(r, carry):
        z = s + r * NS

        @pl.when(z < NZ)
        def _():
            pltpu.sync_copy(acc.at[pl.ds(z * ZCH, ZCH)],
                            out_hbm.at[c, pl.ds(z * ZCH, ZCH)])

        return carry

    lax.fori_loop(0, ZITER, wb, 0)


_spmm = functools.partial(
    pl.kernel,
    mesh=plsc.VectorSubcoreMesh(core_axis_name="c", subcore_axis_name="s"),
    out_type=jax.ShapeDtypeStruct((NC, N, D), jnp.float32),
    scratch_types=[
        pltpu.VMEM((EPT,), jnp.int32),
        pltpu.VMEM((EPT,), jnp.int32),
        pltpu.VMEM((EPT,), jnp.float32),
        pltpu.VMEM((K, D), jnp.float32),
        pltpu.VMEM((K, D), jnp.float32),
        pltpu.VMEM_SHARED((N, D), jnp.float32),
        pltpu.SemaphoreType.DMA,
        pltpu.SemaphoreType.DMA,
    ],
)(_spmm_body)


def kernel(features, edge_index, edge_weight, weight):
    mb = 1000
    support = pl.pallas_call(
        _mm_body,
        grid=(N // mb,),
        in_specs=[
            pl.BlockSpec((mb, D), lambda i: (i, 0)),
            pl.BlockSpec((D, D), lambda i: (0, 0)),
        ],
        out_specs=pl.BlockSpec((mb, D), lambda i: (i, 0)),
        out_shape=jax.ShapeDtypeStruct((N, D), jnp.float32),
    )(features, weight.T)

    src = edge_index[1].astype(jnp.int32).reshape(NW, EPT)
    dst = edge_index[0].astype(jnp.int32).reshape(NW, EPT)
    w = edge_weight.reshape(NW, EPT)

    partials = _spmm(support, src, dst, w)

    out = pl.pallas_call(
        _combine_body,
        grid=(N // mb,),
        in_specs=[pl.BlockSpec((NC, mb, D), lambda i: (0, i, 0))],
        out_specs=pl.BlockSpec((mb, D), lambda i: (i, 0)),
        out_shape=jax.ShapeDtypeStruct((N, D), jnp.float32),
    )(partials)
    return out

# --- scband reference (transcript-rebuilt; emitter-appended) ---
"""Pipeline reference for scband-gnn-layer-49400713838636 (READ-ONLY COPY).

The authoritative reference and input builder live on the scoring server;
editing this copy changes nothing except your own understanding.
"""

import jax, jax.numpy as jnp
import numpy as np

N = 10000
E = 320000
D_IN = 128
D_OUT = 128


def setup_inputs(seed: int = 0) -> dict:
    key = jax.random.key(seed)
    k1, k2, k3, k4 = jax.random.split(key, 4)
    features = jax.random.normal(k1, (N, D_IN), dtype=jnp.float32)
    edge_index = jax.random.randint(k2, (2, E), 0, N)
    edge_weight = jax.random.uniform(k3, (E,), dtype=jnp.float32)
    # xavier_uniform for weight [D_OUT, D_IN]
    limit = float(np.sqrt(6.0 / (D_IN + D_OUT)))
    weight = jax.random.uniform(k4, (D_OUT, D_IN), dtype=jnp.float32, minval=-limit, maxval=limit)
    return {"features": features, "edge_index": edge_index, "edge_weight": edge_weight, "weight": weight}


def reference(features, edge_index, edge_weight, weight):
    # support = LeakyReLU(features @ W^T)   (active=True path)
    support = jax.nn.leaky_relu(features @ weight.T, negative_slope=0.01)
    # output = spmm(adj, support): adj given in COO form (row=dst, col=src, val=edge_weight)
    dst = edge_index[0]
    src = edge_index[1]
    msgs = support[src] * edge_weight[:, None]
    output = jnp.zeros((features.shape[0], support.shape[1]), dtype=support.dtype).at[dst].add(msgs)
    return output

if __name__ == "__main__":
    import jax
    _d = setup_inputs()
    print(jax.jit(kernel)(*tuple(_d.values())))

</pallas_src>

<mosaic_0001>
#map = affine_map<(d0, d1) -> (0, 0)>
#map1 = affine_map<(d0, d1) -> (0, 0, 0)>
module attributes {stable_mosaic.version = 14 : i64} {
  func.func @_spmm_body(%arg0: i32, %arg1: i32, %arg2: memref<10000x128xf32, #tpu.memory_space<hbm>>, %arg3: memref<32x10000xi32, #tpu.memory_space<hbm>>, %arg4: memref<32x10000xi32, #tpu.memory_space<hbm>>, %arg5: memref<32x10000xf32, #tpu.memory_space<hbm>>, %arg6: memref<2x10000x128xf32, #tpu.memory_space<hbm>>, %arg7: memref<10000xi32, #tpu.memory_space<vmem>>, %arg8: memref<10000xi32, #tpu.memory_space<vmem>>, %arg9: memref<10000xf32, #tpu.memory_space<vmem>>, %arg10: memref<80x128xf32, #tpu.memory_space<vmem>>, %arg11: memref<80x128xf32, #tpu.memory_space<vmem>>, %arg12: memref<10000x128xf32, #tpu.memory_space<vmem_shared>>, %arg13: memref<!tpu.dma_semaphore, #tpu.memory_space<semaphore_mem>>, %arg14: memref<!tpu.dma_semaphore, #tpu.memory_space<semaphore_mem>>) attributes {dimension_semantics = [#tpu.dimension_semantics<core_parallel>, #tpu.dimension_semantics<subcore_parallel>], iteration_bounds = array<i64: 2, 16>, scalar_prefetch = 0 : i64, scratch_operands = 8 : i64, tpu.core_type = #tpu.core_type<sc_vector_subcore>, window_params = [{transform_indices = #map}, {transform_indices = #map}, {transform_indices = #map}, {transform_indices = #map}, {transform_indices = #map1}]} {
    %mul3A = arith.constant 2 : i32
    %mul3A_0 = arith.muli %arg1, %mul3A : i32
    %add3A = arith.addi %mul3A_0, %arg0 : i32
    %scan3A = arith.constant 0 : i32
    %scan3A_1 = arith.constant 0 : i32
    %scan3A_2 = arith.constant 80 : i32
    %scan3A_3 = arith.addi %scan3A_1, %scan3A_2 : i32
    %scan3A_4 = arith.constant 1 : i32
    scf.for %scan3A_39 = %scan3A_1 to %scan3A_3 step %scan3A_4  : i32 {
      %broadcast_in_dim3A = arith.constant 0.000000e+00 : f32
      %broadcast_in_dim3A_40 = vector.broadcast %broadcast_in_dim3A : f32 to vector<16xf32>
      %swap3A = arith.index_cast %scan3A_39 : i32 to index
      %swap3A_41 = arith.constant 0 : index
      %swap3A_42 = tpu.vector_load %arg10[%swap3A, %swap3A_41] {strides = array<i32>} : memref<80x128xf32, #tpu.memory_space<vmem>>, vector<1x16xf32>,
      %swap3A_43 = vector.shape_cast %swap3A_42 : vector<1x16xf32> to vector<16xf32>
      %swap3A_44 = vector.shape_cast %broadcast_in_dim3A_40 : vector<16xf32> to vector<1x16xf32>
      tpu.vector_store %arg10[%swap3A, %swap3A_41], %swap3A_44 {strides = array<i32>} : memref<80x128xf32, #tpu.memory_space<vmem>>, vector<1x16xf32>,
      %broadcast_in_dim3A_45 = arith.constant 0.000000e+00 : f32
      %broadcast_in_dim3A_46 = vector.broadcast %broadcast_in_dim3A_45 : f32 to vector<16xf32>
      %swap3A_47 = arith.index_cast %scan3A_39 : i32 to index
      %swap3A_48 = arith.constant 16 : index
      %swap3A_49 = tpu.vector_load %arg10[%swap3A_47, %swap3A_48] {strides = array<i32>} : memref<80x128xf32, #tpu.memory_space<vmem>>, vector<1x16xf32>,
      %swap3A_50 = vector.shape_cast %swap3A_49 : vector<1x16xf32> to vector<16xf32>
      %swap3A_51 = vector.shape_cast %broadcast_in_dim3A_46 : vector<16xf32> to vector<1x16xf32>
      tpu.vector_store %arg10[%swap3A_47, %swap3A_48], %swap3A_51 {strides = array<i32>} : memref<80x128xf32, #tpu.memory_space<vmem>>, vector<1x16xf32>,
      %broadcast_in_dim3A_52 = arith.constant 0.000000e+00 : f32
      %broadcast_in_dim3A_53 = vector.broadcast %broadcast_in_dim3A_52 : f32 to vector<16xf32>
      %swap3A_54 = arith.index_cast %scan3A_39 : i32 to index
      %swap3A_55 = arith.constant 32 : index
      %swap3A_56 = tpu.vector_load %arg10[%swap3A_54, %swap3A_55] {strides = array<i32>} : memref<80x128xf32, #tpu.memory_space<vmem>>, vector<1x16xf32>,
      %swap3A_57 = vector.shape_cast %swap3A_56 : vector<1x16xf32> to vector<16xf32>
      %swap3A_58 = vector.shape_cast %broadcast_in_dim3A_53 : vector<16xf32> to vector<1x16xf32>
      tpu.vector_store %arg10[%swap3A_54, %swap3A_55], %swap3A_58 {strides = array<i32>} : memref<80x128xf32, #tpu.memory_space<vmem>>, vector<1x16xf32>,
      %broadcast_in_dim3A_59 = arith.constant 0.000000e+00 : f32
      %broadcast_in_dim3A_60 = vector.broadcast %broadcast_in_dim3A_59 : f32 to vector<16xf32>
      %swap3A_61 = arith.index_cast %scan3A_39 : i32 to index
      %swap3A_62 = arith.constant 48 : index
      %swap3A_63 = tpu.vector_load %arg10[%swap3A_61, %swap3A_62] {strides = array<i32>} : memref<80x128xf32, #tpu.memory_space<vmem>>, vector<1x16xf32>,
      %swap3A_64 = vector.shape_cast %swap3A_63 : vector<1x16xf32> to vector<16xf32>
      %swap3A_65 = vector.shape_cast %broadcast_in_dim3A_60 : vector<16xf32> to vector<1x16xf32>
      tpu.vector_store %arg10[%swap3A_61, %swap3A_62], %swap3A_65 {strides = array<i32>} : memref<80x128xf32, #tpu.memory_space<vmem>>, vector<1x16xf32>,
      %broadcast_in_dim3A_66 = arith.constant 0.000000e+00 : f32
      %broadcast_in_dim3A_67 = vector.broadcast %broadcast_in_dim3A_66 : f32 to vector<16xf32>
      %swap3A_68 = arith.index_cast %scan3A_39 : i32 to index
      %swap3A_69 = arith.constant 64 : index
      %swap3A_70 = tpu.vector_load %arg10[%swap3A_68, %swap3A_69] {strides = array<i32>} : memref<80x128xf32, #tpu.memory_space<vmem>>, vector<1x16xf32>,
      %swap3A_71 = vector.shape_cast %swap3A_70 : vector<1x16xf32> to vector<16xf32>
      %swap3A_72 = vector.shape_cast %broadcast_in_dim3A_67 : vector<16xf32> to vector<1x16xf32>
      tpu.vector_store %arg10[%swap3A_68, %swap3A_69], %swap3A_72 {strides = array<i32>} : memref<80x128xf32, #tpu.memory_space<vmem>>, vector<1x16xf32>,
      %broadcast_in_dim3A_73 = arith.constant 0.000000e+00 : f32
      %broadcast_in_dim3A_74 = vector.broadcast %broadcast_in_dim3A_73 : f32 to vector<16xf32>
      %swap3A_75 = arith.index_cast %scan3A_39 : i32 to index
      %swap3A_76 = arith.constant 80 : index
      %swap3A_77 = tpu.vector_load %arg10[%swap3A_75, %swap3A_76] {strides = array<i32>} : memref<80x128xf32, #tpu.memory_space<vmem>>, vector<1x16xf32>,
      %swap3A_78 = vector.shape_cast %swap3A_77 : vector<1x16xf32> to vector<16xf32>
      %swap3A_79 = vector.shape_cast %broadcast_in_dim3A_74 : vector<16xf32> to vector<1x16xf32>
      tpu.vector_store %arg10[%swap3A_75, %swap3A_76], %swap3A_79 {strides = array<i32>} : memref<80x128xf32, #tpu.memory_space<vmem>>, vector<1x16xf32>,
      %broadcast_in_dim3A_80 = arith.constant 0.000000e+00 : f32
      %broadcast_in_dim3A_81 = vector.broadcast %broadcast_in_dim3A_80 : f32 to vector<16xf32>
      %swap3A_82 = arith.index_cast %scan3A_39 : i32 to index
      %swap3A_83 = arith.constant 96 : index
      %swap3A_84 = tpu.vector_load %arg10[%swap3A_82, %swap3A_83] {strides = array<i32>} : memref<80x128xf32, #tpu.memory_space<vmem>>, vector<1x16xf32>,
      %swap3A_85 = vector.shape_cast %swap3A_84 : vector<1x16xf32> to vector<16xf32>
      %swap3A_86 = vector.shape_cast %broadcast_in_dim3A_81 : vector<16xf32> to vector<1x16xf32>
      tpu.vector_store %arg10[%swap3A_82, %swap3A_83], %swap3A_86 {strides = array<i32>} : memref<80x128xf32, #tpu.memory_space<vmem>>, vector<1x16xf32>,
      %broadcast_in_dim3A_87 = arith.constant 0.000000e+00 : f32
      %broadcast_in_dim3A_88 = vector.broadcast %broadcast_in_dim3A_87 : f32 to vector<16xf32>
      %swap3A_89 = arith.index_cast %scan3A_39 : i32 to index
      %swap3A_90 = arith.constant 112 : index
      %swap3A_91 = tpu.vector_load %arg10[%swap3A_89, %swap3A_90] {strides = array<i32>} : memref<80x128xf32, #tpu.memory_space<vmem>>, vector<1x16xf32>,
      %swap3A_92 = vector.shape_cast %swap3A_91 : vector<1x16xf32> to vector<16xf32>
      %swap3A_93 = vector.shape_cast %broadcast_in_dim3A_88 : vector<16xf32> to vector<1x16xf32>
      tpu.vector_store %arg10[%swap3A_89, %swap3A_90], %swap3A_93 {strides = array<i32>} : memref<80x128xf32, #tpu.memory_space<vmem>>, vector<1x16xf32>,
    }
    %scan3A_5 = arith.constant 80 : i32
    %scan3A_6 = arith.constant 0 : i32
    %scan3A_7 = arith.constant 0 : i32
    %scan3A_8 = arith.constant 8 : i32
    %scan3A_9 = arith.addi %scan3A_7, %scan3A_8 : i32
    %scan3A_10 = arith.constant 1 : i32
    scf.for %scan3A_39 = %scan3A_7 to %scan3A_9 step %scan3A_10  : i32 {
      %mul3A_40 = arith.constant 16 : i32
      %mul3A_41 = arith.muli %scan3A_39, %mul3A_40 : i32
      %add3A_42 = arith.addi %arg1, %mul3A_41 : i32
      %lt3A = arith.constant 125 : i32
      %lt3A_43 = arith.cmpi slt, %add3A_42, %lt3A : i32
      %convert_element_type3A = arith.extui %lt3A_43 : i1 to i32
      %cond3A = arith.constant 0 : i32
      %cond3A_44 = arith.cmpi ne, %convert_element_type3A, %cond3A : i32
      scf.if %cond3A_44 {
        %mul3A_45 = arith.constant 80 : i32
        %mul3A_46 = arith.muli %add3A_42, %mul3A_45 : i32
        "tpu.region"() ({
          %run_scoped3A = tpu.sem_alloc : memref<!tpu.dma_semaphore, #tpu.memory_space<semaphore_mem>>
          %dma_start3A_47 = arith.constant 0 : i32
          %dma_start3A_48 = tpu.memref_slice %arg12[%mul3A_46, %dma_start3A_47] : memref<10000x128xf32, #tpu.memory_space<vmem_shared>> -> memref<80x128xf32, #tpu.memory_space<vmem_shared>>
          %dma_start3A_49 = arith.constant 0 : i32
          %dma_start3A_50 = tpu.memref_slice %arg12[%mul3A_46, %dma_start3A_49] : memref<10000x128xf32, #tpu.memory_space<vmem_shared>> -> memref<80x128xf32, #tpu.memory_space<vmem_shared>>
          tpu.enqueue_dma source(%arg10 : memref<80x128xf32, #tpu.memory_space<vmem>>) target(%dma_start3A_50 : memref<80x128xf32, #tpu.memory_space<vmem_shared>>) target_semaphore(%run_scoped3A : memref<!tpu.dma_semaphore, #tpu.memory_space<semaphore_mem>>)
          %dma_wait3A_51 = arith.constant 0 : i32
          %dma_wait3A_52 = tpu.memref_slice %arg12[%mul3A_46, %dma_wait3A_51] : memref<10000x128xf32, #tpu.memory_space<vmem_shared>> -> memref<80x128xf32, #tpu.memory_space<vmem_shared>>
          %dma_wait3A_53 = arith.constant 0 : i32
          %dma_wait3A_54 = tpu.memref_slice %arg12[%mul3A_46, %dma_wait3A_53] : memref<10000x128xf32, #tpu.memory_space<vmem_shared>> -> memref<80x128xf32, #tpu.memory_space<vmem_shared>>
          tpu.wait_dma2 semaphore(%run_scoped3A : memref<!tpu.dma_semaphore, #tpu.memory_space<semaphore_mem>>) src(%arg10 : memref<80x128xf32, #tpu.memory_space<vmem>>) dst(%dma_wait3A_54 : memref<80x128xf32, #tpu.memory_space<vmem_shared>>)
          tpu.yield
        }) : () -> ()
      } else {
      }
    }
    %scan3A_11 = arith.constant 8 : i32
    "tpu.region"() ({
      %run_scoped3A = tpu.sem_alloc : memref<!tpu.dma_semaphore, #tpu.memory_space<semaphore_mem>>
      %dma_start3A_39 = arith.constant 0 : i32
      %dma_start3A_40 = tpu.memref_slice %arg3[%add3A, %dma_start3A_39] : memref<32x10000xi32, #tpu.memory_space<hbm>> -> memref<1x10000xi32, #tpu.memory_space<hbm>>
      %dma_start3A_41 = tpu.memref_squeeze %dma_start3A_40 : memref<1x10000xi32, #tpu.memory_space<hbm>> -> memref<10000xi32, #tpu.memory_space<hbm>>
      %dma_start3A_42 = arith.constant 0 : i32
      %dma_start3A_43 = tpu.memref_slice %arg3[%add3A, %dma_start3A_42] : memref<32x10000xi32, #tpu.memory_space<hbm>> -> memref<1x10000xi32, #tpu.memory_space<hbm>>
      %dma_start3A_44 = tpu.memref_squeeze %dma_start3A_43 : memref<1x10000xi32, #tpu.memory_space<hbm>> -> memref<10000xi32, #tpu.memory_space<hbm>>
      tpu.enqueue_dma source(%dma_start3A_44 : memref<10000xi32, #tpu.memory_space<hbm>>) target(%arg7 : memref<10000xi32, #tpu.memory_space<vmem>>) target_semaphore(%run_scoped3A : memref<!tpu.dma_semaphore, #tpu.memory_space<semaphore_mem>>)
      %dma_wait3A_45 = arith.constant 0 : i32
      %dma_wait3A_46 = tpu.memref_slice %arg3[%add3A, %dma_wait3A_45] : memref<32x10000xi32, #tpu.memory_space<hbm>> -> memref<1x10000xi32, #tpu.memory_space<hbm>>
      %dma_wait3A_47 = tpu.memref_squeeze %dma_wait3A_46 : memref<1x10000xi32, #tpu.memory_space<hbm>> -> memref<10000xi32, #tpu.memory_space<hbm>>
      %dma_wait3A_48 = arith.constant 0 : i32
      %dma_wait3A_49 = tpu.memref_slice %arg3[%add3A, %dma_wait3A_48] : memref<32x10000xi32, #tpu.memory_space<hbm>> -> memref<1x10000xi32, #tpu.memory_space<hbm>>
      %dma_wait3A_50 = tpu.memref_squeeze %dma_wait3A_49 : memref<1x10000xi32, #tpu.memory_space<hbm>> -> memref<10000xi32, #tpu.memory_space<hbm>>
      tpu.wait_dma2 semaphore(%run_scoped3A : memref<!tpu.dma_semaphore, #tpu.memory_space<semaphore_mem>>) src(%dma_wait3A_50 : memref<10000xi32, #tpu.memory_space<hbm>>) dst(%arg7 : memref<10000xi32, #tpu.memory_space<vmem>>)
      tpu.yield
    }) : () -> ()
    "tpu.region"() ({
      %run_scoped3A = tpu.sem_alloc : memref<!tpu.dma_semaphore, #tpu.memory_space<semaphore_mem>>
      %dma_start3A_39 = arith.constant 0 : i32
      %dma_start3A_40 = tpu.memref_slice %arg4[%add3A, %dma_start3A_39] : memref<32x10000xi32, #tpu.memory_space<hbm>> -> memref<1x10000xi32, #tpu.memory_space<hbm>>
      %dma_start3A_41 = tpu.memref_squeeze %dma_start3A_40 : memref<1x10000xi32, #tpu.memory_space<hbm>> -> memref<10000xi32, #tpu.memory_space<hbm>>
      %dma_start3A_42 = arith.constant 0 : i32
      %dma_start3A_43 = tpu.memref_slice %arg4[%add3A, %dma_start3A_42] : memref<32x10000xi32, #tpu.memory_space<hbm>> -> memref<1x10000xi32, #tpu.memory_space<hbm>>
      %dma_start3A_44 = tpu.memref_squeeze %dma_start3A_43 : memref<1x10000xi32, #tpu.memory_space<hbm>> -> memref<10000xi32, #tpu.memory_space<hbm>>
      tpu.enqueue_dma source(%dma_start3A_44 : memref<10000xi32, #tpu.memory_space<hbm>>) target(%arg8 : memref<10000xi32, #tpu.memory_space<vmem>>) target_semaphore(%run_scoped3A : memref<!tpu.dma_semaphore, #tpu.memory_space<semaphore_mem>>)
      %dma_wait3A_45 = arith.constant 0 : i32
      %dma_wait3A_46 = tpu.memref_slice %arg4[%add3A, %dma_wait3A_45] : memref<32x10000xi32, #tpu.memory_space<hbm>> -> memref<1x10000xi32, #tpu.memory_space<hbm>>
      %dma_wait3A_47 = tpu.memref_squeeze %dma_wait3A_46 : memref<1x10000xi32, #tpu.memory_space<hbm>> -> memref<10000xi32, #tpu.memory_space<hbm>>
      %dma_wait3A_48 = arith.constant 0 : i32
      %dma_wait3A_49 = tpu.memref_slice %arg4[%add3A, %dma_wait3A_48] : memref<32x10000xi32, #tpu.memory_space<hbm>> -> memref<1x10000xi32, #tpu.memory_space<hbm>>
      %dma_wait3A_50 = tpu.memref_squeeze %dma_wait3A_49 : memref<1x10000xi32, #tpu.memory_space<hbm>> -> memref<10000xi32, #tpu.memory_space<hbm>>
      tpu.wait_dma2 semaphore(%run_scoped3A : memref<!tpu.dma_semaphore, #tpu.memory_space<semaphore_mem>>) src(%dma_wait3A_50 : memref<10000xi32, #tpu.memory_space<hbm>>) dst(%arg8 : memref<10000xi32, #tpu.memory_space<vmem>>)
      tpu.yield
    }) : () -> ()
    "tpu.region"() ({
      %run_scoped3A = tpu.sem_alloc : memref<!tpu.dma_semaphore, #tpu.memory_space<semaphore_mem>>
      %dma_start3A_39 = arith.constant 0 : i32
      %dma_start3A_40 = tpu.memref_slice %arg5[%add3A, %dma_start3A_39] : memref<32x10000xf32, #tpu.memory_space<hbm>> -> memref<1x10000xf32, #tpu.memory_space<hbm>>
      %dma_start3A_41 = tpu.memref_squeeze %dma_start3A_40 : memref<1x10000xf32, #tpu.memory_space<hbm>> -> memref<10000xf32, #tpu.memory_space<hbm>>
      %dma_start3A_42 = arith.constant 0 : i32
      %dma_start3A_43 = tpu.memref_slice %arg5[%add3A, %dma_start3A_42] : memref<32x10000xf32, #tpu.memory_space<hbm>> -> memref<1x10000xf32, #tpu.memory_space<hbm>>
      %dma_start3A_44 = tpu.memref_squeeze %dma_start3A_43 : memref<1x10000xf32, #tpu.memory_space<hbm>> -> memref<10000xf32, #tpu.memory_space<hbm>>
      tpu.enqueue_dma source(%dma_start3A_44 : memref<10000xf32, #tpu.memory_space<hbm>>) target(%arg9 : memref<10000xf32, #tpu.memory_space<vmem>>) target_semaphore(%run_scoped3A : memref<!tpu.dma_semaphore, #tpu.memory_space<semaphore_mem>>)
      %dma_wait3A_45 = arith.constant 0 : i32
      %dma_wait3A_46 = tpu.memref_slice %arg5[%add3A, %dma_wait3A_45] : memref<32x10000xf32, #tpu.memory_space<hbm>> -> memref<1x10000xf32, #tpu.memory_space<hbm>>
      %dma_wait3A_47 = tpu.memref_squeeze %dma_wait3A_46 : memref<1x10000xf32, #tpu.memory_space<hbm>> -> memref<10000xf32, #tpu.memory_space<hbm>>
      %dma_wait3A_48 = arith.constant 0 : i32
      %dma_wait3A_49 = tpu.memref_slice %arg5[%add3A, %dma_wait3A_48] : memref<32x10000xf32, #tpu.memory_space<hbm>> -> memref<1x10000xf32, #tpu.memory_space<hbm>>
      %dma_wait3A_50 = tpu.memref_squeeze %dma_wait3A_49 : memref<1x10000xf32, #tpu.memory_space<hbm>> -> memref<10000xf32, #tpu.memory_space<hbm>>
      tpu.wait_dma2 semaphore(%run_scoped3A : memref<!tpu.dma_semaphore, #tpu.memory_space<semaphore_mem>>) src(%dma_wait3A_50 : memref<10000xf32, #tpu.memory_space<hbm>>) dst(%arg9 : memref<10000xf32, #tpu.memory_space<vmem>>)
      tpu.yield
    }) : () -> ()
    %barrier3A = arith.constant 0 : index
    tpu.barrier barrier_id(%barrier3A)
    %dma_start3A = arith.constant 0 : i32
    %dma_start3A_12 = tpu.memref_slice %arg7[%dma_start3A] : memref<10000xi32, #tpu.memory_space<vmem>> -> memref<80xi32, #tpu.memory_space<vmem>>
    %dma_start3A_13 = arith.constant 0 : i32
    %dma_start3A_14 = arith.constant 0 : i32
    %dma_start3A_15 = tpu.memref_slice %arg2[%dma_start3A_13, %dma_start3A_14] : memref<10000x128xf32, #tpu.memory_space<hbm>> -> memref<10000x128xf32, #tpu.memory_space<hbm>>
    tpu.enqueue_indirect_dma source(%dma_start3A_15 : memref<10000x128xf32, #tpu.memory_space<hbm>>) target(%arg10 : memref<80x128xf32, #tpu.memory_space<vmem>>) offsets(%dma_start3A_12 : memref<80xi32, #tpu.memory_space<vmem>>) semaphore(%arg13 : memref<!tpu.dma_semaphore, #tpu.memory_space<semaphore_mem>>)
    %scan3A_16 = arith.constant 0 : i32
    %scan3A_17 = arith.constant 0 : i32
    %scan3A_18 = arith.constant 62 : i32
    %scan3A_19 = arith.addi %scan3A_17, %scan3A_18 : i32
    %scan3A_20 = arith.constant 1 : i32
    scf.for %scan3A_39 = %scan3A_17 to %scan3A_19 step %scan3A_20  : i32 {
      %mul3A_40 = arith.constant 2 : i32
      %mul3A_41 = arith.muli %mul3A_40, %scan3A_39 : i32
      %add3A_42 = arith.constant 1 : i32
      %add3A_43 = arith.addi %mul3A_41, %add3A_42 : i32
      %mul3A_44 = arith.constant 80 : i32
      %mul3A_45 = arith.muli %add3A_43, %mul3A_44 : i32
      %dma_start3A_46 = tpu.memref_slice %arg7[%mul3A_45] : memref<10000xi32, #tpu.memory_space<vmem>> -> memref<80xi32, #tpu.memory_space<vmem>>
      %dma_start3A_47 = arith.constant 0 : i32
      %dma_start3A_48 = arith.constant 0 : i32
      %dma_start3A_49 = tpu.memref_slice %arg2[%dma_start3A_47, %dma_start3A_48] : memref<10000x128xf32, #tpu.memory_space<hbm>> -> memref<10000x128xf32, #tpu.memory_space<hbm>>
      tpu.enqueue_indirect_dma source(%dma_start3A_49 : memref<10000x128xf32, #tpu.memory_space<hbm>>) target(%arg11 : memref<80x128xf32, #tpu.memory_space<vmem>>) offsets(%dma_start3A_46 : memref<80xi32, #tpu.memory_space<vmem>>) semaphore(%arg14 : memref<!tpu.dma_semaphore, #tpu.memory_space<semaphore_mem>>)
      %mul3A_50 = arith.constant 80 : i32
      %mul3A_51 = arith.muli %mul3A_41, %mul3A_50 : i32
      %dma_wait3A_52 = tpu.memref_slice %arg7[%mul3A_51] : memref<10000xi32, #tpu.memory_space<vmem>> -> memref<80xi32, #tpu.memory_space<vmem>>
      %dma_wait3A_53 = arith.constant 0 : i32
      %dma_wait3A_54 = arith.constant 0 : i32
      %dma_wait3A_55 = tpu.memref_slice %arg2[%dma_wait3A_53, %dma_wait3A_54] : memref<10000x128xf32, #tpu.memory_space<hbm>> -> memref<10000x128xf32, #tpu.memory_space<hbm>>
      tpu.wait_indirect_dma semaphore(%arg13 : memref<!tpu.dma_semaphore, #tpu.memory_space<semaphore_mem>>) src(%dma_wait3A_55 : memref<10000x128xf32, #tpu.memory_space<hbm>>) dst(%arg10 : memref<80x128xf32, #tpu.memory_space<vmem>>)
      %scan3A_56 = arith.constant 0 : i32
      %scan3A_57 = arith.constant 0 : i32
      %scan3A_58 = arith.constant 5 : i32
      %scan3A_59 = arith.addi %scan3A_57, %scan3A_58 : i32
      %scan3A_60 = arith.constant 1 : i32
      scf.for %scan3A_90 = %scan3A_57 to %scan3A_59 step %scan3A_60  : i32 {
        %mul3A_91 = arith.constant 80 : i32
        %mul3A_92 = arith.muli %mul3A_41, %mul3A_91 : i32
        %mul3A_93 = arith.constant 16 : i32
        %mul3A_94 = arith.muli %scan3A_90, %mul3A_93 : i32
        %add3A_95 = arith.addi %mul3A_92, %mul3A_94 : i32
        %multiple_of3A = tpu.assume_multiple %add3A_95, 16 : i32
        %get3A = arith.index_cast %multiple_of3A : i32 to index
        %get3A_96 = tpu.vector_load %arg9[%get3A] {strides = array<i32>} : memref<10000xf32, #tpu.memory_space<vmem>>, vector<16xf32>,
        %get3A_97 = vector.shape_cast %get3A_96 : vector<16xf32> to vector<16xf32>
        %broadcast_in_dim3A = arith.constant 0 : i32
        %broadcast_in_dim3A_98 = vector.broadcast %broadcast_in_dim3A : i32 to vector<16x1xi32>
        %gather3A = vector.shape_cast %broadcast_in_dim3A_98 : vector<16x1xi32> to vector<16xi32>
        %gather3A_99 = tpu.dynamic_gather %get3A_97[%gather3A] in [0] : vector<16xf32>, vector<16xi32> -> vector<16xf32>
        %mul3A_100 = arith.constant 16 : i32
        %mul3A_101 = arith.muli %scan3A_90, %mul3A_100 : i32
        %add3A_102 = arith.constant 0 : i32
        %add3A_103 = arith.addi %mul3A_101, %add3A_102 : i32
        %get3A_104 = arith.index_cast %add3A_103 : i32 to index
        %get3A_105 = arith.constant 0 : index
        %get3A_106 = tpu.vector_load %arg10[%get3A_104, %get3A_105] {strides = array<i32>} : memref<80x128xf32, #tpu.memory_space<vmem>>, vector<1x16xf32>,
        %get3A_107 = vector.shape_cast %get3A_106 : vector<1x16xf32> to vector<16xf32>
        %mul3A_108 = arith.mulf %get3A_107, %gather3A_99 : vector<16xf32>
        %swap3A = arith.index_cast %add3A_103 : i32 to index
        %swap3A_109 = arith.constant 0 : index
        %swap3A_110 = tpu.vector_load %arg10[%swap3A, %swap3A_109] {strides = array<i32>} : memref<80x128xf32, #tpu.memory_space<vmem>>, vector<1x16xf32>,
        %swap3A_111 = vector.shape_cast %swap3A_110 : vector<1x16xf32> to vector<16xf32>
        %swap3A_112 = vector.shape_cast %mul3A_108 : vector<16xf32> to vector<1x16xf32>
        tpu.vector_store %arg10[%swap3A, %swap3A_109], %swap3A_112 {strides = array<i32>} : memref<80x128xf32, #tpu.memory_space<vmem>>, vector<1x16xf32>,
        %get3A_113 = arith.index_cast %add3A_103 : i32 to index
        %get3A_114 = arith.constant 16 : index
        %get3A_115 = tpu.vector_load %arg10[%get3A_113, %get3A_114] {strides = array<i32>} : memref<80x128xf32, #tpu.memory_space<vmem>>, vector<1x16xf32>,
        %get3A_116 = vector.shape_cast %get3A_115 : vector<1x16xf32> to vector<16xf32>
        %mul3A_117 = arith.mulf %get3A_116, %gather3A_99 : vector<16xf32>
        %swap3A_118 = arith.index_cast %add3A_103 : i32 to index
        %swap3A_119 = arith.constant 16 : index
        %swap3A_120 = tpu.vector_load %arg10[%swap3A_118, %swap3A_119] {strides = array<i32>} : memref<80x128xf32, #tpu.memory_space<vmem>>, vector<1x16xf32>,
        %swap3A_121 = vector.shape_cast %swap3A_120 : vector<1x16xf32> to vector<16xf32>
        %swap3A_122 = vector.shape_cast %mul3A_117 : vector<16xf32> to vector<1x16xf32>
        tpu.vector_store %arg10[%swap3A_118, %swap3A_119], %swap3A_122 {strides = array<i32>} : memref<80x128xf32, #tpu.memory_space<vmem>>, vector<1x16xf32>,
        %get3A_123 = arith.index_cast %add3A_103 : i32 to index
        %get3A_124 = arith.constant 32 : index
        %get3A_125 = tpu.vector_load %arg10[%get3A_123, %get3A_124] {strides = array<i32>} : memref<80x128xf32, #tpu.memory_space<vmem>>, vector<1x16xf32>,
        %get3A_126 = vector.shape_cast %get3A_125 : vector<1x16xf32> to vector<16xf32>
        %mul3A_127 = arith.mulf %get3A_126, %gather3A_99 : vector<16xf32>
        %swap3A_128 = arith.index_cast %add3A_103 : i32 to index
        %swap3A_129 = arith.constant 32 : index
        %swap3A_130 = tpu.vector_load %arg10[%swap3A_128, %swap3A_129] {strides = array<i32>} : memref<80x128xf32, #tpu.memory_space<vmem>>, vector<1x16xf32>,
        %swap3A_131 = vector.shape_cast %swap3A_130 : vector<1x16xf32> to vector<16xf32>
        %swap3A_132 = vector.shape_cast %mul3A_127 : vector<16xf32> to vector<1x16xf32>
        tpu.vector_store %arg10[%swap3A_128, %swap3A_129], %swap3A_132 {strides = array<i32>} : memref<80x128xf32, #tpu.memory_space<vmem>>, vector<1x16xf32>,
        %get3A_133 = arith.index_cast %add3A_103 : i32 to index
        %get3A_134 = arith.constant 48 : index
        %get3A_135 = tpu.vector_load %arg10[%get3A_133, %get3A_134] {strides = array<i32>} : memref<80x128xf32, #tpu.memory_space<vmem>>, vector<1x16xf32>,
        %get3A_136 = vector.shape_cast %get3A_135 : vector<1x16xf32> to vector<16xf32>
        %mul3A_137 = arith.mulf %get3A_136, %gather3A_99 : vector<16xf32>
        %swap3A_138 = arith.index_cast %add3A_103 : i32 to index
        %swap3A_139 = arith.constant 48 : index
        %swap3A_140 = tpu.vector_load %arg10[%swap3A_138, %swap3A_139] {strides = array<i32>} : memref<80x128xf32, #tpu.memory_space<vmem>>, vector<1x16xf32>,
        %swap3A_141 = vector.shape_cast %swap3A_140 : vector<1x16xf32> to vector<16xf32>
        %swap3A_142 = vector.shape_cast %mul3A_137 : vector<16xf32> to vector<1x16xf32>
        tpu.vector_store %arg10[%swap3A_138, %swap3A_139], %swap3A_142 {strides = array<i32>} : memref<80x128xf32, #tpu.memory_space<vmem>>, vector<1x16xf32>,
        %get3A_143 = arith.index_cast %add3A_103 : i32 to index
        %get3A_144 = arith.constant 64 : index
        %get3A_145 = tpu.vector_load %arg10[%get3A_143, %get3A_144] {strides = array<i32>} : memref<80x128xf32, #tpu.memory_space<vmem>>, vector<1x16xf32>,
        %get3A_146 = vector.shape_cast %get3A_145 : vector<1x16xf32> to vector<16xf32>
        %mul3A_147 = arith.mulf %get3A_146, %gather3A_99 : vector<16xf32>
        %swap3A_148 = arith.index_cast %add3A_103 : i32 to index
        %swap3A_149 = arith.constant 64 : index
        %swap3A_150 = tpu.vector_load %arg10[%swap3A_148, %swap3A_149] {strides = array<i32>} : memref<80x128xf32, #tpu.memory_space<vmem>>, vector<1x16xf32>,
        %swap3A_151 = vector.shape_cast %swap3A_150 : vector<1x16xf32> to vector<16xf32>
        %swap3A_152 = vector.shape_cast %mul3A_147 : vector<16xf32> to vector<1x16xf32>
        tpu.vector_store %arg10[%swap3A_148, %swap3A_149], %swap3A_152 {strides = array<i32>} : memref<80x128xf32, #tpu.memory_space<vmem>>, vector<1x16xf32>,
        %get3A_153 = arith.index_cast %add3A_103 : i32 to index
        %get3A_154 = arith.constant 80 : index
        %get3A_155 = tpu.vector_load %arg10[%get3A_153, %get3A_154] {strides = array<i32>} : memref<80x128xf32, #tpu.memory_space<vmem>>, vector<1x16xf32>,
        %get3A_156 = vector.shape_cast %get3A_155 : vector<1x16xf32> to vector<16xf32>
        %mul3A_157 = arith.mulf %get3A_156, %gather3A_99 : vector<16xf32>
        %swap3A_158 = arith.index_cast %add3A_103 : i32 to index
        %swap3A_159 = arith.constant 80 : index
        %swap3A_160 = tpu.vector_load %arg10[%swap3A_158, %swap3A_159] {strides = array<i32>} : memref<80x128xf32, #tpu.memory_space<vmem>>, vector<1x16xf32>,
        %swap3A_161 = vector.shape_cast %swap3A_160 : vector<1x16xf32> to vector<16xf32>
        %swap3A_162 = vector.shape_cast %mul3A_157 : vector<16xf32> to vector<1x16xf32>
        tpu.vector_store %arg10[%swap3A_158, %swap3A_159], %swap3A_162 {strides = array<i32>} : memref<80x128xf32, #tpu.memory_space<vmem>>, vector<1x16xf32>,
        %get3A_163 = arith.index_cast %add3A_103 : i32 to index
        %get3A_164 = arith.constant 96 : index
        %get3A_165 = tpu.vector_load %arg10[%get3A_163, %get3A_164] {strides = array<i32>} : memref<80x128xf32, #tpu.memory_space<vmem>>, vector<1x16xf32>,
        %get3A_166 = vector.shape_cast %get3A_165 : vector<1x16xf32> to vector<16xf32>
        %mul3A_167 = arith.mulf %get3A_166, %gather3A_99 : vector<16xf32>
        %swap3A_168 = arith.index_cast %add3A_103 : i32 to index
        %swap3A_169 = arith.constant 96 : index
        %swap3A_170 = tpu.vector_load %arg10[%swap3A_168, %swap3A_169] {strides = array<i32>} : memref<80x128xf32, #tpu.memory_space<vmem>>, vector<1x16xf32>,
        %swap3A_171 = vector.shape_cast %swap3A_170 : vector<1x16xf32> to vector<16xf32>
        %swap3A_172 = vector.shape_cast %mul3A_167 : vector<16xf32> to vector<1x16xf32>
        tpu.vector_store %arg10[%swap3A_168, %swap3A_169], %swap3A_172 {strides = array<i32>} : memref<80x128xf32, #tpu.memory_space<vmem>>, vector<1x16xf32>,
        %get3A_173 = arith.index_cast %add3A_103 : i32 to index
        %get3A_174 = arith.constant 112 : index
        %get3A_175 = tpu.vector_load %arg10[%get3A_173, %get3A_174] {strides = array<i32>} : memref<80x128xf32, #tpu.memory_space<vmem>>, vector<1x16xf32>,
        %get3A_176 = vector.shape_cast %get3A_175 : vector<1x16xf32> to vector<16xf32>
        %mul3A_177 = arith.mulf %get3A_176, %gather3A_99 : vector<16xf32>
        %swap3A_178 = arith.index_cast %add3A_103 : i32 to index
        %swap3A_179 = arith.constant 112 : index
        %swap3A_180 = tpu.vector_load %arg10[%swap3A_178, %swap3A_179] {strides = array<i32>} : memref<80x128xf32, #tpu.memory_space<vmem>>, vector<1x16xf32>,
        %swap3A_181 = vector.shape_cast %swap3A_180 : vector<1x16xf32> to vector<16xf32>
        %swap3A_182 = vector.shape_cast %mul3A_177 : vector<16xf32> to vector<1x16xf32>
        tpu.vector_store %arg10[%swap3A_178, %swap3A_179], %swap3A_182 {strides = array<i32>} : memref<80x128xf32, #tpu.memory_space<vmem>>, vector<1x16xf32>,
        %broadcast_in_dim3A_183 = arith.constant 1 : i32
        %broadcast_in_dim3A_184 = vector.broadcast %broadcast_in_dim3A_183 : i32 to vector<16x1xi32>
        %gather3A_185 = vector.shape_cast %broadcast_in_dim3A_184 : vector<16x1xi32> to vector<16xi32>
        %gather3A_186 = tpu.dynamic_gather %get3A_97[%gather3A_185] in [0] : vector<16xf32>, vector<16xi32> -> vector<16xf32>
        %mul3A_187 = arith.constant 16 : i32
        %mul3A_188 = arith.muli %scan3A_90, %mul3A_187 : i32
        %add3A_189 = arith.constant 1 : i32
        %add3A_190 = arith.addi %mul3A_188, %add3A_189 : i32
        %get3A_191 = arith.index_cast %add3A_190 : i32 to index
        %get3A_192 = arith.constant 0 : index
        %get3A_193 = tpu.vector_load %arg10[%get3A_191, %get3A_192] {strides = array<i32>} : memref<80x128xf32, #tpu.memory_space<vmem>>, vector<1x16xf32>,
        %get3A_194 = vector.shape_cast %get3A_193 : vector<1x16xf32> to vector<16xf32>
        %mul3A_195 = arith.mulf %get3A_194, %gather3A_186 : vector<16xf32>
        %swap3A_196 = arith.index_cast %add3A_190 : i32 to index
        %swap3A_197 = arith.constant 0 : index
        %swap3A_198 = tpu.vector_load %arg10[%swap3A_196, %swap3A_197] {strides = array<i32>} : memref<80x128xf32, #tpu.memory_space<vmem>>, vector<1x16xf32>,
        %swap3A_199 = vector.shape_cast %swap3A_198 : vector<1x16xf32> to vector<16xf32>
        %swap3A_200 = vector.shape_cast %mul3A_195 : vector<16xf32> to vector<1x16xf32>
        tpu.vector_store %arg10[%swap3A_196, %swap3A_197], %swap3A_200 {strides = array<i32>} : memref<80x128xf32, #tpu.memory_space<vmem>>, vector<1x16xf32>,
        %get3A_201 = arith.index_cast %add3A_190 : i32 to index
        %get3A_202 = arith.constant 16 : index
        %get3A_203 = tpu.vector_load %arg10[%get3A_201, %get3A_202] {strides = array<i32>} : memref<80x128xf32, #tpu.memory_space<vmem>>, vector<1x16xf32>,
        %get3A_204 = vector.shape_cast %get3A_203 : vector<1x16xf32> to vector<16xf32>
        %mul3A_205 = arith.mulf %get3A_204, %gather3A_186 : vector<16xf32>
        %swap3A_206 = arith.index_cast %add3A_190 : i32 to index
        %swap3A_207 = arith.constant 16 : index
        %swap3A_208 = tpu.vector_load %arg10[%swap3A_206, %swap3A_207] {strides = array<i32>} : memref<80x128xf32, #tpu.memory_space<vmem>>, vector<1x16xf32>,
        %swap3A_209 = vector.shape_cast %swap3A_208 : vector<1x16xf32> to vector<16xf32>
        %swap3A_210 = vector.shape_cast %mul3A_205 : vector<16xf32> to vector<1x16xf32>
        tpu.vector_store %arg10[%swap3A_206, %swap3A_207], %swap3A_210 {strides = array<i32>} : memref<80x128xf32, #tpu.memory_space<vmem>>, vector<1x16xf32>,
        %get3A_211 = arith.index_cast %add3A_190 : i32 to index
        %get3A_212 = arith.constant 32 : index
        %get3A_213 = tpu.vector_load %arg10[%get3A_211, %get3A_212] {strides = array<i32>} : memref<80x128xf32, #tpu.memory_space<vmem>>, vector<1x16xf32>,
        %get3A_214 = vector.shape_cast %get3A_213 : vector<1x16xf32> to vector<16xf32>
        %mul3A_215 = arith.mulf %get3A_214, %gather3A_186 : vector<16xf32>
        %swap3A_216 = arith.index_cast %add3A_190 : i32 to index
        %swap3A_217 = arith.constant 32 : index
        %swap3A_218 = tpu.vector_load %arg10[%swap3A_216, %swap3A_217] {strides = array<i32>} : memref<80x128xf32, #tpu.memory_space<vmem>>, vector<1x16xf32>,
        %swap3A_219 = vector.shape_cast %swap3A_218 : vector<1x16xf32> to vector<16xf32>
        %swap3A_220 = vector.shape_cast %mul3A_215 : vector<16xf32> to vector<1x16xf32>
        tpu.vector_store %arg10[%swap3A_216, %swap3A_217], %swap3A_220 {strides = array<i32>} : memref<80x128xf32, #tpu.memory_space<vmem>>, vector<1x16xf32>,
        %get3A_221 = arith.index_cast %add3A_190 : i32 to index
        %get3A_222 = arith.constant 48 : index
        %get3A_223 = tpu.vector_load %arg10[%get3A_221, %get3A_222] {strides = array<i32>} : memref<80x128xf32, #tpu.memory_space<vmem>>, vector<1x16xf32>,
        %get3A_224 = vector.shape_cast %get3A_223 : vector<1x16xf32> to vector<16xf32>
        %mul3A_225 = arith.mulf %get3A_224, %gather3A_186 : vector<16xf32>
        %swap3A_226 = arith.index_cast %add3A_190 : i32 to index
        %swap3A_227 = arith.constant 48 : index
        %swap3A_228 = tpu.vector_load %arg10[%swap3A_226, %swap3A_227] {strides = array<i32>} : memref<80x128xf32, #tpu.memory_space<vmem>>, vector<1x16xf32>,
        %swap3A_229 = vector.shape_cast %swap3A_228 : vector<1x16xf32> to vector<16xf32>
        %swap3A_230 = vector.shape_cast %mul3A_225 : vector<16xf32> to vector<1x16xf32>
        tpu.vector_store %arg10[%swap3A_226, %swap3A_227], %swap3A_230 {strides = array<i32>} : memref<80x128xf32, #tpu.memory_space<vmem>>, vector<1x16xf32>,
        %get3A_231 = arith.index_cast %add3A_190 : i32 to index
        %get3A_232 = arith.constant 64 : index
        %get3A_233 = tpu.vector_load %arg10[%get3A_231, %get3A_232] {strides = array<i32>} : memref<80x128xf32, #tpu.memory_space<vmem>>, vector<1x16xf32>,
        %get3A_234 = vector.shape_cast %get3A_233 : vector<1x16xf32> to vector<16xf32>
        %mul3A_235 = arith.mulf %get3A_234, %gather3A_186 : vector<16xf32>
        %swap3A_236 = arith.index_cast %add3A_190 : i32 to index
        %swap3A_237 = arith.constant 64 : index
        %swap3A_238 = tpu.vector_load %arg10[%swap3A_236, %swap3A_237] {strides = array<i32>} : memref<80x128xf32, #tpu.memory_space<vmem>>, vector<1x16xf32>,
        %swap3A_239 = vector.shape_cast %swap3A_238 : vector<1x16xf32> to vector<16xf32>
        %swap3A_240 = vector.shape_cast %mul3A_235 : vector<16xf32> to vector<1x16xf32>
        tpu.vector_store %arg10[%swap3A_236, %swap3A_237], %swap3A_240 {strides = array<i32>} : memref<80x128xf32, #tpu.memory_space<vmem>>, vector<1x16xf32>,
        %get3A_241 = arith.index_cast %add3A_190 : i32 to index
        %get3A_242 = arith.constant 80 : index
        %get3A_243 = tpu.vector_load %arg10[%get3A_241, %get3A_242] {strides = array<i32>} : memref<80x128xf32, #tpu.memory_space<vmem>>, vector<1x16xf32>,
        %get3A_244 = vector.shape_cast %get3A_243 : vector<1x16xf32> to vector<16xf32>
        %mul3A_245 = arith.mulf %get3A_244, %gather3A_186 : vector<16xf32>
        %swap3A_246 = arith.index_cast %add3A_190 : i32 to index
        %swap3A_247 = arith.constant 80 : index
        %swap3A_248 = tpu.vector_load %arg10[%swap3A_246, %swap3A_247] {strides = array<i32>} : memref<80x128xf32, #tpu.memory_space<vmem>>, vector<1x16xf32>,
        %swap3A_249 = vector.shape_cast %swap3A_248 : vector<1x16xf32> to vector<16xf32>
        %swap3A_250 = vector.shape_cast %mul3A_245 : vector<16xf32> to vector<1x16xf32>
        tpu.vector_store %arg10[%swap3A_246, %swap3A_247], %swap3A_250 {strides = array<i32>} : memref<80x128xf32, #tpu.memory_space<vmem>>, vector<1x16xf32>,
        %get3A_251 = arith.index_cast %add3A_190 : i32 to index
        %get3A_252 = arith.constant 96 : index
        %get3A_253 = tpu.vector_load %arg10[%get3A_251, %get3A_252] {strides = array<i32>} : memref<80x128xf32, #tpu.memory_space<vmem>>, vector<1x16xf32>,
        %get3A_254 = vector.shape_cast %get3A_253 : vector<1x16xf32> to vector<16xf32>
        %mul3A_255 = arith.mulf %get3A_254, %gather3A_186 : vector<16xf32>
        %swap3A_256 = arith.index_cast %add3A_190 : i32 to index
        %swap3A_257 = arith.constant 96 : index
        %swap3A_258 = tpu.vector_load %arg10[%swap3A_256, %swap3A_257] {strides = array<i32>} : memref<80x128xf32, #tpu.memory_space<vmem>>, vector<1x16xf32>,
        %swap3A_259 = vector.shape_cast %swap3A_258 : vector<1x16xf32> to vector<16xf32>
        %swap3A_260 = vector.shape_cast %mul3A_255 : vector<16xf32> to vector<1x16xf32>
        tpu.vector_store %arg10[%swap3A_256, %swap3A_257], %swap3A_260 {strides = array<i32>} : memref<80x128xf32, #tpu.memory_space<vmem>>, vector<1x16xf32>,
        %get3A_261 = arith.index_cast %add3A_190 : i32 to index
        %get3A_262 = arith.constant 112 : index
        %get3A_263 = tpu.vector_load %arg10[%get3A_261, %get3A_262] {strides = array<i32>} : memref<80x128xf32, #tpu.memory_space<vmem>>, vector<1x16xf32>,
        %get3A_264 = vector.shape_cast %get3A_263 : vector<1x16xf32> to vector<16xf32>
        %mul3A_265 = arith.mulf %get3A_264, %gather3A_186 : vector<16xf32>
        %swap3A_266 = arith.index_cast %add3A_190 : i32 to index
        %swap3A_267 = arith.constant 112 : index
        %swap3A_268 = tpu.vector_load %arg10[%swap3A_266, %swap3A_267] {strides = array<i32>} : memref<80x128xf32, #tpu.memory_space<vmem>>, vector<1x16xf32>,
        %swap3A_269 = vector.shape_cast %swap3A_268 : vector<1x16xf32> to vector<16xf32>
        %swap3A_270 = vector.shape_cast %mul3A_265 : vector<16xf32> to vector<1x16xf32>
        tpu.vector_store %arg10[%swap3A_266, %swap3A_267], %swap3A_270 {strides = array<i32>} : memref<80x128xf32, #tpu.memory_space<vmem>>, vector<1x16xf32>,
        %broadcast_in_dim3A_271 = arith.constant 2 : i32
        %broadcast_in_dim3A_272 = vector.broadcast %broadcast_in_dim3A_271 : i32 to vector<16x1xi32>
        %gather3A_273 = vector.shape_cast %broadcast_in_dim3A_272 : vector<16x1xi32> to vector<16xi32>
        %gather3A_274 = tpu.dynamic_gather %get3A_97[%gather3A_273] in [0] : vector<16xf32>, vector<16xi32> -> vector<16xf32>
        %mul3A_275 = arith.constant 16 : i32
        %mul3A_276 = arith.muli %scan3A_90, %mul3A_275 : i32
        %add3A_277 = arith.constant 2 : i32
        %add3A_278 = arith.addi %mul3A_276, %add3A_277 : i32
        %get3A_279 = arith.index_cast %add3A_278 : i32 to index
        %get3A_280 = arith.constant 0 : index
        %get3A_281 = tpu.vector_load %arg10[%get3A_279, %get3A_280] {strides = array<i32>} : memref<80x128xf32, #tpu.memory_space<vmem>>, vector<1x16xf32>,
        %get3A_282 = vector.shape_cast %get3A_281 : vector<1x16xf32> to vector<16xf32>
        %mul3A_283 = arith.mulf %get3A_282, %gather3A_274 : vector<16xf32>
        %swap3A_284 = arith.index_cast %add3A_278 : i32 to index
        %swap3A_285 = arith.constant 0 : index
        %swap3A_286 = tpu.vector_load %arg10[%swap3A_284, %swap3A_285] {strides = array<i32>} : memref<80x128xf32, #tpu.memory_space<vmem>>, vector<1x16xf32>,
        %swap3A_287 = vector.shape_cast %swap3A_286 : vector<1x16xf32> to vector<16xf32>
        %swap3A_288 = vector.shape_cast %mul3A_283 : vector<16xf32> to vector<1x16xf32>
        tpu.vector_store %arg10[%swap3A_284, %swap3A_285], %swap3A_288 {strides = array<i32>} : memref<80x128xf32, #tpu.memory_space<vmem>>, vector<1x16xf32>,
        %get3A_289 = arith.index_cast %add3A_278 : i32 to index
        %get3A_290 = arith.constant 16 : index
        %get3A_291 = tpu.vector_load %arg10[%get3A_289, %get3A_290] {strides = array<i32>} : memref<80x128xf32, #tpu.memory_space<vmem>>, vector<1x16xf32>,
        %get3A_292 = vector.shape_cast %get3A_291 : vector<1x16xf32> to vector<16xf32>
        %mul3A_293 = arith.mulf %get3A_292, %gather3A_274 : vector<16xf32>
        %swap3A_294 = arith.index_cast %add3A_278 : i32 to index
        %swap3A_295 = arith.constant 16 : index
        %swap3A_296 = tpu.vector_load %arg10[%swap3A_294, %swap3A_295] {strides = array<i32>} : memref<80x128xf32, #tpu.memory_space<vmem>>, vector<1x16xf32>,
        %swap3A_297 = vector.shape_cast %swap3A_296 : vector<1x16xf32> to vector<16xf32>
        %swap3A_298 = vector.shape_cast %mul3A_293 : vector<16xf32> to vector<1x16xf32>
        tpu.vector_store %arg10[%swap3A_294, %swap3A_295], %swap3A_298 {strides = array<i32>} : memref<80x128xf32, #tpu.memory_space<vmem>>, vector<1x16xf32>,
        %get3A_299 = arith.index_cast %add3A_278 : i32 to index
        %get3A_300 = arith.constant 32 : index
        %get3A_301 = tpu.vector_load %arg10[%get3A_299, %get3A_300] {strides = array<i32>} : memref<80x128xf32, #tpu.memory_space<vmem>>, vector<1x16xf32>,
        %get3A_302 = vector.shape_cast %get3A_301 : vector<1x16xf32> to vector<16xf32>
        %mul3A_303 = arith.mulf %get3A_302, %gather3A_274 : vector<16xf32>
        %swap3A_304 = arith.index_cast %add3A_278 : i32 to index
        %swap3A_305 = arith.constant 32 : index
        %swap3A_306 = tpu.vector_load %arg10[%swap3A_304, %swap3A_305] {strides = array<i32>} : memref<80x128xf32, #tpu.memory_space<vmem>>, vector<1x16xf32>,
        %swap3A_307 = vector.shape_cast %swap3A_306 : vector<1x16xf32> to vector<16xf32>
        %swap3A_308 = vector.shape_cast %mul3A_303 : vector<16xf32> to vector<1x16xf32>
        tpu.vector_store %arg10[%swap3A_304, %swap3A_305], %swap3A_308 {strides = array<i32>} : memref<80x128xf32, #tpu.memory_space<vmem>>, vector<1x16xf32>,
        %get3A_309 = arith.index_cast %add3A_278 : i32 to index
        %get3A_310 = arith.constant 48 : index
        %get3A_311 = tpu.vector_load %arg10[%get3A_309, %get3A_310] {strides = array<i32>} : memref<80x128xf32, #tpu.memory_space<vmem>>, vector<1x16xf32>,
        %get3A_312 = vector.shape_cast %get3A_311 : vector<1x16xf32> to vector<16xf32>
        %mul3A_313 = arith.mulf %get3A_312, %gather3A_274 : vector<16xf32>
        %swap3A_314 = arith.index_cast %add3A_278 : i32 to index
        %swap3A_315 = arith.constant 48 : index
        %swap3A_316 = tpu.vector_load %arg10[%swap3A_314, %swap3A_315] {strides = array<i32>} : memref<80x128xf32, #tpu.memory_space<vmem>>, vector<1x16xf32>,
        %swap3A_317 = vector.shape_cast %swap3A_316 : vector<1x16xf32> to vector<16xf32>
        %swap3A_318 = vector.shape_cast %mul3A_313 : vector<16xf32> to vector<1x16xf32>
        tpu.vector_store %arg10[%swap3A_314, %swap3A_315], %swap3A_318 {strides = array<i32>} : memref<80x128xf32, #tpu.memory_space<vmem>>, vector<1x16xf32>,
        %get3A_319 = arith.index_cast %add3A_278 : i32 to index
        %get3A_320 = arith.constant 64 : index
        %get3A_321 = tpu.vector_load %arg10[%get3A_319, %get3A_320] {strides = array<i32>} : memref<80x128xf32, #tpu.memory_space<vmem>>, vector<1x16xf32>,
        %get3A_322 = vector.shape_cast %get3A_321 : vector<1x16xf32> to vector<16xf32>
        %mul3A_323 = arith.mulf %get3A_322, %gather3A_274 : vector<16xf32>
        %swap3A_324 = arith.index_cast %add3A_278 : i32 to index
        %swap3A_325 = arith.constant 64 : index
        %swap3A_326 = tpu.vector_load %arg10[%swap3A_324, %swap3A_325] {strides = array<i32>} : memref<80x128xf32, #tpu.memory_space<vmem>>, vector<1x16xf32>,
        %swap3A_327 = vector.shape_cast %swap3A_326 : vector<1x16xf32> to vector<16xf32>
        %swap3A_328 = vector.shape_cast %mul3A_323 : vector<16xf32> to vector<1x16xf32>
        tpu.vector_store %arg10[%swap3A_324, %swap3A_325], %swap3A_328 {strides = array<i32>} : memref<80x128xf32, #tpu.memory_space<vmem>>, vector<1x16xf32>,
        %get3A_329 = arith.index_cast %add3A_278 : i32 to index
        %get3A_330 = arith.constant 80 : index
        %get3A_331 = tpu.vector_load %arg10[%get3A_329, %get3A_330] {strides = array<i32>} : memref<80x128xf32, #tpu.memory_space<vmem>>, vector<1x16xf32>,
        %get3A_332 = vector.shape_cast %get3A_331 : vector<1x16xf32> to vector<16xf32>
        %mul3A_333 = arith.mulf %get3A_332, %gather3A_274 : vector<16xf32>
        %swap3A_334 = arith.index_cast %add3A_278 : i32 to index
        %swap3A_335 = arith.constant 80 : index
        %swap3A_336 = tpu.vector_load %arg10[%swap3A_334, %swap3A_335] {strides = array<i32>} : memref<80x128xf32, #tpu.memory_space<vmem>>, vector<1x16xf32>,
        %swap3A_337 = vector.shape_cast %swap3A_336 : vector<1x16xf32> to vector<16xf32>
        %swap3A_338 = vector.shape_cast %mul3A_333 : vector<16xf32> to vector<1x16xf32>
        tpu.vector_store %arg10[%swap3A_334, %swap3A_335], %swap3A_338 {strides = array<i32>} : memref<80x128xf32, #tpu.memory_space<vmem>>, vector<1x16xf32>,
        %get3A_339 = arith.index_cast %add3A_278 : i32 to index
        %get3A_340 = arith.constant 96 : index
        %get3A_341 = tpu.vector_load %arg10[%get3A_339, %get3A_340] {strides = array<i32>} : memref<80x128xf32, #tpu.memory_space<vmem>>, vector<1x16xf32>,
        %get3A_342 = vector.shape_cast %get3A_341 : vector<1x16xf32> to vector<16xf32>
        %mul3A_343 = arith.mulf %get3A_342, %gather3A_274 : vector<16xf32>
        %swap3A_344 = arith.index_cast %add3A_278 : i32 to index
        %swap3A_345 = arith.constant 96 : index
        %swap3A_346 = tpu.vector_load %arg10[%swap3A_344, %swap3A_345] {strides = array<i32>} : memref<80x128xf32, #tpu.memory_space<vmem>>, vector<1x16xf32>,
        %swap3A_347 = vector.shape_cast %swap3A_346 : vector<1x16xf32> to vector<16xf32>
        %swap3A_348 = vector.shape_cast %mul3A_343 : vector<16xf32> to vector<1x16xf32>
        tpu.vector_store %arg10[%swap3A_344, %swap3A_345], %swap3A_348 {strides = array<i32>} : memref<80x128xf32, #tpu.memory_space<vmem>>, vector<1x16xf32>,
        %get3A_349 = arith.index_cast %add3A_278 : i32 to index
        %get3A_350 = arith.constant 112 : index
        %get3A_351 = tpu.vector_load %arg10[%get3A_349, %get3A_350] {strides = array<i32>} : memref<80x128xf32, #tpu.memory_space<vmem>>, vector<1x16xf32>,
        %get3A_352 = vector.shape_cast %get3A_351 : vector<1x16xf32> to vector<16xf32>
        %mul3A_353 = arith.mulf %get3A_352, %gather3A_274 : vector<16xf32>
        %swap3A_354 = arith.index_cast %add3A_278 : i32 to index
        %swap3A_355 = arith.constant 112 : index
        %swap3A_356 = tpu.vector_load %arg10[%swap3A_354, %swap3A_355] {strides = array<i32>} : memref<80x128xf32, #tpu.memory_space<vmem>>, vector<1x16xf32>,
        %swap3A_357 = vector.shape_cast %swap3A_356 : vector<1x16xf32> to vector<16xf32>
        %swap3A_358 = vector.shape_cast %mul3A_353 : vector<16xf32> to vector<1x16xf32>
        tpu.vector_store %arg10[%swap3A_354, %swap3A_355], %swap3A_358 {strides = array<i32>} : memref<80x128xf32, #tpu.memory_space<vmem>>, vector<1x16xf32>,
        %broadcast_in_dim3A_359 = arith.constant 3 : i32
        %broadcast_in_dim3A_360 = vector.broadcast %broadcast_in_dim3A_359 : i32 to vector<16x1xi32>
        %gather3A_361 = vector.shape_cast %broadcast_in_dim3A_360 : vector<16x1xi32> to vector<16xi32>
        %gather3A_362 = tpu.dynamic_gather %get3A_97[%gather3A_361] in [0] : vector<16xf32>, vector<16xi32> -> vector<16xf32>
        %mul3A_363 = arith.constant 16 : i32
        %mul3A_364 = arith.muli %scan3A_90, %mul3A_363 : i32
        %add3A_365 = arith.constant 3 : i32
        %add3A_366 = arith.addi %mul3A_364, %add3A_365 : i32
        %get3A_367 = arith.index_cast %add3A_366 : i32 to index
        %get3A_368 = arith.constant 0 : index
        %get3A_369 = tpu.vector_load %arg10[%get3A_367, %get3A_368] {strides = array<i32>} : memref<80x128xf32, #tpu.memory_space<vmem>>, vector<1x16xf32>,
        %get3A_370 = vector.shape_cast %get3A_369 : vector<1x16xf32> to vector<16xf32>
        %mul3A_371 = arith.mulf %get3A_370, %gather3A_362 : vector<16xf32>
        %swap3A_372 = arith.index_cast %add3A_366 : i32 to index
        %swap3A_373 = arith.constant 0 : index
        %swap3A_374 = tpu.vector_load %arg10[%swap3A_372, %swap3A_373] {strides = array<i32>} : memref<80x128xf32, #tpu.memory_space<vmem>>, vector<1x16xf32>,
        %swap3A_375 = vector.shape_cast %swap3A_374 : vector<1x16xf32> to vector<16xf32>
        %swap3A_376 = vector.shape_cast %mul3A_371 : vector<16xf32> to vector<1x16xf32>
        tpu.vector_store %arg10[%swap3A_372, %swap3A_373], %swap3A_376 {strides = array<i32>} : memref<80x128xf32, #tpu.memory_space<vmem>>, vector<1x16xf32>,
        %get3A_377 = arith.index_cast %add3A_366 : i32 to index
        %get3A_378 = arith.constant 16 : index
        %get3A_379 = tpu.vector_load %arg10[%get3A_377, %get3A_378] {strides = array<i32>} : memref<80x128xf32, #tpu.memory_space<vmem>>, vector<1x16xf32>,
        %get3A_380 = vector.shape_cast %get3A_379 : vector<1x16xf32> to vector<16xf32>
        %mul3A_381 = arith.mulf %get3A_380, %gather3A_362 : vector<16xf32>
        %swap3A_382 = arith.index_cast %add3A_366 : i32 to index
        %swap3A_383 = arith.constant 16 : index
        %swap3A_384 = tpu.vector_load %arg10[%swap3A_382, %swap3A_383] {strides = array<i32>} : memref<80x128xf32, #tpu.memory_space<vmem>>, vector<1x16xf32>,
        %swap3A_385 = vector.shape_cast %swap3A_384 : vector<1x16xf32> to vector<16xf32>
        %swap3A_386 = vector.shape_cast %mul3A_381 : vector<16xf32> to vector<1x16xf32>
        tpu.vector_store %arg10[%swap3A_382, %swap3A_383], %swap3A_386 {strides = array<i32>} : memref<80x128xf32, #tpu.memory_space<vmem>>, vector<1x16xf32>,
        %get3A_387 = arith.index_cast %add3A_366 : i32 to index
        %get3A_388 = arith.constant 32 : index
        %get3A_389 = tpu.vector_load %arg10[%get3A_387, %get3A_388] {strides = array<i32>} : memref<80x128xf32, #tpu.memory_space<vmem>>, vector<1x16xf32>,
        %get3A_390 = vector.shape_cast %get3A_389 : vector<1x16xf32> to vector<16xf32>
        %mul3A_391 = arith.mulf %get3A_390, %gather3A_362 : vector<16xf32>
        %swap3A_392 = arith.index_cast %add3A_366 : i32 to index
        %swap3A_393 = arith.constant 32 : index
        %swap3A_394 = tpu.vector_load %arg10[%swap3A_392, %swap3A_393] {strides = array<i32>} : memref<80x128xf32, #tpu.memory_space<vmem>>, vector<1x16xf32>,
        %swap3A_395 = vector.shape_cast %swap3A_394 : vector<1x16xf32> to vector<16xf32>
        %swap3A_396 = vector.shape_cast %mul3A_391 : vector<16xf32> to vector<1x16xf32>
        tpu.vector_store %arg10[%swap3A_392, %swap3A_393], %swap3A_396 {strides = array<i32>} : memref<80x128xf32, #tpu.memory_space<vmem>>, vector<1x16xf32>,
        %get3A_397 = arith.index_cast %add3A_366 : i32 to index
        %get3A_398 = arith.constant 48 : index
        %get3A_399 = tpu.vector_load %arg10[%get3A_397, %get3A_398] {strides = array<i32>} : memref<80x128xf32, #tpu.memory_space<vmem>>, vector<1x16xf32>,
        %get3A_400 = vector.shape_cast %get3A_399 : vector<1x16xf32> to vector<16xf32>
        %mul3A_401 = arith.mulf %get3A_400, %gather3A_362 : vector<16xf32>
        %swap3A_402 = arith.index_cast %add3A_366 : i32 to index
        %swap3A_403 = arith.constant 48 : index
        %swap3A_404 = tpu.vector_load %arg10[%swap3A_402, %swap3A_403] {strides = array<i32>} : memref<80x128xf32, #tpu.memory_space<vmem>>, vector<1x16xf32>,
        %swap3A_405 = vector.shape_cast %swap3A_404 : vector<1x16xf32> to vector<16xf32>
        %swap3A_406 = vector.shape_cast %mul3A_401 : vector<16xf32> to vector<1x16xf32>
        tpu.vector_store %arg10[%swap3A_402, %swap3A_403], %swap3A_406 {strides = array<i32>} : memref<80x128xf32, #tpu.memory_space<vmem>>, vector<1x16xf32>,
        %get3A_407 = arith.index_cast %add3A_366 : i32 to index
        %get3A_408 = arith.constant 64 : index
        %get3A_409 = tpu.vector_load %arg10[%get3A_407, %get3A_408] {strides = array<i32>} : memref<80x128xf32, #tpu.memory_space<vmem>>, vector<1x16xf32>,
        %get3A_410 = vector.shape_cast %get3A_409 : vector<1x16xf32> to vector<16xf32>
        %mul3A_411 = arith.mulf %get3A_410, %gather3A_362 : vector<16xf32>
        %swap3A_412 = arith.index_cast %add3A_366 : i32 to index
        %swap3A_413 = arith.constant 64 : index
        %swap3A_414 = tpu.vector_load %arg10[%swap3A_412, %swap3A_413] {strides = array<i32>} : memref<80x128xf32, #tpu.memory_space<vmem>>, vector<1x16xf32>,
        %swap3A_415 = vector.shape_cast %swap3A_414 : vector<1x16xf32> to vector<16xf32>
        %swap3A_416 = vector.shape_cast %mul3A_411 : vector<16xf32> to vector<1x16xf32>
        tpu.vector_store %arg10[%swap3A_412, %swap3A_413], %swap3A_416 {strides = array<i32>} : memref<80x128xf32, #tpu.memory_space<vmem>>, vector<1x16xf32>,
        %get3A_417 = arith.index_cast %add3A_366 : i32 to index
        %get3A_418 = arith.constant 80 : index
        %get3A_419 = tpu.vector_load %arg10[%get3A_417, %get3A_418] {strides = array<i32>} : memref<80x128xf32, #tpu.memory_space<vmem>>, vector<1x16xf32>,
        %get3A_420 = vector.shape_cast %get3A_419 : vector<1x16xf32> to vector<16xf32>
        %mul3A_421 = arith.mulf %get3A_420, %gather3A_362 : vector<16xf32>
        %swap3A_422 = arith.index_cast %add3A_366 : i32 to index
        %swap3A_423 = arith.constant 80 : index
        %swap3A_424 = tpu.vector_load %arg10[%swap3A_422, %swap3A_423] {strides = array<i32>} : memref<80x128xf32, #tpu.memory_space<vmem>>, vector<1x16xf32>,
        %swap3A_425 = vector.shape_cast %swap3A_424 : vector<1x16xf32> to vector<16xf32>
        %swap3A_426 = vector.shape_cast %mul3A_421 : vector<16xf32> to vector<1x16xf32>
        tpu.vector_store %arg10[%swap3A_422, %swap3A_423], %swap3A_426 {strides = array<i32>} : memref<80x128xf32, #tpu.memory_space<vmem>>, vector<1x16xf32>,
        %get3A_427 = arith.index_cast %add3A_366 : i32 to index
        %get3A_428 = arith.constant 96 : index
        %get3A_429 = tpu.vector_load %arg10[%get3A_427, %get3A_428] {strides = array<i32>} : memref<80x128xf32, #tpu.memory_space<vmem>>, vector<1x16xf32>,
        %get3A_430 = vector.shape_cast %get3A_429 : vector<1x16xf32> to vector<16xf32>
        %mul3A_431 = arith.mulf %get3A_430, %gather3A_362 : vector<16xf32>
        %swap3A_432 = arith.index_cast %add3A_366 : i32 to index
        %swap3A_433 = arith.constant 96 : index
        %swap3A_434 = tpu.vector_load %arg10[%swap3A_432, %swap3A_433] {strides = array<i32>} : memref<80x128xf32, #tpu.memory_space<vmem>>, vector<1x16xf32>,
        %swap3A_435 = vector.shape_cast %swap3A_434 : vector<1x16xf32> to vector<16xf32>
        %swap3A_436 = vector.shape_cast %mul3A_431 : vector<16xf32> to vector<1x16xf32>
        tpu.vector_store %arg10[%swap3A_432, %swap3A_433], %swap3A_436 {strides = array<i32>} : memref<80x128xf32, #tpu.memory_space<vmem>>, vector<1x16xf32>,
        %get3A_437 = arith.index_cast %add3A_366 : i32 to index
        %get3A_438 = arith.constant 112 : index
        %get3A_439 = tpu.vector_load %arg10[%get3A_437, %get3A_438] {strides = array<i32>} : memref<80x128xf32, #tpu.memory_space<vmem>>, vector<1x16xf32>,
        %get3A_440 = vector.shape_cast %get3A_439 : vector<1x16xf32> to vector<16xf32>
        %mul3A_441 = arith.mulf %get3A_440, %gather3A_362 : vector<16xf32>
        %swap3A_442 = arith.index_cast %add3A_366 : i32 to index
        %swap3A_443 = arith.constant 112 : index
        %swap3A_444 = tpu.vector_load %arg10[%swap3A_442, %swap3A_443] {strides = array<i32>} : memref<80x128xf32, #tpu.memory_space<vmem>>, vector<1x16xf32>,
        %swap3A_445 = vector.shape_cast %swap3A_444 : vector<1x16xf32> to vector<16xf32>
        %swap3A_446 = vector.shape_cast %mul3A_441 : vector<16xf32> to vector<1x16xf32>
        tpu.vector_store %arg10[%swap3A_442, %swap3A_443], %swap3A_446 {strides = array<i32>} : memref<80x128xf32, #tpu.memory_space<vmem>>, vector<1x16xf32>,
        %broadcast_in_dim3A_447 = arith.constant 4 : i32
        %broadcast_in_dim3A_448 = vector.broadcast %broadcast_in_dim3A_447 : i32 to vector<16x1xi32>
        %gather3A_449 = vector.shape_cast %broadcast_in_dim3A_448 : vector<16x1xi32> to vector<16xi32>
        %gather3A_450 = tpu.dynamic_gather %get3A_97[%gather3A_449] in [0] : vector<16xf32>, vector<16xi32> -> vector<16xf32>
        %mul3A_451 = arith.constant 16 : i32
        %mul3A_452 = arith.muli %scan3A_90, %mul3A_451 : i32
        %add3A_453 = arith.constant 4 : i32
        %add3A_454 = arith.addi %mul3A_452, %add3A_453 : i32
        %get3A_455 = arith.index_cast %add3A_454 : i32 to index
        %get3A_456 = arith.constant 0 : index
        %get3A_457 = tpu.vector_load %arg10[%get3A_455, %get3A_456] {strides = array<i32>} : memref<80x128xf32, #tpu.memory_space<vmem>>, vector<1x16xf32>,
        %get3A_458 = vector.shape_cast %get3A_457 : vector<1x16xf32> to vector<16xf32>
        %mul3A_459 = arith.mulf %get3A_458, %gather3A_450 : vector<16xf32>
        %swap3A_460 = arith.index_cast %add3A_454 : i32 to index
        %swap3A_461 = arith.constant 0 : index
        %swap3A_462 = tpu.vector_load %arg10[%swap3A_460, %swap3A_461] {strides = array<i32>} : memref<80x128xf32, #tpu.memory_space<vmem>>, vector<1x16xf32>,
        %swap3A_463 = vector.shape_cast %swap3A_462 : vector<1x16xf32> to vector<16xf32>
        %swap3A_464 = vector.shape_cast %mul3A_459 : vector<16xf32> to vector<1x16xf32>
        tpu.vector_store %arg10[%swap3A_460, %swap3A_461], %swap3A_464 {strides = array<i32>} : memref<80x128xf32, #tpu.memory_space<vmem>>, vector<1x16xf32>,
        %get3A_465 = arith.index_cast %add3A_454 : i32 to index
        %get3A_466 = arith.constant 16 : index
        %get3A_467 = tpu.vector_load %arg10[%get3A_465, %get3A_466] {strides = array<i32>} : memref<80x128xf32, #tpu.memory_space<vmem>>, vector<1x16xf32>,
        %get3A_468 = vector.shape_cast %get3A_467 : vector<1x16xf32> to vector<16xf32>
        %mul3A_469 = arith.mulf %get3A_468, %gather3A_450 : vector<16xf32>
        %swap3A_470 = arith.index_cast %add3A_454 : i32 to index
        %swap3A_471 = arith.constant 16 : index
        %swap3A_472 = tpu.vector_load %arg10[%swap3A_470, %swap3A_471] {strides = array<i32>} : memref<80x128xf32, #tpu.memory_space<vmem>>, vector<1x16xf32>,
        %swap3A_473 = vector.shape_cast %swap3A_472 : vector<1x16xf32> to vector<16xf32>
        %swap3A_474 = vector.shape_cast %mul3A_469 : vector<16xf32> to vector<1x16xf32>
        tpu.vector_store %arg10[%swap3A_470, %swap3A_471], %swap3A_474 {strides = array<i32>} : memref<80x128xf32, #tpu.memory_space<vmem>>, vector<1x16xf32>,
        %get3A_475 = arith.index_cast %add3A_454 : i32 to index
        %get3A_476 = arith.constant 32 : index
        %get3A_477 = tpu.vector_load %arg10[%get3A_475, %get3A_476] {strides = array<i32>} : memref<80x128xf32, #tpu.memory_space<vmem>>, vector<1x16xf32>,
        %get3A_478 = vector.shape_cast %get3A_477 : vector<1x16xf32> to vector<16xf32>
        %mul3A_479 = arith.mulf %get3A_478, %gather3A_450 : vector<16xf32>
        %swap3A_480 = arith.index_cast %add3A_454 : i32 to index
        %swap3A_481 = arith.constant 32 : index
        %swap3A_482 = tpu.vector_load %arg10[%swap3A_480, %swap3A_481] {strides = array<i32>} : memref<80x128xf32, #tpu.memory_space<vmem>>, vector<1x16xf32>,
        %swap3A_483 = vector.shape_cast %swap3A_482 : vector<1x16xf32> to vector<16xf32>
        %swap3A_484 = vector.shape_cast %mul3A_479 : vector<16xf32> to vector<1x16xf32>
        tpu.vector_store %arg10[%swap3A_480, %swap3A_481], %swap3A_484 {strides = array<i32>} : memref<80x128xf32, #tpu.memory_space<vmem>>, vector<1x16xf32>,
        %get3A_485 = arith.index_cast %add3A_454 : i32 to index
        %get3A_486 = arith.constant 48 : index
        %get3A_487 = tpu.vector_load %arg10[%get3A_485, %get3A_486] {strides = array<i32>} : memref<80x128xf32, #tpu.memory_space<vmem>>, vector<1x16xf32>,
        %get3A_488 = vector.shape_cast %get3A_487 : vector<1x16xf32> to vector<16xf32>
        %mul3A_489 = arith.mulf %get3A_488, %gather3A_450 : vector<16xf32>
        %swap3A_490 = arith.index_cast %add3A_454 : i32 to index
        %swap3A_491 = arith.constant 48 : index
        %swap3A_492 = tpu.vector_load %arg10[%swap3A_490, %swap3A_491] {strides = array<i32>} : memref<80x128xf32, #tpu.memory_space<vmem>>, vector<1x16xf32>,
        %swap3A_493 = vector.shape_cast %swap3A_492 : vector<1x16xf32> to vector<16xf32>
        %swap3A_494 = vector.shape_cast %mul3A_489 : vector<16xf32> to vector<1x16xf32>
        tpu.vector_store %arg10[%swap3A_490, %swap3A_491], %swap3A_494 {strides = array<i32>} : memref<80x128xf32, #tpu.memory_space<vmem>>, vector<1x16xf32>,
        %get3A_495 = arith.index_cast %add3A_454 : i32 to index
        %get3A_496 = arith.constant 64 : index
        %get3A_497 = tpu.vector_load %arg10[%get3A_495, %get3A_496] {strides = array<i32>} : memref<80x128xf32, #tpu.memory_space<vmem>>, vector<1x16xf32>,
        %get3A_498 = vector.shape_cast %get3A_497 : vector<1x16xf32> to vector<16xf32>
        %mul3A_499 = arith.mulf %get3A_498, %gather3A_450 : vector<16xf32>
        %swap3A_500 = arith.index_cast %add3A_454 : i32 to index
        %swap3A_501 = arith.constant 64 : index
        %swap3A_502 = tpu.vector_load %arg10[%swap3A_500, %swap3A_501] {strides = array<i32>} : memref<80x128xf32, #tpu.memory_space<vmem>>, vector<1x16xf32>,
        %swap3A_503 = vector.shape_cast %swap3A_502 : vector<1x16xf32> to vector<16xf32>
        %swap3A_504 = vector.shape_cast %mul3A_499 : vector<16xf32> to vector<1x16xf32>
        tpu.vector_store %arg10[%swap3A_500, %swap3A_501], %swap3A_504 {strides = array<i32>} : memref<80x128xf32, #tpu.memory_space<vmem>>, vector<1x16xf32>,
        %get3A_505 = arith.index_cast %add3A_454 : i32 to index
        %get3A_506 = arith.constant 80 : index
        %get3A_507 = tpu.vector_load %arg10[%get3A_505, %get3A_506] {strides = array<i32>} : memref<80x128xf32, #tpu.memory_space<vmem>>, vector<1x16xf32>,
        %get3A_508 = vector.shape_cast %get3A_507 : vector<1x16xf32> to vector<16xf32>
        %mul3A_509 = arith.mulf %get3A_508, %gather3A_450 : vector<16xf32>
        %swap3A_510 = arith.index_cast %add3A_454 : i32 to index
        %swap3A_511 = arith.constant 80 : index
        %swap3A_512 = tpu.vector_load %arg10[%swap3A_510, %swap3A_511] {strides = array<i32>} : memref<80x128xf32, #tpu.memory_space<vmem>>, vector<1x16xf32>,
        %swap3A_513 = vector.shape_cast %swap3A_512 : vector<1x16xf32> to vector<16xf32>
        %swap3A_514 = vector.shape_cast %mul3A_509 : vector<16xf32> to vector<1x16xf32>
        tpu.vector_store %arg10[%swap3A_510, %swap3A_511], %swap3A_514 {strides = array<i32>} : memref<80x128xf32, #tpu.memory_space<vmem>>, vector<1x16xf32>,
        %get3A_515 = arith.index_cast %add3A_454 : i32 to index
        %get3A_516 = arith.constant 96 : index
        %get3A_517 = tpu.vector_load %arg10[%get3A_515, %get3A_516] {strides = array<i32>} : memref<80x128xf32, #tpu.memory_space<vmem>>, vector<1x16xf32>,
        %get3A_518 = vector.shape_cast %get3A_517 : vector<1x16xf32> to vector<16xf32>
        %mul3A_519 = arith.mulf %get3A_518, %gather3A_450 : vector<16xf32>
        %swap3A_520 = arith.index_cast %add3A_454 : i32 to index
        %swap3A_521 = arith.constant 96 : index
        %swap3A_522 = tpu.vector_load %arg10[%swap3A_520, %swap3A_521] {strides = array<i32>} : memref<80x128xf32, #tpu.memory_space<vmem>>, vector<1x16xf32>,
        %swap3A_523 = vector.shape_cast %swap3A_522 : vector<1x16xf32> to vector<16xf32>
        %swap3A_524 = vector.shape_cast %mul3A_519 : vector<16xf32> to vector<1x16xf32>
        tpu.vector_store %arg10[%swap3A_520, %swap3A_521], %swap3A_524 {strides = array<i32>} : memref<80x128xf32, #tpu.memory_space<vmem>>, vector<1x16xf32>,
        %get3A_525 = arith.index_cast %add3A_454 : i32 to index
        %get3A_526 = arith.constant 112 : index
        %get3A_527 = tpu.vector_load %arg10[%get3A_525, %get3A_526] {strides = array<i32>} : memref<80x128xf32, #tpu.memory_space<vmem>>, vector<1x16xf32>,
        %get3A_528 = vector.shape_cast %get3A_527 : vector<1x16xf32> to vector<16xf32>
        %mul3A_529 = arith.mulf %get3A_528, %gather3A_450 : vector<16xf32>
        %swap3A_530 = arith.index_cast %add3A_454 : i32 to index
        %swap3A_531 = arith.constant 112 : index
        %swap3A_532 = tpu.vector_load %arg10[%swap3A_530, %swap3A_531] {strides = array<i32>} : memref<80x128xf32, #tpu.memory_space<vmem>>, vector<1x16xf32>,
        %swap3A_533 = vector.shape_cast %swap3A_532 : vector<1x16xf32> to vector<16xf32>
        %swap3A_534 = vector.shape_cast %mul3A_529 : vector<16xf32> to vector<1x16xf32>
        tpu.vector_store %arg10[%swap3A_530, %swap3A_531], %swap3A_534 {strides = array<i32>} : memref<80x128xf32, #tpu.memory_space<vmem>>, vector<1x16xf32>,
        %broadcast_in_dim3A_535 = arith.constant 5 : i32
        %broadcast_in_dim3A_536 = vector.broadcast %broadcast_in_dim3A_535 : i32 to vector<16x1xi32>
        %gather3A_537 = vector.shape_cast %broadcast_in_dim3A_536 : vector<16x1xi32> to vector<16xi32>
        %gather3A_538 = tpu.dynamic_gather %get3A_97[%gather3A_537] in [0] : vector<16xf32>, vector<16xi32> -> vector<16xf32>
        %mul3A_539 = arith.constant 16 : i32
        %mul3A_540 = arith.muli %scan3A_90, %mul3A_539 : i32
        %add3A_541 = arith.constant 5 : i32
        %add3A_542 = arith.addi %mul3A_540, %add3A_541 : i32
        %get3A_543 = arith.index_cast %add3A_542 : i32 to index
        %get3A_544 = arith.constant 0 : index
        %get3A_545 = tpu.vector_load %arg10[%get3A_543, %get3A_544] {strides = array<i32>} : memref<80x128xf32, #tpu.memory_space<vmem>>, vector<1x16xf32>,
        %get3A_546 = vector.shape_cast %get3A_545 : vector<1x16xf32> to vector<16xf32>
        %mul3A_547 = arith.mulf %get3A_546, %gather3A_538 : vector<16xf32>
        %swap3A_548 = arith.index_cast %add3A_542 : i32 to index
        %swap3A_549 = arith.constant 0 : index
        %swap3A_550 = tpu.vector_load %arg10[%swap3A_548, %swap3A_549] {strides = array<i32>} : memref<80x128xf32, #tpu.memory_space<vmem>>, vector<1x16xf32>,
        %swap3A_551 = vector.shape_cast %swap3A_550 : vector<1x16xf32> to vector<16xf32>
        %swap3A_552 = vector.shape_cast %mul3A_547 : vector<16xf32> to vector<1x16xf32>
        tpu.vector_store %arg10[%swap3A_548, %swap3A_549], %swap3A_552 {strides = array<i32>} : memref<80x128xf32, #tpu.memory_space<vmem>>, vector<1x16xf32>,
        %get3A_553 = arith.index_cast %add3A_542 : i32 to index
        %get3A_554 = arith.constant 16 : index
        %get3A_555 = tpu.vector_load %arg10[%get3A_553, %get3A_554] {strides = array<i32>} : memref<80x128xf32, #tpu.memory_space<vmem>>, vector<1x16xf32>,
        %get3A_556 = vector.shape_cast %get3A_555 : vector<1x16xf32> to vector<16xf32>
        %mul3A_557 = arith.mulf %get3A_556, %gather3A_538 : vector<16xf32>
        %swap3A_558 = arith.index_cast %add3A_542 : i32 to index
        %swap3A_559 = arith.constant 16 : index
        %swap3A_560 = tpu.vector_load %arg10[%swap3A_558, %swap3A_559] {strides = array<i32>} : memref<80x128xf32, #tpu.memory_space<vmem>>, vector<1x16xf32>,
        %swap3A_561 = vector.shape_cast %swap3A_560 : vector<1x16xf32> to vector<16xf32>
        %swap3A_562 = vector.shape_cast %mul3A_557 : vector<16xf32> to vector<1x16xf32>
        tpu.vector_store %arg10[%swap3A_558, %swap3A_559], %swap3A_562 {strides = array<i32>} : memref<80x128xf32, #tpu.memory_space<vmem>>, vector<1x16xf32>,
        %get3A_563 = arith.index_cast %add3A_542 : i32 to index
        %get3A_564 = arith.constant 32 : index
        %get3A_565 = tpu.vector_load %arg10[%get3A_563, %get3A_564] {strides = array<i32>} : memref<80x128xf32, #tpu.memory_space<vmem>>, vector<1x16xf32>,
        %get3A_566 = vector.shape_cast %get3A_565 : vector<1x16xf32> to vector<16xf32>
        %mul3A_567 = arith.mulf %get3A_566, %gather3A_538 : vector<16xf32>
        %swap3A_568 = arith.index_cast %add3A_542 : i32 to index
        %swap3A_569 = arith.constant 32 : index
        %swap3A_570 = tpu.vector_load %arg10[%swap3A_568, %swap3A_569] {strides = array<i32>} : memref<80x128xf32, #tpu.memory_space<vmem>>, vector<1x16xf32>,
        %swap3A_571 = vector.shape_cast %swap3A_570 : vector<1x16xf32> to vector<16xf32>
        %swap3A_572 = vector.shape_cast %mul3A_567 : vector<16xf32> to vector<1x16xf32>
        tpu.vector_store %arg10[%swap3A_568, %swap3A_569], %swap3A_572 {strides = array<i32>} : memref<80x128xf32, #tpu.memory_space<vmem>>, vector<1x16xf32>,
        %get3A_573 = arith.index_cast %add3A_542 : i32 to index
        %get3A_574 = arith.constant 48 : index
        %get3A_575 = tpu.vector_load %arg10[%get3A_573, %get3A_574] {strides = array<i32>} : memref<80x128xf32, #tpu.memory_space<vmem>>, vector<1x16xf32>,
        %get3A_576 = vector.shape_cast %get3A_575 : vector<1x16xf32> to vector<16xf32>
        %mul3A_577 = arith.mulf %get3A_576, %gather3A_538 : vector<16xf32>
        %swap3A_578 = arith.index_cast %add3A_542 : i32 to index
        %swap3A_579 = arith.constant 48 : index
        %swap3A_580 = tpu.vector_load %arg10[%swap3A_578, %swap3A_579] {strides = array<i32>} : memref<80x128xf32, #tpu.memory_space<vmem>>, vector<1x16xf32>,
        %swap3A_581 = vector.shape_cast %swap3A_580 : vector<1x16xf32> to vector<16xf32>
        %swap3A_582 = vector.shape_cast %mul3A_577 : vector<16xf32> to vector<1x16xf32>
        tpu.vector_store %arg10[%swap3A_578, %swap3A_579], %swap3A_582 {strides = array<i32>} : memref<80x128xf32, #tpu.memory_space<vmem>>, vector<1x16xf32>,
        %get3A_583 = arith.index_cast %add3A_542 : i32 to index
        %get3A_584 = arith.constant 64 : index
        %get3A_585 = tpu.vector_load %arg10[%get3A_583, %get3A_584] {strides = array<i32>} : memref<80x128xf32, #tpu.memory_space<vmem>>, vector<1x16xf32>,
        %get3A_586 = vector.shape_cast %get3A_585 : vector<1x16xf32> to vector<16xf32>
        %mul3A_587 = arith.mulf %get3A_586, %gather3A_538 : vector<16xf32>
        %swap3A_588 = arith.index_cast %add3A_542 : i32 to index
        %swap3A_589 = arith.constant 64 : index
        %swap3A_590 = tpu.vector_load %arg10[%swap3A_588, %swap3A_589] {strides = array<i32>} : memref<80x128xf32, #tpu.memory_space<vmem>>, vector<1x16xf32>,
        %swap3A_591 = vector.shape_cast %swap3A_590 : vector<1x16xf32> to vector<16xf32>
        %swap3A_592 = vector.shape_cast %mul3A_587 : vector<16xf32> to vector<1x16xf32>
        tpu.vector_store %arg10[%swap3A_588, %swap3A_589], %swap3A_592 {strides = array<i32>} : memref<80x128xf32, #tpu.memory_space<vmem>>, vector<1x16xf32>,
        %get3A_593 = arith.index_cast %add3A_542 : i32 to index
        %get3A_594 = arith.constant 80 : index
        %get3A_595 = tpu.vector_load %arg10[%get3A_593, %get3A_594] {strides = array<i32>} : memref<80x128xf32, #tpu.memory_space<vmem>>, vector<1x16xf32>,
        %get3A_596 = vector.shape_cast %get3A_595 : vector<1x16xf32> to vector<16xf32>
        %mul3A_597 = arith.mulf %get3A_596, %gather3A_538 : vector<16xf32>
        %swap3A_598 = arith.index_cast %add3A_542 : i32 to index
        %swap3A_599 = arith.constant 80 : index
        %swap3A_600 = tpu.vector_load %arg10[%swap3A_598, %swap3A_599] {strides = array<i32>} : memref<80x128xf32, #tpu.memory_space<vmem>>, vector<1x16xf32>,
        %swap3A_601 = vector.shape_cast %swap3A_600 : vector<1x16xf32> to vector<16xf32>
        %swap3A_602 = vector.shape_cast %mul3A_597 : vector<16xf32> to vector<1x16xf32>
        tpu.vector_store %arg10[%swap3A_598, %swap3A_599], %swap3A_602 {strides = array<i32>} : memref<80x128xf32, #tpu.memory_space<vmem>>, vector<1x16xf32>,
        %get3A_603 = arith.index_cast %add3A_542 : i32 to index
        %get3A_604 = arith.constant 96 : index
        %get3A_605 = tpu.vector_load %arg10[%get3A_603, %get3A_604] {strides = array<i32>} : memref<80x128xf32, #tpu.memory_space<vmem>>, vector<1x16xf32>,
        %get3A_606 = vector.shape_cast %get3A_605 : vector<1x16xf32> to vector<16xf32>
        %mul3A_607 = arith.mulf %get3A_606, %gather3A_538 : vector<16xf32>
        %swap3A_608 = arith.index_cast %add3A_542 : i32 to index
        %swap3A_609 = arith.constant 96 : index
        %swap3A_610 = tpu.vector_load %arg10[%swap3A_608, %swap3A_609] {strides = array<i32>} : memref<80x128xf32, #tpu.memory_space<vmem>>, vector<1x16xf32>,
        %swap3A_611 = vector.shape_cast %swap3A_610 : vector<1x16xf32> to vector<16xf32>
        %swap3A_612 = vector.shape_cast %mul3A_607 : vector<16xf32> to vector<1x16xf32>
        tpu.vector_store %arg10[%swap3A_608, %swap3A_609], %swap3A_612 {strides = array<i32>} : memref<80x128xf32, #tpu.memory_space<vmem>>, vector<1x16xf32>,
        %get3A_613 = arith.index_cast %add3A_542 : i32 to index
        %get3A_614 = arith.constant 112 : index
        %get3A_615 = tpu.vector_load %arg10[%get3A_613, %get3A_614] {strides = array<i32>} : memref<80x128xf32, #tpu.memory_space<vmem>>, vector<1x16xf32>,
        %get3A_616 = vector.shape_cast %get3A_615 : vector<1x16xf32> to vector<16xf32>
        %mul3A_617 = arith.mulf %get3A_616, %gather3A_538 : vector<16xf32>
        %swap3A_618 = arith.index_cast %add3A_542 : i32 to index
        %swap3A_619 = arith.constant 112 : index
        %swap3A_620 = tpu.vector_load %arg10[%swap3A_618, %swap3A_619] {strides = array<i32>} : memref<80x128xf32, #tpu.memory_space<vmem>>, vector<1x16xf32>,
        %swap3A_621 = vector.shape_cast %swap3A_620 : vector<1x16xf32> to vector<16xf32>
        %swap3A_622 = vector.shape_cast %mul3A_617 : vector<16xf32> to vector<1x16xf32>
        tpu.vector_store %arg10[%swap3A_618, %swap3A_619], %swap3A_622 {strides = array<i32>} : memref<80x128xf32, #tpu.memory_space<vmem>>, vector<1x16xf32>,
        %broadcast_in_dim3A_623 = arith.constant 6 : i32
        %broadcast_in_dim3A_624 = vector.broadcast %broadcast_in_dim3A_623 : i32 to vector<16x1xi32>
        %gather3A_625 = vector.shape_cast %broadcast_in_dim3A_624 : vector<16x1xi32> to vector<16xi32>
        %gather3A_626 = tpu.dynamic_gather %get3A_97[%gather3A_625] in [0] : vector<16xf32>, vector<16xi32> -> vector<16xf32>
        %mul3A_627 = arith.constant 16 : i32
        %mul3A_628 = arith.muli %scan3A_90, %mul3A_627 : i32
        %add3A_629 = arith.constant 6 : i32
        %add3A_630 = arith.addi %mul3A_628, %add3A_629 : i32
        %get3A_631 = arith.index_cast %add3A_630 : i32 to index
        %get3A_632 = arith.constant 0 : index
        %get3A_633 = tpu.vector_load %arg10[%get3A_631, %get3A_632] {strides = array<i32>} : memref<80x128xf32, #tpu.memory_space<vmem>>, vector<1x16xf32>,
        %get3A_634 = vector.shape_cast %get3A_633 : vector<1x16xf32> to vector<16xf32>
        %mul3A_635 = arith.mulf %get3A_634, %gather3A_626 : vector<16xf32>
        %swap3A_636 = arith.index_cast %add3A_630 : i32 to index
        %swap3A_637 = arith.constant 0 : index
        %swap3A_638 = tpu.vector_load %arg10[%swap3A_636, %swap3A_637] {strides = array<i32>} : memref<80x128xf32, #tpu.memory_space<vmem>>, vector<1x16xf32>,
        %swap3A_639 = vector.shape_cast %swap3A_638 : vector<1x16xf32> to vector<16xf32>
        %swap3A_640 = vector.shape_cast %mul3A_635 : vector<16xf32> to vector<1x16xf32>
        tpu.vector_store %arg10[%swap3A_636, %swap3A_637], %swap3A_640 {strides = array<i32>} : memref<80x128xf32, #tpu.memory_space<vmem>>, vector<1x16xf32>,
        %get3A_641 = arith.index_cast %add3A_630 : i32 to index
        %get3A_642 = arith.constant 16 : index
        %get3A_643 = tpu.vector_load %arg10[%get3A_641, %get3A_642] {strides = array<i32>} : memref<80x128xf32, #tpu.memory_space<vmem>>, vector<1x16xf32>,
        %get3A_644 = vector.shape_cast %get3A_643 : vector<1x16xf32> to vector<16xf32>
        %mul3A_645 = arith.mulf %get3A_644, %gather3A_626 : vector<16xf32>
        %swap3A_646 = arith.index_cast %add3A_630 : i32 to index
        %swap3A_647 = arith.constant 16 : index
        %swap3A_648 = tpu.vector_load %arg10[%swap3A_646, %swap3A_647] {strides = array<i32>} : memref<80x128xf32, #tpu.memory_space<vmem>>, vector<1x16xf32>,
        %swap3A_649 = vector.shape_cast %swap3A_648 : vector<1x16xf32> to vector<16xf32>
        %swap3A_650 = vector.shape_cast %mul3A_645 : vector<16xf32> to vector<1x16xf32>
        tpu.vector_store %arg10[%swap3A_646, %swap3A_647], %swap3A_650 {strides = array<i32>} : memref<80x128xf32, #tpu.memory_space<vmem>>, vector<1x16xf32>,
        %get3A_651 = arith.index_cast %add3A_630 : i32 to index
        %get3A_652 = arith.constant 32 : index
        %get3A_653 = tpu.vector_load %arg10[%get3A_651, %get3A_652] {strides = array<i32>} : memref<80x128xf32, #tpu.memory_space<vmem>>, vector<1x16xf32>,
        %get3A_654 = vector.shape_cast %get3A_653 : vector<1x16xf32> to vector<16xf32>
        %mul3A_655 = arith.mulf %get3A_654, %gather3A_626 : vector<16xf32>
        %swap3A_656 = arith.index_cast %add3A_630 : i32 to index
        %swap3A_657 = arith.constant 32 : index
        %swap3A_658 = tpu.vector_load %arg10[%swap3A_656, %swap3A_657] {strides = array<i32>} : memref<80x128xf32, #tpu.memory_space<vmem>>, vector<1x16xf32>,
        %swap3A_659 = vector.shape_cast %swap3A_658 : vector<1x16xf32> to vector<16xf32>
        %swap3A_660 = vector.shape_cast %mul3A_655 : vector<16xf32> to vector<1x16xf32>
        tpu.vector_store %arg10[%swap3A_656, %swap3A_657], %swap3A_660 {strides = array<i32>} : memref<80x128xf32, #tpu.memory_space<vmem>>, vector<1x16xf32>,
        %get3A_661 = arith.index_cast %add3A_630 : i32 to index
        %get3A_662 = arith.constant 48 : index
        %get3A_663 = tpu.vector_load %arg10[%get3A_661, %get3A_662] {strides = array<i32>} : memref<80x128xf32, #tpu.memory_space<vmem>>, vector<1x16xf32>,
        %get3A_664 = vector.shape_cast %get3A_663 : vector<1x16xf32> to vector<16xf32>
        %mul3A_665 = arith.mulf %get3A_664, %gather3A_626 : vector<16xf32>
        %swap3A_666 = arith.index_cast %add3A_630 : i32 to index
        %swap3A_667 = arith.constant 48 : index
        %swap3A_668 = tpu.vector_load %arg10[%swap3A_666, %swap3A_667] {strides = array<i32>} : memref<80x128xf32, #tpu.memory_space<vmem>>, vector<1x16xf32>,
        %swap3A_669 = vector.shape_cast %swap3A_668 : vector<1x16xf32> to vector<16xf32>
        %swap3A_670 = vector.shape_cast %mul3A_665 : vector<16xf32> to vector<1x16xf32>
        tpu.vector_store %arg10[%swap3A_666, %swap3A_667], %swap3A_670 {strides = array<i32>} : memref<80x128xf32, #tpu.memory_space<vmem>>, vector<1x16xf32>,
        %get3A_671 = arith.index_cast %add3A_630 : i32 to index
        %get3A_672 = arith.constant 64 : index
        %get3A_673 = tpu.vector_load %arg10[%get3A_671, %get3A_672] {strides = array<i32>} : memref<80x128xf32, #tpu.memory_space<vmem>>, vector<1x16xf32>,
        %get3A_674 = vector.shape_cast %get3A_673 : vector<1x16xf32> to vector<16xf32>
        %mul3A_675 = arith.mulf %get3A_674, %gather3A_626 : vector<16xf32>
        %swap3A_676 = arith.index_cast %add3A_630 : i32 to index
        %swap3A_677 = arith.constant 64 : index
        %swap3A_678 = tpu.vector_load %arg10[%swap3A_676, %swap3A_677] {strides = array<i32>} : memref<80x128xf32, #tpu.memory_space<vmem>>, vector<1x16xf32>,
        %swap3A_679 = vector.shape_cast %swap3A_678 : vector<1x16xf32> to vector<16xf32>
        %swap3A_680 = vector.shape_cast %mul3A_675 : vector<16xf32> to vector<1x16xf32>
        tpu.vector_store %arg10[%swap3A_676, %swap3A_677], %swap3A_680 {strides = array<i32>} : memref<80x128xf32, #tpu.memory_space<vmem>>, vector<1x16xf32>,
        %get3A_681 = arith.index_cast %add3A_630 : i32 to index
        %get3A_682 = arith.constant 80 : index
        %get3A_683 = tpu.vector_load %arg10[%get3A_681, %get3A_682] {strides = array<i32>} : memref<80x128xf32, #tpu.memory_space<vmem>>, vector<1x16xf32>,
        %get3A_684 = vector.shape_cast %get3A_683 : vector<1x16xf32> to vector<16xf32>
        %mul3A_685 = arith.mulf %get3A_684, %gather3A_626 : vector<16xf32>
        %swap3A_686 = arith.index_cast %add3A_630 : i32 to index
        %swap3A_687 = arith.constant 80 : index
        %swap3A_688 = tpu.vector_load %arg10[%swap3A_686, %swap3A_687] {strides = array<i32>} : memref<80x128xf32, #tpu.memory_space<vmem>>, vector<1x16xf32>,
        %swap3A_689 = vector.shape_cast %swap3A_688 : vector<1x16xf32> to vector<16xf32>
        %swap3A_690 = vector.shape_cast %mul3A_685 : vector<16xf32> to vector<1x16xf32>
        tpu.vector_store %arg10[%swap3A_686, %swap3A_687], %swap3A_690 {strides = array<i32>} : memref<80x128xf32, #tpu.memory_space<vmem>>, vector<1x16xf32>,
        %get3A_691 = arith.index_cast %add3A_630 : i32 to index
        %get3A_692 = arith.constant 96 : index
        %get3A_693 = tpu.vector_load %arg10[%get3A_691, %get3A_692] {strides = array<i32>} : memref<80x128xf32, #tpu.memory_space<vmem>>, vector<1x16xf32>,
        %get3A_694 = vector.shape_cast %get3A_693 : vector<1x16xf32> to vector<16xf32>
        %mul3A_695 = arith.mulf %get3A_694, %gather3A_626 : vector<16xf32>
        %swap3A_696 = arith.index_cast %add3A_630 : i32 to index
        %swap3A_697 = arith.constant 96 : index
        %swap3A_698 = tpu.vector_load %arg10[%swap3A_696, %swap3A_697] {strides = array<i32>} : memref<80x128xf32, #tpu.memory_space<vmem>>, vector<1x16xf32>,
        %swap3A_699 = vector.shape_cast %swap3A_698 : vector<1x16xf32> to vector<16xf32>
        %swap3A_700 = vector.shape_cast %mul3A_695 : vector<16xf32> to vector<1x16xf32>
        tpu.vector_store %arg10[%swap3A_696, %swap3A_697], %swap3A_700 {strides = array<i32>} : memref<80x128xf32, #tpu.memory_space<vmem>>, vector<1x16xf32>,
        %get3A_701 = arith.index_cast %add3A_630 : i32 to index
        %get3A_702 = arith.constant 112 : index
        %get3A_703 = tpu.vector_load %arg10[%get3A_701, %get3A_702] {strides = array<i32>} : memref<80x128xf32, #tpu.memory_space<vmem>>, vector<1x16xf32>,
        %get3A_704 = vector.shape_cast %get3A_703 : vector<1x16xf32> to vector<16xf32>
        %mul3A_705 = arith.mulf %get3A_704, %gather3A_626 : vector<16xf32>
        %swap3A_706 = arith.index_cast %add3A_630 : i32 to index
        %swap3A_707 = arith.constant 112 : index
        %swap3A_708 = tpu.vector_load %arg10[%swap3A_706, %swap3A_707] {strides = array<i32>} : memref<80x128xf32, #tpu.memory_space<vmem>>, vector<1x16xf32>,
        %swap3A_709 = vector.shape_cast %swap3A_708 : vector<1x16xf32> to vector<16xf32>
        %swap3A_710 = vector.shape_cast %mul3A_705 : vector<16xf32> to vector<1x16xf32>
        tpu.vector_store %arg10[%swap3A_706, %swap3A_707], %swap3A_710 {strides = array<i32>} : memref<80x128xf32, #tpu.memory_space<vmem>>, vector<1x16xf32>,
        %broadcast_in_dim3A_711 = arith.constant 7 : i32
        %broadcast_in_dim3A_712 = vector.broadcast %broadcast_in_dim3A_711 : i32 to vector<16x1xi32>
        %gather3A_713 = vector.shape_cast %broadcast_in_dim3A_712 : vector<16x1xi32> to vector<16xi32>
        %gather3A_714 = tpu.dynamic_gather %get3A_97[%gather3A_713] in [0] : vector<16xf32>, vector<16xi32> -> vector<16xf32>
        %mul3A_715 = arith.constant 16 : i32
        %mul3A_716 = arith.muli %scan3A_90, %mul3A_715 : i32
        %add3A_717 = arith.constant 7 : i32
        %add3A_718 = arith.addi %mul3A_716, %add3A_717 : i32
        %get3A_719 = arith.index_cast %add3A_718 : i32 to index
        %get3A_720 = arith.constant 0 : index
        %get3A_721 = tpu.vector_load %arg10[%get3A_719, %get3A_720] {strides = array<i32>} : memref<80x128xf32, #tpu.memory_space<vmem>>, vector<1x16xf32>,
        %get3A_722 = vector.shape_cast %get3A_721 : vector<1x16xf32> to vector<16xf32>
        %mul3A_723 = arith.mulf %get3A_722, %gather3A_714 : vector<16xf32>
        %swap3A_724 = arith.index_cast %add3A_718 : i32 to index
        %swap3A_725 = arith.constant 0 : index
        %swap3A_726 = tpu.vector_load %arg10[%swap3A_724, %swap3A_725] {strides = array<i32>} : memref<80x128xf32, #tpu.memory_space<vmem>>, vector<1x16xf32>,
        %swap3A_727 = vector.shape_cast %swap3A_726 : vector<1x16xf32> to vector<16xf32>
        %swap3A_728 = vector.shape_cast %mul3A_723 : vector<16xf32> to vector<1x16xf32>
        tpu.vector_store %arg10[%swap3A_724, %swap3A_725], %swap3A_728 {strides = array<i32>} : memref<80x128xf32, #tpu.memory_space<vmem>>, vector<1x16xf32>,
        %get3A_729 = arith.index_cast %add3A_718 : i32 to index
        %get3A_730 = arith.constant 16 : index
        %get3A_731 = tpu.vector_load %arg10[%get3A_729, %get3A_730] {strides = array<i32>} : memref<80x128xf32, #tpu.memory_space<vmem>>, vector<1x16xf32>,
        %get3A_732 = vector.shape_cast %get3A_731 : vector<1x16xf32> to vector<16xf32>
        %mul3A_733 = arith.mulf %get3A_732, %gather3A_714 : vector<16xf32>
        %swap3A_734 = arith.index_cast %add3A_718 : i32 to index
        %swap3A_735 = arith.constant 16 : index
        %swap3A_736 = tpu.vector_load %arg10[%swap3A_734, %swap3A_735] {strides = array<i32>} : memref<80x128xf32, #tpu.memory_space<vmem>>, vector<1x16xf32>,
        %swap3A_737 = vector.shape_cast %swap3A_736 : vector<1x16xf32> to vector<16xf32>
        %swap3A_738 = vector.shape_cast %mul3A_733 : vector<16xf32> to vector<1x16xf32>
        tpu.vector_store %arg10[%swap3A_734, %swap3A_735], %swap3A_738 {strides = array<i32>} : memref<80x128xf32, #tpu.memory_space<vmem>>, vector<1x16xf32>,
        %get3A_739 = arith.index_cast %add3A_718 : i32 to index
        %get3A_740 = arith.constant 32 : index
        %get3A_741 = tpu.vector_load %arg10[%get3A_739, %get3A_740] {strides = array<i32>} : memref<80x128xf32, #tpu.memory_space<vmem>>, vector<1x16xf32>,
        %get3A_742 = vector.shape_cast %get3A_741 : vector<1x16xf32> to vector<16xf32>
        %mul3A_743 = arith.mulf %get3A_742, %gather3A_714 : vector<16xf32>
        %swap3A_744 = arith.index_cast %add3A_718 : i32 to index
        %swap3A_745 = arith.constant 32 : index
        %swap3A_746 = tpu.vector_load %arg10[%swap3A_744, %swap3A_745] {strides = array<i32>} : memref<80x128xf32, #tpu.memory_space<vmem>>, vector<1x16xf32>,
        %swap3A_747 = vector.shape_cast %swap3A_746 : vector<1x16xf32> to vector<16xf32>
        %swap3A_748 = vector.shape_cast %mul3A_743 : vector<16xf32> to vector<1x16xf32>
        tpu.vector_store %arg10[%swap3A_744, %swap3A_745], %swap3A_748 {strides = array<i32>} : memref<80x128xf32, #tpu.memory_space<vmem>>, vector<1x16xf32>,
        %get3A_749 = arith.index_cast %add3A_718 : i32 to index
        %get3A_750 = arith.constant 48 : index
        %get3A_751 = tpu.vector_load %arg10[%get3A_749, %get3A_750] {strides = array<i32>} : memref<80x128xf32, #tpu.memory_space<vmem>>, vector<1x16xf32>,
        %get3A_752 = vector.shape_cast %get3A_751 : vector<1x16xf32> to vector<16xf32>
        %mul3A_753 = arith.mulf %get3A_752, %gather3A_714 : vector<16xf32>
        %swap3A_754 = arith.index_cast %add3A_718 : i32 to index
        %swap3A_755 = arith.constant 48 : index
        %swap3A_756 = tpu.vector_load %arg10[%swap3A_754, %swap3A_755] {strides = array<i32>} : memref<80x128xf32, #tpu.memory_space<vmem>>, vector<1x16xf32>,
        %swap3A_757 = vector.shape_cast %swap3A_756 : vector<1x16xf32> to vector<16xf32>
        %swap3A_758 = vector.shape_cast %mul3A_753 : vector<16xf32> to vector<1x16xf32>
        tpu.vector_store %arg10[%swap3A_754, %swap3A_755], %swap3A_758 {strides = array<i32>} : memref<80x128xf32, #tpu.memory_space<vmem>>, vector<1x16xf32>,
        %get3A_759 = arith.index_cast %add3A_718 : i32 to index
        %get3A_760 = arith.constant 64 : index
        %get3A_761 = tpu.vector_load %arg10[%get3A_759, %get3A_760] {strides = array<i32>} : memref<80x128xf32, #tpu.memory_space<vmem>>, vector<1x16xf32>,
        %get3A_762 = vector.shape_cast %get3A_761 : vector<1x16xf32> to vector<16xf32>
        %mul3A_763 = arith.mulf %get3A_762, %gather3A_714 : vector<16xf32>
        %swap3A_764 = arith.index_cast %add3A_718 : i32 to index
        %swap3A_765 = arith.constant 64 : index
        %swap3A_766 = tpu.vector_load %arg10[%swap3A_764, %swap3A_765] {strides = array<i32>} : memref<80x128xf32, #tpu.memory_space<vmem>>, vector<1x16xf32>,
        %swap3A_767 = vector.shape_cast %swap3A_766 : vector<1x16xf32> to vector<16xf32>
        %swap3A_768 = vector.shape_cast %mul3A_763 : vector<16xf32> to vector<1x16xf32>
        tpu.vector_store %arg10[%swap3A_764, %swap3A_765], %swap3A_768 {strides = array<i32>} : memref<80x128xf32, #tpu.memory_space<vmem>>, vector<1x16xf32>,
        %get3A_769 = arith.index_cast %add3A_718 : i32 to index
        %get3A_770 = arith.constant 80 : index
        %get3A_771 = tpu.vector_load %arg10[%get3A_769, %get3A_770] {strides = array<i32>} : memref<80x128xf32, #tpu.memory_space<vmem>>, vector<1x16xf32>,
        %get3A_772 = vector.shape_cast %get3A_771 : vector<1x16xf32> to vector<16xf32>
        %mul3A_773 = arith.mulf %get3A_772, %gather3A_714 : vector<16xf32>
        %swap3A_774 = arith.index_cast %add3A_718 : i32 to index
        %swap3A_775 = arith.constant 80 : index
        %swap3A_776 = tpu.vector_load %arg10[%swap3A_774, %swap3A_775] {strides = array<i32>} : memref<80x128xf32, #tpu.memory_space<vmem>>, vector<1x16xf32>,
        %swap3A_777 = vector.shape_cast %swap3A_776 : vector<1x16xf32> to vector<16xf32>
        %swap3A_778 = vector.shape_cast %mul3A_773 : vector<16xf32> to vector<1x16xf32>
        tpu.vector_store %arg10[%swap3A_774, %swap3A_775], %swap3A_778 {strides = array<i32>} : memref<80x128xf32, #tpu.memory_space<vmem>>, vector<1x16xf32>,
        %get3A_779 = arith.index_cast %add3A_718 : i32 to index
        %get3A_780 = arith.constant 96 : index
        %get3A_781 = tpu.vector_load %arg10[%get3A_779, %get3A_780] {strides = array<i32>} : memref<80x128xf32, #tpu.memory_space<vmem>>, vector<1x16xf32>,
        %get3A_782 = vector.shape_cast %get3A_781 : vector<1x16xf32> to vector<16xf32>
        %mul3A_783 = arith.mulf %get3A_782, %gather3A_714 : vector<16xf32>
        %swap3A_784 = arith.index_cast %add3A_718 : i32 to index
        %swap3A_785 = arith.constant 96 : index
        %swap3A_786 = tpu.vector_load %arg10[%swap3A_784, %swap3A_785] {strides = array<i32>} : memref<80x128xf32, #tpu.memory_space<vmem>>, vector<1x16xf32>,
        %swap3A_787 = vector.shape_cast %swap3A_786 : vector<1x16xf32> to vector<16xf32>
        %swap3A_788 = vector.shape_cast %mul3A_783 : vector<16xf32> to vector<1x16xf32>
        tpu.vector_store %arg10[%swap3A_784, %swap3A_785], %swap3A_788 {strides = array<i32>} : memref<80x128xf32, #tpu.memory_space<vmem>>, vector<1x16xf32>,
        %get3A_789 = arith.index_cast %add3A_718 : i32 to index
        %get3A_790 = arith.constant 112 : index
        %get3A_791 = tpu.vector_load %arg10[%get3A_789, %get3A_790] {strides = array<i32>} : memref<80x128xf32, #tpu.memory_space<vmem>>, vector<1x16xf32>,
        %get3A_792 = vector.shape_cast %get3A_791 : vector<1x16xf32> to vector<16xf32>
        %mul3A_793 = arith.mulf %get3A_792, %gather3A_714 : vector<16xf32>
        %swap3A_794 = arith.index_cast %add3A_718 : i32 to index
        %swap3A_795 = arith.constant 112 : index
        %swap3A_796 = tpu.vector_load %arg10[%swap3A_794, %swap3A_795] {strides = array<i32>} : memref<80x128xf32, #tpu.memory_space<vmem>>, vector<1x16xf32>,
        %swap3A_797 = vector.shape_cast %swap3A_796 : vector<1x16xf32> to vector<16xf32>
        %swap3A_798 = vector.shape_cast %mul3A_793 : vector<16xf32> to vector<1x16xf32>
        tpu.vector_store %arg10[%swap3A_794, %swap3A_795], %swap3A_798 {strides = array<i32>} : memref<80x128xf32, #tpu.memory_space<vmem>>, vector<1x16xf32>,
        %broadcast_in_dim3A_799 = arith.constant 8 : i32
        %broadcast_in_dim3A_800 = vector.broadcast %broadcast_in_dim3A_799 : i32 to vector<16x1xi32>
        %gather3A_801 = vector.shape_cast %broadcast_in_dim3A_800 : vector<16x1xi32> to vector<16xi32>
        %gather3A_802 = tpu.dynamic_gather %get3A_97[%gather3A_801] in [0] : vector<16xf32>, vector<16xi32> -> vector<16xf32>
        %mul3A_803 = arith.constant 16 : i32
        %mul3A_804 = arith.muli %scan3A_90, %mul3A_803 : i32
        %add3A_805 = arith.constant 8 : i32
        %add3A_806 = arith.addi %mul3A_804, %add3A_805 : i32
        %get3A_807 = arith.index_cast %add3A_806 : i32 to index
        %get3A_808 = arith.constant 0 : index
        %get3A_809 = tpu.vector_load %arg10[%get3A_807, %get3A_808] {strides = array<i32>} : memref<80x128xf32, #tpu.memory_space<vmem>>, vector<1x16xf32>,
        %get3A_810 = vector.shape_cast %get3A_809 : vector<1x16xf32> to vector<16xf32>
        %mul3A_811 = arith.mulf %get3A_810, %gather3A_802 : vector<16xf32>
        %swap3A_812 = arith.index_cast %add3A_806 : i32 to index
        %swap3A_813 = arith.constant 0 : index
        %swap3A_814 = tpu.vector_load %arg10[%swap3A_812, %swap3A_813] {strides = array<i32>} : memref<80x128xf32, #tpu.memory_space<vmem>>, vector<1x16xf32>,
        %swap3A_815 = vector.shape_cast %swap3A_814 : vector<1x16xf32> to vector<16xf32>
        %swap3A_816 = vector.shape_cast %mul3A_811 : vector<16xf32> to vector<1x16xf32>
        tpu.vector_store %arg10[%swap3A_812, %swap3A_813], %swap3A_816 {strides = array<i32>} : memref<80x128xf32, #tpu.memory_space<vmem>>, vector<1x16xf32>,
        %get3A_817 = arith.index_cast %add3A_806 : i32 to index
        %get3A_818 = arith.constant 16 : index
        %get3A_819 = tpu.vector_load %arg10[%get3A_817, %get3A_818] {strides = array<i32>} : memref<80x128xf32, #tpu.memory_space<vmem>>, vector<1x16xf32>,
        %get3A_820 = vector.shape_cast %get3A_819 : vector<1x16xf32> to vector<16xf32>
        %mul3A_821 = arith.mulf %get3A_820, %gather3A_802 : vector<16xf32>
        %swap3A_822 = arith.index_cast %add3A_806 : i32 to index
        %swap3A_823 = arith.constant 16 : index
        %swap3A_824 = tpu.vector_load %arg10[%swap3A_822, %swap3A_823] {strides = array<i32>} : memref<80x128xf32, #tpu.memory_space<vmem>>, vector<1x16xf32>,
        %swap3A_825 = vector.shape_cast %swap3A_824 : vector<1x16xf32> to vector<16xf32>
        %swap3A_826 = vector.shape_cast %mul3A_821 : vector<16xf32> to vector<1x16xf32>
        tpu.vector_store %arg10[%swap3A_822, %swap3A_823], %swap3A_826 {strides = array<i32>} : memref<80x128xf32, #tpu.memory_space<vmem>>, vector<1x16xf32>,
        %get3A_827 = arith.index_cast %add3A_806 : i32 to index
        %get3A_828 = arith.constant 32 : index
        %get3A_829 = tpu.vector_load %arg10[%get3A_827, %get3A_828] {strides = array<i32>} : memref<80x128xf32, #tpu.memory_space<vmem>>, vector<1x16xf32>,
        %get3A_830 = vector.shape_cast %get3A_829 : vector<1x16xf32> to vector<16xf32>
        %mul3A_831 = arith.mulf %get3A_830, %gather3A_802 : vector<16xf32>
        %swap3A_832 = arith.index_cast %add3A_806 : i32 to index
        %swap3A_833 = arith.constant 32 : index
        %swap3A_834 = tpu.vector_load %arg10[%swap3A_832, %swap3A_833] {strides = array<i32>} : memref<80x128xf32, #tpu.memory_space<vmem>>, vector<1x16xf32>,
        %swap3A_835 = vector.shape_cast %swap3A_834 : vector<1x16xf32> to vector<16xf32>
        %swap3A_836 = vector.shape_cast %mul3A_831 : vector<16xf32> to vector<1x16xf32>
        tpu.vector_store %arg10[%swap3A_832, %swap3A_833], %swap3A_836 {strides = array<i32>} : memref<80x128xf32, #tpu.memory_space<vmem>>, vector<1x16xf32>,
        %get3A_837 = arith.index_cast %add3A_806 : i32 to index
        %get3A_838 = arith.constant 48 : index
        %get3A_839 = tpu.vector_load %arg10[%get3A_837, %get3A_838] {strides = array<i32>} : memref<80x128xf32, #tpu.memory_space<vmem>>, vector<1x16xf32>,
        %get3A_840 = vector.shape_cast %get3A_839 : vector<1x16xf32> to vector<16xf32>
        %mul3A_841 = arith.mulf %get3A_840, %gather3A_802 : vector<16xf32>
        %swap3A_842 = arith.index_cast %add3A_806 : i32 to index
        %swap3A_843 = arith.constant 48 : index
        %swap3A_844 = tpu.vector_load %arg10[%swap3A_842, %swap3A_843] {strides = array<i32>} : memref<80x128xf32, #tpu.memory_space<vmem>>, vector<1x16xf32>,
        %swap3A_845 = vector.shape_cast %swap3A_844 : vector<1x16xf32> to vector<16xf32>
        %swap3A_846 = vector.shape_cast %mul3A_841 : vector<16xf32> to vector<1x16xf32>
        tpu.vector_store %arg10[%swap3A_842, %swap3A_843], %swap3A_846 {strides = array<i32>} : memref<80x128xf32, #tpu.memory_space<vmem>>, vector<1x16xf32>,
        %get3A_847 = arith.index_cast %add3A_806 : i32 to index
        %get3A_848 = arith.constant 64 : index
        %get3A_849 = tpu.vector_load %arg10[%get3A_847, %get3A_848] {strides = array<i32>} : memref<80x128xf32, #tpu.memory_space<vmem>>, vector<1x16xf32>,
        %get3A_850 = vector.shape_cast %get3A_849 : vector<1x16xf32> to vector<16xf32>
        %mul3A_851 = arith.mulf %get3A_850, %gather3A_802 : vector<16xf32>
        %swap3A_852 = arith.index_cast %add3A_806 : i32 to index
        %swap3A_853 = arith.constant 64 : index
        %swap3A_854 = tpu.vector_load %arg10[%swap3A_852, %swap3A_853] {strides = array<i32>} : memref<80x128xf32, #tpu.memory_space<vmem>>, vector<1x16xf32>,
        %swap3A_855 = vector.shape_cast %swap3A_854 : vector<1x16xf32> to vector<16xf32>
        %swap3A_856 = vector.shape_cast %mul3A_851 : vector<16xf32> to vector<1x16xf32>
        tpu.vector_store %arg10[%swap3A_852, %swap3A_853], %swap3A_856 {strides = array<i32>} : memref<80x128xf32, #tpu.memory_space<vmem>>, vector<1x16xf32>,
        %get3A_857 = arith.index_cast %add3A_806 : i32 to index
        %get3A_858 = arith.constant 80 : index
        %get3A_859 = tpu.vector_load %arg10[%get3A_857, %get3A_858] {strides = array<i32>} : memref<80x128xf32, #tpu.memory_space<vmem>>, vector<1x16xf32>,
        %get3A_860 = vector.shape_cast %get3A_859 : vector<1x16xf32> to vector<16xf32>
        %mul3A_861 = arith.mulf %get3A_860, %gather3A_802 : vector<16xf32>
        %swap3A_862 = arith.index_cast %add3A_806 : i32 to index
        %swap3A_863 = arith.constant 80 : index
        %swap3A_864 = tpu.vector_load %arg10[%swap3A_862, %swap3A_863] {strides = array<i32>} : memref<80x128xf32, #tpu.memory_space<vmem>>, vector<1x16xf32>,
        %swap3A_865 = vector.shape_cast %swap3A_864 : vector<1x16xf32> to vector<16xf32>
        %swap3A_866 = vector.shape_cast %mul3A_861 : vector<16xf32> to vector<1x16xf32>
        tpu.vector_store %arg10[%swap3A_862, %swap3A_863], %swap3A_866 {strides = array<i32>} : memref<80x128xf32, #tpu.memory_space<vmem>>, vector<1x16xf32>,
        %get3A_867 = arith.index_cast %add3A_806 : i32 to index
        %get3A_868 = arith.constant 96 : index
        %get3A_869 = tpu.vector_load %arg10[%get3A_867, %get3A_868] {strides = array<i32>} : memref<80x128xf32, #tpu.memory_space<vmem>>, vector<1x16xf32>,
        %get3A_870 = vector.shape_cast %get3A_869 : vector<1x16xf32> to vector<16xf32>
        %mul3A_871 = arith.mulf %get3A_870, %gather3A_802 : vector<16xf32>
        %swap3A_872 = arith.index_cast %add3A_806 : i32 to index
        %swap3A_873 = arith.constant 96 : index
        %swap3A_874 = tpu.vector_load %arg10[%swap3A_872, %swap3A_873] {strides = array<i32>} : memref<80x128xf32, #tpu.memory_space<vmem>>, vector<1x16xf32>,
        %swap3A_875 = vector.shape_cast %swap3A_874 : vector<1x16xf32> to vector<16xf32>
        %swap3A_876 = vector.shape_cast %mul3A_871 : vector<16xf32> to vector<1x16xf32>
        tpu.vector_store %arg10[%swap3A_872, %swap3A_873], %swap3A_876 {strides = array<i32>} : memref<80x128xf32, #tpu.memory_space<vmem>>, vector<1x16xf32>,
        %get3A_877 = arith.index_cast %add3A_806 : i32 to index
        %get3A_878 = arith.constant 112 : index
        %get3A_879 = tpu.vector_load %arg10[%get3A_877, %get3A_878] {strides = array<i32>} : memref<80x128xf32, #tpu.memory_space<vmem>>, vector<1x16xf32>,
        %get3A_880 = vector.shape_cast %get3A_879 : vector<1x16xf32> to vector<16xf32>
        %mul3A_881 = arith.mulf %get3A_880, %gather3A_802 : vector<16xf32>
        %swap3A_882 = arith.index_cast %add3A_806 : i32 to index
        %swap3A_883 = arith.constant 112 : index
        %swap3A_884 = tpu.vector_load %arg10[%swap3A_882, %swap3A_883] {strides = array<i32>} : memref<80x128xf32, #tpu.memory_space<vmem>>, vector<1x16xf32>,
        %swap3A_885 = vector.shape_cast %swap3A_884 : vector<1x16xf32> to vector<16xf32>
        %swap3A_886 = vector.shape_cast %mul3A_881 : vector<16xf32> to vector<1x16xf32>
        tpu.vector_store %arg10[%swap3A_882, %swap3A_883], %swap3A_886 {strides = array<i32>} : memref<80x128xf32, #tpu.memory_space<vmem>>, vector<1x16xf32>,
        %broadcast_in_dim3A_887 = arith.constant 9 : i32
        %broadcast_in_dim3A_888 = vector.broadcast %broadcast_in_dim3A_887 : i32 to vector<16x1xi32>
        %gather3A_889 = vector.shape_cast %broadcast_in_dim3A_888 : vector<16x1xi32> to vector<16xi32>
        %gather3A_890 = tpu.dynamic_gather %get3A_97[%gather3A_889] in [0] : vector<16xf32>, vector<16xi32> -> vector<16xf32>
        %mul3A_891 = arith.constant 16 : i32
        %mul3A_892 = arith.muli %scan3A_90, %mul3A_891 : i32
        %add3A_893 = arith.constant 9 : i32
        %add3A_894 = arith.addi %mul3A_892, %add3A_893 : i32
        %get3A_895 = arith.index_cast %add3A_894 : i32 to index
        %get3A_896 = arith.constant 0 : index
        %get3A_897 = tpu.vector_load %arg10[%get3A_895, %get3A_896] {strides = array<i32>} : memref<80x128xf32, #tpu.memory_space<vmem>>, vector<1x16xf32>,
        %get3A_898 = vector.shape_cast %get3A_897 : vector<1x16xf32> to vector<16xf32>
        %mul3A_899 = arith.mulf %get3A_898, %gather3A_890 : vector<16xf32>
        %swap3A_900 = arith.index_cast %add3A_894 : i32 to index
        %swap3A_901 = arith.constant 0 : index
        %swap3A_902 = tpu.vector_load %arg10[%swap3A_900, %swap3A_901] {strides = array<i32>} : memref<80x128xf32, #tpu.memory_space<vmem>>, vector<1x16xf32>,
        %swap3A_903 = vector.shape_cast %swap3A_902 : vector<1x16xf32> to vector<16xf32>
        %swap3A_904 = vector.shape_cast %mul3A_899 : vector<16xf32> to vector<1x16xf32>
        tpu.vector_store %arg10[%swap3A_900, %swap3A_901], %swap3A_904 {strides = array<i32>} : memref<80x128xf32, #tpu.memory_space<vmem>>, vector<1x16xf32>,
        %get3A_905 = arith.index_cast %add3A_894 : i32 to index
        %get3A_906 = arith.constant 16 : index
        %get3A_907 = tpu.vector_load %arg10[%get3A_905, %get3A_906] {strides = array<i32>} : memref<80x128xf32, #tpu.memory_space<vmem>>, vector<1x16xf32>,
        %get3A_908 = vector.shape_cast %get3A_907 : vector<1x16xf32> to vector<16xf32>
        %mul3A_909 = arith.mulf %get3A_908, %gather3A_890 : vector<16xf32>
        %swap3A_910 = arith.index_cast %add3A_894 : i32 to index
        %swap3A_911 = arith.constant 16 : index
        %swap3A_912 = tpu.vector_load %arg10[%swap3A_910, %swap3A_911] {strides = array<i32>} : memref<80x128xf32, #tpu.memory_space<vmem>>, vector<1x16xf32>,
        %swap3A_913 = vector.shape_cast %swap3A_912 : vector<1x16xf32> to vector<16xf32>
        %swap3A_914 = vector.shape_cast %mul3A_909 : vector<16xf32> to vector<1x16xf32>
        tpu.vector_store %arg10[%swap3A_910, %swap3A_911], %swap3A_914 {strides = array<i32>} : memref<80x128xf32, #tpu.memory_space<vmem>>, vector<1x16xf32>,
        %get3A_915 = arith.index_cast %add3A_894 : i32 to index
        %get3A_916 = arith.constant 32 : index
        %get3A_917 = tpu.vector_load %arg10[%get3A_915, %get3A_916] {strides = array<i32>} : memref<80x128xf32, #tpu.memory_space<vmem>>, vector<1x16xf32>,
        %get3A_918 = vector.shape_cast %get3A_917 : vector<1x16xf32> to vector<16xf32>
        %mul3A_919 = arith.mulf %get3A_918, %gather3A_890 : vector<16xf32>
        %swap3A_920 = arith.index_cast %add3A_894 : i32 to index
        %swap3A_921 = arith.constant 32 : index
        %swap3A_922 = tpu.vector_load %arg10[%swap3A_920, %swap3A_921] {strides = array<i32>} : memref<80x128xf32, #tpu.memory_space<vmem>>, vector<1x16xf32>,
        %swap3A_923 = vector.shape_cast %swap3A_922 : vector<1x16xf32> to vector<16xf32>
        %swap3A_924 = vector.shape_cast %mul3A_919 : vector<16xf32> to vector<1x16xf32>
        tpu.vector_store %arg10[%swap3A_920, %swap3A_921], %swap3A_924 {strides = array<i32>} : memref<80x128xf32, #tpu.memory_space<vmem>>, vector<1x16xf32>,
        %get3A_925 = arith.index_cast %add3A_894 : i32 to index
        %get3A_926 = arith.constant 48 : index
        %get3A_927 = tpu.vector_load %arg10[%get3A_925, %get3A_926] {strides = array<i32>} : memref<80x128xf32, #tpu.memory_space<vmem>>, vector<1x16xf32>,
        %get3A_928 = vector.shape_cast %get3A_927 : vector<1x16xf32> to vector<16xf32>
        %mul3A_929 = arith.mulf %get3A_928, %gather3A_890 : vector<16xf32>
        %swap3A_930 = arith.index_cast %add3A_894 : i32 to index
        %swap3A_931 = arith.constant 48 : index
        %swap3A_932 = tpu.vector_load %arg10[%swap3A_930, %swap3A_931] {strides = array<i32>} : memref<80x128xf32, #tpu.memory_space<vmem>>, vector<1x16xf32>,
        %swap3A_933 = vector.shape_cast %swap3A_932 : vector<1x16xf32> to vector<16xf32>
        %swap3A_934 = vector.shape_cast %mul3A_929 : vector<16xf32> to vector<1x16xf32>
        tpu.vector_store %arg10[%swap3A_930, %swap3A_931], %swap3A_934 {strides = array<i32>} : memref<80x128xf32, #tpu.memory_space<vmem>>, vector<1x16xf32>,
        %get3A_935 = arith.index_cast %add3A_894 : i32 to index
        %get3A_936 = arith.constant 64 : index
        %get3A_937 = tpu.vector_load %arg10[%get3A_935, %get3A_936] {strides = array<i32>} : memref<80x128xf32, #tpu.memory_space<vmem>>, vector<1x16xf32>,
        %get3A_938 = vector.shape_cast %get3A_937 : vector<1x16xf32> to vector<16xf32>
        %mul3A_939 = arith.mulf %get3A_938, %gather3A_890 : vector<16xf32>
        %swap3A_940 = arith.index_cast %add3A_894 : i32 to index
        %swap3A_941 = arith.constant 64 : index
        %swap3A_942 = tpu.vector_load %arg10[%swap3A_940, %swap3A_941] {strides = array<i32>} : memref<80x128xf32, #tpu.memory_space<vmem>>, vector<1x16xf32>,
        %swap3A_943 = vector.shape_cast %swap3A_942 : vector<1x16xf32> to vector<16xf32>
        %swap3A_944 = vector.shape_cast %mul3A_939 : vector<16xf32> to vector<1x16xf32>
        tpu.vector_store %arg10[%swap3A_940, %swap3A_941], %swap3A_944 {strides = array<i32>} : memref<80x128xf32, #tpu.memory_space<vmem>>, vector<1x16xf32>,
        %get3A_945 = arith.index_cast %add3A_894 : i32 to index
        %get3A_946 = arith.constant 80 : index
        %get3A_947 = tpu.vector_load %arg10[%get3A_945, %get3A_946] {strides = array<i32>} : memref<80x128xf32, #tpu.memory_space<vmem>>, vector<1x16xf32>,
        %get3A_948 = vector.shape_cast %get3A_947 : vector<1x16xf32> to vector<16xf32>
        %mul3A_949 = arith.mulf %get3A_948, %gather3A_890 : vector<16xf32>
        %swap3A_950 = arith.index_cast %add3A_894 : i32 to index
        %swap3A_951 = arith.constant 80 : index
        %swap3A_952 = tpu.vector_load %arg10[%swap3A_950, %swap3A_951] {strides = array<i32>} : memref<80x128xf32, #tpu.memory_space<vmem>>, vector<1x16xf32>,
        %swap3A_953 = vector.shape_cast %swap3A_952 : vector<1x16xf32> to vector<16xf32>
        %swap3A_954 = vector.shape_cast %mul3A_949 : vector<16xf32> to vector<1x16xf32>
        tpu.vector_store %arg10[%swap3A_950, %swap3A_951], %swap3A_954 {strides = array<i32>} : memref<80x128xf32, #tpu.memory_space<vmem>>, vector<1x16xf32>,
        %get3A_955 = arith.index_cast %add3A_894 : i32 to index
        %get3A_956 = arith.constant 96 : index
        %get3A_957 = tpu.vector_load %arg10[%get3A_955, %get3A_956] {strides = array<i32>} : memref<80x128xf32, #tpu.memory_space<vmem>>, vector<1x16xf32>,
        %get3A_958 = vector.shape_cast %get3A_957 : vector<1x16xf32> to vector<16xf32>
        %mul3A_959 = arith.mulf %get3A_958, %gather3A_890 : vector<16xf32>
        %swap3A_960 = arith.index_cast %add3A_894 : i32 to index
        %swap3A_961 = arith.constant 96 : index
        %swap3A_962 = tpu.vector_load %arg10[%swap3A_960, %swap3A_961] {strides = array<i32>} : memref<80x128xf32, #tpu.memory_space<vmem>>, vector<1x16xf32>,
        %swap3A_963 = vector.shape_cast %swap3A_962 : vector<1x16xf32> to vector<16xf32>
        %swap3A_964 = vector.shape_cast %mul3A_959 : vector<16xf32> to vector<1x16xf32>
        tpu.vector_store %arg10[%swap3A_960, %swap3A_961], %swap3A_964 {strides = array<i32>} : memref<80x128xf32, #tpu.memory_space<vmem>>, vector<1x16xf32>,
        %get3A_965 = arith.index_cast %add3A_894 : i32 to index
        %get3A_966 = arith.constant 112 : index
        %get3A_967 = tpu.vector_load %arg10[%get3A_965, %get3A_966] {strides = array<i32>} : memref<80x128xf32, #tpu.memory_space<vmem>>, vector<1x16xf32>,
        %get3A_968 = vector.shape_cast %get3A_967 : vector<1x16xf32> to vector<16xf32>
        %mul3A_969 = arith.mulf %get3A_968, %gather3A_890 : vector<16xf32>
        %swap3A_970 = arith.index_cast %add3A_894 : i32 to index
        %swap3A_971 = arith.constant 112 : index
        %swap3A_972 = tpu.vector_load %arg10[%swap3A_970, %swap3A_971] {strides = array<i32>} : memref<80x128xf32, #tpu.memory_space<vmem>>, vector<1x16xf32>,
        %swap3A_973 = vector.shape_cast %swap3A_972 : vector<1x16xf32> to vector<16xf32>
        %swap3A_974 = vector.shape_cast %mul3A_969 : vector<16xf32> to vector<1x16xf32>
        tpu.vector_store %arg10[%swap3A_970, %swap3A_971], %swap3A_974 {strides = array<i32>} : memref<80x128xf32, #tpu.memory_space<vmem>>, vector<1x16xf32>,
        %broadcast_in_dim3A_975 = arith.constant 10 : i32
        %broadcast_in_dim3A_976 = vector.broadcast %broadcast_in_dim3A_975 : i32 to vector<16x1xi32>
        %gather3A_977 = vector.shape_cast %broadcast_in_dim3A_976 : vector<16x1xi32> to vector<16xi32>
        %gather3A_978 = tpu.dynamic_gather %get3A_97[%gather3A_977] in [0] : vector<16xf32>, vector<16xi32> -> vector<16xf32>
        %mul3A_979 = arith.constant 16 : i32
        %mul3A_980 = arith.muli %scan3A_90, %mul3A_979 : i32
        %add3A_981 = arith.constant 10 : i32
        %add3A_982 = arith.addi %mul3A_980, %add3A_981 : i32
        %get3A_983 = arith.index_cast %add3A_982 : i32 to index
        %get3A_984 = arith.constant 0 : index
        %get3A_985 = tpu.vector_load %arg10[%get3A_983, %get3A_984] {strides = array<i32>} : memref<80x128xf32, #tpu.memory_space<vmem>>, vector<1x16xf32>,
        %get3A_986 = vector.shape_cast %get3A_985 : vector<1x16xf32> to vector<16xf32>
        %mul3A_987 = arith.mulf %get3A_986, %gather3A_978 : vector<16xf32>
        %swap3A_988 = arith.index_cast %add3A_982 : i32 to index
        %swap3A_989 = arith.constant 0 : index
        %swap3A_990 = tpu.vector_load %arg10[%swap3A_988, %swap3A_989] {strides = array<i32>} : memref<80x128xf32, #tpu.memory_space<vmem>>, vector<1x16xf32>,
        %swap3A_991 = vector.shape_cast %swap3A_990 : vector<1x16xf32> to vector<16xf32>
        %swap3A_992 = vector.shape_cast %mul3A_987 : vector<16xf32> to vector<1x16xf32>
        tpu.vector_store %arg10[%swap3A_988, %swap3A_989], %swap3A_992 {strides = array<i32>} : memref<80x128xf32, #tpu.memory_space<vmem>>, vector<1x16xf32>,
        %get3A_993 = arith.index_cast %add3A_982 : i32 to index
        %get3A_994 = arith.constant 16 : index
        %get3A_995 = tpu.vector_load %arg10[%get3A_993, %get3A_994] {strides = array<i32>} : memref<80x128xf32, #tpu.memory_space<vmem>>, vector<1x16xf32>,
        %get3A_996 = vector.shape_cast %get3A_995 : vector<1x16xf32> to vector<16xf32>
        %mul3A_997 = arith.mulf %get3A_996, %gather3A_978 : vector<16xf32>
        %swap3A_998 = arith.index_cast %add3A_982 : i32 to index
        %swap3A_999 = arith.constant 16 : index
        %swap3A_1000 = tpu.vector_load %arg10[%swap3A_998, %swap3A_999] {strides = array<i32>} : memref<80x128xf32, #tpu.memory_space<vmem>>, vector<1x16xf32>,
        %swap3A_1001 = vector.shape_cast %swap3A_1000 : vector<1x16xf32> to vector<16xf32>
        %swap3A_1002 = vector.shape_cast %mul3A_997 : vector<16xf32> to vector<1x16xf32>
        tpu.vector_store %arg10[%swap3A_998, %swap3A_999], %swap3A_1002 {strides = array<i32>} : memref<80x128xf32, #tpu.memory_space<vmem>>, vector<1x16xf32>,
        %get3A_1003 = arith.index_cast %add3A_982 : i32 to index
        %get3A_1004 = arith.constant 32 : index
        %get3A_1005 = tpu.vector_load %arg10[%get3A_1003, %get3A_1004] {strides = array<i32>} : memref<80x128xf32, #tpu.memory_space<vmem>>, vector<1x16xf32>,
        %get3A_1006 = vector.shape_cast %get3A_1005 : vector<1x16xf32> to vector<16xf32>
        %mul3A_1007 = arith.mulf %get3A_1006, %gather3A_978 : vector<16xf32>
        %swap3A_1008 = arith.index_cast %add3A_982 : i32 to index
        %swap3A_1009 = arith.constant 32 : index
        %swap3A_1010 = tpu.vector_load %arg10[%swap3A_1008, %swap3A_1009] {strides = array<i32>} : memref<80x128xf32, #tpu.memory_space<vmem>>, vector<1x16xf32>,
        %swap3A_1011 = vector.shape_cast %swap3A_1010 : vector<1x16xf32> to vector<16xf32>
        %swap3A_1012 = vector.shape_cast %mul3A_1007 : vector<16xf32> to vector<1x16xf32>
        tpu.vector_store %arg10[%swap3A_1008, %swap3A_1009], %swap3A_1012 {strides = array<i32>} : memref<80x128xf32, #tpu.memory_space<vmem>>, vector<1x16xf32>,
        %get3A_1013 = arith.index_cast %add3A_982 : i32 to index
        %get3A_1014 = arith.constant 48 : index
        %get3A_1015 = tpu.vector_load %arg10[%get3A_1013, %get3A_1014] {strides = array<i32>} : memref<80x128xf32, #tpu.memory_space<vmem>>, vector<1x16xf32>,
        %get3A_1016 = vector.shape_cast %get3A_1015 : vector<1x16xf32> to vector<16xf32>
        %mul3A_1017 = arith.mulf %get3A_1016, %gather3A_978 : vector<16xf32>
        %swap3A_1018 = arith.index_cast %add3A_982 : i32 to index
        %swap3A_1019 = arith.constant 48 : index
        %swap3A_1020 = tpu.vector_load %arg10[%swap3A_1018, %swap3A_1019] {strides = array<i32>} : memref<80x128xf32, #tpu.memory_space<vmem>>, vector<1x16xf32>,
        %swap3A_1021 = vector.shape_cast %swap3A_1020 : vector<1x16xf32> to vector<16xf32>
        %swap3A_1022 = vector.shape_cast %mul3A_1017 : vector<16xf32> to vector<1x16xf32>
        tpu.vector_store %arg10[%swap3A_1018, %swap3A_1019], %swap3A_1022 {strides = array<i32>} : memref<80x128xf32, #tpu.memory_space<vmem>>, vector<1x16xf32>,
        %get3A_1023 = arith.index_cast %add3A_982 : i32 to index
        %get3A_1024 = arith.constant 64 : index
        %get3A_1025 = tpu.vector_load %arg10[%get3A_1023, %get3A_1024] {strides = array<i32>} : memref<80x128xf32, #tpu.memory_space<vmem>>, vector<1x16xf32>,
        %get3A_1026 = vector.shape_cast %get3A_1025 : vector<1x16xf32> to vector<16xf32>
        %mul3A_1027 = arith.mulf %get3A_1026, %gather3A_978 : vector<16xf32>
        %swap3A_1028 = arith.index_cast %add3A_982 : i32 to index
        %swap3A_1029 = arith.constant 64 : index
        %swap3A_1030 = tpu.vector_load %arg10[%swap3A_1028, %swap3A_1029] {strides = array<i32>} : memref<80x128xf32, #tpu.memory_space<vmem>>, vector<1x16xf32>,
        %swap3A_1031 = vector.shape_cast %swap3A_1030 : vector<1x16xf32> to vector<16xf32>
        %swap3A_1032 = vector.shape_cast %mul3A_1027 : vector<16xf32> to vector<1x16xf32>
        tpu.vector_store %arg10[%swap3A_1028, %swap3A_1029], %swap3A_1032 {strides = array<i32>} : memref<80x128xf32, #tpu.memory_space<vmem>>, vector<1x16xf32>,
        %get3A_1033 = arith.index_cast %add3A_982 : i32 to index
        %get3A_1034 = arith.constant 80 : index
        %get3A_1035 = tpu.vector_load %arg10[%get3A_1033, %get3A_1034] {strides = array<i32>} : memref<80x128xf32, #tpu.memory_space<vmem>>, vector<1x16xf32>,
        %get3A_1036 = vector.shape_cast %get3A_1035 : vector<1x16xf32> to vector<16xf32>
        %mul3A_1037 = arith.mulf %get3A_1036, %gather3A_978 : vector<16xf32>
        %swap3A_1038 = arith.index_cast %add3A_982 : i32 to index
        %swap3A_1039 = arith.constant 80 : index
        %swap3A_1040 = tpu.vector_load %arg10[%swap3A_1038, %swap3A_1039] {strides = array<i32>} : memref<80x128xf32, #tpu.memory_space<vmem>>, vector<1x16xf32>,
        %swap3A_1041 = vector.shape_cast %swap3A_1040 : vector<1x16xf32> to vector<16xf32>
        %swap3A_1042 = vector.shape_cast %mul3A_1037 : vector<16xf32> to vector<1x16xf32>
        tpu.vector_store %arg10[%swap3A_1038, %swap3A_1039], %swap3A_1042 {strides = array<i32>} : memref<80x128xf32, #tpu.memory_space<vmem>>, vector<1x16xf32>,
        %get3A_1043 = arith.index_cast %add3A_982 : i32 to index
        %get3A_1044 = arith.constant 96 : index
        %get3A_1045 = tpu.vector_load %arg10[%get3A_1043, %get3A_1044] {strides = array<i32>} : memref<80x128xf32, #tpu.memory_space<vmem>>, vector<1x16xf32>,
        %get3A_1046 = vector.shape_cast %get3A_1045 : vector<1x16xf32> to vector<16xf32>
        %mul3A_1047 = arith.mulf %get3A_1046, %gather3A_978 : vector<16xf32>
        %swap3A_1048 = arith.index_cast %add3A_982 : i32 to index
        %swap3A_1049 = arith.constant 96 : index
        %swap3A_1050 = tpu.vector_load %arg10[%swap3A_1048, %swap3A_1049] {strides = array<i32>} : memref<80x128xf32, #tpu.memory_space<vmem>>, vector<1x16xf32>,
        %swap3A_1051 = vector.shape_cast %swap3A_1050 : vector<1x16xf32> to vector<16xf32>
        %swap3A_1052 = vector.shape_cast %mul3A_1047 : vector<16xf32> to vector<1x16xf32>
        tpu.vector_store %arg10[%swap3A_1048, %swap3A_1049], %swap3A_1052 {strides = array<i32>} : memref<80x128xf32, #tpu.memory_space<vmem>>, vector<1x16xf32>,
        %get3A_1053 = arith.index_cast %add3A_982 : i32 to index
        %get3A_1054 = arith.constant 112 : index
        %get3A_1055 = tpu.vector_load %arg10[%get3A_1053, %get3A_1054] {strides = array<i32>} : memref<80x128xf32, #tpu.memory_space<vmem>>, vector<1x16xf32>,
        %get3A_1056 = vector.shape_cast %get3A_1055 : vector<1x16xf32> to vector<16xf32>
        %mul3A_1057 = arith.mulf %get3A_1056, %gather3A_978 : vector<16xf32>
        %swap3A_1058 = arith.index_cast %add3A_982 : i32 to index
        %swap3A_1059 = arith.constant 112 : index
        %swap3A_1060 = tpu.vector_load %arg10[%swap3A_1058, %swap3A_1059] {strides = array<i32>} : memref<80x128xf32, #tpu.memory_space<vmem>>, vector<1x16xf32>,
        %swap3A_1061 = vector.shape_cast %swap3A_1060 : vector<1x16xf32> to vector<16xf32>
        %swap3A_1062 = vector.shape_cast %mul3A_1057 : vector<16xf32> to vector<1x16xf32>
        tpu.vector_store %arg10[%swap3A_1058, %swap3A_1059], %swap3A_1062 {strides = array<i32>} : memref<80x128xf32, #tpu.memory_space<vmem>>, vector<1x16xf32>,
        %broadcast_in_dim3A_1063 = arith.constant 11 : i32
        %broadcast_in_dim3A_1064 = vector.broadcast %broadcast_in_dim3A_1063 : i32 to vector<16x1xi32>
        %gather3A_1065 = vector.shape_cast %broadcast_in_dim3A_1064 : vector<16x1xi32> to vector<16xi32>
        %gather3A_1066 = tpu.dynamic_gather %get3A_97[%gather3A_1065] in [0] : vector<16xf32>, vector<16xi32> -> vector<16xf32>
        %mul3A_1067 = arith.constant 16 : i32
        %mul3A_1068 = arith.muli %scan3A_90, %mul3A_1067 : i32
        %add3A_1069 = arith.constant 11 : i32
        %add3A_1070 = arith.addi %mul3A_1068, %add3A_1069 : i32
        %get3A_1071 = arith.index_cast %add3A_1070 : i32 to index
        %get3A_1072 = arith.constant 0 : index
        %get3A_1073 = tpu.vector_load %arg10[%get3A_1071, %get3A_1072] {strides = array<i32>} : memref<80x128xf32, #tpu.memory_space<vmem>>, vector<1x16xf32>,
        %get3A_1074 = vector.shape_cast %get3A_1073 : vector<1x16xf32> to vector<16xf32>
        %mul3A_1075 = arith.mulf %get3A_1074, %gather3A_1066 : vector<16xf32>
        %swap3A_1076 = arith.index_cast %add3A_1070 : i32 to index
        %swap3A_1077 = arith.constant 0 : index
        %swap3A_1078 = tpu.vector_load %arg10[%swap3A_1076, %swap3A_1077] {strides = array<i32>} : memref<80x128xf32, #tpu.memory_space<vmem>>, vector<1x16xf32>,
        %swap3A_1079 = vector.shape_cast %swap3A_1078 : vector<1x16xf32> to vector<16xf32>
        %swap3A_1080 = vector.shape_cast %mul3A_1075 : vector<16xf32> to vector<1x16xf32>
        tpu.vector_store %arg10[%swap3A_1076, %swap3A_1077], %swap3A_1080 {strides = array<i32>} : memref<80x128xf32, #tpu.memory_space<vmem>>, vector<1x16xf32>,
        %get3A_1081 = arith.index_cast %add3A_1070 : i32 to index
        %get3A_1082 = arith.constant 16 : index
        %get3A_1083 = tpu.vector_load %arg10[%get3A_1081, %get3A_1082] {strides = array<i32>} : memref<80x128xf32, #tpu.memory_space<vmem>>, vector<1x16xf32>,
        %get3A_1084 = vector.shape_cast %get3A_1083 : vector<1x16xf32> to vector<16xf32>
        %mul3A_1085 = arith.mulf %get3A_1084, %gather3A_1066 : vector<16xf32>
        %swap3A_1086 = arith.index_cast %add3A_1070 : i32 to index
        %swap3A_1087 = arith.constant 16 : index
        %swap3A_1088 = tpu.vector_load %arg10[%swap3A_1086, %swap3A_1087] {strides = array<i32>} : memref<80x128xf32, #tpu.memory_space<vmem>>, vector<1x16xf32>,
        %swap3A_1089 = vector.shape_cast %swap3A_1088 : vector<1x16xf32> to vector<16xf32>
        %swap3A_1090 = vector.shape_cast %mul3A_1085 : vector<16xf32> to vector<1x16xf32>
        tpu.vector_store %arg10[%swap3A_1086, %swap3A_1087], %swap3A_1090 {strides = array<i32>} : memref<80x128xf32, #tpu.memory_space<vmem>>, vector<1x16xf32>,
        %get3A_1091 = arith.index_cast %add3A_1070 : i32 to index
        %get3A_1092 = arith.constant 32 : index
        %get3A_1093 = tpu.vector_load %arg10[%get3A_1091, %get3A_1092] {strides = array<i32>} : memref<80x128xf32, #tpu.memory_space<vmem>>, vector<1x16xf32>,
        %get3A_1094 = vector.shape_cast %get3A_1093 : vector<1x16xf32> to vector<16xf32>
        %mul3A_1095 = arith.mulf %get3A_1094, %gather3A_1066 : vector<16xf32>
        %swap3A_1096 = arith.index_cast %add3A_1070 : i32 to index
        %swap3A_1097 = arith.constant 32 : index
        %swap3A_1098 = tpu.vector_load %arg10[%swap3A_1096, %swap3A_1097] {strides = array<i32>} : memref<80x128xf32, #tpu.memory_space<vmem>>, vector<1x16xf32>,
        %swap3A_1099 = vector.shape_cast %swap3A_1098 : vector<1x16xf32> to vector<16xf32>
        %swap3A_1100 = vector.shape_cast %mul3A_1095 : vector<16xf32> to vector<1x16xf32>
        tpu.vector_store %arg10[%swap3A_1096, %swap3A_1097], %swap3A_1100 {strides = array<i32>} : memref<80x128xf32, #tpu.memory_space<vmem>>, vector<1x16xf32>,
        %get3A_1101 = arith.index_cast %add3A_1070 : i32 to index
        %get3A_1102 = arith.constant 48 : index
        %get3A_1103 = tpu.vector_load %arg10[%get3A_1101, %get3A_1102] {strides = array<i32>} : memref<80x128xf32, #tpu.memory_space<vmem>>, vector<1x16xf32>,
        %get3A_1104 = vector.shape_cast %get3A_1103 : vector<1x16xf32> to vector<16xf32>
        %mul3A_1105 = arith.mulf %get3A_1104, %gather3A_1066 : vector<16xf32>
        %swap3A_1106 = arith.index_cast %add3A_1070 : i32 to index
        %swap3A_1107 = arith.constant 48 : index
        %swap3A_1108 = tpu.vector_load %arg10[%swap3A_1106, %swap3A_1107] {strides = array<i32>} : memref<80x128xf32, #tpu.memory_space<vmem>>, vector<1x16xf32>,
        %swap3A_1109 = vector.shape_cast %swap3A_1108 : vector<1x16xf32> to vector<16xf32>
        %swap3A_1110 = vector.shape_cast %mul3A_1105 : vector<16xf32> to vector<1x16xf32>
        tpu.vector_store %arg10[%swap3A_1106, %swap3A_1107], %swap3A_1110 {strides = array<i32>} : memref<80x128xf32, #tpu.memory_space<vmem>>, vector<1x16xf32>,
        %get3A_1111 = arith.index_cast %add3A_1070 : i32 to index
        %get3A_1112 = arith.constant 64 : index
        %get3A_1113 = tpu.vector_load %arg10[%get3A_1111, %get3A_1112] {strides = array<i32>} : memref<80x128xf32, #tpu.memory_space<vmem>>, vector<1x16xf32>,
        %get3A_1114 = vector.shape_cast %get3A_1113 : vector<1x16xf32> to vector<16xf32>
        %mul3A_1115 = arith.mulf %get3A_1114, %gather3A_1066 : vector<16xf32>
        %swap3A_1116 = arith.index_cast %add3A_1070 : i32 to index
        %swap3A_1117 = arith.constant 64 : index
        %swap3A_1118 = tpu.vector_load %arg10[%swap3A_1116, %swap3A_1117] {strides = array<i32>} : memref<80x128xf32, #tpu.memory_space<vmem>>, vector<1x16xf32>,
        %swap3A_1119 = vector.shape_cast %swap3A_1118 : vector<1x16xf32> to vector<16xf32>
        %swap3A_1120 = vector.shape_cast %mul3A_1115 : vector<16xf32> to vector<1x16xf32>
        tpu.vector_store %arg10[%swap3A_1116, %swap3A_1117], %swap3A_1120 {strides = array<i32>} : memref<80x128xf32, #tpu.memory_space<vmem>>, vector<1x16xf32>,
        %get3A_1121 = arith.index_cast %add3A_1070 : i32 to index
        %get3A_1122 = arith.constant 80 : index
        %get3A_1123 = tpu.vector_load %arg10[%get3A_1121, %get3A_1122] {strides = array<i32>} : memref<80x128xf32, #tpu.memory_space<vmem>>, vector<1x16xf32>,
        %get3A_1124 = vector.shape_cast %get3A_1123 : vector<1x16xf32> to vector<16xf32>
        %mul3A_1125 = arith.mulf %get3A_1124, %gather3A_1066 : vector<16xf32>
        %swap3A_1126 = arith.index_cast %add3A_1070 : i32 to index
        %swap3A_1127 = arith.constant 80 : index
        %swap3A_1128 = tpu.vector_load %arg10[%swap3A_1126, %swap3A_1127] {strides = array<i32>} : memref<80x128xf32, #tpu.memory_space<vmem>>, vector<1x16xf32>,
        %swap3A_1129 = vector.shape_cast %swap3A_1128 : vector<1x16xf32> to vector<16xf32>
        %swap3A_1130 = vector.shape_cast %mul3A_1125 : vector<16xf32> to vector<1x16xf32>
        tpu.vector_store %arg10[%swap3A_1126, %swap3A_1127], %swap3A_1130 {strides = array<i32>} : memref<80x128xf32, #tpu.memory_space<vmem>>, vector<1x16xf32>,
        %get3A_1131 = arith.index_cast %add3A_1070 : i32 to index
        %get3A_1132 = arith.constant 96 : index
        %get3A_1133 = tpu.vector_load %arg10[%get3A_1131, %get3A_1132] {strides = array<i32>} : memref<80x128xf32, #tpu.memory_space<vmem>>, vector<1x16xf32>,
        %get3A_1134 = vector.shape_cast %get3A_1133 : vector<1x16xf32> to vector<16xf32>
        %mul3A_1135 = arith.mulf %get3A_1134, %gather3A_1066 : vector<16xf32>
        %swap3A_1136 = arith.index_cast %add3A_1070 : i32 to index
        %swap3A_1137 = arith.constant 96 : index
        %swap3A_1138 = tpu.vector_load %arg10[%swap3A_1136, %swap3A_1137] {strides = array<i32>} : memref<80x128xf32, #tpu.memory_space<vmem>>, vector<1x16xf32>,
        %swap3A_1139 = vector.shape_cast %swap3A_1138 : vector<1x16xf32> to vector<16xf32>
        %swap3A_1140 = vector.shape_cast %mul3A_1135 : vector<16xf32> to vector<1x16xf32>
        tpu.vector_store %arg10[%swap3A_1136, %swap3A_1137], %swap3A_1140 {strides = array<i32>} : memref<80x128xf32, #tpu.memory_space<vmem>>, vector<1x16xf32>,
        %get3A_1141 = arith.index_cast %add3A_1070 : i32 to index
        %get3A_1142 = arith.constant 112 : index
        %get3A_1143 = tpu.vector_load %arg10[%get3A_1141, %get3A_1142] {strides = array<i32>} : memref<80x128xf32, #tpu.memory_space<vmem>>, vector<1x16xf32>,
        %get3A_1144 = vector.shape_cast %get3A_1143 : vector<1x16xf32> to vector<16xf32>
        %mul3A_1145 = arith.mulf %get3A_1144, %gather3A_1066 : vector<16xf32>
        %swap3A_1146 = arith.index_cast %add3A_1070 : i32 to index
        %swap3A_1147 = arith.constant 112 : index
        %swap3A_1148 = tpu.vector_load %arg10[%swap3A_1146, %swap3A_1147] {strides = array<i32>} : memref<80x128xf32, #tpu.memory_space<vmem>>, vector<1x16xf32>,
        %swap3A_1149 = vector.shape_cast %swap3A_1148 : vector<1x16xf32> to vector<16xf32>
        %swap3A_1150 = vector.shape_cast %mul3A_1145 : vector<16xf32> to vector<1x16xf32>
        tpu.vector_store %arg10[%swap3A_1146, %swap3A_1147], %swap3A_1150 {strides = array<i32>} : memref<80x128xf32, #tpu.memory_space<vmem>>, vector<1x16xf32>,
        %broadcast_in_dim3A_1151 = arith.constant 12 : i32
        %broadcast_in_dim3A_1152 = vector.broadcast %broadcast_in_dim3A_1151 : i32 to vector<16x1xi32>
        %gather3A_1153 = vector.shape_cast %broadcast_in_dim3A_1152 : vector<16x1xi32> to vector<16xi32>
        %gather3A_1154 = tpu.dynamic_gather %get3A_97[%gather3A_1153] in [0] : vector<16xf32>, vector<16xi32> -> vector<16xf32>
        %mul3A_1155 = arith.constant 16 : i32
        %mul3A_1156 = arith.muli %scan3A_90, %mul3A_1155 : i32
        %add3A_1157 = arith.constant 12 : i32
        %add3A_1158 = arith.addi %mul3A_1156, %add3A_1157 : i32
        %get3A_1159 = arith.index_cast %add3A_1158 : i32 to index
        %get3A_1160 = arith.constant 0 : index
        %get3A_1161 = tpu.vector_load %arg10[%get3A_1159, %get3A_1160] {strides = array<i32>} : memref<80x128xf32, #tpu.memory_space<vmem>>, vector<1x16xf32>,
        %get3A_1162 = vector.shape_cast %get3A_1161 : vector<1x16xf32> to vector<16xf32>
        %mul3A_1163 = arith.mulf %get3A_1162, %gather3A_1154 : vector<16xf32>
        %swap3A_1164 = arith.index_cast %add3A_1158 : i32 to index
        %swap3A_1165 = arith.constant 0 : index
        %swap3A_1166 = tpu.vector_load %arg10[%swap3A_1164, %swap3A_1165] {strides = array<i32>} : memref<80x128xf32, #tpu.memory_space<vmem>>, vector<1x16xf32>,
        %swap3A_1167 = vector.shape_cast %swap3A_1166 : vector<1x16xf32> to vector<16xf32>
        %swap3A_1168 = vector.shape_cast %mul3A_1163 : vector<16xf32> to vector<1x16xf32>
        tpu.vector_store %arg10[%swap3A_1164, %swap3A_1165], %swap3A_1168 {strides = array<i32>} : memref<80x128xf32, #tpu.memory_space<vmem>>, vector<1x16xf32>,
        %get3A_1169 = arith.index_cast %add3A_1158 : i32 to index
        %get3A_1170 = arith.constant 16 : index
        %get3A_1171 = tpu.vector_load %arg10[%get3A_1169, %get3A_1170] {strides = array<i32>} : memref<80x128xf32, #tpu.memory_space<vmem>>, vector<1x16xf32>,
        %get3A_1172 = vector.shape_cast %get3A_1171 : vector<1x16xf32> to vector<16xf32>
        %mul3A_1173 = arith.mulf %get3A_1172, %gather3A_1154 : vector<16xf32>
        %swap3A_1174 = arith.index_cast %add3A_1158 : i32 to index
        %swap3A_1175 = arith.constant 16 : index
        %swap3A_1176 = tpu.vector_load %arg10[%swap3A_1174, %swap3A_1175] {strides = array<i32>} : memref<80x128xf32, #tpu.memory_space<vmem>>, vector<1x16xf32>,
        %swap3A_1177 = vector.shape_cast %swap3A_1176 : vector<1x16xf32> to vector<16xf32>
        %swap3A_1178 = vector.shape_cast %mul3A_1173 : vector<16xf32> to vector<1x16xf32>
        tpu.vector_store %arg10[%swap3A_1174, %swap3A_1175], %swap3A_1178 {strides = array<i32>} : memref<80x128xf32, #tpu.memory_space<vmem>>, vector<1x16xf32>,
        %get3A_1179 = arith.index_cast %add3A_1158 : i32 to index
        %get3A_1180 = arith.constant 32 : index
        %get3A_1181 = tpu.vector_load %arg10[%get3A_1179, %get3A_1180] {strides = array<i32>} : memref<80x128xf32, #tpu.memory_space<vmem>>, vector<1x16xf32>,
        %get3A_1182 = vector.shape_cast %get3A_1181 : vector<1x16xf32> to vector<16xf32>
        %mul3A_1183 = arith.mulf %get3A_1182, %gather3A_1154 : vector<16xf32>
        %swap3A_1184 = arith.index_cast %add3A_1158 : i32 to index
        %swap3A_1185 = arith.constant 32 : index
        %swap3A_1186 = tpu.vector_load %arg10[%swap3A_1184, %swap3A_1185] {strides = array<i32>} : memref<80x128xf32, #tpu.memory_space<vmem>>, vector<1x16xf32>,
        %swap3A_1187 = vector.shape_cast %swap3A_1186 : vector<1x16xf32> to vector<16xf32>
        %swap3A_1188 = vector.shape_cast %mul3A_1183 : vector<16xf32> to vector<1x16xf32>
        tpu.vector_store %arg10[%swap3A_1184, %swap3A_1185], %swap3A_1188 {strides = array<i32>} : memref<80x128xf32, #tpu.memory_space<vmem>>, vector<1x16xf32>,
        %get3A_1189 = arith.index_cast %add3A_1158 : i32 to index
        %get3A_1190 = arith.constant 48 : index
        %get3A_1191 = tpu.vector_load %arg10[%get3A_1189, %get3A_1190] {strides = array<i32>} : memref<80x128xf32, #tpu.memory_space<vmem>>, vector<1x16xf32>,
        %get3A_1192 = vector.shape_cast %get3A_1191 : vector<1x16xf32> to vector<16xf32>
        %mul3A_1193 = arith.mulf %get3A_1192, %gather3A_1154 : vector<16xf32>
        %swap3A_1194 = arith.index_cast %add3A_1158 : i32 to index
        %swap3A_1195 = arith.constant 48 : index
        %swap3A_1196 = tpu.vector_load %arg10[%swap3A_1194, %swap3A_1195] {strides = array<i32>} : memref<80x128xf32, #tpu.memory_space<vmem>>, vector<1x16xf32>,
        %swap3A_1197 = vector.shape_cast %swap3A_1196 : vector<1x16xf32> to vector<16xf32>
        %swap3A_1198 = vector.shape_cast %mul3A_1193 : vector<16xf32> to vector<1x16xf32>
        tpu.vector_store %arg10[%swap3A_1194, %swap3A_1195], %swap3A_1198 {strides = array<i32>} : memref<80x128xf32, #tpu.memory_space<vmem>>, vector<1x16xf32>,
        %get3A_1199 = arith.index_cast %add3A_1158 : i32 to index
        %get3A_1200 = arith.constant 64 : index
        %get3A_1201 = tpu.vector_load %arg10[%get3A_1199, %get3A_1200] {strides = array<i32>} : memref<80x128xf32, #tpu.memory_space<vmem>>, vector<1x16xf32>,
        %get3A_1202 = vector.shape_cast %get3A_1201 : vector<1x16xf32> to vector<16xf32>
        %mul3A_1203 = arith.mulf %get3A_1202, %gather3A_1154 : vector<16xf32>
        %swap3A_1204 = arith.index_cast %add3A_1158 : i32 to index
        %swap3A_1205 = arith.constant 64 : index
        %swap3A_1206 = tpu.vector_load %arg10[%swap3A_1204, %swap3A_1205] {strides = array<i32>} : memref<80x128xf32, #tpu.memory_space<vmem>>, vector<1x16xf32>,
        %swap3A_1207 = vector.shape_cast %swap3A_1206 : vector<1x16xf32> to vector<16xf32>
        %swap3A_1208 = vector.shape_cast %mul3A_1203 : vector<16xf32> to vector<1x16xf32>
        tpu.vector_store %arg10[%swap3A_1204, %swap3A_1205], %swap3A_1208 {strides = array<i32>} : memref<80x128xf32, #tpu.memory_space<vmem>>, vector<1x16xf32>,
        %get3A_1209 = arith.index_cast %add3A_1158 : i32 to index
        %get3A_1210 = arith.constant 80 : index
        %get3A_1211 = tpu.vector_load %arg10[%get3A_1209, %get3A_1210] {strides = array<i32>} : memref<80x128xf32, #tpu.memory_space<vmem>>, vector<1x16xf32>,
        %get3A_1212 = vector.shape_cast %get3A_1211 : vector<1x16xf32> to vector<16xf32>
        %mul3A_1213 = arith.mulf %get3A_1212, %gather3A_1154 : vector<16xf32>
        %swap3A_1214 = arith.index_cast %add3A_1158 : i32 to index
        %swap3A_1215 = arith.constant 80 : index
        %swap3A_1216 = tpu.vector_load %arg10[%swap3A_1214, %swap3A_1215] {strides = array<i32>} : memref<80x128xf32, #tpu.memory_space<vmem>>, vector<1x16xf32>,
        %swap3A_1217 = vector.shape_cast %swap3A_1216 : vector<1x16xf32> to vector<16xf32>
        %swap3A_1218 = vector.shape_cast %mul3A_1213 : vector<16xf32> to vector<1x16xf32>
        tpu.vector_store %arg10[%swap3A_1214, %swap3A_1215], %swap3A_1218 {strides = array<i32>} : memref<80x128xf32, #tpu.memory_space<vmem>>, vector<1x16xf32>,
        %get3A_1219 = arith.index_cast %add3A_1158 : i32 to index
        %get3A_1220 = arith.constant 96 : index
        %get3A_1221 = tpu.vector_load %arg10[%get3A_1219, %get3A_1220] {strides = array<i32>} : memref<80x128xf32, #tpu.memory_space<vmem>>, vector<1x16xf32>,
        %get3A_1222 = vector.shape_cast %get3A_1221 : vector<1x16xf32> to vector<16xf32>
        %mul3A_1223 = arith.mulf %get3A_1222, %gather3A_1154 : vector<16xf32>
        %swap3A_1224 = arith.index_cast %add3A_1158 : i32 to index
        %swap3A_1225 = arith.constant 96 : index
        %swap3A_1226 = tpu.vector_load %arg10[%swap3A_1224, %swap3A_1225] {strides = array<i32>} : memref<80x128xf32, #tpu.memory_space<vmem>>, vector<1x16xf32>,
        %swap3A_1227 = vector.shape_cast %swap3A_1226 : vector<1x16xf32> to vector<16xf32>
        %swap3A_1228 = vector.shape_cast %mul3A_1223 : vector<16xf32> to vector<1x16xf32>
        tpu.vector_store %arg10[%swap3A_1224, %swap3A_1225], %swap3A_1228 {strides = array<i32>} : memref<80x128xf32, #tpu.memory_space<vmem>>, vector<1x16xf32>,
        %get3A_1229 = arith.index_cast %add3A_1158 : i32 to index
        %get3A_1230 = arith.constant 112 : index
        %get3A_1231 = tpu.vector_load %arg10[%get3A_1229, %get3A_1230] {strides = array<i32>} : memref<80x128xf32, #tpu.memory_space<vmem>>, vector<1x16xf32>,
        %get3A_1232 = vector.shape_cast %get3A_1231 : vector<1x16xf32> to vector<16xf32>
        %mul3A_1233 = arith.mulf %get3A_1232, %gather3A_1154 : vector<16xf32>
        %swap3A_1234 = arith.index_cast %add3A_1158 : i32 to index
        %swap3A_1235 = arith.constant 112 : index
        %swap3A_1236 = tpu.vector_load %arg10[%swap3A_1234, %swap3A_1235] {strides = array<i32>} : memref<80x128xf32, #tpu.memory_space<vmem>>, vector<1x16xf32>,
        %swap3A_1237 = vector.shape_cast %swap3A_1236 : vector<1x16xf32> to vector<16xf32>
        %swap3A_1238 = vector.shape_cast %mul3A_1233 : vector<16xf32> to vector<1x16xf32>
        tpu.vector_store %arg10[%swap3A_1234, %swap3A_1235], %swap3A_1238 {strides = array<i32>} : memref<80x128xf32, #tpu.memory_space<vmem>>, vector<1x16xf32>,
        %broadcast_in_dim3A_1239 = arith.constant 13 : i32
        %broadcast_in_dim3A_1240 = vector.broadcast %broadcast_in_dim3A_1239 : i32 to vector<16x1xi32>
        %gather3A_1241 = vector.shape_cast %broadcast_in_dim3A_1240 : vector<16x1xi32> to vector<16xi32>
        %gather3A_1242 = tpu.dynamic_gather %get3A_97[%gather3A_1241] in [0] : vector<16xf32>, vector<16xi32> -> vector<16xf32>
        %mul3A_1243 = arith.constant 16 : i32
        %mul3A_1244 = arith.muli %scan3A_90, %mul3A_1243 : i32
        %add3A_1245 = arith.constant 13 : i32
        %add3A_1246 = arith.addi %mul3A_1244, %add3A_1245 : i32
        %get3A_1247 = arith.index_cast %add3A_1246 : i32 to index
        %get3A_1248 = arith.constant 0 : index
        %get3A_1249 = tpu.vector_load %arg10[%get3A_1247, %get3A_1248] {strides = array<i32>} : memref<80x128xf32, #tpu.memory_space<vmem>>, vector<1x16xf32>,
        %get3A_1250 = vector.shape_cast %get3A_1249 : vector<1x16xf32> to vector<16xf32>
        %mul3A_1251 = arith.mulf %get3A_1250, %gather3A_1242 : vector<16xf32>
        %swap3A_1252 = arith.index_cast %add3A_1246 : i32 to index
        %swap3A_1253 = arith.constant 0 : index
        %swap3A_1254 = tpu.vector_load %arg10[%swap3A_1252, %swap3A_1253] {strides = array<i32>} : memref<80x128xf32, #tpu.memory_space<vmem>>, vector<1x16xf32>,
        %swap3A_1255 = vector.shape_cast %swap3A_1254 : vector<1x16xf32> to vector<16xf32>
        %swap3A_1256 = vector.shape_cast %mul3A_1251 : vector<16xf32> to vector<1x16xf32>
        tpu.vector_store %arg10[%swap3A_1252, %swap3A_1253], %swap3A_1256 {strides = array<i32>} : memref<80x128xf32, #tpu.memory_space<vmem>>, vector<1x16xf32>,
        %get3A_1257 = arith.index_cast %add3A_1246 : i32 to index
        %get3A_1258 = arith.constant 16 : index
        %get3A_1259 = tpu.vector_load %arg10[%get3A_1257, %get3A_1258] {strides = array<i32>} : memref<80x128xf32, #tpu.memory_space<vmem>>, vector<1x16xf32>,
        %get3A_1260 = vector.shape_cast %get3A_1259 : vector<1x16xf32> to vector<16xf32>
        %mul3A_1261 = arith.mulf %get3A_1260, %gather3A_1242 : vector<16xf32>
        %swap3A_1262 = arith.index_cast %add3A_1246 : i32 to index
        %swap3A_1263 = arith.constant 16 : index
        %swap3A_1264 = tpu.vector_load %arg10[%swap3A_1262, %swap3A_1263] {strides = array<i32>} : memref<80x128xf32, #tpu.memory_space<vmem>>, vector<1x16xf32>,
        %swap3A_1265 = vector.shape_cast %swap3A_1264 : vector<1x16xf32> to vector<16xf32>
        %swap3A_1266 = vector.shape_cast %mul3A_1261 : vector<16xf32> to vector<1x16xf32>
        tpu.vector_store %arg10[%swap3A_1262, %swap3A_1263], %swap3A_1266 {strides = array<i32>} : memref<80x128xf32, #tpu.memory_space<vmem>>, vector<1x16xf32>,
        %get3A_1267 = arith.index_cast %add3A_1246 : i32 to index
        %get3A_1268 = arith.constant 32 : index
        %get3A_1269 = tpu.vector_load %arg10[%get3A_1267, %get3A_1268] {strides = array<i32>} : memref<80x128xf32, #tpu.memory_space<vmem>>, vector<1x16xf32>,
        %get3A_1270 = vector.shape_cast %get3A_1269 : vector<1x16xf32> to vector<16xf32>
        %mul3A_1271 = arith.mulf %get3A_1270, %gather3A_1242 : vector<16xf32>
        %swap3A_1272 = arith.index_cast %add3A_1246 : i32 to index
        %swap3A_1273 = arith.constant 32 : index
        %swap3A_1274 = tpu.vector_load %arg10[%swap3A_1272, %swap3A_1273] {strides = array<i32>} : memref<80x128xf32, #tpu.memory_space<vmem>>, vector<1x16xf32>,
        %swap3A_1275 = vector.shape_cast %swap3A_1274 : vector<1x16xf32> to vector<16xf32>
        %swap3A_1276 = vector.shape_cast %mul3A_1271 : vector<16xf32> to vector<1x16xf32>
        tpu.vector_store %arg10[%swap3A_1272, %swap3A_1273], %swap3A_1276 {strides = array<i32>} : memref<80x128xf32, #tpu.memory_space<vmem>>, vector<1x16xf32>,
        %get3A_1277 = arith.index_cast %add3A_1246 : i32 to index
        %get3A_1278 = arith.constant 48 : index
        %get3A_1279 = tpu.vector_load %arg10[%get3A_1277, %get3A_1278] {strides = array<i32>} : memref<80x128xf32, #tpu.memory_space<vmem>>, vector<1x16xf32>,
        %get3A_1280 = vector.shape_cast %get3A_1279 : vector<1x16xf32> to vector<16xf32>
        %mul3A_1281 = arith.mulf %get3A_1280, %gather3A_1242 : vector<16xf32>
        %swap3A_1282 = arith.index_cast %add3A_1246 : i32 to index
        %swap3A_1283 = arith.constant 48 : index
        %swap3A_1284 = tpu.vector_load %arg10[%swap3A_1282, %swap3A_1283] {strides = array<i32>} : memref<80x128xf32, #tpu.memory_space<vmem>>, vector<1x16xf32>,
        %swap3A_1285 = vector.shape_cast %swap3A_1284 : vector<1x16xf32> to vector<16xf32>
        %swap3A_1286 = vector.shape_cast %mul3A_1281 : vector<16xf32> to vector<1x16xf32>
        tpu.vector_store %arg10[%swap3A_1282, %swap3A_1283], %swap3A_1286 {strides = array<i32>} : memref<80x128xf32, #tpu.memory_space<vmem>>, vector<1x16xf32>,
        %get3A_1287 = arith.index_cast %add3A_1246 : i32 to index
        %get3A_1288 = arith.constant 64 : index
        %get3A_1289 = tpu.vector_load %arg10[%get3A_1287, %get3A_1288] {strides = array<i32>} : memref<80x128xf32, #tpu.memory_space<vmem>>, vector<1x16xf32>,
        %get3A_1290 = vector.shape_cast %get3A_1289 : vector<1x16xf32> to vector<16xf32>
        %mul3A_1291 = arith.mulf %get3A_1290, %gather3A_1242 : vector<16xf32>
        %swap3A_1292 = arith.index_cast %add3A_1246 : i32 to index
        %swap3A_1293 = arith.constant 64 : index
        %swap3A_1294 = tpu.vector_load %arg10[%swap3A_1292, %swap3A_1293] {strides = array<i32>} : memref<80x128xf32, #tpu.memory_space<vmem>>, vector<1x16xf32>,
        %swap3A_1295 = vector.shape_cast %swap3A_1294 : vector<1x16xf32> to vector<16xf32>
        %swap3A_1296 = vector.shape_cast %mul3A_1291 : vector<16xf32> to vector<1x16xf32>
        tpu.vector_store %arg10[%swap3A_1292, %swap3A_1293], %swap3A_1296 {strides = array<i32>} : memref<80x128xf32, #tpu.memory_space<vmem>>, vector<1x16xf32>,
        %get3A_1297 = arith.index_cast %add3A_1246 : i32 to index
        %get3A_1298 = arith.constant 80 : index
        %get3A_1299 = tpu.vector_load %arg10[%get3A_1297, %get3A_1298] {strides = array<i32>} : memref<80x128xf32, #tpu.memory_space<vmem>>, vector<1x16xf32>,
        %get3A_1300 = vector.shape_cast %get3A_1299 : vector<1x16xf32> to vector<16xf32>
        %mul3A_1301 = arith.mulf %get3A_1300, %gather3A_1242 : vector<16xf32>
        %swap3A_1302 = arith.index_cast %add3A_1246 : i32 to index
        %swap3A_1303 = arith.constant 80 : index
        %swap3A_1304 = tpu.vector_load %arg10[%swap3A_1302, %swap3A_1303] {strides = array<i32>} : memref<80x128xf32, #tpu.memory_space<vmem>>, vector<1x16xf32>,
        %swap3A_1305 = vector.shape_cast %swap3A_1304 : vector<1x16xf32> to vector<16xf32>
        %swap3A_1306 = vector.shape_cast %mul3A_1301 : vector<16xf32> to vector<1x16xf32>
        tpu.vector_store %arg10[%swap3A_1302, %swap3A_1303], %swap3A_1306 {strides = array<i32>} : memref<80x128xf32, #tpu.memory_space<vmem>>, vector<1x16xf32>,
        %get3A_1307 = arith.index_cast %add3A_1246 : i32 to index
        %get3A_1308 = arith.constant 96 : index
        %get3A_1309 = tpu.vector_load %arg10[%get3A_1307, %get3A_1308] {strides = array<i32>} : memref<80x128xf32, #tpu.memory_space<vmem>>, vector<1x16xf32>,
        %get3A_1310 = vector.shape_cast %get3A_1309 : vector<1x16xf32> to vector<16xf32>
        %mul3A_1311 = arith.mulf %get3A_1310, %gather3A_1242 : vector<16xf32>
        %swap3A_1312 = arith.index_cast %add3A_1246 : i32 to index
        %swap3A_1313 = arith.constant 96 : index
        %swap3A_1314 = tpu.vector_load %arg10[%swap3A_1312, %swap3A_1313] {strides = array<i32>} : memref<80x128xf32, #tpu.memory_space<vmem>>, vector<1x16xf32>,
        %swap3A_1315 = vector.shape_cast %swap3A_1314 : vector<1x16xf32> to vector<16xf32>
        %swap3A_1316 = vector.shape_cast %mul3A_1311 : vector<16xf32> to vector<1x16xf32>
        tpu.vector_store %arg10[%swap3A_1312, %swap3A_1313], %swap3A_1316 {strides = array<i32>} : memref<80x128xf32, #tpu.memory_space<vmem>>, vector<1x16xf32>,
        %get3A_1317 = arith.index_cast %add3A_1246 : i32 to index
        %get3A_1318 = arith.constant 112 : index
        %get3A_1319 = tpu.vector_load %arg10[%get3A_1317, %get3A_1318] {strides = array<i32>} : memref<80x128xf32, #tpu.memory_space<vmem>>, vector<1x16xf32>,
        %get3A_1320 = vector.shape_cast %get3A_1319 : vector<1x16xf32> to vector<16xf32>
        %mul3A_1321 = arith.mulf %get3A_1320, %gather3A_1242 : vector<16xf32>
        %swap3A_1322 = arith.index_cast %add3A_1246 : i32 to index
        %swap3A_1323 = arith.constant 112 : index
        %swap3A_1324 = tpu.vector_load %arg10[%swap3A_1322, %swap3A_1323] {strides = array<i32>} : memref<80x128xf32, #tpu.memory_space<vmem>>, vector<1x16xf32>,
        %swap3A_1325 = vector.shape_cast %swap3A_1324 : vector<1x16xf32> to vector<16xf32>
        %swap3A_1326 = vector.shape_cast %mul3A_1321 : vector<16xf32> to vector<1x16xf32>
        tpu.vector_store %arg10[%swap3A_1322, %swap3A_1323], %swap3A_1326 {strides = array<i32>} : memref<80x128xf32, #tpu.memory_space<vmem>>, vector<1x16xf32>,
        %broadcast_in_dim3A_1327 = arith.constant 14 : i32
        %broadcast_in_dim3A_1328 = vector.broadcast %broadcast_in_dim3A_1327 : i32 to vector<16x1xi32>
        %gather3A_1329 = vector.shape_cast %broadcast_in_dim3A_1328 : vector<16x1xi32> to vector<16xi32>
        %gather3A_1330 = tpu.dynamic_gather %get3A_97[%gather3A_1329] in [0] : vector<16xf32>, vector<16xi32> -> vector<16xf32>
        %mul3A_1331 = arith.constant 16 : i32
        %mul3A_1332 = arith.muli %scan3A_90, %mul3A_1331 : i32
        %add3A_1333 = arith.constant 14 : i32
        %add3A_1334 = arith.addi %mul3A_1332, %add3A_1333 : i32
        %get3A_1335 = arith.index_cast %add3A_1334 : i32 to index
        %get3A_1336 = arith.constant 0 : index
        %get3A_1337 = tpu.vector_load %arg10[%get3A_1335, %get3A_1336] {strides = array<i32>} : memref<80x128xf32, #tpu.memory_space<vmem>>, vector<1x16xf32>,
        %get3A_1338 = vector.shape_cast %get3A_1337 : vector<1x16xf32> to vector<16xf32>
        %mul3A_1339 = arith.mulf %get3A_1338, %gather3A_1330 : vector<16xf32>
        %swap3A_1340 = arith.index_cast %add3A_1334 : i32 to index
        %swap3A_1341 = arith.constant 0 : index
        %swap3A_1342 = tpu.vector_load %arg10[%swap3A_1340, %swap3A_1341] {strides = array<i32>} : memref<80x128xf32, #tpu.memory_space<vmem>>, vector<1x16xf32>,
        %swap3A_1343 = vector.shape_cast %swap3A_1342 : vector<1x16xf32> to vector<16xf32>
        %swap3A_1344 = vector.shape_cast %mul3A_1339 : vector<16xf32> to vector<1x16xf32>
        tpu.vector_store %arg10[%swap3A_1340, %swap3A_1341], %swap3A_1344 {strides = array<i32>} : memref<80x128xf32, #tpu.memory_space<vmem>>, vector<1x16xf32>,
        %get3A_1345 = arith.index_cast %add3A_1334 : i32 to index
        %get3A_1346 = arith.constant 16 : index
        %get3A_1347 = tpu.vector_load %arg10[%get3A_1345, %get3A_1346] {strides = array<i32>} : memref<80x128xf32, #tpu.memory_space<vmem>>, vector<1x16xf32>,
        %get3A_1348 = vector.shape_cast %get3A_1347 : vector<1x16xf32> to vector<16xf32>
        %mul3A_1349 = arith.mulf %get3A_1348, %gather3A_1330 : vector<16xf32>
        %swap3A_1350 = arith.index_cast %add3A_1334 : i32 to index
        %swap3A_1351 = arith.constant 16 : index
        %swap3A_1352 = tpu.vector_load %arg10[%swap3A_1350, %swap3A_1351] {strides = array<i32>} : memref<80x128xf32, #tpu.memory_space<vmem>>, vector<1x16xf32>,
        %swap3A_1353 = vector.shape_cast %swap3A_1352 : vector<1x16xf32> to vector<16xf32>
        %swap3A_1354 = vector.shape_cast %mul3A_1349 : vector<16xf32> to vector<1x16xf32>
        tpu.vector_store %arg10[%swap3A_1350, %swap3A_1351], %swap3A_1354 {strides = array<i32>} : memref<80x128xf32, #tpu.memory_space<vmem>>, vector<1x16xf32>,
        %get3A_1355 = arith.index_cast %add3A_1334 : i32 to index
        %get3A_1356 = arith.constant 32 : index
        %get3A_1357 = tpu.vector_load %arg10[%get3A_1355, %get3A_1356] {strides = array<i32>} : memref<80x128xf32, #tpu.memory_space<vmem>>, vector<1x16xf32>,
        %get3A_1358 = vector.shape_cast %get3A_1357 : vector<1x16xf32> to vector<16xf32>
        %mul3A_1359 = arith.mulf %get3A_1358, %gather3A_1330 : vector<16xf32>
        %swap3A_1360 = arith.index_cast %add3A_1334 : i32 to index
        %swap3A_1361 = arith.constant 32 : index
        %swap3A_1362 = tpu.vector_load %arg10[%swap3A_1360, %swap3A_1361] {strides = array<i32>} : memref<80x128xf32, #tpu.memory_space<vmem>>, vector<1x16xf32>,
        %swap3A_1363 = vector.shape_cast %swap3A_1362 : vector<1x16xf32> to vector<16xf32>
        %swap3A_1364 = vector.shape_cast %mul3A_1359 : vector<16xf32> to vector<1x16xf32>
        tpu.vector_store %arg10[%swap3A_1360, %swap3A_1361], %swap3A_1364 {strides = array<i32>} : memref<80x128xf32, #tpu.memory_space<vmem>>, vector<1x16xf32>,
        %get3A_1365 = arith.index_cast %add3A_1334 : i32 to index
        %get3A_1366 = arith.constant 48 : index
        %get3A_1367 = tpu.vector_load %arg10[%get3A_1365, %get3A_1366] {strides = array<i32>} : memref<80x128xf32, #tpu.memory_space<vmem>>, vector<1x16xf32>,
        %get3A_1368 = vector.shape_cast %get3A_1367 : vector<1x16xf32> to vector<16xf32>
        %mul3A_1369 = arith.mulf %get3A_1368, %gather3A_1330 : vector<16xf32>
        %swap3A_1370 = arith.index_cast %add3A_1334 : i32 to index
        %swap3A_1371 = arith.constant 48 : index
        %swap3A_1372 = tpu.vector_load %arg10[%swap3A_1370, %swap3A_1371] {strides = array<i32>} : memref<80x128xf32, #tpu.memory_space<vmem>>, vector<1x16xf32>,
        %swap3A_1373 = vector.shape_cast %swap3A_1372 : vector<1x16xf32> to vector<16xf32>
        %swap3A_1374 = vector.shape_cast %mul3A_1369 : vector<16xf32> to vector<1x16xf32>
        tpu.vector_store %arg10[%swap3A_1370, %swap3A_1371], %swap3A_1374 {strides = array<i32>} : memref<80x128xf32, #tpu.memory_space<vmem>>, vector<1x16xf32>,
        %get3A_1375 = arith.index_cast %add3A_1334 : i32 to index
        %get3A_1376 = arith.constant 64 : index
        %get3A_1377 = tpu.vector_load %arg10[%get3A_1375, %get3A_1376] {strides = array<i32>} : memref<80x128xf32, #tpu.memory_space<vmem>>, vector<1x16xf32>,
        %get3A_1378 = vector.shape_cast %get3A_1377 : vector<1x16xf32> to vector<16xf32>
        %mul3A_1379 = arith.mulf %get3A_1378, %gather3A_1330 : vector<16xf32>
        %swap3A_1380 = arith.index_cast %add3A_1334 : i32 to index
        %swap3A_1381 = arith.constant 64 : index
        %swap3A_1382 = tpu.vector_load %arg10[%swap3A_1380, %swap3A_1381] {strides = array<i32>} : memref<80x128xf32, #tpu.memory_space<vmem>>, vector<1x16xf32>,
        %swap3A_1383 = vector.shape_cast %swap3A_1382 : vector<1x16xf32> to vector<16xf32>
        %swap3A_1384 = vector.shape_cast %mul3A_1379 : vector<16xf32> to vector<1x16xf32>
        tpu.vector_store %arg10[%swap3A_1380, %swap3A_1381], %swap3A_1384 {strides = array<i32>} : memref<80x128xf32, #tpu.memory_space<vmem>>, vector<1x16xf32>,
        %get3A_1385 = arith.index_cast %add3A_1334 : i32 to index
        %get3A_1386 = arith.constant 80 : index
        %get3A_1387 = tpu.vector_load %arg10[%get3A_1385, %get3A_1386] {strides = array<i32>} : memref<80x128xf32, #tpu.memory_space<vmem>>, vector<1x16xf32>,
        %get3A_1388 = vector.shape_cast %get3A_1387 : vector<1x16xf32> to vector<16xf32>
        %mul3A_1389 = arith.mulf %get3A_1388, %gather3A_1330 : vector<16xf32>
        %swap3A_1390 = arith.index_cast %add3A_1334 : i32 to index
        %swap3A_1391 = arith.constant 80 : index
        %swap3A_1392 = tpu.vector_load %arg10[%swap3A_1390, %swap3A_1391] {strides = array<i32>} : memref<80x128xf32, #tpu.memory_space<vmem>>, vector<1x16xf32>,
        %swap3A_1393 = vector.shape_cast %swap3A_1392 : vector<1x16xf32> to vector<16xf32>
        %swap3A_1394 = vector.shape_cast %mul3A_1389 : vector<16xf32> to vector<1x16xf32>
        tpu.vector_store %arg10[%swap3A_1390, %swap3A_1391], %swap3A_1394 {strides = array<i32>} : memref<80x128xf32, #tpu.memory_space<vmem>>, vector<1x16xf32>,
        %get3A_1395 = arith.index_cast %add3A_1334 : i32 to index
        %get3A_1396 = arith.constant 96 : index
        %get3A_1397 = tpu.vector_load %arg10[%get3A_1395, %get3A_1396] {strides = array<i32>} : memref<80x128xf32, #tpu.memory_space<vmem>>, vector<1x16xf32>,
        %get3A_1398 = vector.shape_cast %get3A_1397 : vector<1x16xf32> to vector<16xf32>
        %mul3A_1399 = arith.mulf %get3A_1398, %gather3A_1330 : vector<16xf32>
        %swap3A_1400 = arith.index_cast %add3A_1334 : i32 to index
        %swap3A_1401 = arith.constant 96 : index
        %swap3A_1402 = tpu.vector_load %arg10[%swap3A_1400, %swap3A_1401] {strides = array<i32>} : memref<80x128xf32, #tpu.memory_space<vmem>>, vector<1x16xf32>,
        %swap3A_1403 = vector.shape_cast %swap3A_1402 : vector<1x16xf32> to vector<16xf32>
        %swap3A_1404 = vector.shape_cast %mul3A_1399 : vector<16xf32> to vector<1x16xf32>
        tpu.vector_store %arg10[%swap3A_1400, %swap3A_1401], %swap3A_1404 {strides = array<i32>} : memref<80x128xf32, #tpu.memory_space<vmem>>, vector<1x16xf32>,
        %get3A_1405 = arith.index_cast %add3A_1334 : i32 to index
        %get3A_1406 = arith.constant 112 : index
        %get3A_1407 = tpu.vector_load %arg10[%get3A_1405, %get3A_1406] {strides = array<i32>} : memref<80x128xf32, #tpu.memory_space<vmem>>, vector<1x16xf32>,
        %get3A_1408 = vector.shape_cast %get3A_1407 : vector<1x16xf32> to vector<16xf32>
        %mul3A_1409 = arith.mulf %get3A_1408, %gather3A_1330 : vector<16xf32>
        %swap3A_1410 = arith.index_cast %add3A_1334 : i32 to index
        %swap3A_1411 = arith.constant 112 : index
        %swap3A_1412 = tpu.vector_load %arg10[%swap3A_1410, %swap3A_1411] {strides = array<i32>} : memref<80x128xf32, #tpu.memory_space<vmem>>, vector<1x16xf32>,
        %swap3A_1413 = vector.shape_cast %swap3A_1412 : vector<1x16xf32> to vector<16xf32>
        %swap3A_1414 = vector.shape_cast %mul3A_1409 : vector<16xf32> to vector<1x16xf32>
        tpu.vector_store %arg10[%swap3A_1410, %swap3A_1411], %swap3A_1414 {strides = array<i32>} : memref<80x128xf32, #tpu.memory_space<vmem>>, vector<1x16xf32>,
        %broadcast_in_dim3A_1415 = arith.constant 15 : i32
        %broadcast_in_dim3A_1416 = vector.broadcast %broadcast_in_dim3A_1415 : i32 to vector<16x1xi32>
        %gather3A_1417 = vector.shape_cast %broadcast_in_dim3A_1416 : vector<16x1xi32> to vector<16xi32>
        %gather3A_1418 = tpu.dynamic_gather %get3A_97[%gather3A_1417] in [0] : vector<16xf32>, vector<16xi32> -> vector<16xf32>
        %mul3A_1419 = arith.constant 16 : i32
        %mul3A_1420 = arith.muli %scan3A_90, %mul3A_1419 : i32
        %add3A_1421 = arith.constant 15 : i32
        %add3A_1422 = arith.addi %mul3A_1420, %add3A_1421 : i32
        %get3A_1423 = arith.index_cast %add3A_1422 : i32 to index
        %get3A_1424 = arith.constant 0 : index
        %get3A_1425 = tpu.vector_load %arg10[%get3A_1423, %get3A_1424] {strides = array<i32>} : memref<80x128xf32, #tpu.memory_space<vmem>>, vector<1x16xf32>,
        %get3A_1426 = vector.shape_cast %get3A_1425 : vector<1x16xf32> to vector<16xf32>
        %mul3A_1427 = arith.mulf %get3A_1426, %gather3A_1418 : vector<16xf32>
        %swap3A_1428 = arith.index_cast %add3A_1422 : i32 to index
        %swap3A_1429 = arith.constant 0 : index
        %swap3A_1430 = tpu.vector_load %arg10[%swap3A_1428, %swap3A_1429] {strides = array<i32>} : memref<80x128xf32, #tpu.memory_space<vmem>>, vector<1x16xf32>,
        %swap3A_1431 = vector.shape_cast %swap3A_1430 : vector<1x16xf32> to vector<16xf32>
        %swap3A_1432 = vector.shape_cast %mul3A_1427 : vector<16xf32> to vector<1x16xf32>
        tpu.vector_store %arg10[%swap3A_1428, %swap3A_1429], %swap3A_1432 {strides = array<i32>} : memref<80x128xf32, #tpu.memory_space<vmem>>, vector<1x16xf32>,
        %get3A_1433 = arith.index_cast %add3A_1422 : i32 to index
        %get3A_1434 = arith.constant 16 : index
        %get3A_1435 = tpu.vector_load %arg10[%get3A_1433, %get3A_1434] {strides = array<i32>} : memref<80x128xf32, #tpu.memory_space<vmem>>, vector<1x16xf32>,
        %get3A_1436 = vector.shape_cast %get3A_1435 : vector<1x16xf32> to vector<16xf32>
        %mul3A_1437 = arith.mulf %get3A_1436, %gather3A_1418 : vector<16xf32>
        %swap3A_1438 = arith.index_cast %add3A_1422 : i32 to index
        %swap3A_1439 = arith.constant 16 : index
        %swap3A_1440 = tpu.vector_load %arg10[%swap3A_1438, %swap3A_1439] {strides = array<i32>} : memref<80x128xf32, #tpu.memory_space<vmem>>, vector<1x16xf32>,
        %swap3A_1441 = vector.shape_cast %swap3A_1440 : vector<1x16xf32> to vector<16xf32>
        %swap3A_1442 = vector.shape_cast %mul3A_1437 : vector<16xf32> to vector<1x16xf32>
        tpu.vector_store %arg10[%swap3A_1438, %swap3A_1439], %swap3A_1442 {strides = array<i32>} : memref<80x128xf32, #tpu.memory_space<vmem>>, vector<1x16xf32>,
        %get3A_1443 = arith.index_cast %add3A_1422 : i32 to index
        %get3A_1444 = arith.constant 32 : index
        %get3A_1445 = tpu.vector_load %arg10[%get3A_1443, %get3A_1444] {strides = array<i32>} : memref<80x128xf32, #tpu.memory_space<vmem>>, vector<1x16xf32>,
        %get3A_1446 = vector.shape_cast %get3A_1445 : vector<1x16xf32> to vector<16xf32>
        %mul3A_1447 = arith.mulf %get3A_1446, %gather3A_1418 : vector<16xf32>
        %swap3A_1448 = arith.index_cast %add3A_1422 : i32 to index
        %swap3A_1449 = arith.constant 32 : index
        %swap3A_1450 = tpu.vector_load %arg10[%swap3A_1448, %swap3A_1449] {strides = array<i32>} : memref<80x128xf32, #tpu.memory_space<vmem>>, vector<1x16xf32>,
        %swap3A_1451 = vector.shape_cast %swap3A_1450 : vector<1x16xf32> to vector<16xf32>
        %swap3A_1452 = vector.shape_cast %mul3A_1447 : vector<16xf32> to vector<1x16xf32>
        tpu.vector_store %arg10[%swap3A_1448, %swap3A_1449], %swap3A_1452 {strides = array<i32>} : memref<80x128xf32, #tpu.memory_space<vmem>>, vector<1x16xf32>,
        %get3A_1453 = arith.index_cast %add3A_1422 : i32 to index
        %get3A_1454 = arith.constant 48 : index
        %get3A_1455 = tpu.vector_load %arg10[%get3A_1453, %get3A_1454] {strides = array<i32>} : memref<80x128xf32, #tpu.memory_space<vmem>>, vector<1x16xf32>,
        %get3A_1456 = vector.shape_cast %get3A_1455 : vector<1x16xf32> to vector<16xf32>
        %mul3A_1457 = arith.mulf %get3A_1456, %gather3A_1418 : vector<16xf32>
        %swap3A_1458 = arith.index_cast %add3A_1422 : i32 to index
        %swap3A_1459 = arith.constant 48 : index
        %swap3A_1460 = tpu.vector_load %arg10[%swap3A_1458, %swap3A_1459] {strides = array<i32>} : memref<80x128xf32, #tpu.memory_space<vmem>>, vector<1x16xf32>,
        %swap3A_1461 = vector.shape_cast %swap3A_1460 : vector<1x16xf32> to vector<16xf32>
        %swap3A_1462 = vector.shape_cast %mul3A_1457 : vector<16xf32> to vector<1x16xf32>
        tpu.vector_store %arg10[%swap3A_1458, %swap3A_1459], %swap3A_1462 {strides = array<i32>} : memref<80x128xf32, #tpu.memory_space<vmem>>, vector<1x16xf32>,
        %get3A_1463 = arith.index_cast %add3A_1422 : i32 to index
        %get3A_1464 = arith.constant 64 : index
        %get3A_1465 = tpu.vector_load %arg10[%get3A_1463, %get3A_1464] {strides = array<i32>} : memref<80x128xf32, #tpu.memory_space<vmem>>, vector<1x16xf32>,
        %get3A_1466 = vector.shape_cast %get3A_1465 : vector<1x16xf32> to vector<16xf32>
        %mul3A_1467 = arith.mulf %get3A_1466, %gather3A_1418 : vector<16xf32>
        %swap3A_1468 = arith.index_cast %add3A_1422 : i32 to index
        %swap3A_1469 = arith.constant 64 : index
        %swap3A_1470 = tpu.vector_load %arg10[%swap3A_1468, %swap3A_1469] {strides = array<i32>} : memref<80x128xf32, #tpu.memory_space<vmem>>, vector<1x16xf32>,
        %swap3A_1471 = vector.shape_cast %swap3A_1470 : vector<1x16xf32> to vector<16xf32>
        %swap3A_1472 = vector.shape_cast %mul3A_1467 : vector<16xf32> to vector<1x16xf32>
        tpu.vector_store %arg10[%swap3A_1468, %swap3A_1469], %swap3A_1472 {strides = array<i32>} : memref<80x128xf32, #tpu.memory_space<vmem>>, vector<1x16xf32>,
        %get3A_1473 = arith.index_cast %add3A_1422 : i32 to index
        %get3A_1474 = arith.constant 80 : index
        %get3A_1475 = tpu.vector_load %arg10[%get3A_1473, %get3A_1474] {strides = array<i32>} : memref<80x128xf32, #tpu.memory_space<vmem>>, vector<1x16xf32>,
        %get3A_1476 = vector.shape_cast %get3A_1475 : vector<1x16xf32> to vector<16xf32>
        %mul3A_1477 = arith.mulf %get3A_1476, %gather3A_1418 : vector<16xf32>
        %swap3A_1478 = arith.index_cast %add3A_1422 : i32 to index
        %swap3A_1479 = arith.constant 80 : index
        %swap3A_1480 = tpu.vector_load %arg10[%swap3A_1478, %swap3A_1479] {strides = array<i32>} : memref<80x128xf32, #tpu.memory_space<vmem>>, vector<1x16xf32>,
        %swap3A_1481 = vector.shape_cast %swap3A_1480 : vector<1x16xf32> to vector<16xf32>
        %swap3A_1482 = vector.shape_cast %mul3A_1477 : vector<16xf32> to vector<1x16xf32>
        tpu.vector_store %arg10[%swap3A_1478, %swap3A_1479], %swap3A_1482 {strides = array<i32>} : memref<80x128xf32, #tpu.memory_space<vmem>>, vector<1x16xf32>,
        %get3A_1483 = arith.index_cast %add3A_1422 : i32 to index
        %get3A_1484 = arith.constant 96 : index
        %get3A_1485 = tpu.vector_load %arg10[%get3A_1483, %get3A_1484] {strides = array<i32>} : memref<80x128xf32, #tpu.memory_space<vmem>>, vector<1x16xf32>,
        %get3A_1486 = vector.shape_cast %get3A_1485 : vector<1x16xf32> to vector<16xf32>
        %mul3A_1487 = arith.mulf %get3A_1486, %gather3A_1418 : vector<16xf32>
        %swap3A_1488 = arith.index_cast %add3A_1422 : i32 to index
        %swap3A_1489 = arith.constant 96 : index
        %swap3A_1490 = tpu.vector_load %arg10[%swap3A_1488, %swap3A_1489] {strides = array<i32>} : memref<80x128xf32, #tpu.memory_space<vmem>>, vector<1x16xf32>,
        %swap3A_1491 = vector.shape_cast %swap3A_1490 : vector<1x16xf32> to vector<16xf32>
        %swap3A_1492 = vector.shape_cast %mul3A_1487 : vector<16xf32> to vector<1x16xf32>
        tpu.vector_store %arg10[%swap3A_1488, %swap3A_1489], %swap3A_1492 {strides = array<i32>} : memref<80x128xf32, #tpu.memory_space<vmem>>, vector<1x16xf32>,
        %get3A_1493 = arith.index_cast %add3A_1422 : i32 to index
        %get3A_1494 = arith.constant 112 : index
        %get3A_1495 = tpu.vector_load %arg10[%get3A_1493, %get3A_1494] {strides = array<i32>} : memref<80x128xf32, #tpu.memory_space<vmem>>, vector<1x16xf32>,
        %get3A_1496 = vector.shape_cast %get3A_1495 : vector<1x16xf32> to vector<16xf32>
        %mul3A_1497 = arith.mulf %get3A_1496, %gather3A_1418 : vector<16xf32>
        %swap3A_1498 = arith.index_cast %add3A_1422 : i32 to index
        %swap3A_1499 = arith.constant 112 : index
        %swap3A_1500 = tpu.vector_load %arg10[%swap3A_1498, %swap3A_1499] {strides = array<i32>} : memref<80x128xf32, #tpu.memory_space<vmem>>, vector<1x16xf32>,
        %swap3A_1501 = vector.shape_cast %swap3A_1500 : vector<1x16xf32> to vector<16xf32>
        %swap3A_1502 = vector.shape_cast %mul3A_1497 : vector<16xf32> to vector<1x16xf32>
        tpu.vector_store %arg10[%swap3A_1498, %swap3A_1499], %swap3A_1502 {strides = array<i32>} : memref<80x128xf32, #tpu.memory_space<vmem>>, vector<1x16xf32>,
      }
      %scan3A_61 = arith.constant 5 : i32
      %mul3A_62 = arith.constant 80 : i32
      %mul3A_63 = arith.muli %mul3A_41, %mul3A_62 : i32
      "tpu.region"() ({
        %run_scoped3A = tpu.sem_alloc : memref<!tpu.dma_semaphore, #tpu.memory_space<semaphore_mem>>
        %dma_start3A_90 = tpu.memref_slice %arg8[%mul3A_63] : memref<10000xi32, #tpu.memory_space<vmem>> -> memref<80xi32, #tpu.memory_space<vmem>>
        %dma_start3A_91 = arith.constant 0 : i32
        %dma_start3A_92 = arith.constant 0 : i32
        %dma_start3A_93 = tpu.memref_slice %arg12[%dma_start3A_91, %dma_start3A_92] : memref<10000x128xf32, #tpu.memory_space<vmem_shared>> -> memref<10000x128xf32, #tpu.memory_space<vmem_shared>>
        tpu.enqueue_indirect_dma source(%arg10 : memref<80x128xf32, #tpu.memory_space<vmem>>) target(%dma_start3A_93 : memref<10000x128xf32, #tpu.memory_space<vmem_shared>>) offsets(%dma_start3A_90 : memref<80xi32, #tpu.memory_space<vmem>>) semaphore(%run_scoped3A : memref<!tpu.dma_semaphore, #tpu.memory_space<semaphore_mem>>) {add = true}
        %dma_wait3A_94 = tpu.memref_slice %arg8[%mul3A_63] : memref<10000xi32, #tpu.memory_space<vmem>> -> memref<80xi32, #tpu.memory_space<vmem>>
        %dma_wait3A_95 = arith.constant 0 : i32
        %dma_wait3A_96 = arith.constant 0 : i32
        %dma_wait3A_97 = tpu.memref_slice %arg12[%dma_wait3A_95, %dma_wait3A_96] : memref<10000x128xf32, #tpu.memory_space<vmem_shared>> -> memref<10000x128xf32, #tpu.memory_space<vmem_shared>>
        tpu.wait_indirect_dma semaphore(%run_scoped3A : memref<!tpu.dma_semaphore, #tpu.memory_space<semaphore_mem>>) src(%arg10 : memref<80x128xf32, #tpu.memory_space<vmem>>) dst(%dma_wait3A_97 : memref<10000x128xf32, #tpu.memory_space<vmem_shared>>)
        tpu.yield
      }) : () -> ()
      %add3A_64 = arith.constant 2 : i32
      %add3A_65 = arith.addi %mul3A_41, %add3A_64 : i32
      %mul3A_66 = arith.constant 80 : i32
      %mul3A_67 = arith.muli %add3A_65, %mul3A_66 : i32
      %dma_start3A_68 = tpu.memref_slice %arg7[%mul3A_67] : memref<10000xi32, #tpu.memory_space<vmem>> -> memref<80xi32, #tpu.memory_space<vmem>>
      %dma_start3A_69 = arith.constant 0 : i32
      %dma_start3A_70 = arith.constant 0 : i32
      %dma_start3A_71 = tpu.memref_slice %arg2[%dma_start3A_69, %dma_start3A_70] : memref<10000x128xf32, #tpu.memory_space<hbm>> -> memref<10000x128xf32, #tpu.memory_space<hbm>>
      tpu.enqueue_indirect_dma source(%dma_start3A_71 : memref<10000x128xf32, #tpu.memory_space<hbm>>) target(%arg10 : memref<80x128xf32, #tpu.memory_space<vmem>>) offsets(%dma_start3A_68 : memref<80xi32, #tpu.memory_space<vmem>>) semaphore(%arg13 : memref<!tpu.dma_semaphore, #tpu.memory_space<semaphore_mem>>)
      %add3A_72 = arith.constant 1 : i32
      %add3A_73 = arith.addi %mul3A_41, %add3A_72 : i32
      %mul3A_74 = arith.constant 80 : i32
      %mul3A_75 = arith.muli %add3A_73, %mul3A_74 : i32
      %dma_wait3A_76 = tpu.memref_slice %arg7[%mul3A_75] : memref<10000xi32, #tpu.memory_space<vmem>> -> memref<80xi32, #tpu.memory_space<vmem>>
      %dma_wait3A_77 = arith.constant 0 : i32
      %dma_wait3A_78 = arith.constant 0 : i32
      %dma_wait3A_79 = tpu.memref_slice %arg2[%dma_wait3A_77, %dma_wait3A_78] : memref<10000x128xf32, #tpu.memory_space<hbm>> -> memref<10000x128xf32, #tpu.memory_space<hbm>>
      tpu.wait_indirect_dma semaphore(%arg14 : memref<!tpu.dma_semaphore, #tpu.memory_space<semaphore_mem>>) src(%dma_wait3A_79 : memref<10000x128xf32, #tpu.memory_space<hbm>>) dst(%arg11 : memref<80x128xf32, #tpu.memory_space<vmem>>)
      %add3A_80 = arith.constant 1 : i32
      %add3A_81 = arith.addi %mul3A_41, %add3A_80 : i32
      %scan3A_82 = arith.constant 0 : i32
      %scan3A_83 = arith.constant 0 : i32
      %scan3A_84 = arith.constant 5 : i32
      %scan3A_85 = arith.addi %scan3A_83, %scan3A_84 : i32
      %scan3A_86 = arith.constant 1 : i32
      scf.for %scan3A_90 = %scan3A_83 to %scan3A_85 step %scan3A_86  : i32 {
        %mul3A_91 = arith.constant 80 : i32
        %mul3A_92 = arith.muli %add3A_81, %mul3A_91 : i32
        %mul3A_93 = arith.constant 16 : i32
        %mul3A_94 = arith.muli %scan3A_90, %mul3A_93 : i32
        %add3A_95 = arith.addi %mul3A_92, %mul3A_94 : i32
        %multiple_of3A = tpu.assume_multiple %add3A_95, 16 : i32
        %get3A = arith.index_cast %multiple_of3A : i32 to index
        %get3A_96 = tpu.vector_load %arg9[%get3A] {strides = array<i32>} : memref<10000xf32, #tpu.memory_space<vmem>>, vector<16xf32>,
        %get3A_97 = vector.shape_cast %get3A_96 : vector<16xf32> to vector<16xf32>
        %broadcast_in_dim3A = arith.constant 0 : i32
        %broadcast_in_dim3A_98 = vector.broadcast %broadcast_in_dim3A : i32 to vector<16x1xi32>
        %gather3A = vector.shape_cast %broadcast_in_dim3A_98 : vector<16x1xi32> to vector<16xi32>
        %gather3A_99 = tpu.dynamic_gather %get3A_97[%gather3A] in [0] : vector<16xf32>, vector<16xi32> -> vector<16xf32>
        %mul3A_100 = arith.constant 16 : i32
        %mul3A_101 = arith.muli %scan3A_90, %mul3A_100 : i32
        %add3A_102 = arith.constant 0 : i32
        %add3A_103 = arith.addi %mul3A_101, %add3A_102 : i32
        %get3A_104 = arith.index_cast %add3A_103 : i32 to index
        %get3A_105 = arith.constant 0 : index
        %get3A_106 = tpu.vector_load %arg11[%get3A_104, %get3A_105] {strides = array<i32>} : memref<80x128xf32, #tpu.memory_space<vmem>>, vector<1x16xf32>,
        %get3A_107 = vector.shape_cast %get3A_106 : vector<1x16xf32> to vector<16xf32>
        %mul3A_108 = arith.mulf %get3A_107, %gather3A_99 : vector<16xf32>
        %swap3A = arith.index_cast %add3A_103 : i32 to index
        %swap3A_109 = arith.constant 0 : index
        %swap3A_110 = tpu.vector_load %arg11[%swap3A, %swap3A_109] {strides = array<i32>} : memref<80x128xf32, #tpu.memory_space<vmem>>, vector<1x16xf32>,
        %swap3A_111 = vector.shape_cast %swap3A_110 : vector<1x16xf32> to vector<16xf32>
        %swap3A_112 = vector.shape_cast %mul3A_108 : vector<16xf32> to vector<1x16xf32>
        tpu.vector_store %arg11[%swap3A, %swap3A_109], %swap3A_112 {strides = array<i32>} : memref<80x128xf32, #tpu.memory_space<vmem>>, vector<1x16xf32>,
        %get3A_113 = arith.index_cast %add3A_103 : i32 to index
        %get3A_114 = arith.constant 16 : index
        %get3A_115 = tpu.vector_load %arg11[%get3A_113, %get3A_114] {strides = array<i32>} : memref<80x128xf32, #tpu.memory_space<vmem>>, vector<1x16xf32>,
        %get3A_116 = vector.shape_cast %get3A_115 : vector<1x16xf32> to vector<16xf32>
        %mul3A_117 = arith.mulf %get3A_116, %gather3A_99 : vector<16xf32>
        %swap3A_118 = arith.index_cast %add3A_103 : i32 to index
        %swap3A_119 = arith.constant 16 : index
        %swap3A_120 = tpu.vector_load %arg11[%swap3A_118, %swap3A_119] {strides = array<i32>} : memref<80x128xf32, #tpu.memory_space<vmem>>, vector<1x16xf32>,
        %swap3A_121 = vector.shape_cast %swap3A_120 : vector<1x16xf32> to vector<16xf32>
        %swap3A_122 = vector.shape_cast %mul3A_117 : vector<16xf32> to vector<1x16xf32>
        tpu.vector_store %arg11[%swap3A_118, %swap3A_119], %swap3A_122 {strides = array<i32>} : memref<80x128xf32, #tpu.memory_space<vmem>>, vector<1x16xf32>,
        %get3A_123 = arith.index_cast %add3A_103 : i32 to index
        %get3A_124 = arith.constant 32 : index
        %get3A_125 = tpu.vector_load %arg11[%get3A_123, %get3A_124] {strides = array<i32>} : memref<80x128xf32, #tpu.memory_space<vmem>>, vector<1x16xf32>,
        %get3A_126 = vector.shape_cast %get3A_125 : vector<1x16xf32> to vector<16xf32>
        %mul3A_127 = arith.mulf %get3A_126, %gather3A_99 : vector<16xf32>
        %swap3A_128 = arith.index_cast %add3A_103 : i32 to index
        %swap3A_129 = arith.constant 32 : index
        %swap3A_130 = tpu.vector_load %arg11[%swap3A_128, %swap3A_129] {strides = array<i32>} : memref<80x128xf32, #tpu.memory_space<vmem>>, vector<1x16xf32>,
        %swap3A_131 = vector.shape_cast %swap3A_130 : vector<1x16xf32> to vector<16xf32>
        %swap3A_132 = vector.shape_cast %mul3A_127 : vector<16xf32> to vector<1x16xf32>
        tpu.vector_store %arg11[%swap3A_128, %swap3A_129], %swap3A_132 {strides = array<i32>} : memref<80x128xf32, #tpu.memory_space<vmem>>, vector<1x16xf32>,
        %get3A_133 = arith.index_cast %add3A_103 : i32 to index
        %get3A_134 = arith.constant 48 : index
        %get3A_135 = tpu.vector_load %arg11[%get3A_133, %get3A_134] {strides = array<i32>} : memref<80x128xf32, #tpu.memory_space<vmem>>, vector<1x16xf32>,
        %get3A_136 = vector.shape_cast %get3A_135 : vector<1x16xf32> to vector<16xf32>
        %mul3A_137 = arith.mulf %get3A_136, %gather3A_99 : vector<16xf32>
        %swap3A_138 = arith.index_cast %add3A_103 : i32 to index
        %swap3A_139 = arith.constant 48 : index
        %swap3A_140 = tpu.vector_load %arg11[%swap3A_138, %swap3A_139] {strides = array<i32>} : memref<80x128xf32, #tpu.memory_space<vmem>>, vector<1x16xf32>,
        %swap3A_141 = vector.shape_cast %swap3A_140 : vector<1x16xf32> to vector<16xf32>
        %swap3A_142 = vector.shape_cast %mul3A_137 : vector<16xf32> to vector<1x16xf32>
        tpu.vector_store %arg11[%swap3A_138, %swap3A_139], %swap3A_142 {strides = array<i32>} : memref<80x128xf32, #tpu.memory_space<vmem>>, vector<1x16xf32>,
        %get3A_143 = arith.index_cast %add3A_103 : i32 to index
        %get3A_144 = arith.constant 64 : index
        %get3A_145 = tpu.vector_load %arg11[%get3A_143, %get3A_144] {strides = array<i32>} : memref<80x128xf32, #tpu.memory_space<vmem>>, vector<1x16xf32>,
        %get3A_146 = vector.shape_cast %get3A_145 : vector<1x16xf32> to vector<16xf32>
        %mul3A_147 = arith.mulf %get3A_146, %gather3A_99 : vector<16xf32>
        %swap3A_148 = arith.index_cast %add3A_103 : i32 to index
        %swap3A_149 = arith.constant 64 : index
        %swap3A_150 = tpu.vector_load %arg11[%swap3A_148, %swap3A_149] {strides = array<i32>} : memref<80x128xf32, #tpu.memory_space<vmem>>, vector<1x16xf32>,
        %swap3A_151 = vector.shape_cast %swap3A_150 : vector<1x16xf32> to vector<16xf32>
        %swap3A_152 = vector.shape_cast %mul3A_147 : vector<16xf32> to vector<1x16xf32>
        tpu.vector_store %arg11[%swap3A_148, %swap3A_149], %swap3A_152 {strides = array<i32>} : memref<80x128xf32, #tpu.memory_space<vmem>>, vector<1x16xf32>,
        %get3A_153 = arith.index_cast %add3A_103 : i32 to index
        %get3A_154 = arith.constant 80 : index
        %get3A_155 = tpu.vector_load %arg11[%get3A_153, %get3A_154] {strides = array<i32>} : memref<80x128xf32, #tpu.memory_space<vmem>>, vector<1x16xf32>,
        %get3A_156 = vector.shape_cast %get3A_155 : vector<1x16xf32> to vector<16xf32>
        %mul3A_157 = arith.mulf %get3A_156, %gather3A_99 : vector<16xf32>
        %swap3A_158 = arith.index_cast %add3A_103 : i32 to index
        %swap3A_159 = arith.constant 80 : index
        %swap3A_160 = tpu.vector_load %arg11[%swap3A_158, %swap3A_159] {strides = array<i32>} : memref<80x128xf32, #tpu.memory_space<vmem>>, vector<1x16xf32>,
        %swap3A_161 = vector.shape_cast %swap3A_160 : vector<1x16xf32> to vector<16xf32>
        %swap3A_162 = vector.shape_cast %mul3A_157 : vector<16xf32> to vector<1x16xf32>
        tpu.vector_store %arg11[%swap3A_158, %swap3A_159], %swap3A_162 {strides = array<i32>} : memref<80x128xf32, #tpu.memory_space<vmem>>, vector<1x16xf32>,
        %get3A_163 = arith.index_cast %add3A_103 : i32 to index
        %get3A_164 = arith.constant 96 : index
        %get3A_165 = tpu.vector_load %arg11[%get3A_163, %get3A_164] {strides = array<i32>} : memref<80x128xf32, #tpu.memory_space<vmem>>, vector<1x16xf32>,
        %get3A_166 = vector.shape_cast %get3A_165 : vector<1x16xf32> to vector<16xf32>
        %mul3A_167 = arith.mulf %get3A_166, %gather3A_99 : vector<16xf32>
        %swap3A_168 = arith.index_cast %add3A_103 : i32 to index
        %swap3A_169 = arith.constant 96 : index
        %swap3A_170 = tpu.vector_load %arg11[%swap3A_168, %swap3A_169] {strides = array<i32>} : memref<80x128xf32, #tpu.memory_space<vmem>>, vector<1x16xf32>,
        %swap3A_171 = vector.shape_cast %swap3A_170 : vector<1x16xf32> to vector<16xf32>
        %swap3A_172 = vector.shape_cast %mul3A_167 : vector<16xf32> to vector<1x16xf32>
        tpu.vector_store %arg11[%swap3A_168, %swap3A_169], %swap3A_172 {strides = array<i32>} : memref<80x128xf32, #tpu.memory_space<vmem>>, vector<1x16xf32>,
        %get3A_173 = arith.index_cast %add3A_103 : i32 to index
        %get3A_174 = arith.constant 112 : index
        %get3A_175 = tpu.vector_load %arg11[%get3A_173, %get3A_174] {strides = array<i32>} : memref<80x128xf32, #tpu.memory_space<vmem>>, vector<1x16xf32>,
        %get3A_176 = vector.shape_cast %get3A_175 : vector<1x16xf32> to vector<16xf32>
        %mul3A_177 = arith.mulf %get3A_176, %gather3A_99 : vector<16xf32>
        %swap3A_178 = arith.index_cast %add3A_103 : i32 to index
        %swap3A_179 = arith.constant 112 : index
        %swap3A_180 = tpu.vector_load %arg11[%swap3A_178, %swap3A_179] {strides = array<i32>} : memref<80x128xf32, #tpu.memory_space<vmem>>, vector<1x16xf32>,
        %swap3A_181 = vector.shape_cast %swap3A_180 : vector<1x16xf32> to vector<16xf32>
        %swap3A_182 = vector.shape_cast %mul3A_177 : vector<16xf32> to vector<1x16xf32>
        tpu.vector_store %arg11[%swap3A_178, %swap3A_179], %swap3A_182 {strides = array<i32>} : memref<80x128xf32, #tpu.memory_space<vmem>>, vector<1x16xf32>,
        %broadcast_in_dim3A_183 = arith.constant 1 : i32
        %broadcast_in_dim3A_184 = vector.broadcast %broadcast_in_dim3A_183 : i32 to vector<16x1xi32>
        %gather3A_185 = vector.shape_cast %broadcast_in_dim3A_184 : vector<16x1xi32> to vector<16xi32>
        %gather3A_186 = tpu.dynamic_gather %get3A_97[%gather3A_185] in [0] : vector<16xf32>, vector<16xi32> -> vector<16xf32>
        %mul3A_187 = arith.constant 16 : i32
        %mul3A_188 = arith.muli %scan3A_90, %mul3A_187 : i32
        %add3A_189 = arith.constant 1 : i32
        %add3A_190 = arith.addi %mul3A_188, %add3A_189 : i32
        %get3A_191 = arith.index_cast %add3A_190 : i32 to index
        %get3A_192 = arith.constant 0 : index
        %get3A_193 = tpu.vector_load %arg11[%get3A_191, %get3A_192] {strides = array<i32>} : memref<80x128xf32, #tpu.memory_space<vmem>>, vector<1x16xf32>,
        %get3A_194 = vector.shape_cast %get3A_193 : vector<1x16xf32> to vector<16xf32>
        %mul3A_195 = arith.mulf %get3A_194, %gather3A_186 : vector<16xf32>
        %swap3A_196 = arith.index_cast %add3A_190 : i32 to index
        %swap3A_197 = arith.constant 0 : index
        %swap3A_198 = tpu.vector_load %arg11[%swap3A_196, %swap3A_197] {strides = array<i32>} : memref<80x128xf32, #tpu.memory_space<vmem>>, vector<1x16xf32>,
        %swap3A_199 = vector.shape_cast %swap3A_198 : vector<1x16xf32> to vector<16xf32>
        %swap3A_200 = vector.shape_cast %mul3A_195 : vector<16xf32> to vector<1x16xf32>
        tpu.vector_store %arg11[%swap3A_196, %swap3A_197], %swap3A_200 {strides = array<i32>} : memref<80x128xf32, #tpu.memory_space<vmem>>, vector<1x16xf32>,
        %get3A_201 = arith.index_cast %add3A_190 : i32 to index
        %get3A_202 = arith.constant 16 : index
        %get3A_203 = tpu.vector_load %arg11[%get3A_201, %get3A_202] {strides = array<i32>} : memref<80x128xf32, #tpu.memory_space<vmem>>, vector<1x16xf32>,
        %get3A_204 = vector.shape_cast %get3A_203 : vector<1x16xf32> to vector<16xf32>
        %mul3A_205 = arith.mulf %get3A_204, %gather3A_186 : vector<16xf32>
        %swap3A_206 = arith.index_cast %add3A_190 : i32 to index
        %swap3A_207 = arith.constant 16 : index
        %swap3A_208 = tpu.vector_load %arg11[%swap3A_206, %swap3A_207] {strides = array<i32>} : memref<80x128xf32, #tpu.memory_space<vmem>>, vector<1x16xf32>,
        %swap3A_209 = vector.shape_cast %swap3A_208 : vector<1x16xf32> to vector<16xf32>
        %swap3A_210 = vector.shape_cast %mul3A_205 : vector<16xf32> to vector<1x16xf32>
        tpu.vector_store %arg11[%swap3A_206, %swap3A_207], %swap3A_210 {strides = array<i32>} : memref<80x128xf32, #tpu.memory_space<vmem>>, vector<1x16xf32>,
        %get3A_211 = arith.index_cast %add3A_190 : i32 to index
        %get3A_212 = arith.constant 32 : index
        %get3A_213 = tpu.vector_load %arg11[%get3A_211, %get3A_212] {strides = array<i32>} : memref<80x128xf32, #tpu.memory_space<vmem>>, vector<1x16xf32>,
        %get3A_214 = vector.shape_cast %get3A_213 : vector<1x16xf32> to vector<16xf32>
        %mul3A_215 = arith.mulf %get3A_214, %gather3A_186 : vector<16xf32>
        %swap3A_216 = arith.index_cast %add3A_190 : i32 to index
        %swap3A_217 = arith.constant 32 : index
        %swap3A_218 = tpu.vector_load %arg11[%swap3A_216, %swap3A_217] {strides = array<i32>} : memref<80x128xf32, #tpu.memory_space<vmem>>, vector<1x16xf32>,
        %swap3A_219 = vector.shape_cast %swap3A_218 : vector<1x16xf32> to vector<16xf32>
        %swap3A_220 = vector.shape_cast %mul3A_215 : vector<16xf32> to vector<1x16xf32>
        tpu.vector_store %arg11[%swap3A_216, %swap3A_217], %swap3A_220 {strides = array<i32>} : memref<80x128xf32, #tpu.memory_space<vmem>>, vector<1x16xf32>,
        %get3A_221 = arith.index_cast %add3A_190 : i32 to index
        %get3A_222 = arith.constant 48 : index
        %get3A_223 = tpu.vector_load %arg11[%get3A_221, %get3A_222] {strides = array<i32>} : memref<80x128xf32, #tpu.memory_space<vmem>>, vector<1x16xf32>,
        %get3A_224 = vector.shape_cast %get3A_223 : vector<1x16xf32> to vector<16xf32>
        %mul3A_225 = arith.mulf %get3A_224, %gather3A_186 : vector<16xf32>
        %swap3A_226 = arith.index_cast %add3A_190 : i32 to index
        %swap3A_227 = arith.constant 48 : index
        %swap3A_228 = tpu.vector_load %arg11[%swap3A_226, %swap3A_227] {strides = array<i32>} : memref<80x128xf32, #tpu.memory_space<vmem>>, vector<1x16xf32>,
        %swap3A_229 = vector.shape_cast %swap3A_228 : vector<1x16xf32> to vector<16xf32>
        %swap3A_230 = vector.shape_cast %mul3A_225 : vector<16xf32> to vector<1x16xf32>
        tpu.vector_store %arg11[%swap3A_226, %swap3A_227], %swap3A_230 {strides = array<i32>} : memref<80x128xf32, #tpu.memory_space<vmem>>, vector<1x16xf32>,
        %get3A_231 = arith.index_cast %add3A_190 : i32 to index
        %get3A_232 = arith.constant 64 : index
        %get3A_233 = tpu.vector_load %arg11[%get3A_231, %get3A_232] {strides = array<i32>} : memref<80x128xf32, #tpu.memory_space<vmem>>, vector<1x16xf32>,
        %get3A_234 = vector.shape_cast %get3A_233 : vector<1x16xf32> to vector<16xf32>
        %mul3A_235 = arith.mulf %get3A_234, %gather3A_186 : vector<16xf32>
        %swap3A_236 = arith.index_cast %add3A_190 : i32 to index
        %swap3A_237 = arith.constant 64 : index
        %swap3A_238 = tpu.vector_load %arg11[%swap3A_236, %swap3A_237] {strides = array<i32>} : memref<80x128xf32, #tpu.memory_space<vmem>>, vector<1x16xf32>,
        %swap3A_239 = vector.shape_cast %swap3A_238 : vector<1x16xf32> to vector<16xf32>
        %swap3A_240 = vector.shape_cast %mul3A_235 : vector<16xf32> to vector<1x16xf32>
        tpu.vector_store %arg11[%swap3A_236, %swap3A_237], %swap3A_240 {strides = array<i32>} : memref<80x128xf32, #tpu.memory_space<vmem>>, vector<1x16xf32>,
        %get3A_241 = arith.index_cast %add3A_190 : i32 to index
        %get3A_242 = arith.constant 80 : index
        %get3A_243 = tpu.vector_load %arg11[%get3A_241, %get3A_242] {strides = array<i32>} : memref<80x128xf32, #tpu.memory_space<vmem>>, vector<1x16xf32>,
        %get3A_244 = vector.shape_cast %get3A_243 : vector<1x16xf32> to vector<16xf32>
        %mul3A_245 = arith.mulf %get3A_244, %gather3A_186 : vector<16xf32>
        %swap3A_246 = arith.index_cast %add3A_190 : i32 to index
        %swap3A_247 = arith.constant 80 : index
        %swap3A_248 = tpu.vector_load %arg11[%swap3A_246, %swap3A_247] {strides = array<i32>} : memref<80x128xf32, #tpu.memory_space<vmem>>, vector<1x16xf32>,
        %swap3A_249 = vector.shape_cast %swap3A_248 : vector<1x16xf32> to vector<16xf32>
        %swap3A_250 = vector.shape_cast %mul3A_245 : vector<16xf32> to vector<1x16xf32>
        tpu.vector_store %arg11[%swap3A_246, %swap3A_247], %swap3A_250 {strides = array<i32>} : memref<80x128xf32, #tpu.memory_space<vmem>>, vector<1x16xf32>,
        %get3A_251 = arith.index_cast %add3A_190 : i32 to index
        %get3A_252 = arith.constant 96 : index
        %get3A_253 = tpu.vector_load %arg11[%get3A_251, %get3A_252] {strides = array<i32>} : memref<80x128xf32, #tpu.memory_space<vmem>>, vector<1x16xf32>,
        %get3A_254 = vector.shape_cast %get3A_253 : vector<1x16xf32> to vector<16xf32>
        %mul3A_255 = arith.mulf %get3A_254, %gather3A_186 : vector<16xf32>
        %swap3A_256 = arith.index_cast %add3A_190 : i32 to index
        %swap3A_257 = arith.constant 96 : index
        %swap3A_258 = tpu.vector_load %arg11[%swap3A_256, %swap3A_257] {strides = array<i32>} : memref<80x128xf32, #tpu.memory_space<vmem>>, vector<1x16xf32>,
        %swap3A_259 = vector.shape_cast %swap3A_258 : vector<1x16xf32> to vector<16xf32>
        %swap3A_260 = vector.shape_cast %mul3A_255 : vector<16xf32> to vector<1x16xf32>
        tpu.vector_store %arg11[%swap3A_256, %swap3A_257], %swap3A_260 {strides = array<i32>} : memref<80x128xf32, #tpu.memory_space<vmem>>, vector<1x16xf32>,
        %get3A_261 = arith.index_cast %add3A_190 : i32 to index
        %get3A_262 = arith.constant 112 : index
        %get3A_263 = tpu.vector_load %arg11[%get3A_261, %get3A_262] {strides = array<i32>} : memref<80x128xf32, #tpu.memory_space<vmem>>, vector<1x16xf32>,
        %get3A_264 = vector.shape_cast %get3A_263 : vector<1x16xf32> to vector<16xf32>
        %mul3A_265 = arith.mulf %get3A_264, %gather3A_186 : vector<16xf32>
        %swap3A_266 = arith.index_cast %add3A_190 : i32 to index
        %swap3A_267 = arith.constant 112 : index
        %swap3A_268 = tpu.vector_load %arg11[%swap3A_266, %swap3A_267] {strides = array<i32>} : memref<80x128xf32, #tpu.memory_space<vmem>>, vector<1x16xf32>,
        %swap3A_269 = vector.shape_cast %swap3A_268 : vector<1x16xf32> to vector<16xf32>
        %swap3A_270 = vector.shape_cast %mul3A_265 : vector<16xf32> to vector<1x16xf32>
        tpu.vector_store %arg11[%swap3A_266, %swap3A_267], %swap3A_270 {strides = array<i32>} : memref<80x128xf32, #tpu.memory_space<vmem>>, vector<1x16xf32>,
        %broadcast_in_dim3A_271 = arith.constant 2 : i32
        %broadcast_in_dim3A_272 = vector.broadcast %broadcast_in_dim3A_271 : i32 to vector<16x1xi32>
        %gather3A_273 = vector.shape_cast %broadcast_in_dim3A_272 : vector<16x1xi32> to vector<16xi32>
        %gather3A_274 = tpu.dynamic_gather %get3A_97[%gather3A_273] in [0] : vector<16xf32>, vector<16xi32> -> vector<16xf32>
        %mul3A_275 = arith.constant 16 : i32
        %mul3A_276 = arith.muli %scan3A_90, %mul3A_275 : i32
        %add3A_277 = arith.constant 2 : i32
        %add3A_278 = arith.addi %mul3A_276, %add3A_277 : i32
        %get3A_279 = arith.index_cast %add3A_278 : i32 to index
        %get3A_280 = arith.constant 0 : index
        %get3A_281 = tpu.vector_load %arg11[%get3A_279, %get3A_280] {strides = array<i32>} : memref<80x128xf32, #tpu.memory_space<vmem>>, vector<1x16xf32>,
        %get3A_282 = vector.shape_cast %get3A_281 : vector<1x16xf32> to vector<16xf32>
        %mul3A_283 = arith.mulf %get3A_282, %gather3A_274 : vector<16xf32>
        %swap3A_284 = arith.index_cast %add3A_278 : i32 to index
        %swap3A_285 = arith.constant 0 : index
        %swap3A_286 = tpu.vector_load %arg11[%swap3A_284, %swap3A_285] {strides = array<i32>} : memref<80x128xf32, #tpu.memory_space<vmem>>, vector<1x16xf32>,
        %swap3A_287 = vector.shape_cast %swap3A_286 : vector<1x16xf32> to vector<16xf32>
        %swap3A_288 = vector.shape_cast %mul3A_283 : vector<16xf32> to vector<1x16xf32>
        tpu.vector_store %arg11[%swap3A_284, %swap3A_285], %swap3A_288 {strides = array<i32>} : memref<80x128xf32, #tpu.memory_space<vmem>>, vector<1x16xf32>,
        %get3A_289 = arith.index_cast %add3A_278 : i32 to index
        %get3A_290 = arith.constant 16 : index
        %get3A_291 = tpu.vector_load %arg11[%get3A_289, %get3A_290] {strides = array<i32>} : memref<80x128xf32, #tpu.memory_space<vmem>>, vector<1x16xf32>,
        %get3A_292 = vector.shape_cast %get3A_291 : vector<1x16xf32> to vector<16xf32>
        %mul3A_293 = arith.mulf %get3A_292, %gather3A_274 : vector<16xf32>
        %swap3A_294 = arith.index_cast %add3A_278 : i32 to index
        %swap3A_295 = arith.constant 16 : index
        %swap3A_296 = tpu.vector_load %arg11[%swap3A_294, %swap3A_295] {strides = array<i32>} : memref<80x128xf32, #tpu.memory_space<vmem>>, vector<1x16xf32>,
        %swap3A_297 = vector.shape_cast %swap3A_296 : vector<1x16xf32> to vector<16xf32>
        %swap3A_298 = vector.shape_cast %mul3A_293 : vector<16xf32> to vector<1x16xf32>
        tpu.vector_store %arg11[%swap3A_294, %swap3A_295], %swap3A_298 {strides = array<i32>} : memref<80x128xf32, #tpu.memory_space<vmem>>, vector<1x16xf32>,
        %get3A_299 = arith.index_cast %add3A_278 : i32 to index
        %get3A_300 = arith.constant 32 : index
        %get3A_301 = tpu.vector_load %arg11[%get3A_299, %get3A_300] {strides = array<i32>} : memref<80x128xf32, #tpu.memory_space<vmem>>, vector<1x16xf32>,
        %get3A_302 = vector.shape_cast %get3A_301 : vector<1x16xf32> to vector<16xf32>
        %mul3A_303 = arith.mulf %get3A_302, %gather3A_274 : vector<16xf32>
        %swap3A_304 = arith.index_cast %add3A_278 : i32 to index
        %swap3A_305 = arith.constant 32 : index
        %swap3A_306 = tpu.vector_load %arg11[%swap3A_304, %swap3A_305] {strides = array<i32>} : memref<80x128xf32, #tpu.memory_space<vmem>>, vector<1x16xf32>,
        %swap3A_307 = vector.shape_cast %swap3A_306 : vector<1x16xf32> to vector<16xf32>
        %swap3A_308 = vector.shape_cast %mul3A_303 : vector<16xf32> to vector<1x16xf32>
        tpu.vector_store %arg11[%swap3A_304, %swap3A_305], %swap3A_308 {strides = array<i32>} : memref<80x128xf32, #tpu.memory_space<vmem>>, vector<1x16xf32>,
        %get3A_309 = arith.index_cast %add3A_278 : i32 to index
        %get3A_310 = arith.constant 48 : index
        %get3A_311 = tpu.vector_load %arg11[%get3A_309, %get3A_310] {strides = array<i32>} : memref<80x128xf32, #tpu.memory_space<vmem>>, vector<1x16xf32>,
        %get3A_312 = vector.shape_cast %get3A_311 : vector<1x16xf32> to vector<16xf32>
        %mul3A_313 = arith.mulf %get3A_312, %gather3A_274 : vector<16xf32>
        %swap3A_314 = arith.index_cast %add3A_278 : i32 to index
        %swap3A_315 = arith.constant 48 : index
        %swap3A_316 = tpu.vector_load %arg11[%swap3A_314, %swap3A_315] {strides = array<i32>} : memref<80x128xf32, #tpu.memory_space<vmem>>, vector<1x16xf32>,
        %swap3A_317 = vector.shape_cast %swap3A_316 : vector<1x16xf32> to vector<16xf32>
        %swap3A_318 = vector.shape_cast %mul3A_313 : vector<16xf32> to vector<1x16xf32>
        tpu.vector_store %arg11[%swap3A_314, %swap3A_315], %swap3A_318 {strides = array<i32>} : memref<80x128xf32, #tpu.memory_space<vmem>>, vector<1x16xf32>,
        %get3A_319 = arith.index_cast %add3A_278 : i32 to index
        %get3A_320 = arith.constant 64 : index
        %get3A_321 = tpu.vector_load %arg11[%get3A_319, %get3A_320] {strides = array<i32>} : memref<80x128xf32, #tpu.memory_space<vmem>>, vector<1x16xf32>,
        %get3A_322 = vector.shape_cast %get3A_321 : vector<1x16xf32> to vector<16xf32>
        %mul3A_323 = arith.mulf %get3A_322, %gather3A_274 : vector<16xf32>
        %swap3A_324 = arith.index_cast %add3A_278 : i32 to index
        %swap3A_325 = arith.constant 64 : index
        %swap3A_326 = tpu.vector_load %arg11[%swap3A_324, %swap3A_325] {strides = array<i32>} : memref<80x128xf32, #tpu.memory_space<vmem>>, vector<1x16xf32>,
        %swap3A_327 = vector.shape_cast %swap3A_326 : vector<1x16xf32> to vector<16xf32>
        %swap3A_328 = vector.shape_cast %mul3A_323 : vector<16xf32> to vector<1x16xf32>
        tpu.vector_store %arg11[%swap3A_324, %swap3A_325], %swap3A_328 {strides = array<i32>} : memref<80x128xf32, #tpu.memory_space<vmem>>, vector<1x16xf32>,
        %get3A_329 = arith.index_cast %add3A_278 : i32 to index
        %get3A_330 = arith.constant 80 : index
        %get3A_331 = tpu.vector_load %arg11[%get3A_329, %get3A_330] {strides = array<i32>} : memref<80x128xf32, #tpu.memory_space<vmem>>, vector<1x16xf32>,
        %get3A_332 = vector.shape_cast %get3A_331 : vector<1x16xf32> to vector<16xf32>
        %mul3A_333 = arith.mulf %get3A_332, %gather3A_274 : vector<16xf32>
        %swap3A_334 = arith.index_cast %add3A_278 : i32 to index
        %swap3A_335 = arith.constant 80 : index
        %swap3A_336 = tpu.vector_load %arg11[%swap3A_334, %swap3A_335] {strides = array<i32>} : memref<80x128xf32, #tpu.memory_space<vmem>>, vector<1x16xf32>,
        %swap3A_337 = vector.shape_cast %swap3A_336 : vector<1x16xf32> to vector<16xf32>
        %swap3A_338 = vector.shape_cast %mul3A_333 : vector<16xf32> to vector<1x16xf32>
        tpu.vector_store %arg11[%swap3A_334, %swap3A_335], %swap3A_338 {strides = array<i32>} : memref<80x128xf32, #tpu.memory_space<vmem>>, vector<1x16xf32>,
        %get3A_339 = arith.index_cast %add3A_278 : i32 to index
        %get3A_340 = arith.constant 96 : index
        %get3A_341 = tpu.vector_load %arg11[%get3A_339, %get3A_340] {strides = array<i32>} : memref<80x128xf32, #tpu.memory_space<vmem>>, vector<1x16xf32>,
        %get3A_342 = vector.shape_cast %get3A_341 : vector<1x16xf32> to vector<16xf32>
        %mul3A_343 = arith.mulf %get3A_342, %gather3A_274 : vector<16xf32>
        %swap3A_344 = arith.index_cast %add3A_278 : i32 to index
        %swap3A_345 = arith.constant 96 : index
        %swap3A_346 = tpu.vector_load %arg11[%swap3A_344, %swap3A_345] {strides = array<i32>} : memref<80x128xf32, #tpu.memory_space<vmem>>, vector<1x16xf32>,
        %swap3A_347 = vector.shape_cast %swap3A_346 : vector<1x16xf32> to vector<16xf32>
        %swap3A_348 = vector.shape_cast %mul3A_343 : vector<16xf32> to vector<1x16xf32>
        tpu.vector_store %arg11[%swap3A_344, %swap3A_345], %swap3A_348 {strides = array<i32>} : memref<80x128xf32, #tpu.memory_space<vmem>>, vector<1x16xf32>,
        %get3A_349 = arith.index_cast %add3A_278 : i32 to index
        %get3A_350 = arith.constant 112 : index
        %get3A_351 = tpu.vector_load %arg11[%get3A_349, %get3A_350] {strides = array<i32>} : memref<80x128xf32, #tpu.memory_space<vmem>>, vector<1x16xf32>,
        %get3A_352 = vector.shape_cast %get3A_351 : vector<1x16xf32> to vector<16xf32>
        %mul3A_353 = arith.mulf %get3A_352, %gather3A_274 : vector<16xf32>
        %swap3A_354 = arith.index_cast %add3A_278 : i32 to index
        %swap3A_355 = arith.constant 112 : index
        %swap3A_356 = tpu.vector_load %arg11[%swap3A_354, %swap3A_355] {strides = array<i32>} : memref<80x128xf32, #tpu.memory_space<vmem>>, vector<1x16xf32>,
        %swap3A_357 = vector.shape_cast %swap3A_356 : vector<1x16xf32> to vector<16xf32>
        %swap3A_358 = vector.shape_cast %mul3A_353 : vector<16xf32> to vector<1x16xf32>
        tpu.vector_store %arg11[%swap3A_354, %swap3A_355], %swap3A_358 {strides = array<i32>} : memref<80x128xf32, #tpu.memory_space<vmem>>, vector<1x16xf32>,
        %broadcast_in_dim3A_359 = arith.constant 3 : i32
        %broadcast_in_dim3A_360 = vector.broadcast %broadcast_in_dim3A_359 : i32 to vector<16x1xi32>
        %gather3A_361 = vector.shape_cast %broadcast_in_dim3A_360 : vector<16x1xi32> to vector<16xi32>
        %gather3A_362 = tpu.dynamic_gather %get3A_97[%gather3A_361] in [0] : vector<16xf32>, vector<16xi32> -> vector<16xf32>
        %mul3A_363 = arith.constant 16 : i32
        %mul3A_364 = arith.muli %scan3A_90, %mul3A_363 : i32
        %add3A_365 = arith.constant 3 : i32
        %add3A_366 = arith.addi %mul3A_364, %add3A_365 : i32
        %get3A_367 = arith.index_cast %add3A_366 : i32 to index
        %get3A_368 = arith.constant 0 : index
        %get3A_369 = tpu.vector_load %arg11[%get3A_367, %get3A_368] {strides = array<i32>} : memref<80x128xf32, #tpu.memory_space<vmem>>, vector<1x16xf32>,
        %get3A_370 = vector.shape_cast %get3A_369 : vector<1x16xf32> to vector<16xf32>
        %mul3A_371 = arith.mulf %get3A_370, %gather3A_362 : vector<16xf32>
        %swap3A_372 = arith.index_cast %add3A_366 : i32 to index
        %swap3A_373 = arith.constant 0 : index
        %swap3A_374 = tpu.vector_load %arg11[%swap3A_372, %swap3A_373] {strides = array<i32>} : memref<80x128xf32, #tpu.memory_space<vmem>>, vector<1x16xf32>,
        %swap3A_375 = vector.shape_cast %swap3A_374 : vector<1x16xf32> to vector<16xf32>
        %swap3A_376 = vector.shape_cast %mul3A_371 : vector<16xf32> to vector<1x16xf32>
        tpu.vector_store %arg11[%swap3A_372, %swap3A_373], %swap3A_376 {strides = array<i32>} : memref<80x128xf32, #tpu.memory_space<vmem>>, vector<1x16xf32>,
        %get3A_377 = arith.index_cast %add3A_366 : i32 to index
        %get3A_378 = arith.constant 16 : index
        %get3A_379 = tpu.vector_load %arg11[%get3A_377, %get3A_378] {strides = array<i32>} : memref<80x128xf32, #tpu.memory_space<vmem>>, vector<1x16xf32>,
        %get3A_380 = vector.shape_cast %get3A_379 : vector<1x16xf32> to vector<16xf32>
        %mul3A_381 = arith.mulf %get3A_380, %gather3A_362 : vector<16xf32>
        %swap3A_382 = arith.index_cast %add3A_366 : i32 to index
        %swap3A_383 = arith.constant 16 : index
        %swap3A_384 = tpu.vector_load %arg11[%swap3A_382, %swap3A_383] {strides = array<i32>} : memref<80x128xf32, #tpu.memory_space<vmem>>, vector<1x16xf32>,
        %swap3A_385 = vector.shape_cast %swap3A_384 : vector<1x16xf32> to vector<16xf32>
        %swap3A_386 = vector.shape_cast %mul3A_381 : vector<16xf32> to vector<1x16xf32>
        tpu.vector_store %arg11[%swap3A_382, %swap3A_383], %swap3A_386 {strides = array<i32>} : memref<80x128xf32, #tpu.memory_space<vmem>>, vector<1x16xf32>,
        %get3A_387 = arith.index_cast %add3A_366 : i32 to index
        %get3A_388 = arith.constant 32 : index
        %get3A_389 = tpu.vector_load %arg11[%get3A_387, %get3A_388] {strides = array<i32>} : memref<80x128xf32, #tpu.memory_space<vmem>>, vector<1x16xf32>,
        %get3A_390 = vector.shape_cast %get3A_389 : vector<1x16xf32> to vector<16xf32>
        %mul3A_391 = arith.mulf %get3A_390, %gather3A_362 : vector<16xf32>
        %swap3A_392 = arith.index_cast %add3A_366 : i32 to index
        %swap3A_393 = arith.constant 32 : index
        %swap3A_394 = tpu.vector_load %arg11[%swap3A_392, %swap3A_393] {strides = array<i32>} : memref<80x128xf32, #tpu.memory_space<vmem>>, vector<1x16xf32>,
        %swap3A_395 = vector.shape_cast %swap3A_394 : vector<1x16xf32> to vector<16xf32>
        %swap3A_396 = vector.shape_cast %mul3A_391 : vector<16xf32> to vector<1x16xf32>
        tpu.vector_store %arg11[%swap3A_392, %swap3A_393], %swap3A_396 {strides = array<i32>} : memref<80x128xf32, #tpu.memory_space<vmem>>, vector<1x16xf32>,
        %get3A_397 = arith.index_cast %add3A_366 : i32 to index
        %get3A_398 = arith.constant 48 : index
        %get3A_399 = tpu.vector_load %arg11[%get3A_397, %get3A_398] {strides = array<i32>} : memref<80x128xf32, #tpu.memory_space<vmem>>, vector<1x16xf32>,
        %get3A_400 = vector.shape_cast %get3A_399 : vector<1x16xf32> to vector<16xf32>
        %mul3A_401 = arith.mulf %get3A_400, %gather3A_362 : vector<16xf32>
        %swap3A_402 = arith.index_cast %add3A_366 : i32 to index
        %swap3A_403 = arith.constant 48 : index
        %swap3A_404 = tpu.vector_load %arg11[%swap3A_402, %swap3A_403] {strides = array<i32>} : memref<80x128xf32, #tpu.memory_space<vmem>>, vector<1x16xf32>,
        %swap3A_405 = vector.shape_cast %swap3A_404 : vector<1x16xf32> to vector<16xf32>
        %swap3A_406 = vector.shape_cast %mul3A_401 : vector<16xf32> to vector<1x16xf32>
        tpu.vector_store %arg11[%swap3A_402, %swap3A_403], %swap3A_406 {strides = array<i32>} : memref<80x128xf32, #tpu.memory_space<vmem>>, vector<1x16xf32>,
        %get3A_407 = arith.index_cast %add3A_366 : i32 to index
        %get3A_408 = arith.constant 64 : index
        %get3A_409 = tpu.vector_load %arg11[%get3A_407, %get3A_408] {strides = array<i32>} : memref<80x128xf32, #tpu.memory_space<vmem>>, vector<1x16xf32>,
        %get3A_410 = vector.shape_cast %get3A_409 : vector<1x16xf32> to vector<16xf32>
        %mul3A_411 = arith.mulf %get3A_410, %gather3A_362 : vector<16xf32>
        %swap3A_412 = arith.index_cast %add3A_366 : i32 to index
        %swap3A_413 = arith.constant 64 : index
        %swap3A_414 = tpu.vector_load %arg11[%swap3A_412, %swap3A_413] {strides = array<i32>} : memref<80x128xf32, #tpu.memory_space<vmem>>, vector<1x16xf32>,
        %swap3A_415 = vector.shape_cast %swap3A_414 : vector<1x16xf32> to vector<16xf32>
        %swap3A_416 = vector.shape_cast %mul3A_411 : vector<16xf32> to vector<1x16xf32>
        tpu.vector_store %arg11[%swap3A_412, %swap3A_413], %swap3A_416 {strides = array<i32>} : memref<80x128xf32, #tpu.memory_space<vmem>>, vector<1x16xf32>,
        %get3A_417 = arith.index_cast %add3A_366 : i32 to index
        %get3A_418 = arith.constant 80 : index
        %get3A_419 = tpu.vector_load %arg11[%get3A_417, %get3A_418] {strides = array<i32>} : memref<80x128xf32, #tpu.memory_space<vmem>>, vector<1x16xf32>,
        %get3A_420 = vector.shape_cast %get3A_419 : vector<1x16xf32> to vector<16xf32>
        %mul3A_421 = arith.mulf %get3A_420, %gather3A_362 : vector<16xf32>
        %swap3A_422 = arith.index_cast %add3A_366 : i32 to index
        %swap3A_423 = arith.constant 80 : index
        %swap3A_424 = tpu.vector_load %arg11[%swap3A_422, %swap3A_423] {strides = array<i32>} : memref<80x128xf32, #tpu.memory_space<vmem>>, vector<1x16xf32>,
        %swap3A_425 = vector.shape_cast %swap3A_424 : vector<1x16xf32> to vector<16xf32>
        %swap3A_426 = vector.shape_cast %mul3A_421 : vector<16xf32> to vector<1x16xf32>
        tpu.vector_store %arg11[%swap3A_422, %swap3A_423], %swap3A_426 {strides = array<i32>} : memref<80x128xf32, #tpu.memory_space<vmem>>, vector<1x16xf32>,
        %get3A_427 = arith.index_cast %add3A_366 : i32 to index
        %get3A_428 = arith.constant 96 : index
        %get3A_429 = tpu.vector_load %arg11[%get3A_427, %get3A_428] {strides = array<i32>} : memref<80x128xf32, #tpu.memory_space<vmem>>, vector<1x16xf32>,
        %get3A_430 = vector.shape_cast %get3A_429 : vector<1x16xf32> to vector<16xf32>
        %mul3A_431 = arith.mulf %get3A_430, %gather3A_362 : vector<16xf32>
        %swap3A_432 = arith.index_cast %add3A_366 : i32 to index
        %swap3A_433 = arith.constant 96 : index
        %swap3A_434 = tpu.vector_load %arg11[%swap3A_432, %swap3A_433] {strides = array<i32>} : memref<80x128xf32, #tpu.memory_space<vmem>>, vector<1x16xf32>,
        %swap3A_435 = vector.shape_cast %swap3A_434 : vector<1x16xf32> to vector<16xf32>
        %swap3A_436 = vector.shape_cast %mul3A_431 : vector<16xf32> to vector<1x16xf32>
        tpu.vector_store %arg11[%swap3A_432, %swap3A_433], %swap3A_436 {strides = array<i32>} : memref<80x128xf32, #tpu.memory_space<vmem>>, vector<1x16xf32>,
        %get3A_437 = arith.index_cast %add3A_366 : i32 to index
        %get3A_438 = arith.constant 112 : index
        %get3A_439 = tpu.vector_load %arg11[%get3A_437, %get3A_438] {strides = array<i32>} : memref<80x128xf32, #tpu.memory_space<vmem>>, vector<1x16xf32>,
        %get3A_440 = vector.shape_cast %get3A_439 : vector<1x16xf32> to vector<16xf32>
        %mul3A_441 = arith.mulf %get3A_440, %gather3A_362 : vector<16xf32>
        %swap3A_442 = arith.index_cast %add3A_366 : i32 to index
        %swap3A_443 = arith.constant 112 : index
        %swap3A_444 = tpu.vector_load %arg11[%swap3A_442, %swap3A_443] {strides = array<i32>} : memref<80x128xf32, #tpu.memory_space<vmem>>, vector<1x16xf32>,
        %swap3A_445 = vector.shape_cast %swap3A_444 : vector<1x16xf32> to vector<16xf32>
        %swap3A_446 = vector.shape_cast %mul3A_441 : vector<16xf32> to vector<1x16xf32>
        tpu.vector_store %arg11[%swap3A_442, %swap3A_443], %swap3A_446 {strides = array<i32>} : memref<80x128xf32, #tpu.memory_space<vmem>>, vector<1x16xf32>,
        %broadcast_in_dim3A_447 = arith.constant 4 : i32
        %broadcast_in_dim3A_448 = vector.broadcast %broadcast_in_dim3A_447 : i32 to vector<16x1xi32>
        %gather3A_449 = vector.shape_cast %broadcast_in_dim3A_448 : vector<16x1xi32> to vector<16xi32>
        %gather3A_450 = tpu.dynamic_gather %get3A_97[%gather3A_449] in [0] : vector<16xf32>, vector<16xi32> -> vector<16xf32>
        %mul3A_451 = arith.constant 16 : i32
        %mul3A_452 = arith.muli %scan3A_90, %mul3A_451 : i32
        %add3A_453 = arith.constant 4 : i32
        %add3A_454 = arith.addi %mul3A_452, %add3A_453 : i32
        %get3A_455 = arith.index_cast %add3A_454 : i32 to index
        %get3A_456 = arith.constant 0 : index
        %get3A_457 = tpu.vector_load %arg11[%get3A_455, %get3A_456] {strides = array<i32>} : memref<80x128xf32, #tpu.memory_space<vmem>>, vector<1x16xf32>,
        %get3A_458 = vector.shape_cast %get3A_457 : vector<1x16xf32> to vector<16xf32>
        %mul3A_459 = arith.mulf %get3A_458, %gather3A_450 : vector<16xf32>
        %swap3A_460 = arith.index_cast %add3A_454 : i32 to index
        %swap3A_461 = arith.constant 0 : index
        %swap3A_462 = tpu.vector_load %arg11[%swap3A_460, %swap3A_461] {strides = array<i32>} : memref<80x128xf32, #tpu.memory_space<vmem>>, vector<1x16xf32>,
        %swap3A_463 = vector.shape_cast %swap3A_462 : vector<1x16xf32> to vector<16xf32>
        %swap3A_464 = vector.shape_cast %mul3A_459 : vector<16xf32> to vector<1x16xf32>
        tpu.vector_store %arg11[%swap3A_460, %swap3A_461], %swap3A_464 {strides = array<i32>} : memref<80x128xf32, #tpu.memory_space<vmem>>, vector<1x16xf32>,
        %get3A_465 = arith.index_cast %add3A_454 : i32 to index
        %get3A_466 = arith.constant 16 : index
        %get3A_467 = tpu.vector_load %arg11[%get3A_465, %get3A_466] {strides = array<i32>} : memref<80x128xf32, #tpu.memory_space<vmem>>, vector<1x16xf32>,
        %get3A_468 = vector.shape_cast %get3A_467 : vector<1x16xf32> to vector<16xf32>
        %mul3A_469 = arith.mulf %get3A_468, %gather3A_450 : vector<16xf32>
        %swap3A_470 = arith.index_cast %add3A_454 : i32 to index
        %swap3A_471 = arith.constant 16 : index
        %swap3A_472 = tpu.vector_load %arg11[%swap3A_470, %swap3A_471] {strides = array<i32>} : memref<80x128xf32, #tpu.memory_space<vmem>>, vector<1x16xf32>,
        %swap3A_473 = vector.shape_cast %swap3A_472 : vector<1x16xf32> to vector<16xf32>
        %swap3A_474 = vector.shape_cast %mul3A_469 : vector<16xf32> to vector<1x16xf32>
        tpu.vector_store %arg11[%swap3A_470, %swap3A_471], %swap3A_474 {strides = array<i32>} : memref<80x128xf32, #tpu.memory_space<vmem>>, vector<1x16xf32>,
        %get3A_475 = arith.index_cast %add3A_454 : i32 to index
        %get3A_476 = arith.constant 32 : index
        %get3A_477 = tpu.vector_load %arg11[%get3A_475, %get3A_476] {strides = array<i32>} : memref<80x128xf32, #tpu.memory_space<vmem>>, vector<1x16xf32>,
        %get3A_478 = vector.shape_cast %get3A_477 : vector<1x16xf32> to vector<16xf32>
        %mul3A_479 = arith.mulf %get3A_478, %gather3A_450 : vector<16xf32>
        %swap3A_480 = arith.index_cast %add3A_454 : i32 to index
        %swap3A_481 = arith.constant 32 : index
        %swap3A_482 = tpu.vector_load %arg11[%swap3A_480, %swap3A_481] {strides = array<i32>} : memref<80x128xf32, #tpu.memory_space<vmem>>, vector<1x16xf32>,
        %swap3A_483 = vector.shape_cast %swap3A_482 : vector<1x16xf32> to vector<16xf32>
        %swap3A_484 = vector.shape_cast %mul3A_479 : vector<16xf32> to vector<1x16xf32>
        tpu.vector_store %arg11[%swap3A_480, %swap3A_481], %swap3A_484 {strides = array<i32>} : memref<80x128xf32, #tpu.memory_space<vmem>>, vector<1x16xf32>,
        %get3A_485 = arith.index_cast %add3A_454 : i32 to index
        %get3A_486 = arith.constant 48 : index
        %get3A_487 = tpu.vector_load %arg11[%get3A_485, %get3A_486] {strides = array<i32>} : memref<80x128xf32, #tpu.memory_space<vmem>>, vector<1x16xf32>,
        %get3A_488 = vector.shape_cast %get3A_487 : vector<1x16xf32> to vector<16xf32>
        %mul3A_489 = arith.mulf %get3A_488, %gather3A_450 : vector<16xf32>
        %swap3A_490 = arith.index_cast %add3A_454 : i32 to index
        %swap3A_491 = arith.constant 48 : index
        %swap3A_492 = tpu.vector_load %arg11[%swap3A_490, %swap3A_491] {strides = array<i32>} : memref<80x128xf32, #tpu.memory_space<vmem>>, vector<1x16xf32>,
        %swap3A_493 = vector.shape_cast %swap3A_492 : vector<1x16xf32> to vector<16xf32>
        %swap3A_494 = vector.shape_cast %mul3A_489 : vector<16xf32> to vector<1x16xf32>
        tpu.vector_store %arg11[%swap3A_490, %swap3A_491], %swap3A_494 {strides = array<i32>} : memref<80x128xf32, #tpu.memory_space<vmem>>, vector<1x16xf32>,
        %get3A_495 = arith.index_cast %add3A_454 : i32 to index
        %get3A_496 = arith.constant 64 : index
        %get3A_497 = tpu.vector_load %arg11[%get3A_495, %get3A_496] {strides = array<i32>} : memref<80x128xf32, #tpu.memory_space<vmem>>, vector<1x16xf32>,
        %get3A_498 = vector.shape_cast %get3A_497 : vector<1x16xf32> to vector<16xf32>
        %mul3A_499 = arith.mulf %get3A_498, %gather3A_450 : vector<16xf32>
        %swap3A_500 = arith.index_cast %add3A_454 : i32 to index
        %swap3A_501 = arith.constant 64 : index
        %swap3A_502 = tpu.vector_load %arg11[%swap3A_500, %swap3A_501] {strides = array<i32>} : memref<80x128xf32, #tpu.memory_space<vmem>>, vector<1x16xf32>,
        %swap3A_503 = vector.shape_cast %swap3A_502 : vector<1x16xf32> to vector<16xf32>
        %swap3A_504 = vector.shape_cast %mul3A_499 : vector<16xf32> to vector<1x16xf32>
        tpu.vector_store %arg11[%swap3A_500, %swap3A_501], %swap3A_504 {strides = array<i32>} : memref<80x128xf32, #tpu.memory_space<vmem>>, vector<1x16xf32>,
        %get3A_505 = arith.index_cast %add3A_454 : i32 to index
        %get3A_506 = arith.constant 80 : index
        %get3A_507 = tpu.vector_load %arg11[%get3A_505, %get3A_506] {strides = array<i32>} : memref<80x128xf32, #tpu.memory_space<vmem>>, vector<1x16xf32>,
        %get3A_508 = vector.shape_cast %get3A_507 : vector<1x16xf32> to vector<16xf32>
        %mul3A_509 = arith.mulf %get3A_508, %gather3A_450 : vector<16xf32>
        %swap3A_510 = arith.index_cast %add3A_454 : i32 to index
        %swap3A_511 = arith.constant 80 : index
        %swap3A_512 = tpu.vector_load %arg11[%swap3A_510, %swap3A_511] {strides = array<i32>} : memref<80x128xf32, #tpu.memory_space<vmem>>, vector<1x16xf32>,
        %swap3A_513 = vector.shape_cast %swap3A_512 : vector<1x16xf32> to vector<16xf32>
        %swap3A_514 = vector.shape_cast %mul3A_509 : vector<16xf32> to vector<1x16xf32>
        tpu.vector_store %arg11[%swap3A_510, %swap3A_511], %swap3A_514 {strides = array<i32>} : memref<80x128xf32, #tpu.memory_space<vmem>>, vector<1x16xf32>,
        %get3A_515 = arith.index_cast %add3A_454 : i32 to index
        %get3A_516 = arith.constant 96 : index
        %get3A_517 = tpu.vector_load %arg11[%get3A_515, %get3A_516] {strides = array<i32>} : memref<80x128xf32, #tpu.memory_space<vmem>>, vector<1x16xf32>,
        %get3A_518 = vector.shape_cast %get3A_517 : vector<1x16xf32> to vector<16xf32>
        %mul3A_519 = arith.mulf %get3A_518, %gather3A_450 : vector<16xf32>
        %swap3A_520 = arith.index_cast %add3A_454 : i32 to index
        %swap3A_521 = arith.constant 96 : index
        %swap3A_522 = tpu.vector_load %arg11[%swap3A_520, %swap3A_521] {strides = array<i32>} : memref<80x128xf32, #tpu.memory_space<vmem>>, vector<1x16xf32>,
        %swap3A_523 = vector.shape_cast %swap3A_522 : vector<1x16xf32> to vector<16xf32>
        %swap3A_524 = vector.shape_cast %mul3A_519 : vector<16xf32> to vector<1x16xf32>
        tpu.vector_store %arg11[%swap3A_520, %swap3A_521], %swap3A_524 {strides = array<i32>} : memref<80x128xf32, #tpu.memory_space<vmem>>, vector<1x16xf32>,
        %get3A_525 = arith.index_cast %add3A_454 : i32 to index
        %get3A_526 = arith.constant 112 : index
        %get3A_527 = tpu.vector_load %arg11[%get3A_525, %get3A_526] {strides = array<i32>} : memref<80x128xf32, #tpu.memory_space<vmem>>, vector<1x16xf32>,
        %get3A_528 = vector.shape_cast %get3A_527 : vector<1x16xf32> to vector<16xf32>
        %mul3A_529 = arith.mulf %get3A_528, %gather3A_450 : vector<16xf32>
        %swap3A_530 = arith.index_cast %add3A_454 : i32 to index
        %swap3A_531 = arith.constant 112 : index
        %swap3A_532 = tpu.vector_load %arg11[%swap3A_530, %swap3A_531] {strides = array<i32>} : memref<80x128xf32, #tpu.memory_space<vmem>>, vector<1x16xf32>,
        %swap3A_533 = vector.shape_cast %swap3A_532 : vector<1x16xf32> to vector<16xf32>
        %swap3A_534 = vector.shape_cast %mul3A_529 : vector<16xf32> to vector<1x16xf32>
        tpu.vector_store %arg11[%swap3A_530, %swap3A_531], %swap3A_534 {strides = array<i32>} : memref<80x128xf32, #tpu.memory_space<vmem>>, vector<1x16xf32>,
        %broadcast_in_dim3A_535 = arith.constant 5 : i32
        %broadcast_in_dim3A_536 = vector.broadcast %broadcast_in_dim3A_535 : i32 to vector<16x1xi32>
        %gather3A_537 = vector.shape_cast %broadcast_in_dim3A_536 : vector<16x1xi32> to vector<16xi32>
        %gather3A_538 = tpu.dynamic_gather %get3A_97[%gather3A_537] in [0] : vector<16xf32>, vector<16xi32> -> vector<16xf32>
        %mul3A_539 = arith.constant 16 : i32
        %mul3A_540 = arith.muli %scan3A_90, %mul3A_539 : i32
        %add3A_541 = arith.constant 5 : i32
        %add3A_542 = arith.addi %mul3A_540, %add3A_541 : i32
        %get3A_543 = arith.index_cast %add3A_542 : i32 to index
        %get3A_544 = arith.constant 0 : index
        %get3A_545 = tpu.vector_load %arg11[%get3A_543, %get3A_544] {strides = array<i32>} : memref<80x128xf32, #tpu.memory_space<vmem>>, vector<1x16xf32>,
        %get3A_546 = vector.shape_cast %get3A_545 : vector<1x16xf32> to vector<16xf32>
        %mul3A_547 = arith.mulf %get3A_546, %gather3A_538 : vector<16xf32>
        %swap3A_548 = arith.index_cast %add3A_542 : i32 to index
        %swap3A_549 = arith.constant 0 : index
        %swap3A_550 = tpu.vector_load %arg11[%swap3A_548, %swap3A_549] {strides = array<i32>} : memref<80x128xf32, #tpu.memory_space<vmem>>, vector<1x16xf32>,
        %swap3A_551 = vector.shape_cast %swap3A_550 : vector<1x16xf32> to vector<16xf32>
        %swap3A_552 = vector.shape_cast %mul3A_547 : vector<16xf32> to vector<1x16xf32>
        tpu.vector_store %arg11[%swap3A_548, %swap3A_549], %swap3A_552 {strides = array<i32>} : memref<80x128xf32, #tpu.memory_space<vmem>>, vector<1x16xf32>,
        %get3A_553 = arith.index_cast %add3A_542 : i32 to index
        %get3A_554 = arith.constant 16 : index
        %get3A_555 = tpu.vector_load %arg11[%get3A_553, %get3A_554] {strides = array<i32>} : memref<80x128xf32, #tpu.memory_space<vmem>>, vector<1x16xf32>,
        %get3A_556 = vector.shape_cast %get3A_555 : vector<1x16xf32> to vector<16xf32>
        %mul3A_557 = arith.mulf %get3A_556, %gather3A_538 : vector<16xf32>
        %swap3A_558 = arith.index_cast %add3A_542 : i32 to index
        %swap3A_559 = arith.constant 16 : index
        %swap3A_560 = tpu.vector_load %arg11[%swap3A_558, %swap3A_559] {strides = array<i32>} : memref<80x128xf32, #tpu.memory_space<vmem>>, vector<1x16xf32>,
        %swap3A_561 = vector.shape_cast %swap3A_560 : vector<1x16xf32> to vector<16xf32>
        %swap3A_562 = vector.shape_cast %mul3A_557 : vector<16xf32> to vector<1x16xf32>
        tpu.vector_store %arg11[%swap3A_558, %swap3A_559], %swap3A_562 {strides = array<i32>} : memref<80x128xf32, #tpu.memory_space<vmem>>, vector<1x16xf32>,
        %get3A_563 = arith.index_cast %add3A_542 : i32 to index
        %get3A_564 = arith.constant 32 : index
        %get3A_565 = tpu.vector_load %arg11[%get3A_563, %get3A_564] {strides = array<i32>} : memref<80x128xf32, #tpu.memory_space<vmem>>, vector<1x16xf32>,
        %get3A_566 = vector.shape_cast %get3A_565 : vector<1x16xf32> to vector<16xf32>
        %mul3A_567 = arith.mulf %get3A_566, %gather3A_538 : vector<16xf32>
        %swap3A_568 = arith.index_cast %add3A_542 : i32 to index
        %swap3A_569 = arith.constant 32 : index
        %swap3A_570 = tpu.vector_load %arg11[%swap3A_568, %swap3A_569] {strides = array<i32>} : memref<80x128xf32, #tpu.memory_space<vmem>>, vector<1x16xf32>,
        %swap3A_571 = vector.shape_cast %swap3A_570 : vector<1x16xf32> to vector<16xf32>
        %swap3A_572 = vector.shape_cast %mul3A_567 : vector<16xf32> to vector<1x16xf32>
        tpu.vector_store %arg11[%swap3A_568, %swap3A_569], %swap3A_572 {strides = array<i32>} : memref<80x128xf32, #tpu.memory_space<vmem>>, vector<1x16xf32>,
        %get3A_573 = arith.index_cast %add3A_542 : i32 to index
        %get3A_574 = arith.constant 48 : index
        %get3A_575 = tpu.vector_load %arg11[%get3A_573, %get3A_574] {strides = array<i32>} : memref<80x128xf32, #tpu.memory_space<vmem>>, vector<1x16xf32>,
        %get3A_576 = vector.shape_cast %get3A_575 : vector<1x16xf32> to vector<16xf32>
        %mul3A_577 = arith.mulf %get3A_576, %gather3A_538 : vector<16xf32>
        %swap3A_578 = arith.index_cast %add3A_542 : i32 to index
        %swap3A_579 = arith.constant 48 : index
        %swap3A_580 = tpu.vector_load %arg11[%swap3A_578, %swap3A_579] {strides = array<i32>} : memref<80x128xf32, #tpu.memory_space<vmem>>, vector<1x16xf32>,
        %swap3A_581 = vector.shape_cast %swap3A_580 : vector<1x16xf32> to vector<16xf32>
        %swap3A_582 = vector.shape_cast %mul3A_577 : vector<16xf32> to vector<1x16xf32>
        tpu.vector_store %arg11[%swap3A_578, %swap3A_579], %swap3A_582 {strides = array<i32>} : memref<80x128xf32, #tpu.memory_space<vmem>>, vector<1x16xf32>,
        %get3A_583 = arith.index_cast %add3A_542 : i32 to index
        %get3A_584 = arith.constant 64 : index
        %get3A_585 = tpu.vector_load %arg11[%get3A_583, %get3A_584] {strides = array<i32>} : memref<80x128xf32, #tpu.memory_space<vmem>>, vector<1x16xf32>,
        %get3A_586 = vector.shape_cast %get3A_585 : vector<1x16xf32> to vector<16xf32>
        %mul3A_587 = arith.mulf %get3A_586, %gather3A_538 : vector<16xf32>
        %swap3A_588 = arith.index_cast %add3A_542 : i32 to index
        %swap3A_589 = arith.constant 64 : index
        %swap3A_590 = tpu.vector_load %arg11[%swap3A_588, %swap3A_589] {strides = array<i32>} : memref<80x128xf32, #tpu.memory_space<vmem>>, vector<1x16xf32>,
        %swap3A_591 = vector.shape_cast %swap3A_590 : vector<1x16xf32> to vector<16xf32>
        %swap3A_592 = vector.shape_cast %mul3A_587 : vector<16xf32> to vector<1x16xf32>
        tpu.vector_store %arg11[%swap3A_588, %swap3A_589], %swap3A_592 {strides = array<i32>} : memref<80x128xf32, #tpu.memory_space<vmem>>, vector<1x16xf32>,
        %get3A_593 = arith.index_cast %add3A_542 : i32 to index
        %get3A_594 = arith.constant 80 : index
        %get3A_595 = tpu.vector_load %arg11[%get3A_593, %get3A_594] {strides = array<i32>} : memref<80x128xf32, #tpu.memory_space<vmem>>, vector<1x16xf32>,
        %get3A_596 = vector.shape_cast %get3A_595 : vector<1x16xf32> to vector<16xf32>
        %mul3A_597 = arith.mulf %get3A_596, %gather3A_538 : vector<16xf32>
        %swap3A_598 = arith.index_cast %add3A_542 : i32 to index
        %swap3A_599 = arith.constant 80 : index
        %swap3A_600 = tpu.vector_load %arg11[%swap3A_598, %swap3A_599] {strides = array<i32>} : memref<80x128xf32, #tpu.memory_space<vmem>>, vector<1x16xf32>,
        %swap3A_601 = vector.shape_cast %swap3A_600 : vector<1x16xf32> to vector<16xf32>
        %swap3A_602 = vector.shape_cast %mul3A_597 : vector<16xf32> to vector<1x16xf32>
        tpu.vector_store %arg11[%swap3A_598, %swap3A_599], %swap3A_602 {strides = array<i32>} : memref<80x128xf32, #tpu.memory_space<vmem>>, vector<1x16xf32>,
        %get3A_603 = arith.index_cast %add3A_542 : i32 to index
        %get3A_604 = arith.constant 96 : index
        %get3A_605 = tpu.vector_load %arg11[%get3A_603, %get3A_604] {strides = array<i32>} : memref<80x128xf32, #tpu.memory_space<vmem>>, vector<1x16xf32>,
        %get3A_606 = vector.shape_cast %get3A_605 : vector<1x16xf32> to vector<16xf32>
        %mul3A_607 = arith.mulf %get3A_606, %gather3A_538 : vector<16xf32>
        %swap3A_608 = arith.index_cast %add3A_542 : i32 to index
        %swap3A_609 = arith.constant 96 : index
        %swap3A_610 = tpu.vector_load %arg11[%swap3A_608, %swap3A_609] {strides = array<i32>} : memref<80x128xf32, #tpu.memory_space<vmem>>, vector<1x16xf32>,
        %swap3A_611 = vector.shape_cast %swap3A_610 : vector<1x16xf32> to vector<16xf32>
        %swap3A_612 = vector.shape_cast %mul3A_607 : vector<16xf32> to vector<1x16xf32>
        tpu.vector_store %arg11[%swap3A_608, %swap3A_609], %swap3A_612 {strides = array<i32>} : memref<80x128xf32, #tpu.memory_space<vmem>>, vector<1x16xf32>,
        %get3A_613 = arith.index_cast %add3A_542 : i32 to index
        %get3A_614 = arith.constant 112 : index
        %get3A_615 = tpu.vector_load %arg11[%get3A_613, %get3A_614] {strides = array<i32>} : memref<80x128xf32, #tpu.memory_space<vmem>>, vector<1x16xf32>,
        %get3A_616 = vector.shape_cast %get3A_615 : vector<1x16xf32> to vector<16xf32>
        %mul3A_617 = arith.mulf %get3A_616, %gather3A_538 : vector<16xf32>
        %swap3A_618 = arith.index_cast %add3A_542 : i32 to index
        %swap3A_619 = arith.constant 112 : index
        %swap3A_620 = tpu.vector_load %arg11[%swap3A_618, %swap3A_619] {strides = array<i32>} : memref<80x128xf32, #tpu.memory_space<vmem>>, vector<1x16xf32>,
        %swap3A_621 = vector.shape_cast %swap3A_620 : vector<1x16xf32> to vector<16xf32>
        %swap3A_622 = vector.shape_cast %mul3A_617 : vector<16xf32> to vector<1x16xf32>
        tpu.vector_store %arg11[%swap3A_618, %swap3A_619], %swap3A_622 {strides = array<i32>} : memref<80x128xf32, #tpu.memory_space<vmem>>, vector<1x16xf32>,
        %broadcast_in_dim3A_623 = arith.constant 6 : i32
        %broadcast_in_dim3A_624 = vector.broadcast %broadcast_in_dim3A_623 : i32 to vector<16x1xi32>
        %gather3A_625 = vector.shape_cast %broadcast_in_dim3A_624 : vector<16x1xi32> to vector<16xi32>
        %gather3A_626 = tpu.dynamic_gather %get3A_97[%gather3A_625] in [0] : vector<16xf32>, vector<16xi32> -> vector<16xf32>
        %mul3A_627 = arith.constant 16 : i32
        %mul3A_628 = arith.muli %scan3A_90, %mul3A_627 : i32
        %add3A_629 = arith.constant 6 : i32
        %add3A_630 = arith.addi %mul3A_628, %add3A_629 : i32
        %get3A_631 = arith.index_cast %add3A_630 : i32 to index
        %get3A_632 = arith.constant 0 : index
        %get3A_633 = tpu.vector_load %arg11[%get3A_631, %get3A_632] {strides = array<i32>} : memref<80x128xf32, #tpu.memory_space<vmem>>, vector<1x16xf32>,
        %get3A_634 = vector.shape_cast %get3A_633 : vector<1x16xf32> to vector<16xf32>
        %mul3A_635 = arith.mulf %get3A_634, %gather3A_626 : vector<16xf32>
        %swap3A_636 = arith.index_cast %add3A_630 : i32 to index
        %swap3A_637 = arith.constant 0 : index
        %swap3A_638 = tpu.vector_load %arg11[%swap3A_636, %swap3A_637] {strides = array<i32>} : memref<80x128xf32, #tpu.memory_space<vmem>>, vector<1x16xf32>,
        %swap3A_639 = vector.shape_cast %swap3A_638 : vector<1x16xf32> to vector<16xf32>
        %swap3A_640 = vector.shape_cast %mul3A_635 : vector<16xf32> to vector<1x16xf32>
        tpu.vector_store %arg11[%swap3A_636, %swap3A_637], %swap3A_640 {strides = array<i32>} : memref<80x128xf32, #tpu.memory_space<vmem>>, vector<1x16xf32>,
        %get3A_641 = arith.index_cast %add3A_630 : i32 to index
        %get3A_642 = arith.constant 16 : index
        %get3A_643 = tpu.vector_load %arg11[%get3A_641, %get3A_642] {strides = array<i32>} : memref<80x128xf32, #tpu.memory_space<vmem>>, vector<1x16xf32>,
        %get3A_644 = vector.shape_cast %get3A_643 : vector<1x16xf32> to vector<16xf32>
        %mul3A_645 = arith.mulf %get3A_644, %gather3A_626 : vector<16xf32>
        %swap3A_646 = arith.index_cast %add3A_630 : i32 to index
        %swap3A_647 = arith.constant 16 : index
        %swap3A_648 = tpu.vector_load %arg11[%swap3A_646, %swap3A_647] {strides = array<i32>} : memref<80x128xf32, #tpu.memory_space<vmem>>, vector<1x16xf32>,
        %swap3A_649 = vector.shape_cast %swap3A_648 : vector<1x16xf32> to vector<16xf32>
        %swap3A_650 = vector.shape_cast %mul3A_645 : vector<16xf32> to vector<1x16xf32>
        tpu.vector_store %arg11[%swap3A_646, %swap3A_647], %swap3A_650 {strides = array<i32>} : memref<80x128xf32, #tpu.memory_space<vmem>>, vector<1x16xf32>,
        %get3A_651 = arith.index_cast %add3A_630 : i32 to index
        %get3A_652 = arith.constant 32 : index
        %get3A_653 = tpu.vector_load %arg11[%get3A_651, %get3A_652] {strides = array<i32>} : memref<80x128xf32, #tpu.memory_space<vmem>>, vector<1x16xf32>,
        %get3A_654 = vector.shape_cast %get3A_653 : vector<1x16xf32> to vector<16xf32>
        %mul3A_655 = arith.mulf %get3A_654, %gather3A_626 : vector<16xf32>
        %swap3A_656 = arith.index_cast %add3A_630 : i32 to index
        %swap3A_657 = arith.constant 32 : index
        %swap3A_658 = tpu.vector_load %arg11[%swap3A_656, %swap3A_657] {strides = array<i32>} : memref<80x128xf32, #tpu.memory_space<vmem>>, vector<1x16xf32>,
        %swap3A_659 = vector.shape_cast %swap3A_658 : vector<1x16xf32> to vector<16xf32>
        %swap3A_660 = vector.shape_cast %mul3A_655 : vector<16xf32> to vector<1x16xf32>
        tpu.vector_store %arg11[%swap3A_656, %swap3A_657], %swap3A_660 {strides = array<i32>} : memref<80x128xf32, #tpu.memory_space<vmem>>, vector<1x16xf32>,
        %get3A_661 = arith.index_cast %add3A_630 : i32 to index
        %get3A_662 = arith.constant 48 : index
        %get3A_663 = tpu.vector_load %arg11[%get3A_661, %get3A_662] {strides = array<i32>} : memref<80x128xf32, #tpu.memory_space<vmem>>, vector<1x16xf32>,
        %get3A_664 = vector.shape_cast %get3A_663 : vector<1x16xf32> to vector<16xf32>
        %mul3A_665 = arith.mulf %get3A_664, %gather3A_626 : vector<16xf32>
        %swap3A_666 = arith.index_cast %add3A_630 : i32 to index
        %swap3A_667 = arith.constant 48 : index
        %swap3A_668 = tpu.vector_load %arg11[%swap3A_666, %swap3A_667] {strides = array<i32>} : memref<80x128xf32, #tpu.memory_space<vmem>>, vector<1x16xf32>,
        %swap3A_669 = vector.shape_cast %swap3A_668 : vector<1x16xf32> to vector<16xf32>
        %swap3A_670 = vector.shape_cast %mul3A_665 : vector<16xf32> to vector<1x16xf32>
        tpu.vector_store %arg11[%swap3A_666, %swap3A_667], %swap3A_670 {strides = array<i32>} : memref<80x128xf32, #tpu.memory_space<vmem>>, vector<1x16xf32>,
        %get3A_671 = arith.index_cast %add3A_630 : i32 to index
        %get3A_672 = arith.constant 64 : index
        %get3A_673 = tpu.vector_load %arg11[%get3A_671, %get3A_672] {strides = array<i32>} : memref<80x128xf32, #tpu.memory_space<vmem>>, vector<1x16xf32>,
        %get3A_674 = vector.shape_cast %get3A_673 : vector<1x16xf32> to vector<16xf32>
        %mul3A_675 = arith.mulf %get3A_674, %gather3A_626 : vector<16xf32>
        %swap3A_676 = arith.index_cast %add3A_630 : i32 to index
        %swap3A_677 = arith.constant 64 : index
        %swap3A_678 = tpu.vector_load %arg11[%swap3A_676, %swap3A_677] {strides = array<i32>} : memref<80x128xf32, #tpu.memory_space<vmem>>, vector<1x16xf32>,
        %swap3A_679 = vector.shape_cast %swap3A_678 : vector<1x16xf32> to vector<16xf32>
        %swap3A_680 = vector.shape_cast %mul3A_675 : vector<16xf32> to vector<1x16xf32>
        tpu.vector_store %arg11[%swap3A_676, %swap3A_677], %swap3A_680 {strides = array<i32>} : memref<80x128xf32, #tpu.memory_space<vmem>>, vector<1x16xf32>,
        %get3A_681 = arith.index_cast %add3A_630 : i32 to index
        %get3A_682 = arith.constant 80 : index
        %get3A_683 = tpu.vector_load %arg11[%get3A_681, %get3A_682] {strides = array<i32>} : memref<80x128xf32, #tpu.memory_space<vmem>>, vector<1x16xf32>,
        %get3A_684 = vector.shape_cast %get3A_683 : vector<1x16xf32> to vector<16xf32>
        %mul3A_685 = arith.mulf %get3A_684, %gather3A_626 : vector<16xf32>
        %swap3A_686 = arith.index_cast %add3A_630 : i32 to index
        %swap3A_687 = arith.constant 80 : index
        %swap3A_688 = tpu.vector_load %arg11[%swap3A_686, %swap3A_687] {strides = array<i32>} : memref<80x128xf32, #tpu.memory_space<vmem>>, vector<1x16xf32>,
        %swap3A_689 = vector.shape_cast %swap3A_688 : vector<1x16xf32> to vector<16xf32>
        %swap3A_690 = vector.shape_cast %mul3A_685 : vector<16xf32> to vector<1x16xf32>
        tpu.vector_store %arg11[%swap3A_686, %swap3A_687], %swap3A_690 {strides = array<i32>} : memref<80x128xf32, #tpu.memory_space<vmem>>, vector<1x16xf32>,
        %get3A_691 = arith.index_cast %add3A_630 : i32 to index
        %get3A_692 = arith.constant 96 : index
        %get3A_693 = tpu.vector_load %arg11[%get3A_691, %get3A_692] {strides = array<i32>} : memref<80x128xf32, #tpu.memory_space<vmem>>, vector<1x16xf32>,
        %get3A_694 = vector.shape_cast %get3A_693 : vector<1x16xf32> to vector<16xf32>
        %mul3A_695 = arith.mulf %get3A_694, %gather3A_626 : vector<16xf32>
        %swap3A_696 = arith.index_cast %add3A_630 : i32 to index
        %swap3A_697 = arith.constant 96 : index
        %swap3A_698 = tpu.vector_load %arg11[%swap3A_696, %swap3A_697] {strides = array<i32>} : memref<80x128xf32, #tpu.memory_space<vmem>>, vector<1x16xf32>,
        %swap3A_699 = vector.shape_cast %swap3A_698 : vector<1x16xf32> to vector<16xf32>
        %swap3A_700 = vector.shape_cast %mul3A_695 : vector<16xf32> to vector<1x16xf32>
        tpu.vector_store %arg11[%swap3A_696, %swap3A_697], %swap3A_700 {strides = array<i32>} : memref<80x128xf32, #tpu.memory_space<vmem>>, vector<1x16xf32>,
        %get3A_701 = arith.index_cast %add3A_630 : i32 to index
        %get3A_702 = arith.constant 112 : index
        %get3A_703 = tpu.vector_load %arg11[%get3A_701, %get3A_702] {strides = array<i32>} : memref<80x128xf32, #tpu.memory_space<vmem>>, vector<1x16xf32>,
        %get3A_704 = vector.shape_cast %get3A_703 : vector<1x16xf32> to vector<16xf32>
        %mul3A_705 = arith.mulf %get3A_704, %gather3A_626 : vector<16xf32>
        %swap3A_706 = arith.index_cast %add3A_630 : i32 to index
        %swap3A_707 = arith.constant 112 : index
        %swap3A_708 = tpu.vector_load %arg11[%swap3A_706, %swap3A_707] {strides = array<i32>} : memref<80x128xf32, #tpu.memory_space<vmem>>, vector<1x16xf32>,
        %swap3A_709 = vector.shape_cast %swap3A_708 : vector<1x16xf32> to vector<16xf32>
        %swap3A_710 = vector.shape_cast %mul3A_705 : vector<16xf32> to vector<1x16xf32>
        tpu.vector_store %arg11[%swap3A_706, %swap3A_707], %swap3A_710 {strides = array<i32>} : memref<80x128xf32, #tpu.memory_space<vmem>>, vector<1x16xf32>,
        %broadcast_in_dim3A_711 = arith.constant 7 : i32
        %broadcast_in_dim3A_712 = vector.broadcast %broadcast_in_dim3A_711 : i32 to vector<16x1xi32>
        %gather3A_713 = vector.shape_cast %broadcast_in_dim3A_712 : vector<16x1xi32> to vector<16xi32>
        %gather3A_714 = tpu.dynamic_gather %get3A_97[%gather3A_713] in [0] : vector<16xf32>, vector<16xi32> -> vector<16xf32>
        %mul3A_715 = arith.constant 16 : i32
        %mul3A_716 = arith.muli %scan3A_90, %mul3A_715 : i32
        %add3A_717 = arith.constant 7 : i32
        %add3A_718 = arith.addi %mul3A_716, %add3A_717 : i32
        %get3A_719 = arith.index_cast %add3A_718 : i32 to index
        %get3A_720 = arith.constant 0 : index
        %get3A_721 = tpu.vector_load %arg11[%get3A_719, %get3A_720] {strides = array<i32>} : memref<80x128xf32, #tpu.memory_space<vmem>>, vector<1x16xf32>,
        %get3A_722 = vector.shape_cast %get3A_721 : vector<1x16xf32> to vector<16xf32>
        %mul3A_723 = arith.mulf %get3A_722, %gather3A_714 : vector<16xf32>
        %swap3A_724 = arith.index_cast %add3A_718 : i32 to index
        %swap3A_725 = arith.constant 0 : index
        %swap3A_726 = tpu.vector_load %arg11[%swap3A_724, %swap3A_725] {strides = array<i32>} : memref<80x128xf32, #tpu.memory_space<vmem>>, vector<1x16xf32>,
        %swap3A_727 = vector.shape_cast %swap3A_726 : vector<1x16xf32> to vector<16xf32>
        %swap3A_728 = vector.shape_cast %mul3A_723 : vector<16xf32> to vector<1x16xf32>
        tpu.vector_store %arg11[%swap3A_724, %swap3A_725], %swap3A_728 {strides = array<i32>} : memref<80x128xf32, #tpu.memory_space<vmem>>, vector<1x16xf32>,
        %get3A_729 = arith.index_cast %add3A_718 : i32 to index
        %get3A_730 = arith.constant 16 : index
        %get3A_731 = tpu.vector_load %arg11[%get3A_729, %get3A_730] {strides = array<i32>} : memref<80x128xf32, #tpu.memory_space<vmem>>, vector<1x16xf32>,
        %get3A_732 = vector.shape_cast %get3A_731 : vector<1x16xf32> to vector<16xf32>
        %mul3A_733 = arith.mulf %get3A_732, %gather3A_714 : vector<16xf32>
        %swap3A_734 = arith.index_cast %add3A_718 : i32 to index
        %swap3A_735 = arith.constant 16 : index
        %swap3A_736 = tpu.vector_load %arg11[%swap3A_734, %swap3A_735] {strides = array<i32>} : memref<80x128xf32, #tpu.memory_space<vmem>>, vector<1x16xf32>,
        %swap3A_737 = vector.shape_cast %swap3A_736 : vector<1x16xf32> to vector<16xf32>
        %swap3A_738 = vector.shape_cast %mul3A_733 : vector<16xf32> to vector<1x16xf32>
        tpu.vector_store %arg11[%swap3A_734, %swap3A_735], %swap3A_738 {strides = array<i32>} : memref<80x128xf32, #tpu.memory_space<vmem>>, vector<1x16xf32>,
        %get3A_739 = arith.index_cast %add3A_718 : i32 to index
        %get3A_740 = arith.constant 32 : index
        %get3A_741 = tpu.vector_load %arg11[%get3A_739, %get3A_740] {strides = array<i32>} : memref<80x128xf32, #tpu.memory_space<vmem>>, vector<1x16xf32>,
        %get3A_742 = vector.shape_cast %get3A_741 : vector<1x16xf32> to vector<16xf32>
        %mul3A_743 = arith.mulf %get3A_742, %gather3A_714 : vector<16xf32>
        %swap3A_744 = arith.index_cast %add3A_718 : i32 to index
        %swap3A_745 = arith.constant 32 : index
        %swap3A_746 = tpu.vector_load %arg11[%swap3A_744, %swap3A_745] {strides = array<i32>} : memref<80x128xf32, #tpu.memory_space<vmem>>, vector<1x16xf32>,
        %swap3A_747 = vector.shape_cast %swap3A_746 : vector<1x16xf32> to vector<16xf32>
        %swap3A_748 = vector.shape_cast %mul3A_743 : vector<16xf32> to vector<1x16xf32>
        tpu.vector_store %arg11[%swap3A_744, %swap3A_745], %swap3A_748 {strides = array<i32>} : memref<80x128xf32, #tpu.memory_space<vmem>>, vector<1x16xf32>,
        %get3A_749 = arith.index_cast %add3A_718 : i32 to index
        %get3A_750 = arith.constant 48 : index
        %get3A_751 = tpu.vector_load %arg11[%get3A_749, %get3A_750] {strides = array<i32>} : memref<80x128xf32, #tpu.memory_space<vmem>>, vector<1x16xf32>,
        %get3A_752 = vector.shape_cast %get3A_751 : vector<1x16xf32> to vector<16xf32>
        %mul3A_753 = arith.mulf %get3A_752, %gather3A_714 : vector<16xf32>
        %swap3A_754 = arith.index_cast %add3A_718 : i32 to index
        %swap3A_755 = arith.constant 48 : index
        %swap3A_756 = tpu.vector_load %arg11[%swap3A_754, %swap3A_755] {strides = array<i32>} : memref<80x128xf32, #tpu.memory_space<vmem>>, vector<1x16xf32>,
        %swap3A_757 = vector.shape_cast %swap3A_756 : vector<1x16xf32> to vector<16xf32>
        %swap3A_758 = vector.shape_cast %mul3A_753 : vector<16xf32> to vector<1x16xf32>
        tpu.vector_store %arg11[%swap3A_754, %swap3A_755], %swap3A_758 {strides = array<i32>} : memref<80x128xf32, #tpu.memory_space<vmem>>, vector<1x16xf32>,
        %get3A_759 = arith.index_cast %add3A_718 : i32 to index
        %get3A_760 = arith.constant 64 : index
        %get3A_761 = tpu.vector_load %arg11[%get3A_759, %get3A_760] {strides = array<i32>} : memref<80x128xf32, #tpu.memory_space<vmem>>, vector<1x16xf32>,
        %get3A_762 = vector.shape_cast %get3A_761 : vector<1x16xf32> to vector<16xf32>
        %mul3A_763 = arith.mulf %get3A_762, %gather3A_714 : vector<16xf32>
        %swap3A_764 = arith.index_cast %add3A_718 : i32 to index
        %swap3A_765 = arith.constant 64 : index
        %swap3A_766 = tpu.vector_load %arg11[%swap3A_764, %swap3A_765] {strides = array<i32>} : memref<80x128xf32, #tpu.memory_space<vmem>>, vector<1x16xf32>,
        %swap3A_767 = vector.shape_cast %swap3A_766 : vector<1x16xf32> to vector<16xf32>
        %swap3A_768 = vector.shape_cast %mul3A_763 : vector<16xf32> to vector<1x16xf32>
        tpu.vector_store %arg11[%swap3A_764, %swap3A_765], %swap3A_768 {strides = array<i32>} : memref<80x128xf32, #tpu.memory_space<vmem>>, vector<1x16xf32>,
        %get3A_769 = arith.index_cast %add3A_718 : i32 to index
        %get3A_770 = arith.constant 80 : index
        %get3A_771 = tpu.vector_load %arg11[%get3A_769, %get3A_770] {strides = array<i32>} : memref<80x128xf32, #tpu.memory_space<vmem>>, vector<1x16xf32>,
        %get3A_772 = vector.shape_cast %get3A_771 : vector<1x16xf32> to vector<16xf32>
        %mul3A_773 = arith.mulf %get3A_772, %gather3A_714 : vector<16xf32>
        %swap3A_774 = arith.index_cast %add3A_718 : i32 to index
        %swap3A_775 = arith.constant 80 : index
        %swap3A_776 = tpu.vector_load %arg11[%swap3A_774, %swap3A_775] {strides = array<i32>} : memref<80x128xf32, #tpu.memory_space<vmem>>, vector<1x16xf32>,
        %swap3A_777 = vector.shape_cast %swap3A_776 : vector<1x16xf32> to vector<16xf32>
        %swap3A_778 = vector.shape_cast %mul3A_773 : vector<16xf32> to vector<1x16xf32>
        tpu.vector_store %arg11[%swap3A_774, %swap3A_775], %swap3A_778 {strides = array<i32>} : memref<80x128xf32, #tpu.memory_space<vmem>>, vector<1x16xf32>,
        %get3A_779 = arith.index_cast %add3A_718 : i32 to index
        %get3A_780 = arith.constant 96 : index
        %get3A_781 = tpu.vector_load %arg11[%get3A_779, %get3A_780] {strides = array<i32>} : memref<80x128xf32, #tpu.memory_space<vmem>>, vector<1x16xf32>,
        %get3A_782 = vector.shape_cast %get3A_781 : vector<1x16xf32> to vector<16xf32>
        %mul3A_783 = arith.mulf %get3A_782, %gather3A_714 : vector<16xf32>
        %swap3A_784 = arith.index_cast %add3A_718 : i32 to index
        %swap3A_785 = arith.constant 96 : index
        %swap3A_786 = tpu.vector_load %arg11[%swap3A_784, %swap3A_785] {strides = array<i32>} : memref<80x128xf32, #tpu.memory_space<vmem>>, vector<1x16xf32>,
        %swap3A_787 = vector.shape_cast %swap3A_786 : vector<1x16xf32> to vector<16xf32>
        %swap3A_788 = vector.shape_cast %mul3A_783 : vector<16xf32> to vector<1x16xf32>
        tpu.vector_store %arg11[%swap3A_784, %swap3A_785], %swap3A_788 {strides = array<i32>} : memref<80x128xf32, #tpu.memory_space<vmem>>, vector<1x16xf32>,
        %get3A_789 = arith.index_cast %add3A_718 : i32 to index
        %get3A_790 = arith.constant 112 : index
        %get3A_791 = tpu.vector_load %arg11[%get3A_789, %get3A_790] {strides = array<i32>} : memref<80x128xf32, #tpu.memory_space<vmem>>, vector<1x16xf32>,
        %get3A_792 = vector.shape_cast %get3A_791 : vector<1x16xf32> to vector<16xf32>
        %mul3A_793 = arith.mulf %get3A_792, %gather3A_714 : vector<16xf32>
        %swap3A_794 = arith.index_cast %add3A_718 : i32 to index
        %swap3A_795 = arith.constant 112 : index
        %swap3A_796 = tpu.vector_load %arg11[%swap3A_794, %swap3A_795] {strides = array<i32>} : memref<80x128xf32, #tpu.memory_space<vmem>>, vector<1x16xf32>,
        %swap3A_797 = vector.shape_cast %swap3A_796 : vector<1x16xf32> to vector<16xf32>
        %swap3A_798 = vector.shape_cast %mul3A_793 : vector<16xf32> to vector<1x16xf32>
        tpu.vector_store %arg11[%swap3A_794, %swap3A_795], %swap3A_798 {strides = array<i32>} : memref<80x128xf32, #tpu.memory_space<vmem>>, vector<1x16xf32>,
        %broadcast_in_dim3A_799 = arith.constant 8 : i32
        %broadcast_in_dim3A_800 = vector.broadcast %broadcast_in_dim3A_799 : i32 to vector<16x1xi32>
        %gather3A_801 = vector.shape_cast %broadcast_in_dim3A_800 : vector<16x1xi32> to vector<16xi32>
        %gather3A_802 = tpu.dynamic_gather %get3A_97[%gather3A_801] in [0] : vector<16xf32>, vector<16xi32> -> vector<16xf32>
        %mul3A_803 = arith.constant 16 : i32
        %mul3A_804 = arith.muli %scan3A_90, %mul3A_803 : i32
        %add3A_805 = arith.constant 8 : i32
        %add3A_806 = arith.addi %mul3A_804, %add3A_805 : i32
        %get3A_807 = arith.index_cast %add3A_806 : i32 to index
        %get3A_808 = arith.constant 0 : index
        %get3A_809 = tpu.vector_load %arg11[%get3A_807, %get3A_808] {strides = array<i32>} : memref<80x128xf32, #tpu.memory_space<vmem>>, vector<1x16xf32>,
        %get3A_810 = vector.shape_cast %get3A_809 : vector<1x16xf32> to vector<16xf32>
        %mul3A_811 = arith.mulf %get3A_810, %gather3A_802 : vector<16xf32>
        %swap3A_812 = arith.index_cast %add3A_806 : i32 to index
        %swap3A_813 = arith.constant 0 : index
        %swap3A_814 = tpu.vector_load %arg11[%swap3A_812, %swap3A_813] {strides = array<i32>} : memref<80x128xf32, #tpu.memory_space<vmem>>, vector<1x16xf32>,
        %swap3A_815 = vector.shape_cast %swap3A_814 : vector<1x16xf32> to vector<16xf32>
        %swap3A_816 = vector.shape_cast %mul3A_811 : vector<16xf32> to vector<1x16xf32>
        tpu.vector_store %arg11[%swap3A_812, %swap3A_813], %swap3A_816 {strides = array<i32>} : memref<80x128xf32, #tpu.memory_space<vmem>>, vector<1x16xf32>,
        %get3A_817 = arith.index_cast %add3A_806 : i32 to index
        %get3A_818 = arith.constant 16 : index
        %get3A_819 = tpu.vector_load %arg11[%get3A_817, %get3A_818] {strides = array<i32>} : memref<80x128xf32, #tpu.memory_space<vmem>>, vector<1x16xf32>,
        %get3A_820 = vector.shape_cast %get3A_819 : vector<1x16xf32> to vector<16xf32>
        %mul3A_821 = arith.mulf %get3A_820, %gather3A_802 : vector<16xf32>
        %swap3A_822 = arith.index_cast %add3A_806 : i32 to index
        %swap3A_823 = arith.constant 16 : index
        %swap3A_824 = tpu.vector_load %arg11[%swap3A_822, %swap3A_823] {strides = array<i32>} : memref<80x128xf32, #tpu.memory_space<vmem>>, vector<1x16xf32>,
        %swap3A_825 = vector.shape_cast %swap3A_824 : vector<1x16xf32> to vector<16xf32>
        %swap3A_826 = vector.shape_cast %mul3A_821 : vector<16xf32> to vector<1x16xf32>
        tpu.vector_store %arg11[%swap3A_822, %swap3A_823], %swap3A_826 {strides = array<i32>} : memref<80x128xf32, #tpu.memory_space<vmem>>, vector<1x16xf32>,
        %get3A_827 = arith.index_cast %add3A_806 : i32 to index
        %get3A_828 = arith.constant 32 : index
        %get3A_829 = tpu.vector_load %arg11[%get3A_827, %get3A_828] {strides = array<i32>} : memref<80x128xf32, #tpu.memory_space<vmem>>, vector<1x16xf32>,
        %get3A_830 = vector.shape_cast %get3A_829 : vector<1x16xf32> to vector<16xf32>
        %mul3A_831 = arith.mulf %get3A_830, %gather3A_802 : vector<16xf32>
        %swap3A_832 = arith.index_cast %add3A_806 : i32 to index
        %swap3A_833 = arith.constant 32 : index
        %swap3A_834 = tpu.vector_load %arg11[%swap3A_832, %swap3A_833] {strides = array<i32>} : memref<80x128xf32, #tpu.memory_space<vmem>>, vector<1x16xf32>,
        %swap3A_835 = vector.shape_cast %swap3A_834 : vector<1x16xf32> to vector<16xf32>
        %swap3A_836 = vector.shape_cast %mul3A_831 : vector<16xf32> to vector<1x16xf32>
        tpu.vector_store %arg11[%swap3A_832, %swap3A_833], %swap3A_836 {strides = array<i32>} : memref<80x128xf32, #tpu.memory_space<vmem>>, vector<1x16xf32>,
        %get3A_837 = arith.index_cast %add3A_806 : i32 to index
        %get3A_838 = arith.constant 48 : index
        %get3A_839 = tpu.vector_load %arg11[%get3A_837, %get3A_838] {strides = array<i32>} : memref<80x128xf32, #tpu.memory_space<vmem>>, vector<1x16xf32>,
        %get3A_840 = vector.shape_cast %get3A_839 : vector<1x16xf32> to vector<16xf32>
        %mul3A_841 = arith.mulf %get3A_840, %gather3A_802 : vector<16xf32>
        %swap3A_842 = arith.index_cast %add3A_806 : i32 to index
        %swap3A_843 = arith.constant 48 : index
        %swap3A_844 = tpu.vector_load %arg11[%swap3A_842, %swap3A_843] {strides = array<i32>} : memref<80x128xf32, #tpu.memory_space<vmem>>, vector<1x16xf32>,
        %swap3A_845 = vector.shape_cast %swap3A_844 : vector<1x16xf32> to vector<16xf32>
        %swap3A_846 = vector.shape_cast %mul3A_841 : vector<16xf32> to vector<1x16xf32>
        tpu.vector_store %arg11[%swap3A_842, %swap3A_843], %swap3A_846 {strides = array<i32>} : memref<80x128xf32, #tpu.memory_space<vmem>>, vector<1x16xf32>,
        %get3A_847 = arith.index_cast %add3A_806 : i32 to index
        %get3A_848 = arith.constant 64 : index
        %get3A_849 = tpu.vector_load %arg11[%get3A_847, %get3A_848] {strides = array<i32>} : memref<80x128xf32, #tpu.memory_space<vmem>>, vector<1x16xf32>,
        %get3A_850 = vector.shape_cast %get3A_849 : vector<1x16xf32> to vector<16xf32>
        %mul3A_851 = arith.mulf %get3A_850, %gather3A_802 : vector<16xf32>
        %swap3A_852 = arith.index_cast %add3A_806 : i32 to index
        %swap3A_853 = arith.constant 64 : index
        %swap3A_854 = tpu.vector_load %arg11[%swap3A_852, %swap3A_853] {strides = array<i32>} : memref<80x128xf32, #tpu.memory_space<vmem>>, vector<1x16xf32>,
        %swap3A_855 = vector.shape_cast %swap3A_854 : vector<1x16xf32> to vector<16xf32>
        %swap3A_856 = vector.shape_cast %mul3A_851 : vector<16xf32> to vector<1x16xf32>
        tpu.vector_store %arg11[%swap3A_852, %swap3A_853], %swap3A_856 {strides = array<i32>} : memref<80x128xf32, #tpu.memory_space<vmem>>, vector<1x16xf32>,
        %get3A_857 = arith.index_cast %add3A_806 : i32 to index
        %get3A_858 = arith.constant 80 : index
        %get3A_859 = tpu.vector_load %arg11[%get3A_857, %get3A_858] {strides = array<i32>} : memref<80x128xf32, #tpu.memory_space<vmem>>, vector<1x16xf32>,
        %get3A_860 = vector.shape_cast %get3A_859 : vector<1x16xf32> to vector<16xf32>
        %mul3A_861 = arith.mulf %get3A_860, %gather3A_802 : vector<16xf32>
        %swap3A_862 = arith.index_cast %add3A_806 : i32 to index
        %swap3A_863 = arith.constant 80 : index
        %swap3A_864 = tpu.vector_load %arg11[%swap3A_862, %swap3A_863] {strides = array<i32>} : memref<80x128xf32, #tpu.memory_space<vmem>>, vector<1x16xf32>,
        %swap3A_865 = vector.shape_cast %swap3A_864 : vector<1x16xf32> to vector<16xf32>
        %swap3A_866 = vector.shape_cast %mul3A_861 : vector<16xf32> to vector<1x16xf32>
        tpu.vector_store %arg11[%swap3A_862, %swap3A_863], %swap3A_866 {strides = array<i32>} : memref<80x128xf32, #tpu.memory_space<vmem>>, vector<1x16xf32>,
        %get3A_867 = arith.index_cast %add3A_806 : i32 to index
        %get3A_868 = arith.constant 96 : index
        %get3A_869 = tpu.vector_load %arg11[%get3A_867, %get3A_868] {strides = array<i32>} : memref<80x128xf32, #tpu.memory_space<vmem>>, vector<1x16xf32>,
        %get3A_870 = vector.shape_cast %get3A_869 : vector<1x16xf32> to vector<16xf32>
        %mul3A_871 = arith.mulf %get3A_870, %gather3A_802 : vector<16xf32>
        %swap3A_872 = arith.index_cast %add3A_806 : i32 to index
        %swap3A_873 = arith.constant 96 : index
        %swap3A_874 = tpu.vector_load %arg11[%swap3A_872, %swap3A_873] {strides = array<i32>} : memref<80x128xf32, #tpu.memory_space<vmem>>, vector<1x16xf32>,
        %swap3A_875 = vector.shape_cast %swap3A_874 : vector<1x16xf32> to vector<16xf32>
        %swap3A_876 = vector.shape_cast %mul3A_871 : vector<16xf32> to vector<1x16xf32>
        tpu.vector_store %arg11[%swap3A_872, %swap3A_873], %swap3A_876 {strides = array<i32>} : memref<80x128xf32, #tpu.memory_space<vmem>>, vector<1x16xf32>,
        %get3A_877 = arith.index_cast %add3A_806 : i32 to index
        %get3A_878 = arith.constant 112 : index
        %get3A_879 = tpu.vector_load %arg11[%get3A_877, %get3A_878] {strides = array<i32>} : memref<80x128xf32, #tpu.memory_space<vmem>>, vector<1x16xf32>,
        %get3A_880 = vector.shape_cast %get3A_879 : vector<1x16xf32> to vector<16xf32>
        %mul3A_881 = arith.mulf %get3A_880, %gather3A_802 : vector<16xf32>
        %swap3A_882 = arith.index_cast %add3A_806 : i32 to index
        %swap3A_883 = arith.constant 112 : index
        %swap3A_884 = tpu.vector_load %arg11[%swap3A_882, %swap3A_883] {strides = array<i32>} : memref<80x128xf32, #tpu.memory_space<vmem>>, vector<1x16xf32>,
        %swap3A_885 = vector.shape_cast %swap3A_884 : vector<1x16xf32> to vector<16xf32>
        %swap3A_886 = vector.shape_cast %mul3A_881 : vector<16xf32> to vector<1x16xf32>
        tpu.vector_store %arg11[%swap3A_882, %swap3A_883], %swap3A_886 {strides = array<i32>} : memref<80x128xf32, #tpu.memory_space<vmem>>, vector<1x16xf32>,
        %broadcast_in_dim3A_887 = arith.constant 9 : i32
        %broadcast_in_dim3A_888 = vector.broadcast %broadcast_in_dim3A_887 : i32 to vector<16x1xi32>
        %gather3A_889 = vector.shape_cast %broadcast_in_dim3A_888 : vector<16x1xi32> to vector<16xi32>
        %gather3A_890 = tpu.dynamic_gather %get3A_97[%gather3A_889] in [0] : vector<16xf32>, vector<16xi32> -> vector<16xf32>
        %mul3A_891 = arith.constant 16 : i32
        %mul3A_892 = arith.muli %scan3A_90, %mul3A_891 : i32
        %add3A_893 = arith.constant 9 : i32
        %add3A_894 = arith.addi %mul3A_892, %add3A_893 : i32
        %get3A_895 = arith.index_cast %add3A_894 : i32 to index
        %get3A_896 = arith.constant 0 : index
        %get3A_897 = tpu.vector_load %arg11[%get3A_895, %get3A_896] {strides = array<i32>} : memref<80x128xf32, #tpu.memory_space<vmem>>, vector<1x16xf32>,
        %get3A_898 = vector.shape_cast %get3A_897 : vector<1x16xf32> to vector<16xf32>
        %mul3A_899 = arith.mulf %get3A_898, %gather3A_890 : vector<16xf32>
        %swap3A_900 = arith.index_cast %add3A_894 : i32 to index
        %swap3A_901 = arith.constant 0 : index
        %swap3A_902 = tpu.vector_load %arg11[%swap3A_900, %swap3A_901] {strides = array<i32>} : memref<80x128xf32, #tpu.memory_space<vmem>>, vector<1x16xf32>,
        %swap3A_903 = vector.shape_cast %swap3A_902 : vector<1x16xf32> to vector<16xf32>
        %swap3A_904 = vector.shape_cast %mul3A_899 : vector<16xf32> to vector<1x16xf32>
        tpu.vector_store %arg11[%swap3A_900, %swap3A_901], %swap3A_904 {strides = array<i32>} : memref<80x128xf32, #tpu.memory_space<vmem>>, vector<1x16xf32>,
        %get3A_905 = arith.index_cast %add3A_894 : i32 to index
        %get3A_906 = arith.constant 16 : index
        %get3A_907 = tpu.vector_load %arg11[%get3A_905, %get3A_906] {strides = array<i32>} : memref<80x128xf32, #tpu.memory_space<vmem>>, vector<1x16xf32>,
        %get3A_908 = vector.shape_cast %get3A_907 : vector<1x16xf32> to vector<16xf32>
        %mul3A_909 = arith.mulf %get3A_908, %gather3A_890 : vector<16xf32>
        %swap3A_910 = arith.index_cast %add3A_894 : i32 to index
        %swap3A_911 = arith.constant 16 : index
        %swap3A_912 = tpu.vector_load %arg11[%swap3A_910, %swap3A_911] {strides = array<i32>} : memref<80x128xf32, #tpu.memory_space<vmem>>, vector<1x16xf32>,
        %swap3A_913 = vector.shape_cast %swap3A_912 : vector<1x16xf32> to vector<16xf32>
        %swap3A_914 = vector.shape_cast %mul3A_909 : vector<16xf32> to vector<1x16xf32>
        tpu.vector_store %arg11[%swap3A_910, %swap3A_911], %swap3A_914 {strides = array<i32>} : memref<80x128xf32, #tpu.memory_space<vmem>>, vector<1x16xf32>,
        %get3A_915 = arith.index_cast %add3A_894 : i32 to index
        %get3A_916 = arith.constant 32 : index
        %get3A_917 = tpu.vector_load %arg11[%get3A_915, %get3A_916] {strides = array<i32>} : memref<80x128xf32, #tpu.memory_space<vmem>>, vector<1x16xf32>,
        %get3A_918 = vector.shape_cast %get3A_917 : vector<1x16xf32> to vector<16xf32>
        %mul3A_919 = arith.mulf %get3A_918, %gather3A_890 : vector<16xf32>
        %swap3A_920 = arith.index_cast %add3A_894 : i32 to index
        %swap3A_921 = arith.constant 32 : index
        %swap3A_922 = tpu.vector_load %arg11[%swap3A_920, %swap3A_921] {strides = array<i32>} : memref<80x128xf32, #tpu.memory_space<vmem>>, vector<1x16xf32>,
        %swap3A_923 = vector.shape_cast %swap3A_922 : vector<1x16xf32> to vector<16xf32>
        %swap3A_924 = vector.shape_cast %mul3A_919 : vector<16xf32> to vector<1x16xf32>
        tpu.vector_store %arg11[%swap3A_920, %swap3A_921], %swap3A_924 {strides = array<i32>} : memref<80x128xf32, #tpu.memory_space<vmem>>, vector<1x16xf32>,
        %get3A_925 = arith.index_cast %add3A_894 : i32 to index
        %get3A_926 = arith.constant 48 : index
        %get3A_927 = tpu.vector_load %arg11[%get3A_925, %get3A_926] {strides = array<i32>} : memref<80x128xf32, #tpu.memory_space<vmem>>, vector<1x16xf32>,
        %get3A_928 = vector.shape_cast %get3A_927 : vector<1x16xf32> to vector<16xf32>
        %mul3A_929 = arith.mulf %get3A_928, %gather3A_890 : vector<16xf32>
        %swap3A_930 = arith.index_cast %add3A_894 : i32 to index
        %swap3A_931 = arith.constant 48 : index
        %swap3A_932 = tpu.vector_load %arg11[%swap3A_930, %swap3A_931] {strides = array<i32>} : memref<80x128xf32, #tpu.memory_space<vmem>>, vector<1x16xf32>,
        %swap3A_933 = vector.shape_cast %swap3A_932 : vector<1x16xf32> to vector<16xf32>
        %swap3A_934 = vector.shape_cast %mul3A_929 : vector<16xf32> to vector<1x16xf32>
        tpu.vector_store %arg11[%swap3A_930, %swap3A_931], %swap3A_934 {strides = array<i32>} : memref<80x128xf32, #tpu.memory_space<vmem>>, vector<1x16xf32>,
        %get3A_935 = arith.index_cast %add3A_894 : i32 to index
        %get3A_936 = arith.constant 64 : index
        %get3A_937 = tpu.vector_load %arg11[%get3A_935, %get3A_936] {strides = array<i32>} : memref<80x128xf32, #tpu.memory_space<vmem>>, vector<1x16xf32>,
        %get3A_938 = vector.shape_cast %get3A_937 : vector<1x16xf32> to vector<16xf32>
        %mul3A_939 = arith.mulf %get3A_938, %gather3A_890 : vector<16xf32>
        %swap3A_940 = arith.index_cast %add3A_894 : i32 to index
        %swap3A_941 = arith.constant 64 : index
        %swap3A_942 = tpu.vector_load %arg11[%swap3A_940, %swap3A_941] {strides = array<i32>} : memref<80x128xf32, #tpu.memory_space<vmem>>, vector<1x16xf32>,
        %swap3A_943 = vector.shape_cast %swap3A_942 : vector<1x16xf32> to vector<16xf32>
        %swap3A_944 = vector.shape_cast %mul3A_939 : vector<16xf32> to vector<1x16xf32>
        tpu.vector_store %arg11[%swap3A_940, %swap3A_941], %swap3A_944 {strides = array<i32>} : memref<80x128xf32, #tpu.memory_space<vmem>>, vector<1x16xf32>,
        %get3A_945 = arith.index_cast %add3A_894 : i32 to index
        %get3A_946 = arith.constant 80 : index
        %get3A_947 = tpu.vector_load %arg11[%get3A_945, %get3A_946] {strides = array<i32>} : memref<80x128xf32, #tpu.memory_space<vmem>>, vector<1x16xf32>,
        %get3A_948 = vector.shape_cast %get3A_947 : vector<1x16xf32> to vector<16xf32>
        %mul3A_949 = arith.mulf %get3A_948, %gather3A_890 : vector<16xf32>
        %swap3A_950 = arith.index_cast %add3A_894 : i32 to index
        %swap3A_951 = arith.constant 80 : index
        %swap3A_952 = tpu.vector_load %arg11[%swap3A_950, %swap3A_951] {strides = array<i32>} : memref<80x128xf32, #tpu.memory_space<vmem>>, vector<1x16xf32>,
        %swap3A_953 = vector.shape_cast %swap3A_952 : vector<1x16xf32> to vector<16xf32>
        %swap3A_954 = vector.shape_cast %mul3A_949 : vector<16xf32> to vector<1x16xf32>
        tpu.vector_store %arg11[%swap3A_950, %swap3A_951], %swap3A_954 {strides = array<i32>} : memref<80x128xf32, #tpu.memory_space<vmem>>, vector<1x16xf32>,
        %get3A_955 = arith.index_cast %add3A_894 : i32 to index
        %get3A_956 = arith.constant 96 : index
        %get3A_957 = tpu.vector_load %arg11[%get3A_955, %get3A_956] {strides = array<i32>} : memref<80x128xf32, #tpu.memory_space<vmem>>, vector<1x16xf32>,
        %get3A_958 = vector.shape_cast %get3A_957 : vector<1x16xf32> to vector<16xf32>
        %mul3A_959 = arith.mulf %get3A_958, %gather3A_890 : vector<16xf32>
        %swap3A_960 = arith.index_cast %add3A_894 : i32 to index
        %swap3A_961 = arith.constant 96 : index
        %swap3A_962 = tpu.vector_load %arg11[%swap3A_960, %swap3A_961] {strides = array<i32>} : memref<80x128xf32, #tpu.memory_space<vmem>>, vector<1x16xf32>,
        %swap3A_963 = vector.shape_cast %swap3A_962 : vector<1x16xf32> to vector<16xf32>
        %swap3A_964 = vector.shape_cast %mul3A_959 : vector<16xf32> to vector<1x16xf32>
        tpu.vector_store %arg11[%swap3A_960, %swap3A_961], %swap3A_964 {strides = array<i32>} : memref<80x128xf32, #tpu.memory_space<vmem>>, vector<1x16xf32>,
        %get3A_965 = arith.index_cast %add3A_894 : i32 to index
        %get3A_966 = arith.constant 112 : index
        %get3A_967 = tpu.vector_load %arg11[%get3A_965, %get3A_966] {strides = array<i32>} : memref<80x128xf32, #tpu.memory_space<vmem>>, vector<1x16xf32>,
        %get3A_968 = vector.shape_cast %get3A_967 : vector<1x16xf32> to vector<16xf32>
        %mul3A_969 = arith.mulf %get3A_968, %gather3A_890 : vector<16xf32>
        %swap3A_970 = arith.index_cast %add3A_894 : i32 to index
        %swap3A_971 = arith.constant 112 : index
        %swap3A_972 = tpu.vector_load %arg11[%swap3A_970, %swap3A_971] {strides = array<i32>} : memref<80x128xf32, #tpu.memory_space<vmem>>, vector<1x16xf32>,
        %swap3A_973 = vector.shape_cast %swap3A_972 : vector<1x16xf32> to vector<16xf32>
        %swap3A_974 = vector.shape_cast %mul3A_969 : vector<16xf32> to vector<1x16xf32>
        tpu.vector_store %arg11[%swap3A_970, %swap3A_971], %swap3A_974 {strides = array<i32>} : memref<80x128xf32, #tpu.memory_space<vmem>>, vector<1x16xf32>,
        %broadcast_in_dim3A_975 = arith.constant 10 : i32
        %broadcast_in_dim3A_976 = vector.broadcast %broadcast_in_dim3A_975 : i32 to vector<16x1xi32>
        %gather3A_977 = vector.shape_cast %broadcast_in_dim3A_976 : vector<16x1xi32> to vector<16xi32>
        %gather3A_978 = tpu.dynamic_gather %get3A_97[%gather3A_977] in [0] : vector<16xf32>, vector<16xi32> -> vector<16xf32>
        %mul3A_979 = arith.constant 16 : i32
        %mul3A_980 = arith.muli %scan3A_90, %mul3A_979 : i32
        %add3A_981 = arith.constant 10 : i32
        %add3A_982 = arith.addi %mul3A_980, %add3A_981 : i32
        %get3A_983 = arith.index_cast %add3A_982 : i32 to index
        %get3A_984 = arith.constant 0 : index
        %get3A_985 = tpu.vector_load %arg11[%get3A_983, %get3A_984] {strides = array<i32>} : memref<80x128xf32, #tpu.memory_space<vmem>>, vector<1x16xf32>,
        %get3A_986 = vector.shape_cast %get3A_985 : vector<1x16xf32> to vector<16xf32>
        %mul3A_987 = arith.mulf %get3A_986, %gather3A_978 : vector<16xf32>
        %swap3A_988 = arith.index_cast %add3A_982 : i32 to index
        %swap3A_989 = arith.constant 0 : index
        %swap3A_990 = tpu.vector_load %arg11[%swap3A_988, %swap3A_989] {strides = array<i32>} : memref<80x128xf32, #tpu.memory_space<vmem>>, vector<1x16xf32>,
        %swap3A_991 = vector.shape_cast %swap3A_990 : vector<1x16xf32> to vector<16xf32>
        %swap3A_992 = vector.shape_cast %mul3A_987 : vector<16xf32> to vector<1x16xf32>
        tpu.vector_store %arg11[%swap3A_988, %swap3A_989], %swap3A_992 {strides = array<i32>} : memref<80x128xf32, #tpu.memory_space<vmem>>, vector<1x16xf32>,
        %get3A_993 = arith.index_cast %add3A_982 : i32 to index
        %get3A_994 = arith.constant 16 : index
        %get3A_995 = tpu.vector_load %arg11[%get3A_993, %get3A_994] {strides = array<i32>} : memref<80x128xf32, #tpu.memory_space<vmem>>, vector<1x16xf32>,
        %get3A_996 = vector.shape_cast %get3A_995 : vector<1x16xf32> to vector<16xf32>
        %mul3A_997 = arith.mulf %get3A_996, %gather3A_978 : vector<16xf32>
        %swap3A_998 = arith.index_cast %add3A_982 : i32 to index
        %swap3A_999 = arith.constant 16 : index
        %swap3A_1000 = tpu.vector_load %arg11[%swap3A_998, %swap3A_999] {strides = array<i32>} : memref<80x128xf32, #tpu.memory_space<vmem>>, vector<1x16xf32>,
        %swap3A_1001 = vector.shape_cast %swap3A_1000 : vector<1x16xf32> to vector<16xf32>
        %swap3A_1002 = vector.shape_cast %mul3A_997 : vector<16xf32> to vector<1x16xf32>
        tpu.vector_store %arg11[%swap3A_998, %swap3A_999], %swap3A_1002 {strides = array<i32>} : memref<80x128xf32, #tpu.memory_space<vmem>>, vector<1x16xf32>,
        %get3A_1003 = arith.index_cast %add3A_982 : i32 to index
        %get3A_1004 = arith.constant 32 : index
        %get3A_1005 = tpu.vector_load %arg11[%get3A_1003, %get3A_1004] {strides = array<i32>} : memref<80x128xf32, #tpu.memory_space<vmem>>, vector<1x16xf32>,
        %get3A_1006 = vector.shape_cast %get3A_1005 : vector<1x16xf32> to vector<16xf32>
        %mul3A_1007 = arith.mulf %get3A_1006, %gather3A_978 : vector<16xf32>
        %swap3A_1008 = arith.index_cast %add3A_982 : i32 to index
        %swap3A_1009 = arith.constant 32 : index
        %swap3A_1010 = tpu.vector_load %arg11[%swap3A_1008, %swap3A_1009] {strides = array<i32>} : memref<80x128xf32, #tpu.memory_space<vmem>>, vector<1x16xf32>,
        %swap3A_1011 = vector.shape_cast %swap3A_1010 : vector<1x16xf32> to vector<16xf32>
        %swap3A_1012 = vector.shape_cast %mul3A_1007 : vector<16xf32> to vector<1x16xf32>
        tpu.vector_store %arg11[%swap3A_1008, %swap3A_1009], %swap3A_1012 {strides = array<i32>} : memref<80x128xf32, #tpu.memory_space<vmem>>, vector<1x16xf32>,
        %get3A_1013 = arith.index_cast %add3A_982 : i32 to index
        %get3A_1014 = arith.constant 48 : index
        %get3A_1015 = tpu.vector_load %arg11[%get3A_1013, %get3A_1014] {strides = array<i32>} : memref<80x128xf32, #tpu.memory_space<vmem>>, vector<1x16xf32>,
        %get3A_1016 = vector.shape_cast %get3A_1015 : vector<1x16xf32> to vector<16xf32>
        %mul3A_1017 = arith.mulf %get3A_1016, %gather3A_978 : vector<16xf32>
        %swap3A_1018 = arith.index_cast %add3A_982 : i32 to index
        %swap3A_1019 = arith.constant 48 : index
        %swap3A_1020 = tpu.vector_load %arg11[%swap3A_1018, %swap3A_1019] {strides = array<i32>} : memref<80x128xf32, #tpu.memory_space<vmem>>, vector<1x16xf32>,
        %swap3A_1021 = vector.shape_cast %swap3A_1020 : vector<1x16xf32> to vector<16xf32>
        %swap3A_1022 = vector.shape_cast %mul3A_1017 : vector<16xf32> to vector<1x16xf32>
        tpu.vector_store %arg11[%swap3A_1018, %swap3A_1019], %swap3A_1022 {strides = array<i32>} : memref<80x128xf32, #tpu.memory_space<vmem>>, vector<1x16xf32>,
        %get3A_1023 = arith.index_cast %add3A_982 : i32 to index
        %get3A_1024 = arith.constant 64 : index
        %get3A_1025 = tpu.vector_load %arg11[%get3A_1023, %get3A_1024] {strides = array<i32>} : memref<80x128xf32, #tpu.memory_space<vmem>>, vector<1x16xf32>,
        %get3A_1026 = vector.shape_cast %get3A_1025 : vector<1x16xf32> to vector<16xf32>
        %mul3A_1027 = arith.mulf %get3A_1026, %gather3A_978 : vector<16xf32>
        %swap3A_1028 = arith.index_cast %add3A_982 : i32 to index
        %swap3A_1029 = arith.constant 64 : index
        %swap3A_1030 = tpu.vector_load %arg11[%swap3A_1028, %swap3A_1029] {strides = array<i32>} : memref<80x128xf32, #tpu.memory_space<vmem>>, vector<1x16xf32>,
        %swap3A_1031 = vector.shape_cast %swap3A_1030 : vector<1x16xf32> to vector<16xf32>
        %swap3A_1032 = vector.shape_cast %mul3A_1027 : vector<16xf32> to vector<1x16xf32>
        tpu.vector_store %arg11[%swap3A_1028, %swap3A_1029], %swap3A_1032 {strides = array<i32>} : memref<80x128xf32, #tpu.memory_space<vmem>>, vector<1x16xf32>,
        %get3A_1033 = arith.index_cast %add3A_982 : i32 to index
        %get3A_1034 = arith.constant 80 : index
        %get3A_1035 = tpu.vector_load %arg11[%get3A_1033, %get3A_1034] {strides = array<i32>} : memref<80x128xf32, #tpu.memory_space<vmem>>, vector<1x16xf32>,
        %get3A_1036 = vector.shape_cast %get3A_1035 : vector<1x16xf32> to vector<16xf32>
        %mul3A_1037 = arith.mulf %get3A_1036, %gather3A_978 : vector<16xf32>
        %swap3A_1038 = arith.index_cast %add3A_982 : i32 to index
        %swap3A_1039 = arith.constant 80 : index
        %swap3A_1040 = tpu.vector_load %arg11[%swap3A_1038, %swap3A_1039] {strides = array<i32>} : memref<80x128xf32, #tpu.memory_space<vmem>>, vector<1x16xf32>,
        %swap3A_1041 = vector.shape_cast %swap3A_1040 : vector<1x16xf32> to vector<16xf32>
        %swap3A_1042 = vector.shape_cast %mul3A_1037 : vector<16xf32> to vector<1x16xf32>
        tpu.vector_store %arg11[%swap3A_1038, %swap3A_1039], %swap3A_1042 {strides = array<i32>} : memref<80x128xf32, #tpu.memory_space<vmem>>, vector<1x16xf32>,
        %get3A_1043 = arith.index_cast %add3A_982 : i32 to index
        %get3A_1044 = arith.constant 96 : index
        %get3A_1045 = tpu.vector_load %arg11[%get3A_1043, %get3A_1044] {strides = array<i32>} : memref<80x128xf32, #tpu.memory_space<vmem>>, vector<1x16xf32>,
        %get3A_1046 = vector.shape_cast %get3A_1045 : vector<1x16xf32> to vector<16xf32>
        %mul3A_1047 = arith.mulf %get3A_1046, %gather3A_978 : vector<16xf32>
        %swap3A_1048 = arith.index_cast %add3A_982 : i32 to index
        %swap3A_1049 = arith.constant 96 : index
        %swap3A_1050 = tpu.vector_load %arg11[%swap3A_1048, %swap3A_1049] {strides = array<i32>} : memref<80x128xf32, #tpu.memory_space<vmem>>, vector<1x16xf32>,
        %swap3A_1051 = vector.shape_cast %swap3A_1050 : vector<1x16xf32> to vector<16xf32>
        %swap3A_1052 = vector.shape_cast %mul3A_1047 : vector<16xf32> to vector<1x16xf32>
        tpu.vector_store %arg11[%swap3A_1048, %swap3A_1049], %swap3A_1052 {strides = array<i32>} : memref<80x128xf32, #tpu.memory_space<vmem>>, vector<1x16xf32>,
        %get3A_1053 = arith.index_cast %add3A_982 : i32 to index
        %get3A_1054 = arith.constant 112 : index
        %get3A_1055 = tpu.vector_load %arg11[%get3A_1053, %get3A_1054] {strides = array<i32>} : memref<80x128xf32, #tpu.memory_space<vmem>>, vector<1x16xf32>,
        %get3A_1056 = vector.shape_cast %get3A_1055 : vector<1x16xf32> to vector<16xf32>
        %mul3A_1057 = arith.mulf %get3A_1056, %gather3A_978 : vector<16xf32>
        %swap3A_1058 = arith.index_cast %add3A_982 : i32 to index
        %swap3A_1059 = arith.constant 112 : index
        %swap3A_1060 = tpu.vector_load %arg11[%swap3A_1058, %swap3A_1059] {strides = array<i32>} : memref<80x128xf32, #tpu.memory_space<vmem>>, vector<1x16xf32>,
        %swap3A_1061 = vector.shape_cast %swap3A_1060 : vector<1x16xf32> to vector<16xf32>
        %swap3A_1062 = vector.shape_cast %mul3A_1057 : vector<16xf32> to vector<1x16xf32>
        tpu.vector_store %arg11[%swap3A_1058, %swap3A_1059], %swap3A_1062 {strides = array<i32>} : memref<80x128xf32, #tpu.memory_space<vmem>>, vector<1x16xf32>,
        %broadcast_in_dim3A_1063 = arith.constant 11 : i32
        %broadcast_in_dim3A_1064 = vector.broadcast %broadcast_in_dim3A_1063 : i32 to vector<16x1xi32>
        %gather3A_1065 = vector.shape_cast %broadcast_in_dim3A_1064 : vector<16x1xi32> to vector<16xi32>
        %gather3A_1066 = tpu.dynamic_gather %get3A_97[%gather3A_1065] in [0] : vector<16xf32>, vector<16xi32> -> vector<16xf32>
        %mul3A_1067 = arith.constant 16 : i32
        %mul3A_1068 = arith.muli %scan3A_90, %mul3A_1067 : i32
        %add3A_1069 = arith.constant 11 : i32
        %add3A_1070 = arith.addi %mul3A_1068, %add3A_1069 : i32
        %get3A_1071 = arith.index_cast %add3A_1070 : i32 to index
        %get3A_1072 = arith.constant 0 : index
        %get3A_1073 = tpu.vector_load %arg11[%get3A_1071, %get3A_1072] {strides = array<i32>} : memref<80x128xf32, #tpu.memory_space<vmem>>, vector<1x16xf32>,
        %get3A_1074 = vector.shape_cast %get3A_1073 : vector<1x16xf32> to vector<16xf32>
        %mul3A_1075 = arith.mulf %get3A_1074, %gather3A_1066 : vector<16xf32>
        %swap3A_1076 = arith.index_cast %add3A_1070 : i32 to index
        %swap3A_1077 = arith.constant 0 : index
        %swap3A_1078 = tpu.vector_load %arg11[%swap3A_1076, %swap3A_1077] {strides = array<i32>} : memref<80x128xf32, #tpu.memory_space<vmem>>, vector<1x16xf32>,
        %swap3A_1079 = vector.shape_cast %swap3A_1078 : vector<1x16xf32> to vector<16xf32>
        %swap3A_1080 = vector.shape_cast %mul3A_1075 : vector<16xf32> to vector<1x16xf32>
        tpu.vector_store %arg11[%swap3A_1076, %swap3A_1077], %swap3A_1080 {strides = array<i32>} : memref<80x128xf32, #tpu.memory_space<vmem>>, vector<1x16xf32>,
        %get3A_1081 = arith.index_cast %add3A_1070 : i32 to index
        %get3A_1082 = arith.constant 16 : index
        %get3A_1083 = tpu.vector_load %arg11[%get3A_1081, %get3A_1082] {strides = array<i32>} : memref<80x128xf32, #tpu.memory_space<vmem>>, vector<1x16xf32>,
        %get3A_1084 = vector.shape_cast %get3A_1083 : vector<1x16xf32> to vector<16xf32>
        %mul3A_1085 = arith.mulf %get3A_1084, %gather3A_1066 : vector<16xf32>
        %swap3A_1086 = arith.index_cast %add3A_1070 : i32 to index
        %swap3A_1087 = arith.constant 16 : index
        %swap3A_1088 = tpu.vector_load %arg11[%swap3A_1086, %swap3A_1087] {strides = array<i32>} : memref<80x128xf32, #tpu.memory_space<vmem>>, vector<1x16xf32>,
        %swap3A_1089 = vector.shape_cast %swap3A_1088 : vector<1x16xf32> to vector<16xf32>
        %swap3A_1090 = vector.shape_cast %mul3A_1085 : vector<16xf32> to vector<1x16xf32>
        tpu.vector_store %arg11[%swap3A_1086, %swap3A_1087], %swap3A_1090 {strides = array<i32>} : memref<80x128xf32, #tpu.memory_space<vmem>>, vector<1x16xf32>,
        %get3A_1091 = arith.index_cast %add3A_1070 : i32 to index
        %get3A_1092 = arith.constant 32 : index
        %get3A_1093 = tpu.vector_load %arg11[%get3A_1091, %get3A_1092] {strides = array<i32>} : memref<80x128xf32, #tpu.memory_space<vmem>>, vector<1x16xf32>,
        %get3A_1094 = vector.shape_cast %get3A_1093 : vector<1x16xf32> to vector<16xf32>
        %mul3A_1095 = arith.mulf %get3A_1094, %gather3A_1066 : vector<16xf32>
        %swap3A_1096 = arith.index_cast %add3A_1070 : i32 to index
        %swap3A_1097 = arith.constant 32 : index
        %swap3A_1098 = tpu.vector_load %arg11[%swap3A_1096, %swap3A_1097] {strides = array<i32>} : memref<80x128xf32, #tpu.memory_space<vmem>>, vector<1x16xf32>,
        %swap3A_1099 = vector.shape_cast %swap3A_1098 : vector<1x16xf32> to vector<16xf32>
        %swap3A_1100 = vector.shape_cast %mul3A_1095 : vector<16xf32> to vector<1x16xf32>
        tpu.vector_store %arg11[%swap3A_1096, %swap3A_1097], %swap3A_1100 {strides = array<i32>} : memref<80x128xf32, #tpu.memory_space<vmem>>, vector<1x16xf32>,
        %get3A_1101 = arith.index_cast %add3A_1070 : i32 to index
        %get3A_1102 = arith.constant 48 : index
        %get3A_1103 = tpu.vector_load %arg11[%get3A_1101, %get3A_1102] {strides = array<i32>} : memref<80x128xf32, #tpu.memory_space<vmem>>, vector<1x16xf32>,
        %get3A_1104 = vector.shape_cast %get3A_1103 : vector<1x16xf32> to vector<16xf32>
        %mul3A_1105 = arith.mulf %get3A_1104, %gather3A_1066 : vector<16xf32>
        %swap3A_1106 = arith.index_cast %add3A_1070 : i32 to index
        %swap3A_1107 = arith.constant 48 : index
        %swap3A_1108 = tpu.vector_load %arg11[%swap3A_1106, %swap3A_1107] {strides = array<i32>} : memref<80x128xf32, #tpu.memory_space<vmem>>, vector<1x16xf32>,
        %swap3A_1109 = vector.shape_cast %swap3A_1108 : vector<1x16xf32> to vector<16xf32>
        %swap3A_1110 = vector.shape_cast %mul3A_1105 : vector<16xf32> to vector<1x16xf32>
        tpu.vector_store %arg11[%swap3A_1106, %swap3A_1107], %swap3A_1110 {strides = array<i32>} : memref<80x128xf32, #tpu.memory_space<vmem>>, vector<1x16xf32>,
        %get3A_1111 = arith.index_cast %add3A_1070 : i32 to index
        %get3A_1112 = arith.constant 64 : index
        %get3A_1113 = tpu.vector_load %arg11[%get3A_1111, %get3A_1112] {strides = array<i32>} : memref<80x128xf32, #tpu.memory_space<vmem>>, vector<1x16xf32>,
        %get3A_1114 = vector.shape_cast %get3A_1113 : vector<1x16xf32> to vector<16xf32>
        %mul3A_1115 = arith.mulf %get3A_1114, %gather3A_1066 : vector<16xf32>
        %swap3A_1116 = arith.index_cast %add3A_1070 : i32 to index
        %swap3A_1117 = arith.constant 64 : index
        %swap3A_1118 = tpu.vector_load %arg11[%swap3A_1116, %swap3A_1117] {strides = array<i32>} : memref<80x128xf32, #tpu.memory_space<vmem>>, vector<1x16xf32>,
        %swap3A_1119 = vector.shape_cast %swap3A_1118 : vector<1x16xf32> to vector<16xf32>
        %swap3A_1120 = vector.shape_cast %mul3A_1115 : vector<16xf32> to vector<1x16xf32>
        tpu.vector_store %arg11[%swap3A_1116, %swap3A_1117], %swap3A_1120 {strides = array<i32>} : memref<80x128xf32, #tpu.memory_space<vmem>>, vector<1x16xf32>,
        %get3A_1121 = arith.index_cast %add3A_1070 : i32 to index
        %get3A_1122 = arith.constant 80 : index
        %get3A_1123 = tpu.vector_load %arg11[%get3A_1121, %get3A_1122] {strides = array<i32>} : memref<80x128xf32, #tpu.memory_space<vmem>>, vector<1x16xf32>,
        %get3A_1124 = vector.shape_cast %get3A_1123 : vector<1x16xf32> to vector<16xf32>
        %mul3A_1125 = arith.mulf %get3A_1124, %gather3A_1066 : vector<16xf32>
        %swap3A_1126 = arith.index_cast %add3A_1070 : i32 to index
        %swap3A_1127 = arith.constant 80 : index
        %swap3A_1128 = tpu.vector_load %arg11[%swap3A_1126, %swap3A_1127] {strides = array<i32>} : memref<80x128xf32, #tpu.memory_space<vmem>>, vector<1x16xf32>,
        %swap3A_1129 = vector.shape_cast %swap3A_1128 : vector<1x16xf32> to vector<16xf32>
        %swap3A_1130 = vector.shape_cast %mul3A_1125 : vector<16xf32> to vector<1x16xf32>
        tpu.vector_store %arg11[%swap3A_1126, %swap3A_1127], %swap3A_1130 {strides = array<i32>} : memref<80x128xf32, #tpu.memory_space<vmem>>, vector<1x16xf32>,
        %get3A_1131 = arith.index_cast %add3A_1070 : i32 to index
        %get3A_1132 = arith.constant 96 : index
        %get3A_1133 = tpu.vector_load %arg11[%get3A_1131, %get3A_1132] {strides = array<i32>} : memref<80x128xf32, #tpu.memory_space<vmem>>, vector<1x16xf32>,
        %get3A_1134 = vector.shape_cast %get3A_1133 : vector<1x16xf32> to vector<16xf32>
        %mul3A_1135 = arith.mulf %get3A_1134, %gather3A_1066 : vector<16xf32>
        %swap3A_1136 = arith.index_cast %add3A_1070 : i32 to index
        %swap3A_1137 = arith.constant 96 : index
        %swap3A_1138 = tpu.vector_load %arg11[%swap3A_1136, %swap3A_1137] {strides = array<i32>} : memref<80x128xf32, #tpu.memory_space<vmem>>, vector<1x16xf32>,
        %swap3A_1139 = vector.shape_cast %swap3A_1138 : vector<1x16xf32> to vector<16xf32>
        %swap3A_1140 = vector.shape_cast %mul3A_1135 : vector<16xf32> to vector<1x16xf32>
        tpu.vector_store %arg11[%swap3A_1136, %swap3A_1137], %swap3A_1140 {strides = array<i32>} : memref<80x128xf32, #tpu.memory_space<vmem>>, vector<1x16xf32>,
        %get3A_1141 = arith.index_cast %add3A_1070 : i32 to index
        %get3A_1142 = arith.constant 112 : index
        %get3A_1143 = tpu.vector_load %arg11[%get3A_1141, %get3A_1142] {strides = array<i32>} : memref<80x128xf32, #tpu.memory_space<vmem>>, vector<1x16xf32>,
        %get3A_1144 = vector.shape_cast %get3A_1143 : vector<1x16xf32> to vector<16xf32>
        %mul3A_1145 = arith.mulf %get3A_1144, %gather3A_1066 : vector<16xf32>
        %swap3A_1146 = arith.index_cast %add3A_1070 : i32 to index
        %swap3A_1147 = arith.constant 112 : index
        %swap3A_1148 = tpu.vector_load %arg11[%swap3A_1146, %swap3A_1147] {strides = array<i32>} : memref<80x128xf32, #tpu.memory_space<vmem>>, vector<1x16xf32>,
        %swap3A_1149 = vector.shape_cast %swap3A_1148 : vector<1x16xf32> to vector<16xf32>
        %swap3A_1150 = vector.shape_cast %mul3A_1145 : vector<16xf32> to vector<1x16xf32>
        tpu.vector_store %arg11[%swap3A_1146, %swap3A_1147], %swap3A_1150 {strides = array<i32>} : memref<80x128xf32, #tpu.memory_space<vmem>>, vector<1x16xf32>,
        %broadcast_in_dim3A_1151 = arith.constant 12 : i32
        %broadcast_in_dim3A_1152 = vector.broadcast %broadcast_in_dim3A_1151 : i32 to vector<16x1xi32>
        %gather3A_1153 = vector.shape_cast %broadcast_in_dim3A_1152 : vector<16x1xi32> to vector<16xi32>
        %gather3A_1154 = tpu.dynamic_gather %get3A_97[%gather3A_1153] in [0] : vector<16xf32>, vector<16xi32> -> vector<16xf32>
        %mul3A_1155 = arith.constant 16 : i32
        %mul3A_1156 = arith.muli %scan3A_90, %mul3A_1155 : i32
        %add3A_1157 = arith.constant 12 : i32
        %add3A_1158 = arith.addi %mul3A_1156, %add3A_1157 : i32
        %get3A_1159 = arith.index_cast %add3A_1158 : i32 to index
        %get3A_1160 = arith.constant 0 : index
        %get3A_1161 = tpu.vector_load %arg11[%get3A_1159, %get3A_1160] {strides = array<i32>} : memref<80x128xf32, #tpu.memory_space<vmem>>, vector<1x16xf32>,
        %get3A_1162 = vector.shape_cast %get3A_1161 : vector<1x16xf32> to vector<16xf32>
        %mul3A_1163 = arith.mulf %get3A_1162, %gather3A_1154 : vector<16xf32>
        %swap3A_1164 = arith.index_cast %add3A_1158 : i32 to index
        %swap3A_1165 = arith.constant 0 : index
        %swap3A_1166 = tpu.vector_load %arg11[%swap3A_1164, %swap3A_1165] {strides = array<i32>} : memref<80x128xf32, #tpu.memory_space<vmem>>, vector<1x16xf32>,
        %swap3A_1167 = vector.shape_cast %swap3A_1166 : vector<1x16xf32> to vector<16xf32>
        %swap3A_1168 = vector.shape_cast %mul3A_1163 : vector<16xf32> to vector<1x16xf32>
        tpu.vector_store %arg11[%swap3A_1164, %swap3A_1165], %swap3A_1168 {strides = array<i32>} : memref<80x128xf32, #tpu.memory_space<vmem>>, vector<1x16xf32>,
        %get3A_1169 = arith.index_cast %add3A_1158 : i32 to index
        %get3A_1170 = arith.constant 16 : index
        %get3A_1171 = tpu.vector_load %arg11[%get3A_1169, %get3A_1170] {strides = array<i32>} : memref<80x128xf32, #tpu.memory_space<vmem>>, vector<1x16xf32>,
        %get3A_1172 = vector.shape_cast %get3A_1171 : vector<1x16xf32> to vector<16xf32>
        %mul3A_1173 = arith.mulf %get3A_1172, %gather3A_1154 : vector<16xf32>
        %swap3A_1174 = arith.index_cast %add3A_1158 : i32 to index
        %swap3A_1175 = arith.constant 16 : index
        %swap3A_1176 = tpu.vector_load %arg11[%swap3A_1174, %swap3A_1175] {strides = array<i32>} : memref<80x128xf32, #tpu.memory_space<vmem>>, vector<1x16xf32>,
        %swap3A_1177 = vector.shape_cast %swap3A_1176 : vector<1x16xf32> to vector<16xf32>
        %swap3A_1178 = vector.shape_cast %mul3A_1173 : vector<16xf32> to vector<1x16xf32>
        tpu.vector_store %arg11[%swap3A_1174, %swap3A_1175], %swap3A_1178 {strides = array<i32>} : memref<80x128xf32, #tpu.memory_space<vmem>>, vector<1x16xf32>,
        %get3A_1179 = arith.index_cast %add3A_1158 : i32 to index
        %get3A_1180 = arith.constant 32 : index
        %get3A_1181 = tpu.vector_load %arg11[%get3A_1179, %get3A_1180] {strides = array<i32>} : memref<80x128xf32, #tpu.memory_space<vmem>>, vector<1x16xf32>,
        %get3A_1182 = vector.shape_cast %get3A_1181 : vector<1x16xf32> to vector<16xf32>
        %mul3A_1183 = arith.mulf %get3A_1182, %gather3A_1154 : vector<16xf32>
        %swap3A_1184 = arith.index_cast %add3A_1158 : i32 to index
        %swap3A_1185 = arith.constant 32 : index
        %swap3A_1186 = tpu.vector_load %arg11[%swap3A_1184, %swap3A_1185] {strides = array<i32>} : memref<80x128xf32, #tpu.memory_space<vmem>>, vector<1x16xf32>,
        %swap3A_1187 = vector.shape_cast %swap3A_1186 : vector<1x16xf32> to vector<16xf32>
        %swap3A_1188 = vector.shape_cast %mul3A_1183 : vector<16xf32> to vector<1x16xf32>
        tpu.vector_store %arg11[%swap3A_1184, %swap3A_1185], %swap3A_1188 {strides = array<i32>} : memref<80x128xf32, #tpu.memory_space<vmem>>, vector<1x16xf32>,
        %get3A_1189 = arith.index_cast %add3A_1158 : i32 to index
        %get3A_1190 = arith.constant 48 : index
        %get3A_1191 = tpu.vector_load %arg11[%get3A_1189, %get3A_1190] {strides = array<i32>} : memref<80x128xf32, #tpu.memory_space<vmem>>, vector<1x16xf32>,
        %get3A_1192 = vector.shape_cast %get3A_1191 : vector<1x16xf32> to vector<16xf32>
        %mul3A_1193 = arith.mulf %get3A_1192, %gather3A_1154 : vector<16xf32>
        %swap3A_1194 = arith.index_cast %add3A_1158 : i32 to index
        %swap3A_1195 = arith.constant 48 : index
        %swap3A_1196 = tpu.vector_load %arg11[%swap3A_1194, %swap3A_1195] {strides = array<i32>} : memref<80x128xf32, #tpu.memory_space<vmem>>, vector<1x16xf32>,
        %swap3A_1197 = vector.shape_cast %swap3A_1196 : vector<1x16xf32> to vector<16xf32>
        %swap3A_1198 = vector.shape_cast %mul3A_1193 : vector<16xf32> to vector<1x16xf32>
        tpu.vector_store %arg11[%swap3A_1194, %swap3A_1195], %swap3A_1198 {strides = array<i32>} : memref<80x128xf32, #tpu.memory_space<vmem>>, vector<1x16xf32>,
        %get3A_1199 = arith.index_cast %add3A_1158 : i32 to index
        %get3A_1200 = arith.constant 64 : index
        %get3A_1201 = tpu.vector_load %arg11[%get3A_1199, %get3A_1200] {strides = array<i32>} : memref<80x128xf32, #tpu.memory_space<vmem>>, vector<1x16xf32>,
        %get3A_1202 = vector.shape_cast %get3A_1201 : vector<1x16xf32> to vector<16xf32>
        %mul3A_1203 = arith.mulf %get3A_1202, %gather3A_1154 : vector<16xf32>
        %swap3A_1204 = arith.index_cast %add3A_1158 : i32 to index
        %swap3A_1205 = arith.constant 64 : index
        %swap3A_1206 = tpu.vector_load %arg11[%swap3A_1204, %swap3A_1205] {strides = array<i32>} : memref<80x128xf32, #tpu.memory_space<vmem>>, vector<1x16xf32>,
        %swap3A_1207 = vector.shape_cast %swap3A_1206 : vector<1x16xf32> to vector<16xf32>
        %swap3A_1208 = vector.shape_cast %mul3A_1203 : vector<16xf32> to vector<1x16xf32>
        tpu.vector_store %arg11[%swap3A_1204, %swap3A_1205], %swap3A_1208 {strides = array<i32>} : memref<80x128xf32, #tpu.memory_space<vmem>>, vector<1x16xf32>,
        %get3A_1209 = arith.index_cast %add3A_1158 : i32 to index
        %get3A_1210 = arith.constant 80 : index
        %get3A_1211 = tpu.vector_load %arg11[%get3A_1209, %get3A_1210] {strides = array<i32>} : memref<80x128xf32, #tpu.memory_space<vmem>>, vector<1x16xf32>,
        %get3A_1212 = vector.shape_cast %get3A_1211 : vector<1x16xf32> to vector<16xf32>
        %mul3A_1213 = arith.mulf %get3A_1212, %gather3A_1154 : vector<16xf32>
        %swap3A_1214 = arith.index_cast %add3A_1158 : i32 to index
        %swap3A_1215 = arith.constant 80 : index
        %swap3A_1216 = tpu.vector_load %arg11[%swap3A_1214, %swap3A_1215] {strides = array<i32>} : memref<80x128xf32, #tpu.memory_space<vmem>>, vector<1x16xf32>,
        %swap3A_1217 = vector.shape_cast %swap3A_1216 : vector<1x16xf32> to vector<16xf32>
        %swap3A_1218 = vector.shape_cast %mul3A_1213 : vector<16xf32> to vector<1x16xf32>
        tpu.vector_store %arg11[%swap3A_1214, %swap3A_1215], %swap3A_1218 {strides = array<i32>} : memref<80x128xf32, #tpu.memory_space<vmem>>, vector<1x16xf32>,
        %get3A_1219 = arith.index_cast %add3A_1158 : i32 to index
        %get3A_1220 = arith.constant 96 : index
        %get3A_1221 = tpu.vector_load %arg11[%get3A_1219, %get3A_1220] {strides = array<i32>} : memref<80x128xf32, #tpu.memory_space<vmem>>, vector<1x16xf32>,
        %get3A_1222 = vector.shape_cast %get3A_1221 : vector<1x16xf32> to vector<16xf32>
        %mul3A_1223 = arith.mulf %get3A_1222, %gather3A_1154 : vector<16xf32>
        %swap3A_1224 = arith.index_cast %add3A_1158 : i32 to index
        %swap3A_1225 = arith.constant 96 : index
        %swap3A_1226 = tpu.vector_load %arg11[%swap3A_1224, %swap3A_1225] {strides = array<i32>} : memref<80x128xf32, #tpu.memory_space<vmem>>, vector<1x16xf32>,
        %swap3A_1227 = vector.shape_cast %swap3A_1226 : vector<1x16xf32> to vector<16xf32>
        %swap3A_1228 = vector.shape_cast %mul3A_1223 : vector<16xf32> to vector<1x16xf32>
        tpu.vector_store %arg11[%swap3A_1224, %swap3A_1225], %swap3A_1228 {strides = array<i32>} : memref<80x128xf32, #tpu.memory_space<vmem>>, vector<1x16xf32>,
        %get3A_1229 = arith.index_cast %add3A_1158 : i32 to index
        %get3A_1230 = arith.constant 112 : index
        %get3A_1231 = tpu.vector_load %arg11[%get3A_1229, %get3A_1230] {strides = array<i32>} : memref<80x128xf32, #tpu.memory_space<vmem>>, vector<1x16xf32>,
        %get3A_1232 = vector.shape_cast %get3A_1231 : vector<1x16xf32> to vector<16xf32>
        %mul3A_1233 = arith.mulf %get3A_1232, %gather3A_1154 : vector<16xf32>
        %swap3A_1234 = arith.index_cast %add3A_1158 : i32 to index
        %swap3A_1235 = arith.constant 112 : index
        %swap3A_1236 = tpu.vector_load %arg11[%swap3A_1234, %swap3A_1235] {strides = array<i32>} : memref<80x128xf32, #tpu.memory_space<vmem>>, vector<1x16xf32>,
        %swap3A_1237 = vector.shape_cast %swap3A_1236 : vector<1x16xf32> to vector<16xf32>
        %swap3A_1238 = vector.shape_cast %mul3A_1233 : vector<16xf32> to vector<1x16xf32>
        tpu.vector_store %arg11[%swap3A_1234, %swap3A_1235], %swap3A_1238 {strides = array<i32>} : memref<80x128xf32, #tpu.memory_space<vmem>>, vector<1x16xf32>,
        %broadcast_in_dim3A_1239 = arith.constant 13 : i32
        %broadcast_in_dim3A_1240 = vector.broadcast %broadcast_in_dim3A_1239 : i32 to vector<16x1xi32>
        %gather3A_1241 = vector.shape_cast %broadcast_in_dim3A_1240 : vector<16x1xi32> to vector<16xi32>
        %gather3A_1242 = tpu.dynamic_gather %get3A_97[%gather3A_1241] in [0] : vector<16xf32>, vector<16xi32> -> vector<16xf32>
        %mul3A_1243 = arith.constant 16 : i32
        %mul3A_1244 = arith.muli %scan3A_90, %mul3A_1243 : i32
        %add3A_1245 = arith.constant 13 : i32
        %add3A_1246 = arith.addi %mul3A_1244, %add3A_1245 : i32
        %get3A_1247 = arith.index_cast %add3A_1246 : i32 to index
        %get3A_1248 = arith.constant 0 : index
        %get3A_1249 = tpu.vector_load %arg11[%get3A_1247, %get3A_1248] {strides = array<i32>} : memref<80x128xf32, #tpu.memory_space<vmem>>, vector<1x16xf32>,
        %get3A_1250 = vector.shape_cast %get3A_1249 : vector<1x16xf32> to vector<16xf32>
        %mul3A_1251 = arith.mulf %get3A_1250, %gather3A_1242 : vector<16xf32>
        %swap3A_1252 = arith.index_cast %add3A_1246 : i32 to index
        %swap3A_1253 = arith.constant 0 : index
        %swap3A_1254 = tpu.vector_load %arg11[%swap3A_1252, %swap3A_1253] {strides = array<i32>} : memref<80x128xf32, #tpu.memory_space<vmem>>, vector<1x16xf32>,
        %swap3A_1255 = vector.shape_cast %swap3A_1254 : vector<1x16xf32> to vector<16xf32>
        %swap3A_1256 = vector.shape_cast %mul3A_1251 : vector<16xf32> to vector<1x16xf32>
        tpu.vector_store %arg11[%swap3A_1252, %swap3A_1253], %swap3A_1256 {strides = array<i32>} : memref<80x128xf32, #tpu.memory_space<vmem>>, vector<1x16xf32>,
        %get3A_1257 = arith.index_cast %add3A_1246 : i32 to index
        %get3A_1258 = arith.constant 16 : index
        %get3A_1259 = tpu.vector_load %arg11[%get3A_1257, %get3A_1258] {strides = array<i32>} : memref<80x128xf32, #tpu.memory_space<vmem>>, vector<1x16xf32>,
        %get3A_1260 = vector.shape_cast %get3A_1259 : vector<1x16xf32> to vector<16xf32>
        %mul3A_1261 = arith.mulf %get3A_1260, %gather3A_1242 : vector<16xf32>
        %swap3A_1262 = arith.index_cast %add3A_1246 : i32 to index
        %swap3A_1263 = arith.constant 16 : index
        %swap3A_1264 = tpu.vector_load %arg11[%swap3A_1262, %swap3A_1263] {strides = array<i32>} : memref<80x128xf32, #tpu.memory_space<vmem>>, vector<1x16xf32>,
        %swap3A_1265 = vector.shape_cast %swap3A_1264 : vector<1x16xf32> to vector<16xf32>
        %swap3A_1266 = vector.shape_cast %mul3A_1261 : vector<16xf32> to vector<1x16xf32>
        tpu.vector_store %arg11[%swap3A_1262, %swap3A_1263], %swap3A_1266 {strides = array<i32>} : memref<80x128xf32, #tpu.memory_space<vmem>>, vector<1x16xf32>,
        %get3A_1267 = arith.index_cast %add3A_1246 : i32 to index
        %get3A_1268 = arith.constant 32 : index
        %get3A_1269 = tpu.vector_load %arg11[%get3A_1267, %get3A_1268] {strides = array<i32>} : memref<80x128xf32, #tpu.memory_space<vmem>>, vector<1x16xf32>,
        %get3A_1270 = vector.shape_cast %get3A_1269 : vector<1x16xf32> to vector<16xf32>
        %mul3A_1271 = arith.mulf %get3A_1270, %gather3A_1242 : vector<16xf32>
        %swap3A_1272 = arith.index_cast %add3A_1246 : i32 to index
        %swap3A_1273 = arith.constant 32 : index
        %swap3A_1274 = tpu.vector_load %arg11[%swap3A_1272, %swap3A_1273] {strides = array<i32>} : memref<80x128xf32, #tpu.memory_space<vmem>>, vector<1x16xf32>,
        %swap3A_1275 = vector.shape_cast %swap3A_1274 : vector<1x16xf32> to vector<16xf32>
        %swap3A_1276 = vector.shape_cast %mul3A_1271 : vector<16xf32> to vector<1x16xf32>
        tpu.vector_store %arg11[%swap3A_1272, %swap3A_1273], %swap3A_1276 {strides = array<i32>} : memref<80x128xf32, #tpu.memory_space<vmem>>, vector<1x16xf32>,
        %get3A_1277 = arith.index_cast %add3A_1246 : i32 to index
        %get3A_1278 = arith.constant 48 : index
        %get3A_1279 = tpu.vector_load %arg11[%get3A_1277, %get3A_1278] {strides = array<i32>} : memref<80x128xf32, #tpu.memory_space<vmem>>, vector<1x16xf32>,
        %get3A_1280 = vector.shape_cast %get3A_1279 : vector<1x16xf32> to vector<16xf32>
        %mul3A_1281 = arith.mulf %get3A_1280, %gather3A_1242 : vector<16xf32>
        %swap3A_1282 = arith.index_cast %add3A_1246 : i32 to index
        %swap3A_1283 = arith.constant 48 : index
        %swap3A_1284 = tpu.vector_load %arg11[%swap3A_1282, %swap3A_1283] {strides = array<i32>} : memref<80x128xf32, #tpu.memory_space<vmem>>, vector<1x16xf32>,
        %swap3A_1285 = vector.shape_cast %swap3A_1284 : vector<1x16xf32> to vector<16xf32>
        %swap3A_1286 = vector.shape_cast %mul3A_1281 : vector<16xf32> to vector<1x16xf32>
        tpu.vector_store %arg11[%swap3A_1282, %swap3A_1283], %swap3A_1286 {strides = array<i32>} : memref<80x128xf32, #tpu.memory_space<vmem>>, vector<1x16xf32>,
        %get3A_1287 = arith.index_cast %add3A_1246 : i32 to index
        %get3A_1288 = arith.constant 64 : index
        %get3A_1289 = tpu.vector_load %arg11[%get3A_1287, %get3A_1288] {strides = array<i32>} : memref<80x128xf32, #tpu.memory_space<vmem>>, vector<1x16xf32>,
        %get3A_1290 = vector.shape_cast %get3A_1289 : vector<1x16xf32> to vector<16xf32>
        %mul3A_1291 = arith.mulf %get3A_1290, %gather3A_1242 : vector<16xf32>
        %swap3A_1292 = arith.index_cast %add3A_1246 : i32 to index
        %swap3A_1293 = arith.constant 64 : index
        %swap3A_1294 = tpu.vector_load %arg11[%swap3A_1292, %swap3A_1293] {strides = array<i32>} : memref<80x128xf32, #tpu.memory_space<vmem>>, vector<1x16xf32>,
        %swap3A_1295 = vector.shape_cast %swap3A_1294 : vector<1x16xf32> to vector<16xf32>
        %swap3A_1296 = vector.shape_cast %mul3A_1291 : vector<16xf32> to vector<1x16xf32>
        tpu.vector_store %arg11[%swap3A_1292, %swap3A_1293], %swap3A_1296 {strides = array<i32>} : memref<80x128xf32, #tpu.memory_space<vmem>>, vector<1x16xf32>,
        %get3A_1297 = arith.index_cast %add3A_1246 : i32 to index
        %get3A_1298 = arith.constant 80 : index
        %get3A_1299 = tpu.vector_load %arg11[%get3A_1297, %get3A_1298] {strides = array<i32>} : memref<80x128xf32, #tpu.memory_space<vmem>>, vector<1x16xf32>,
        %get3A_1300 = vector.shape_cast %get3A_1299 : vector<1x16xf32> to vector<16xf32>
        %mul3A_1301 = arith.mulf %get3A_1300, %gather3A_1242 : vector<16xf32>
        %swap3A_1302 = arith.index_cast %add3A_1246 : i32 to index
        %swap3A_1303 = arith.constant 80 : index
        %swap3A_1304 = tpu.vector_load %arg11[%swap3A_1302, %swap3A_1303] {strides = array<i32>} : memref<80x128xf32, #tpu.memory_space<vmem>>, vector<1x16xf32>,
        %swap3A_1305 = vector.shape_cast %swap3A_1304 : vector<1x16xf32> to vector<16xf32>
        %swap3A_1306 = vector.shape_cast %mul3A_1301 : vector<16xf32> to vector<1x16xf32>
        tpu.vector_store %arg11[%swap3A_1302, %swap3A_1303], %swap3A_1306 {strides = array<i32>} : memref<80x128xf32, #tpu.memory_space<vmem>>, vector<1x16xf32>,
        %get3A_1307 = arith.index_cast %add3A_1246 : i32 to index
        %get3A_1308 = arith.constant 96 : index
        %get3A_1309 = tpu.vector_load %arg11[%get3A_1307, %get3A_1308] {strides = array<i32>} : memref<80x128xf32, #tpu.memory_space<vmem>>, vector<1x16xf32>,
        %get3A_1310 = vector.shape_cast %get3A_1309 : vector<1x16xf32> to vector<16xf32>
        %mul3A_1311 = arith.mulf %get3A_1310, %gather3A_1242 : vector<16xf32>
        %swap3A_1312 = arith.index_cast %add3A_1246 : i32 to index
        %swap3A_1313 = arith.constant 96 : index
        %swap3A_1314 = tpu.vector_load %arg11[%swap3A_1312, %swap3A_1313] {strides = array<i32>} : memref<80x128xf32, #tpu.memory_space<vmem>>, vector<1x16xf32>,
        %swap3A_1315 = vector.shape_cast %swap3A_1314 : vector<1x16xf32> to vector<16xf32>
        %swap3A_1316 = vector.shape_cast %mul3A_1311 : vector<16xf32> to vector<1x16xf32>
        tpu.vector_store %arg11[%swap3A_1312, %swap3A_1313], %swap3A_1316 {strides = array<i32>} : memref<80x128xf32, #tpu.memory_space<vmem>>, vector<1x16xf32>,
        %get3A_1317 = arith.index_cast %add3A_1246 : i32 to index
        %get3A_1318 = arith.constant 112 : index
        %get3A_1319 = tpu.vector_load %arg11[%get3A_1317, %get3A_1318] {strides = array<i32>} : memref<80x128xf32, #tpu.memory_space<vmem>>, vector<1x16xf32>,
        %get3A_1320 = vector.shape_cast %get3A_1319 : vector<1x16xf32> to vector<16xf32>
        %mul3A_1321 = arith.mulf %get3A_1320, %gather3A_1242 : vector<16xf32>
        %swap3A_1322 = arith.index_cast %add3A_1246 : i32 to index
        %swap3A_1323 = arith.constant 112 : index
        %swap3A_1324 = tpu.vector_load %arg11[%swap3A_1322, %swap3A_1323] {strides = array<i32>} : memref<80x128xf32, #tpu.memory_space<vmem>>, vector<1x16xf32>,
        %swap3A_1325 = vector.shape_cast %swap3A_1324 : vector<1x16xf32> to vector<16xf32>
        %swap3A_1326 = vector.shape_cast %mul3A_1321 : vector<16xf32> to vector<1x16xf32>
        tpu.vector_store %arg11[%swap3A_1322, %swap3A_1323], %swap3A_1326 {strides = array<i32>} : memref<80x128xf32, #tpu.memory_space<vmem>>, vector<1x16xf32>,
        %broadcast_in_dim3A_1327 = arith.constant 14 : i32
        %broadcast_in_dim3A_1328 = vector.broadcast %broadcast_in_dim3A_1327 : i32 to vector<16x1xi32>
        %gather3A_1329 = vector.shape_cast %broadcast_in_dim3A_1328 : vector<16x1xi32> to vector<16xi32>
        %gather3A_1330 = tpu.dynamic_gather %get3A_97[%gather3A_1329] in [0] : vector<16xf32>, vector<16xi32> -> vector<16xf32>
        %mul3A_1331 = arith.constant 16 : i32
        %mul3A_1332 = arith.muli %scan3A_90, %mul3A_1331 : i32
        %add3A_1333 = arith.constant 14 : i32
        %add3A_1334 = arith.addi %mul3A_1332, %add3A_1333 : i32
        %get3A_1335 = arith.index_cast %add3A_1334 : i32 to index
        %get3A_1336 = arith.constant 0 : index
        %get3A_1337 = tpu.vector_load %arg11[%get3A_1335, %get3A_1336] {strides = array<i32>} : memref<80x128xf32, #tpu.memory_space<vmem>>, vector<1x16xf32>,
        %get3A_1338 = vector.shape_cast %get3A_1337 : vector<1x16xf32> to vector<16xf32>
        %mul3A_1339 = arith.mulf %get3A_1338, %gather3A_1330 : vector<16xf32>
        %swap3A_1340 = arith.index_cast %add3A_1334 : i32 to index
        %swap3A_1341 = arith.constant 0 : index
        %swap3A_1342 = tpu.vector_load %arg11[%swap3A_1340, %swap3A_1341] {strides = array<i32>} : memref<80x128xf32, #tpu.memory_space<vmem>>, vector<1x16xf32>,
        %swap3A_1343 = vector.shape_cast %swap3A_1342 : vector<1x16xf32> to vector<16xf32>
        %swap3A_1344 = vector.shape_cast %mul3A_1339 : vector<16xf32> to vector<1x16xf32>
        tpu.vector_store %arg11[%swap3A_1340, %swap3A_1341], %swap3A_1344 {strides = array<i32>} : memref<80x128xf32, #tpu.memory_space<vmem>>, vector<1x16xf32>,
        %get3A_1345 = arith.index_cast %add3A_1334 : i32 to index
        %get3A_1346 = arith.constant 16 : index
        %get3A_1347 = tpu.vector_load %arg11[%get3A_1345, %get3A_1346] {strides = array<i32>} : memref<80x128xf32, #tpu.memory_space<vmem>>, vector<1x16xf32>,
        %get3A_1348 = vector.shape_cast %get3A_1347 : vector<1x16xf32> to vector<16xf32>
        %mul3A_1349 = arith.mulf %get3A_1348, %gather3A_1330 : vector<16xf32>
        %swap3A_1350 = arith.index_cast %add3A_1334 : i32 to index
        %swap3A_1351 = arith.constant 16 : index
        %swap3A_1352 = tpu.vector_load %arg11[%swap3A_1350, %swap3A_1351] {strides = array<i32>} : memref<80x128xf32, #tpu.memory_space<vmem>>, vector<1x16xf32>,
        %swap3A_1353 = vector.shape_cast %swap3A_1352 : vector<1x16xf32> to vector<16xf32>
        %swap3A_1354 = vector.shape_cast %mul3A_1349 : vector<16xf32> to vector<1x16xf32>
        tpu.vector_store %arg11[%swap3A_1350, %swap3A_1351], %swap3A_1354 {strides = array<i32>} : memref<80x128xf32, #tpu.memory_space<vmem>>, vector<1x16xf32>,
        %get3A_1355 = arith.index_cast %add3A_1334 : i32 to index
        %get3A_1356 = arith.constant 32 : index
        %get3A_1357 = tpu.vector_load %arg11[%get3A_1355, %get3A_1356] {strides = array<i32>} : memref<80x128xf32, #tpu.memory_space<vmem>>, vector<1x16xf32>,
        %get3A_1358 = vector.shape_cast %get3A_1357 : vector<1x16xf32> to vector<16xf32>
        %mul3A_1359 = arith.mulf %get3A_1358, %gather3A_1330 : vector<16xf32>
        %swap3A_1360 = arith.index_cast %add3A_1334 : i32 to index
        %swap3A_1361 = arith.constant 32 : index
        %swap3A_1362 = tpu.vector_load %arg11[%swap3A_1360, %swap3A_1361] {strides = array<i32>} : memref<80x128xf32, #tpu.memory_space<vmem>>, vector<1x16xf32>,
        %swap3A_1363 = vector.shape_cast %swap3A_1362 : vector<1x16xf32> to vector<16xf32>
        %swap3A_1364 = vector.shape_cast %mul3A_1359 : vector<16xf32> to vector<1x16xf32>
        tpu.vector_store %arg11[%swap3A_1360, %swap3A_1361], %swap3A_1364 {strides = array<i32>} : memref<80x128xf32, #tpu.memory_space<vmem>>, vector<1x16xf32>,
        %get3A_1365 = arith.index_cast %add3A_1334 : i32 to index
        %get3A_1366 = arith.constant 48 : index
        %get3A_1367 = tpu.vector_load %arg11[%get3A_1365, %get3A_1366] {strides = array<i32>} : memref<80x128xf32, #tpu.memory_space<vmem>>, vector<1x16xf32>,
        %get3A_1368 = vector.shape_cast %get3A_1367 : vector<1x16xf32> to vector<16xf32>
        %mul3A_1369 = arith.mulf %get3A_1368, %gather3A_1330 : vector<16xf32>
        %swap3A_1370 = arith.index_cast %add3A_1334 : i32 to index
        %swap3A_1371 = arith.constant 48 : index
        %swap3A_1372 = tpu.vector_load %arg11[%swap3A_1370, %swap3A_1371] {strides = array<i32>} : memref<80x128xf32, #tpu.memory_space<vmem>>, vector<1x16xf32>,
        %swap3A_1373 = vector.shape_cast %swap3A_1372 : vector<1x16xf32> to vector<16xf32>
        %swap3A_1374 = vector.shape_cast %mul3A_1369 : vector<16xf32> to vector<1x16xf32>
        tpu.vector_store %arg11[%swap3A_1370, %swap3A_1371], %swap3A_1374 {strides = array<i32>} : memref<80x128xf32, #tpu.memory_space<vmem>>, vector<1x16xf32>,
        %get3A_1375 = arith.index_cast %add3A_1334 : i32 to index
        %get3A_1376 = arith.constant 64 : index
        %get3A_1377 = tpu.vector_load %arg11[%get3A_1375, %get3A_1376] {strides = array<i32>} : memref<80x128xf32, #tpu.memory_space<vmem>>, vector<1x16xf32>,
        %get3A_1378 = vector.shape_cast %get3A_1377 : vector<1x16xf32> to vector<16xf32>
        %mul3A_1379 = arith.mulf %get3A_1378, %gather3A_1330 : vector<16xf32>
        %swap3A_1380 = arith.index_cast %add3A_1334 : i32 to index
        %swap3A_1381 = arith.constant 64 : index
        %swap3A_1382 = tpu.vector_load %arg11[%swap3A_1380, %swap3A_1381] {strides = array<i32>} : memref<80x128xf32, #tpu.memory_space<vmem>>, vector<1x16xf32>,
        %swap3A_1383 = vector.shape_cast %swap3A_1382 : vector<1x16xf32> to vector<16xf32>
        %swap3A_1384 = vector.shape_cast %mul3A_1379 : vector<16xf32> to vector<1x16xf32>
        tpu.vector_store %arg11[%swap3A_1380, %swap3A_1381], %swap3A_1384 {strides = array<i32>} : memref<80x128xf32, #tpu.memory_space<vmem>>, vector<1x16xf32>,
        %get3A_1385 = arith.index_cast %add3A_1334 : i32 to index
        %get3A_1386 = arith.constant 80 : index
        %get3A_1387 = tpu.vector_load %arg11[%get3A_1385, %get3A_1386] {strides = array<i32>} : memref<80x128xf32, #tpu.memory_space<vmem>>, vector<1x16xf32>,
        %get3A_1388 = vector.shape_cast %get3A_1387 : vector<1x16xf32> to vector<16xf32>
        %mul3A_1389 = arith.mulf %get3A_1388, %gather3A_1330 : vector<16xf32>
        %swap3A_1390 = arith.index_cast %add3A_1334 : i32 to index
        %swap3A_1391 = arith.constant 80 : index
        %swap3A_1392 = tpu.vector_load %arg11[%swap3A_1390, %swap3A_1391] {strides = array<i32>} : memref<80x128xf32, #tpu.memory_space<vmem>>, vector<1x16xf32>,
        %swap3A_1393 = vector.shape_cast %swap3A_1392 : vector<1x16xf32> to vector<16xf32>
        %swap3A_1394 = vector.shape_cast %mul3A_1389 : vector<16xf32> to vector<1x16xf32>
        tpu.vector_store %arg11[%swap3A_1390, %swap3A_1391], %swap3A_1394 {strides = array<i32>} : memref<80x128xf32, #tpu.memory_space<vmem>>, vector<1x16xf32>,
        %get3A_1395 = arith.index_cast %add3A_1334 : i32 to index
        %get3A_1396 = arith.constant 96 : index
        %get3A_1397 = tpu.vector_load %arg11[%get3A_1395, %get3A_1396] {strides = array<i32>} : memref<80x128xf32, #tpu.memory_space<vmem>>, vector<1x16xf32>,
        %get3A_1398 = vector.shape_cast %get3A_1397 : vector<1x16xf32> to vector<16xf32>
        %mul3A_1399 = arith.mulf %get3A_1398, %gather3A_1330 : vector<16xf32>
        %swap3A_1400 = arith.index_cast %add3A_1334 : i32 to index
        %swap3A_1401 = arith.constant 96 : index
        %swap3A_1402 = tpu.vector_load %arg11[%swap3A_1400, %swap3A_1401] {strides = array<i32>} : memref<80x128xf32, #tpu.memory_space<vmem>>, vector<1x16xf32>,
        %swap3A_1403 = vector.shape_cast %swap3A_1402 : vector<1x16xf32> to vector<16xf32>
        %swap3A_1404 = vector.shape_cast %mul3A_1399 : vector<16xf32> to vector<1x16xf32>
        tpu.vector_store %arg11[%swap3A_1400, %swap3A_1401], %swap3A_1404 {strides = array<i32>} : memref<80x128xf32, #tpu.memory_space<vmem>>, vector<1x16xf32>,
        %get3A_1405 = arith.index_cast %add3A_1334 : i32 to index
        %get3A_1406 = arith.constant 112 : index
        %get3A_1407 = tpu.vector_load %arg11[%get3A_1405, %get3A_1406] {strides = array<i32>} : memref<80x128xf32, #tpu.memory_space<vmem>>, vector<1x16xf32>,
        %get3A_1408 = vector.shape_cast %get3A_1407 : vector<1x16xf32> to vector<16xf32>
        %mul3A_1409 = arith.mulf %get3A_1408, %gather3A_1330 : vector<16xf32>
        %swap3A_1410 = arith.index_cast %add3A_1334 : i32 to index
        %swap3A_1411 = arith.constant 112 : index
        %swap3A_1412 = tpu.vector_load %arg11[%swap3A_1410, %swap3A_1411] {strides = array<i32>} : memref<80x128xf32, #tpu.memory_space<vmem>>, vector<1x16xf32>,
        %swap3A_1413 = vector.shape_cast %swap3A_1412 : vector<1x16xf32> to vector<16xf32>
        %swap3A_1414 = vector.shape_cast %mul3A_1409 : vector<16xf32> to vector<1x16xf32>
        tpu.vector_store %arg11[%swap3A_1410, %swap3A_1411], %swap3A_1414 {strides = array<i32>} : memref<80x128xf32, #tpu.memory_space<vmem>>, vector<1x16xf32>,
        %broadcast_in_dim3A_1415 = arith.constant 15 : i32
        %broadcast_in_dim3A_1416 = vector.broadcast %broadcast_in_dim3A_1415 : i32 to vector<16x1xi32>
        %gather3A_1417 = vector.shape_cast %broadcast_in_dim3A_1416 : vector<16x1xi32> to vector<16xi32>
        %gather3A_1418 = tpu.dynamic_gather %get3A_97[%gather3A_1417] in [0] : vector<16xf32>, vector<16xi32> -> vector<16xf32>
        %mul3A_1419 = arith.constant 16 : i32
        %mul3A_1420 = arith.muli %scan3A_90, %mul3A_1419 : i32
        %add3A_1421 = arith.constant 15 : i32
        %add3A_1422 = arith.addi %mul3A_1420, %add3A_1421 : i32
        %get3A_1423 = arith.index_cast %add3A_1422 : i32 to index
        %get3A_1424 = arith.constant 0 : index
        %get3A_1425 = tpu.vector_load %arg11[%get3A_1423, %get3A_1424] {strides = array<i32>} : memref<80x128xf32, #tpu.memory_space<vmem>>, vector<1x16xf32>,
        %get3A_1426 = vector.shape_cast %get3A_1425 : vector<1x16xf32> to vector<16xf32>
        %mul3A_1427 = arith.mulf %get3A_1426, %gather3A_1418 : vector<16xf32>
        %swap3A_1428 = arith.index_cast %add3A_1422 : i32 to index
        %swap3A_1429 = arith.constant 0 : index
        %swap3A_1430 = tpu.vector_load %arg11[%swap3A_1428, %swap3A_1429] {strides = array<i32>} : memref<80x128xf32, #tpu.memory_space<vmem>>, vector<1x16xf32>,
        %swap3A_1431 = vector.shape_cast %swap3A_1430 : vector<1x16xf32> to vector<16xf32>
        %swap3A_1432 = vector.shape_cast %mul3A_1427 : vector<16xf32> to vector<1x16xf32>
        tpu.vector_store %arg11[%swap3A_1428, %swap3A_1429], %swap3A_1432 {strides = array<i32>} : memref<80x128xf32, #tpu.memory_space<vmem>>, vector<1x16xf32>,
        %get3A_1433 = arith.index_cast %add3A_1422 : i32 to index
        %get3A_1434 = arith.constant 16 : index
        %get3A_1435 = tpu.vector_load %arg11[%get3A_1433, %get3A_1434] {strides = array<i32>} : memref<80x128xf32, #tpu.memory_space<vmem>>, vector<1x16xf32>,
        %get3A_1436 = vector.shape_cast %get3A_1435 : vector<1x16xf32> to vector<16xf32>
        %mul3A_1437 = arith.mulf %get3A_1436, %gather3A_1418 : vector<16xf32>
        %swap3A_1438 = arith.index_cast %add3A_1422 : i32 to index
        %swap3A_1439 = arith.constant 16 : index
        %swap3A_1440 = tpu.vector_load %arg11[%swap3A_1438, %swap3A_1439] {strides = array<i32>} : memref<80x128xf32, #tpu.memory_space<vmem>>, vector<1x16xf32>,
        %swap3A_1441 = vector.shape_cast %swap3A_1440 : vector<1x16xf32> to vector<16xf32>
        %swap3A_1442 = vector.shape_cast %mul3A_1437 : vector<16xf32> to vector<1x16xf32>
        tpu.vector_store %arg11[%swap3A_1438, %swap3A_1439], %swap3A_1442 {strides = array<i32>} : memref<80x128xf32, #tpu.memory_space<vmem>>, vector<1x16xf32>,
        %get3A_1443 = arith.index_cast %add3A_1422 : i32 to index
        %get3A_1444 = arith.constant 32 : index
        %get3A_1445 = tpu.vector_load %arg11[%get3A_1443, %get3A_1444] {strides = array<i32>} : memref<80x128xf32, #tpu.memory_space<vmem>>, vector<1x16xf32>,
        %get3A_1446 = vector.shape_cast %get3A_1445 : vector<1x16xf32> to vector<16xf32>
        %mul3A_1447 = arith.mulf %get3A_1446, %gather3A_1418 : vector<16xf32>
        %swap3A_1448 = arith.index_cast %add3A_1422 : i32 to index
        %swap3A_1449 = arith.constant 32 : index
        %swap3A_1450 = tpu.vector_load %arg11[%swap3A_1448, %swap3A_1449] {strides = array<i32>} : memref<80x128xf32, #tpu.memory_space<vmem>>, vector<1x16xf32>,
        %swap3A_1451 = vector.shape_cast %swap3A_1450 : vector<1x16xf32> to vector<16xf32>
        %swap3A_1452 = vector.shape_cast %mul3A_1447 : vector<16xf32> to vector<1x16xf32>
        tpu.vector_store %arg11[%swap3A_1448, %swap3A_1449], %swap3A_1452 {strides = array<i32>} : memref<80x128xf32, #tpu.memory_space<vmem>>, vector<1x16xf32>,
        %get3A_1453 = arith.index_cast %add3A_1422 : i32 to index
        %get3A_1454 = arith.constant 48 : index
        %get3A_1455 = tpu.vector_load %arg11[%get3A_1453, %get3A_1454] {strides = array<i32>} : memref<80x128xf32, #tpu.memory_space<vmem>>, vector<1x16xf32>,
        %get3A_1456 = vector.shape_cast %get3A_1455 : vector<1x16xf32> to vector<16xf32>
        %mul3A_1457 = arith.mulf %get3A_1456, %gather3A_1418 : vector<16xf32>
        %swap3A_1458 = arith.index_cast %add3A_1422 : i32 to index
        %swap3A_1459 = arith.constant 48 : index
        %swap3A_1460 = tpu.vector_load %arg11[%swap3A_1458, %swap3A_1459] {strides = array<i32>} : memref<80x128xf32, #tpu.memory_space<vmem>>, vector<1x16xf32>,
        %swap3A_1461 = vector.shape_cast %swap3A_1460 : vector<1x16xf32> to vector<16xf32>
        %swap3A_1462 = vector.shape_cast %mul3A_1457 : vector<16xf32> to vector<1x16xf32>
        tpu.vector_store %arg11[%swap3A_1458, %swap3A_1459], %swap3A_1462 {strides = array<i32>} : memref<80x128xf32, #tpu.memory_space<vmem>>, vector<1x16xf32>,
        %get3A_1463 = arith.index_cast %add3A_1422 : i32 to index
        %get3A_1464 = arith.constant 64 : index
        %get3A_1465 = tpu.vector_load %arg11[%get3A_1463, %get3A_1464] {strides = array<i32>} : memref<80x128xf32, #tpu.memory_space<vmem>>, vector<1x16xf32>,
        %get3A_1466 = vector.shape_cast %get3A_1465 : vector<1x16xf32> to vector<16xf32>
        %mul3A_1467 = arith.mulf %get3A_1466, %gather3A_1418 : vector<16xf32>
        %swap3A_1468 = arith.index_cast %add3A_1422 : i32 to index
        %swap3A_1469 = arith.constant 64 : index
        %swap3A_1470 = tpu.vector_load %arg11[%swap3A_1468, %swap3A_1469] {strides = array<i32>} : memref<80x128xf32, #tpu.memory_space<vmem>>, vector<1x16xf32>,
        %swap3A_1471 = vector.shape_cast %swap3A_1470 : vector<1x16xf32> to vector<16xf32>
        %swap3A_1472 = vector.shape_cast %mul3A_1467 : vector<16xf32> to vector<1x16xf32>
        tpu.vector_store %arg11[%swap3A_1468, %swap3A_1469], %swap3A_1472 {strides = array<i32>} : memref<80x128xf32, #tpu.memory_space<vmem>>, vector<1x16xf32>,
        %get3A_1473 = arith.index_cast %add3A_1422 : i32 to index
        %get3A_1474 = arith.constant 80 : index
        %get3A_1475 = tpu.vector_load %arg11[%get3A_1473, %get3A_1474] {strides = array<i32>} : memref<80x128xf32, #tpu.memory_space<vmem>>, vector<1x16xf32>,
        %get3A_1476 = vector.shape_cast %get3A_1475 : vector<1x16xf32> to vector<16xf32>
        %mul3A_1477 = arith.mulf %get3A_1476, %gather3A_1418 : vector<16xf32>
        %swap3A_1478 = arith.index_cast %add3A_1422 : i32 to index
        %swap3A_1479 = arith.constant 80 : index
        %swap3A_1480 = tpu.vector_load %arg11[%swap3A_1478, %swap3A_1479] {strides = array<i32>} : memref<80x128xf32, #tpu.memory_space<vmem>>, vector<1x16xf32>,
        %swap3A_1481 = vector.shape_cast %swap3A_1480 : vector<1x16xf32> to vector<16xf32>
        %swap3A_1482 = vector.shape_cast %mul3A_1477 : vector<16xf32> to vector<1x16xf32>
        tpu.vector_store %arg11[%swap3A_1478, %swap3A_1479], %swap3A_1482 {strides = array<i32>} : memref<80x128xf32, #tpu.memory_space<vmem>>, vector<1x16xf32>,
        %get3A_1483 = arith.index_cast %add3A_1422 : i32 to index
        %get3A_1484 = arith.constant 96 : index
        %get3A_1485 = tpu.vector_load %arg11[%get3A_1483, %get3A_1484] {strides = array<i32>} : memref<80x128xf32, #tpu.memory_space<vmem>>, vector<1x16xf32>,
        %get3A_1486 = vector.shape_cast %get3A_1485 : vector<1x16xf32> to vector<16xf32>
        %mul3A_1487 = arith.mulf %get3A_1486, %gather3A_1418 : vector<16xf32>
        %swap3A_1488 = arith.index_cast %add3A_1422 : i32 to index
        %swap3A_1489 = arith.constant 96 : index
        %swap3A_1490 = tpu.vector_load %arg11[%swap3A_1488, %swap3A_1489] {strides = array<i32>} : memref<80x128xf32, #tpu.memory_space<vmem>>, vector<1x16xf32>,
        %swap3A_1491 = vector.shape_cast %swap3A_1490 : vector<1x16xf32> to vector<16xf32>
        %swap3A_1492 = vector.shape_cast %mul3A_1487 : vector<16xf32> to vector<1x16xf32>
        tpu.vector_store %arg11[%swap3A_1488, %swap3A_1489], %swap3A_1492 {strides = array<i32>} : memref<80x128xf32, #tpu.memory_space<vmem>>, vector<1x16xf32>,
        %get3A_1493 = arith.index_cast %add3A_1422 : i32 to index
        %get3A_1494 = arith.constant 112 : index
        %get3A_1495 = tpu.vector_load %arg11[%get3A_1493, %get3A_1494] {strides = array<i32>} : memref<80x128xf32, #tpu.memory_space<vmem>>, vector<1x16xf32>,
        %get3A_1496 = vector.shape_cast %get3A_1495 : vector<1x16xf32> to vector<16xf32>
        %mul3A_1497 = arith.mulf %get3A_1496, %gather3A_1418 : vector<16xf32>
        %swap3A_1498 = arith.index_cast %add3A_1422 : i32 to index
        %swap3A_1499 = arith.constant 112 : index
        %swap3A_1500 = tpu.vector_load %arg11[%swap3A_1498, %swap3A_1499] {strides = array<i32>} : memref<80x128xf32, #tpu.memory_space<vmem>>, vector<1x16xf32>,
        %swap3A_1501 = vector.shape_cast %swap3A_1500 : vector<1x16xf32> to vector<16xf32>
        %swap3A_1502 = vector.shape_cast %mul3A_1497 : vector<16xf32> to vector<1x16xf32>
        tpu.vector_store %arg11[%swap3A_1498, %swap3A_1499], %swap3A_1502 {strides = array<i32>} : memref<80x128xf32, #tpu.memory_space<vmem>>, vector<1x16xf32>,
      }
      %scan3A_87 = arith.constant 5 : i32
      %mul3A_88 = arith.constant 80 : i32
      %mul3A_89 = arith.muli %add3A_81, %mul3A_88 : i32
      "tpu.region"() ({
        %run_scoped3A = tpu.sem_alloc : memref<!tpu.dma_semaphore, #tpu.memory_space<semaphore_mem>>
        %dma_start3A_90 = tpu.memref_slice %arg8[%mul3A_89] : memref<10000xi32, #tpu.memory_space<vmem>> -> memref<80xi32, #tpu.memory_space<vmem>>
        %dma_start3A_91 = arith.constant 0 : i32
        %dma_start3A_92 = arith.constant 0 : i32
        %dma_start3A_93 = tpu.memref_slice %arg12[%dma_start3A_91, %dma_start3A_92] : memref<10000x128xf32, #tpu.memory_space<vmem_shared>> -> memref<10000x128xf32, #tpu.memory_space<vmem_shared>>
        tpu.enqueue_indirect_dma source(%arg11 : memref<80x128xf32, #tpu.memory_space<vmem>>) target(%dma_start3A_93 : memref<10000x128xf32, #tpu.memory_space<vmem_shared>>) offsets(%dma_start3A_90 : memref<80xi32, #tpu.memory_space<vmem>>) semaphore(%run_scoped3A : memref<!tpu.dma_semaphore, #tpu.memory_space<semaphore_mem>>) {add = true}
        %dma_wait3A_94 = tpu.memref_slice %arg8[%mul3A_89] : memref<10000xi32, #tpu.memory_space<vmem>> -> memref<80xi32, #tpu.memory_space<vmem>>
        %dma_wait3A_95 = arith.constant 0 : i32
        %dma_wait3A_96 = arith.constant 0 : i32
        %dma_wait3A_97 = tpu.memref_slice %arg12[%dma_wait3A_95, %dma_wait3A_96] : memref<10000x128xf32, #tpu.memory_space<vmem_shared>> -> memref<10000x128xf32, #tpu.memory_space<vmem_shared>>
        tpu.wait_indirect_dma semaphore(%run_scoped3A : memref<!tpu.dma_semaphore, #tpu.memory_space<semaphore_mem>>) src(%arg11 : memref<80x128xf32, #tpu.memory_space<vmem>>) dst(%dma_wait3A_97 : memref<10000x128xf32, #tpu.memory_space<vmem_shared>>)
        tpu.yield
      }) : () -> ()
    }
    %scan3A_21 = arith.constant 62 : i32
    %dma_wait3A = arith.constant 9920 : i32
    %dma_wait3A_22 = tpu.memref_slice %arg7[%dma_wait3A] : memref<10000xi32, #tpu.memory_space<vmem>> -> memref<80xi32, #tpu.memory_space<vmem>>
    %dma_wait3A_23 = arith.constant 0 : i32
    %dma_wait3A_24 = arith.constant 0 : i32
    %dma_wait3A_25 = tpu.memref_slice %arg2[%dma_wait3A_23, %dma_wait3A_24] : memref<10000x128xf32, #tpu.memory_space<hbm>> -> memref<10000x128xf32, #tpu.memory_space<hbm>>
    tpu.wait_indirect_dma semaphore(%arg13 : memref<!tpu.dma_semaphore, #tpu.memory_space<semaphore_mem>>) src(%dma_wait3A_25 : memref<10000x128xf32, #tpu.memory_space<hbm>>) dst(%arg10 : memref<80x128xf32, #tpu.memory_space<vmem>>)
    %scan3A_26 = arith.constant 0 : i32
    %scan3A_27 = arith.constant 0 : i32
    %scan3A_28 = arith.constant 5 : i32
    %scan3A_29 = arith.addi %scan3A_27, %scan3A_28 : i32
    %scan3A_30 = arith.constant 1 : i32
    scf.for %scan3A_39 = %scan3A_27 to %scan3A_29 step %scan3A_30  : i32 {
      %mul3A_40 = arith.constant 16 : i32
      %mul3A_41 = arith.muli %scan3A_39, %mul3A_40 : i32
      %add3A_42 = arith.constant 9920 : i32
      %add3A_43 = arith.addi %add3A_42, %mul3A_41 : i32
      %multiple_of3A = tpu.assume_multiple %add3A_43, 16 : i32
      %get3A = arith.index_cast %multiple_of3A : i32 to index
      %get3A_44 = tpu.vector_load %arg9[%get3A] {strides = array<i32>} : memref<10000xf32, #tpu.memory_space<vmem>>, vector<16xf32>,
      %get3A_45 = vector.shape_cast %get3A_44 : vector<16xf32> to vector<16xf32>
      %broadcast_in_dim3A = arith.constant 0 : i32
      %broadcast_in_dim3A_46 = vector.broadcast %broadcast_in_dim3A : i32 to vector<16x1xi32>
      %gather3A = vector.shape_cast %broadcast_in_dim3A_46 : vector<16x1xi32> to vector<16xi32>
      %gather3A_47 = tpu.dynamic_gather %get3A_45[%gather3A] in [0] : vector<16xf32>, vector<16xi32> -> vector<16xf32>
      %mul3A_48 = arith.constant 16 : i32
      %mul3A_49 = arith.muli %scan3A_39, %mul3A_48 : i32
      %add3A_50 = arith.constant 0 : i32
      %add3A_51 = arith.addi %mul3A_49, %add3A_50 : i32
      %get3A_52 = arith.index_cast %add3A_51 : i32 to index
      %get3A_53 = arith.constant 0 : index
      %get3A_54 = tpu.vector_load %arg10[%get3A_52, %get3A_53] {strides = array<i32>} : memref<80x128xf32, #tpu.memory_space<vmem>>, vector<1x16xf32>,
      %get3A_55 = vector.shape_cast %get3A_54 : vector<1x16xf32> to vector<16xf32>
      %mul3A_56 = arith.mulf %get3A_55, %gather3A_47 : vector<16xf32>
      %swap3A = arith.index_cast %add3A_51 : i32 to index
      %swap3A_57 = arith.constant 0 : index
      %swap3A_58 = tpu.vector_load %arg10[%swap3A, %swap3A_57] {strides = array<i32>} : memref<80x128xf32, #tpu.memory_space<vmem>>, vector<1x16xf32>,
      %swap3A_59 = vector.shape_cast %swap3A_58 : vector<1x16xf32> to vector<16xf32>
      %swap3A_60 = vector.shape_cast %mul3A_56 : vector<16xf32> to vector<1x16xf32>
      tpu.vector_store %arg10[%swap3A, %swap3A_57], %swap3A_60 {strides = array<i32>} : memref<80x128xf32, #tpu.memory_space<vmem>>, vector<1x16xf32>,
      %get3A_61 = arith.index_cast %add3A_51 : i32 to index
      %get3A_62 = arith.constant 16 : index
      %get3A_63 = tpu.vector_load %arg10[%get3A_61, %get3A_62] {strides = array<i32>} : memref<80x128xf32, #tpu.memory_space<vmem>>, vector<1x16xf32>,
      %get3A_64 = vector.shape_cast %get3A_63 : vector<1x16xf32> to vector<16xf32>
      %mul3A_65 = arith.mulf %get3A_64, %gather3A_47 : vector<16xf32>
      %swap3A_66 = arith.index_cast %add3A_51 : i32 to index
      %swap3A_67 = arith.constant 16 : index
      %swap3A_68 = tpu.vector_load %arg10[%swap3A_66, %swap3A_67] {strides = array<i32>} : memref<80x128xf32, #tpu.memory_space<vmem>>, vector<1x16xf32>,
      %swap3A_69 = vector.shape_cast %swap3A_68 : vector<1x16xf32> to vector<16xf32>
      %swap3A_70 = vector.shape_cast %mul3A_65 : vector<16xf32> to vector<1x16xf32>
      tpu.vector_store %arg10[%swap3A_66, %swap3A_67], %swap3A_70 {strides = array<i32>} : memref<80x128xf32, #tpu.memory_space<vmem>>, vector<1x16xf32>,
      %get3A_71 = arith.index_cast %add3A_51 : i32 to index
      %get3A_72 = arith.constant 32 : index
      %get3A_73 = tpu.vector_load %arg10[%get3A_71, %get3A_72] {strides = array<i32>} : memref<80x128xf32, #tpu.memory_space<vmem>>, vector<1x16xf32>,
      %get3A_74 = vector.shape_cast %get3A_73 : vector<1x16xf32> to vector<16xf32>
      %mul3A_75 = arith.mulf %get3A_74, %gather3A_47 : vector<16xf32>
      %swap3A_76 = arith.index_cast %add3A_51 : i32 to index
      %swap3A_77 = arith.constant 32 : index
      %swap3A_78 = tpu.vector_load %arg10[%swap3A_76, %swap3A_77] {strides = array<i32>} : memref<80x128xf32, #tpu.memory_space<vmem>>, vector<1x16xf32>,
      %swap3A_79 = vector.shape_cast %swap3A_78 : vector<1x16xf32> to vector<16xf32>
      %swap3A_80 = vector.shape_cast %mul3A_75 : vector<16xf32> to vector<1x16xf32>
      tpu.vector_store %arg10[%swap3A_76, %swap3A_77], %swap3A_80 {strides = array<i32>} : memref<80x128xf32, #tpu.memory_space<vmem>>, vector<1x16xf32>,
      %get3A_81 = arith.index_cast %add3A_51 : i32 to index
      %get3A_82 = arith.constant 48 : index
      %get3A_83 = tpu.vector_load %arg10[%get3A_81, %get3A_82] {strides = array<i32>} : memref<80x128xf32, #tpu.memory_space<vmem>>, vector<1x16xf32>,
      %get3A_84 = vector.shape_cast %get3A_83 : vector<1x16xf32> to vector<16xf32>
      %mul3A_85 = arith.mulf %get3A_84, %gather3A_47 : vector<16xf32>
      %swap3A_86 = arith.index_cast %add3A_51 : i32 to index
      %swap3A_87 = arith.constant 48 : index
      %swap3A_88 = tpu.vector_load %arg10[%swap3A_86, %swap3A_87] {strides = array<i32>} : memref<80x128xf32, #tpu.memory_space<vmem>>, vector<1x16xf32>,
      %swap3A_89 = vector.shape_cast %swap3A_88 : vector<1x16xf32> to vector<16xf32>
      %swap3A_90 = vector.shape_cast %mul3A_85 : vector<16xf32> to vector<1x16xf32>
      tpu.vector_store %arg10[%swap3A_86, %swap3A_87], %swap3A_90 {strides = array<i32>} : memref<80x128xf32, #tpu.memory_space<vmem>>, vector<1x16xf32>,
      %get3A_91 = arith.index_cast %add3A_51 : i32 to index
      %get3A_92 = arith.constant 64 : index
      %get3A_93 = tpu.vector_load %arg10[%get3A_91, %get3A_92] {strides = array<i32>} : memref<80x128xf32, #tpu.memory_space<vmem>>, vector<1x16xf32>,
      %get3A_94 = vector.shape_cast %get3A_93 : vector<1x16xf32> to vector<16xf32>
      %mul3A_95 = arith.mulf %get3A_94, %gather3A_47 : vector<16xf32>
      %swap3A_96 = arith.index_cast %add3A_51 : i32 to index
      %swap3A_97 = arith.constant 64 : index
      %swap3A_98 = tpu.vector_load %arg10[%swap3A_96, %swap3A_97] {strides = array<i32>} : memref<80x128xf32, #tpu.memory_space<vmem>>, vector<1x16xf32>,
      %swap3A_99 = vector.shape_cast %swap3A_98 : vector<1x16xf32> to vector<16xf32>
      %swap3A_100 = vector.shape_cast %mul3A_95 : vector<16xf32> to vector<1x16xf32>
      tpu.vector_store %arg10[%swap3A_96, %swap3A_97], %swap3A_100 {strides = array<i32>} : memref<80x128xf32, #tpu.memory_space<vmem>>, vector<1x16xf32>,
      %get3A_101 = arith.index_cast %add3A_51 : i32 to index
      %get3A_102 = arith.constant 80 : index
      %get3A_103 = tpu.vector_load %arg10[%get3A_101, %get3A_102] {strides = array<i32>} : memref<80x128xf32, #tpu.memory_space<vmem>>, vector<1x16xf32>,
      %get3A_104 = vector.shape_cast %get3A_103 : vector<1x16xf32> to vector<16xf32>
      %mul3A_105 = arith.mulf %get3A_104, %gather3A_47 : vector<16xf32>
      %swap3A_106 = arith.index_cast %add3A_51 : i32 to index
      %swap3A_107 = arith.constant 80 : index
      %swap3A_108 = tpu.vector_load %arg10[%swap3A_106, %swap3A_107] {strides = array<i32>} : memref<80x128xf32, #tpu.memory_space<vmem>>, vector<1x16xf32>,
      %swap3A_109 = vector.shape_cast %swap3A_108 : vector<1x16xf32> to vector<16xf32>
      %swap3A_110 = vector.shape_cast %mul3A_105 : vector<16xf32> to vector<1x16xf32>
      tpu.vector_store %arg10[%swap3A_106, %swap3A_107], %swap3A_110 {strides = array<i32>} : memref<80x128xf32, #tpu.memory_space<vmem>>, vector<1x16xf32>,
      %get3A_111 = arith.index_cast %add3A_51 : i32 to index
      %get3A_112 = arith.constant 96 : index
      %get3A_113 = tpu.vector_load %arg10[%get3A_111, %get3A_112] {strides = array<i32>} : memref<80x128xf32, #tpu.memory_space<vmem>>, vector<1x16xf32>,
      %get3A_114 = vector.shape_cast %get3A_113 : vector<1x16xf32> to vector<16xf32>
      %mul3A_115 = arith.mulf %get3A_114, %gather3A_47 : vector<16xf32>
      %swap3A_116 = arith.index_cast %add3A_51 : i32 to index
      %swap3A_117 = arith.constant 96 : index
      %swap3A_118 = tpu.vector_load %arg10[%swap3A_116, %swap3A_117] {strides = array<i32>} : memref<80x128xf32, #tpu.memory_space<vmem>>, vector<1x16xf32>,
      %swap3A_119 = vector.shape_cast %swap3A_118 : vector<1x16xf32> to vector<16xf32>
      %swap3A_120 = vector.shape_cast %mul3A_115 : vector<16xf32> to vector<1x16xf32>
      tpu.vector_store %arg10[%swap3A_116, %swap3A_117], %swap3A_120 {strides = array<i32>} : memref<80x128xf32, #tpu.memory_space<vmem>>, vector<1x16xf32>,
      %get3A_121 = arith.index_cast %add3A_51 : i32 to index
      %get3A_122 = arith.constant 112 : index
      %get3A_123 = tpu.vector_load %arg10[%get3A_121, %get3A_122] {strides = array<i32>} : memref<80x128xf32, #tpu.memory_space<vmem>>, vector<1x16xf32>,
      %get3A_124 = vector.shape_cast %get3A_123 : vector<1x16xf32> to vector<16xf32>
      %mul3A_125 = arith.mulf %get3A_124, %gather3A_47 : vector<16xf32>
      %swap3A_126 = arith.index_cast %add3A_51 : i32 to index
      %swap3A_127 = arith.constant 112 : index
      %swap3A_128 = tpu.vector_load %arg10[%swap3A_126, %swap3A_127] {strides = array<i32>} : memref<80x128xf32, #tpu.memory_space<vmem>>, vector<1x16xf32>,
      %swap3A_129 = vector.shape_cast %swap3A_128 : vector<1x16xf32> to vector<16xf32>
      %swap3A_130 = vector.shape_cast %mul3A_125 : vector<16xf32> to vector<1x16xf32>
      tpu.vector_store %arg10[%swap3A_126, %swap3A_127], %swap3A_130 {strides = array<i32>} : memref<80x128xf32, #tpu.memory_space<vmem>>, vector<1x16xf32>,
      %broadcast_in_dim3A_131 = arith.constant 1 : i32
      %broadcast_in_dim3A_132 = vector.broadcast %broadcast_in_dim3A_131 : i32 to vector<16x1xi32>
      %gather3A_133 = vector.shape_cast %broadcast_in_dim3A_132 : vector<16x1xi32> to vector<16xi32>
      %gather3A_134 = tpu.dynamic_gather %get3A_45[%gather3A_133] in [0] : vector<16xf32>, vector<16xi32> -> vector<16xf32>
      %mul3A_135 = arith.constant 16 : i32
      %mul3A_136 = arith.muli %scan3A_39, %mul3A_135 : i32
      %add3A_137 = arith.constant 1 : i32
      %add3A_138 = arith.addi %mul3A_136, %add3A_137 : i32
      %get3A_139 = arith.index_cast %add3A_138 : i32 to index
      %get3A_140 = arith.constant 0 : index
      %get3A_141 = tpu.vector_load %arg10[%get3A_139, %get3A_140] {strides = array<i32>} : memref<80x128xf32, #tpu.memory_space<vmem>>, vector<1x16xf32>,
      %get3A_142 = vector.shape_cast %get3A_141 : vector<1x16xf32> to vector<16xf32>
      %mul3A_143 = arith.mulf %get3A_142, %gather3A_134 : vector<16xf32>
      %swap3A_144 = arith.index_cast %add3A_138 : i32 to index
      %swap3A_145 = arith.constant 0 : index
      %swap3A_146 = tpu.vector_load %arg10[%swap3A_144, %swap3A_145] {strides = array<i32>} : memref<80x128xf32, #tpu.memory_space<vmem>>, vector<1x16xf32>,
      %swap3A_147 = vector.shape_cast %swap3A_146 : vector<1x16xf32> to vector<16xf32>
      %swap3A_148 = vector.shape_cast %mul3A_143 : vector<16xf32> to vector<1x16xf32>
      tpu.vector_store %arg10[%swap3A_144, %swap3A_145], %swap3A_148 {strides = array<i32>} : memref<80x128xf32, #tpu.memory_space<vmem>>, vector<1x16xf32>,
      %get3A_149 = arith.index_cast %add3A_138 : i32 to index
      %get3A_150 = arith.constant 16 : index
      %get3A_151 = tpu.vector_load %arg10[%get3A_149, %get3A_150] {strides = array<i32>} : memref<80x128xf32, #tpu.memory_space<vmem>>, vector<1x16xf32>,
      %get3A_152 = vector.shape_cast %get3A_151 : vector<1x16xf32> to vector<16xf32>
      %mul3A_153 = arith.mulf %get3A_152, %gather3A_134 : vector<16xf32>
      %swap3A_154 = arith.index_cast %add3A_138 : i32 to index
      %swap3A_155 = arith.constant 16 : index
      %swap3A_156 = tpu.vector_load %arg10[%swap3A_154, %swap3A_155] {strides = array<i32>} : memref<80x128xf32, #tpu.memory_space<vmem>>, vector<1x16xf32>,
      %swap3A_157 = vector.shape_cast %swap3A_156 : vector<1x16xf32> to vector<16xf32>
      %swap3A_158 = vector.shape_cast %mul3A_153 : vector<16xf32> to vector<1x16xf32>
      tpu.vector_store %arg10[%swap3A_154, %swap3A_155], %swap3A_158 {strides = array<i32>} : memref<80x128xf32, #tpu.memory_space<vmem>>, vector<1x16xf32>,
      %get3A_159 = arith.index_cast %add3A_138 : i32 to index
      %get3A_160 = arith.constant 32 : index
      %get3A_161 = tpu.vector_load %arg10[%get3A_159, %get3A_160] {strides = array<i32>} : memref<80x128xf32, #tpu.memory_space<vmem>>, vector<1x16xf32>,
      %get3A_162 = vector.shape_cast %get3A_161 : vector<1x16xf32> to vector<16xf32>
      %mul3A_163 = arith.mulf %get3A_162, %gather3A_134 : vector<16xf32>
      %swap3A_164 = arith.index_cast %add3A_138 : i32 to index
      %swap3A_165 = arith.constant 32 : index
      %swap3A_166 = tpu.vector_load %arg10[%swap3A_164, %swap3A_165] {strides = array<i32>} : memref<80x128xf32, #tpu.memory_space<vmem>>, vector<1x16xf32>,
      %swap3A_167 = vector.shape_cast %swap3A_166 : vector<1x16xf32> to vector<16xf32>
      %swap3A_168 = vector.shape_cast %mul3A_163 : vector<16xf32> to vector<1x16xf32>
      tpu.vector_store %arg10[%swap3A_164, %swap3A_165], %swap3A_168 {strides = array<i32>} : memref<80x128xf32, #tpu.memory_space<vmem>>, vector<1x16xf32>,
      %get3A_169 = arith.index_cast %add3A_138 : i32 to index
      %get3A_170 = arith.constant 48 : index
      %get3A_171 = tpu.vector_load %arg10[%get3A_169, %get3A_170] {strides = array<i32>} : memref<80x128xf32, #tpu.memory_space<vmem>>, vector<1x16xf32>,
      %get3A_172 = vector.shape_cast %get3A_171 : vector<1x16xf32> to vector<16xf32>
      %mul3A_173 = arith.mulf %get3A_172, %gather3A_134 : vector<16xf32>
      %swap3A_174 = arith.index_cast %add3A_138 : i32 to index
      %swap3A_175 = arith.constant 48 : index
      %swap3A_176 = tpu.vector_load %arg10[%swap3A_174, %swap3A_175] {strides = array<i32>} : memref<80x128xf32, #tpu.memory_space<vmem>>, vector<1x16xf32>,
      %swap3A_177 = vector.shape_cast %swap3A_176 : vector<1x16xf32> to vector<16xf32>
      %swap3A_178 = vector.shape_cast %mul3A_173 : vector<16xf32> to vector<1x16xf32>
      tpu.vector_store %arg10[%swap3A_174, %swap3A_175], %swap3A_178 {strides = array<i32>} : memref<80x128xf32, #tpu.memory_space<vmem>>, vector<1x16xf32>,
      %get3A_179 = arith.index_cast %add3A_138 : i32 to index
      %get3A_180 = arith.constant 64 : index
      %get3A_181 = tpu.vector_load %arg10[%get3A_179, %get3A_180] {strides = array<i32>} : memref<80x128xf32, #tpu.memory_space<vmem>>, vector<1x16xf32>,
      %get3A_182 = vector.shape_cast %get3A_181 : vector<1x16xf32> to vector<16xf32>
      %mul3A_183 = arith.mulf %get3A_182, %gather3A_134 : vector<16xf32>
      %swap3A_184 = arith.index_cast %add3A_138 : i32 to index
      %swap3A_185 = arith.constant 64 : index
      %swap3A_186 = tpu.vector_load %arg10[%swap3A_184, %swap3A_185] {strides = array<i32>} : memref<80x128xf32, #tpu.memory_space<vmem>>, vector<1x16xf32>,
      %swap3A_187 = vector.shape_cast %swap3A_186 : vector<1x16xf32> to vector<16xf32>
      %swap3A_188 = vector.shape_cast %mul3A_183 : vector<16xf32> to vector<1x16xf32>
      tpu.vector_store %arg10[%swap3A_184, %swap3A_185], %swap3A_188 {strides = array<i32>} : memref<80x128xf32, #tpu.memory_space<vmem>>, vector<1x16xf32>,
      %get3A_189 = arith.index_cast %add3A_138 : i32 to index
      %get3A_190 = arith.constant 80 : index
      %get3A_191 = tpu.vector_load %arg10[%get3A_189, %get3A_190] {strides = array<i32>} : memref<80x128xf32, #tpu.memory_space<vmem>>, vector<1x16xf32>,
      %get3A_192 = vector.shape_cast %get3A_191 : vector<1x16xf32> to vector<16xf32>
      %mul3A_193 = arith.mulf %get3A_192, %gather3A_134 : vector<16xf32>
      %swap3A_194 = arith.index_cast %add3A_138 : i32 to index
      %swap3A_195 = arith.constant 80 : index
      %swap3A_196 = tpu.vector_load %arg10[%swap3A_194, %swap3A_195] {strides = array<i32>} : memref<80x128xf32, #tpu.memory_space<vmem>>, vector<1x16xf32>,
      %swap3A_197 = vector.shape_cast %swap3A_196 : vector<1x16xf32> to vector<16xf32>
      %swap3A_198 = vector.shape_cast %mul3A_193 : vector<16xf32> to vector<1x16xf32>
      tpu.vector_store %arg10[%swap3A_194, %swap3A_195], %swap3A_198 {strides = array<i32>} : memref<80x128xf32, #tpu.memory_space<vmem>>, vector<1x16xf32>,
      %get3A_199 = arith.index_cast %add3A_138 : i32 to index
      %get3A_200 = arith.constant 96 : index
      %get3A_201 = tpu.vector_load %arg10[%get3A_199, %get3A_200] {strides = array<i32>} : memref<80x128xf32, #tpu.memory_space<vmem>>, vector<1x16xf32>,
      %get3A_202 = vector.shape_cast %get3A_201 : vector<1x16xf32> to vector<16xf32>
      %mul3A_203 = arith.mulf %get3A_202, %gather3A_134 : vector<16xf32>
      %swap3A_204 = arith.index_cast %add3A_138 : i32 to index
      %swap3A_205 = arith.constant 96 : index
      %swap3A_206 = tpu.vector_load %arg10[%swap3A_204, %swap3A_205] {strides = array<i32>} : memref<80x128xf32, #tpu.memory_space<vmem>>, vector<1x16xf32>,
      %swap3A_207 = vector.shape_cast %swap3A_206 : vector<1x16xf32> to vector<16xf32>
      %swap3A_208 = vector.shape_cast %mul3A_203 : vector<16xf32> to vector<1x16xf32>
      tpu.vector_store %arg10[%swap3A_204, %swap3A_205], %swap3A_208 {strides = array<i32>} : memref<80x128xf32, #tpu.memory_space<vmem>>, vector<1x16xf32>,
      %get3A_209 = arith.index_cast %add3A_138 : i32 to index
      %get3A_210 = arith.constant 112 : index
      %get3A_211 = tpu.vector_load %arg10[%get3A_209, %get3A_210] {strides = array<i32>} : memref<80x128xf32, #tpu.memory_space<vmem>>, vector<1x16xf32>,
      %get3A_212 = vector.shape_cast %get3A_211 : vector<1x16xf32> to vector<16xf32>
      %mul3A_213 = arith.mulf %get3A_212, %gather3A_134 : vector<16xf32>
      %swap3A_214 = arith.index_cast %add3A_138 : i32 to index
      %swap3A_215 = arith.constant 112 : index
      %swap3A_216 = tpu.vector_load %arg10[%swap3A_214, %swap3A_215] {strides = array<i32>} : memref<80x128xf32, #tpu.memory_space<vmem>>, vector<1x16xf32>,
      %swap3A_217 = vector.shape_cast %swap3A_216 : vector<1x16xf32> to vector<16xf32>
      %swap3A_218 = vector.shape_cast %mul3A_213 : vector<16xf32> to vector<1x16xf32>
      tpu.vector_store %arg10[%swap3A_214, %swap3A_215], %swap3A_218 {strides = array<i32>} : memref<80x128xf32, #tpu.memory_space<vmem>>, vector<1x16xf32>,
      %broadcast_in_dim3A_219 = arith.constant 2 : i32
      %broadcast_in_dim3A_220 = vector.broadcast %broadcast_in_dim3A_219 : i32 to vector<16x1xi32>
      %gather3A_221 = vector.shape_cast %broadcast_in_dim3A_220 : vector<16x1xi32> to vector<16xi32>
      %gather3A_222 = tpu.dynamic_gather %get3A_45[%gather3A_221] in [0] : vector<16xf32>, vector<16xi32> -> vector<16xf32>
      %mul3A_223 = arith.constant 16 : i32
      %mul3A_224 = arith.muli %scan3A_39, %mul3A_223 : i32
      %add3A_225 = arith.constant 2 : i32
      %add3A_226 = arith.addi %mul3A_224, %add3A_225 : i32
      %get3A_227 = arith.index_cast %add3A_226 : i32 to index
      %get3A_228 = arith.constant 0 : index
      %get3A_229 = tpu.vector_load %arg10[%get3A_227, %get3A_228] {strides = array<i32>} : memref<80x128xf32, #tpu.memory_space<vmem>>, vector<1x16xf32>,
      %get3A_230 = vector.shape_cast %get3A_229 : vector<1x16xf32> to vector<16xf32>
      %mul3A_231 = arith.mulf %get3A_230, %gather3A_222 : vector<16xf32>
      %swap3A_232 = arith.index_cast %add3A_226 : i32 to index
      %swap3A_233 = arith.constant 0 : index
      %swap3A_234 = tpu.vector_load %arg10[%swap3A_232, %swap3A_233] {strides = array<i32>} : memref<80x128xf32, #tpu.memory_space<vmem>>, vector<1x16xf32>,
      %swap3A_235 = vector.shape_cast %swap3A_234 : vector<1x16xf32> to vector<16xf32>
      %swap3A_236 = vector.shape_cast %mul3A_231 : vector<16xf32> to vector<1x16xf32>
      tpu.vector_store %arg10[%swap3A_232, %swap3A_233], %swap3A_236 {strides = array<i32>} : memref<80x128xf32, #tpu.memory_space<vmem>>, vector<1x16xf32>,
      %get3A_237 = arith.index_cast %add3A_226 : i32 to index
      %get3A_238 = arith.constant 16 : index
      %get3A_239 = tpu.vector_load %arg10[%get3A_237, %get3A_238] {strides = array<i32>} : memref<80x128xf32, #tpu.memory_space<vmem>>, vector<1x16xf32>,
      %get3A_240 = vector.shape_cast %get3A_239 : vector<1x16xf32> to vector<16xf32>
      %mul3A_241 = arith.mulf %get3A_240, %gather3A_222 : vector<16xf32>
      %swap3A_242 = arith.index_cast %add3A_226 : i32 to index
      %swap3A_243 = arith.constant 16 : index
      %swap3A_244 = tpu.vector_load %arg10[%swap3A_242, %swap3A_243] {strides = array<i32>} : memref<80x128xf32, #tpu.memory_space<vmem>>, vector<1x16xf32>,
      %swap3A_245 = vector.shape_cast %swap3A_244 : vector<1x16xf32> to vector<16xf32>
      %swap3A_246 = vector.shape_cast %mul3A_241 : vector<16xf32> to vector<1x16xf32>
      tpu.vector_store %arg10[%swap3A_242, %swap3A_243], %swap3A_246 {strides = array<i32>} : memref<80x128xf32, #tpu.memory_space<vmem>>, vector<1x16xf32>,
      %get3A_247 = arith.index_cast %add3A_226 : i32 to index
      %get3A_248 = arith.constant 32 : index
      %get3A_249 = tpu.vector_load %arg10[%get3A_247, %get3A_248] {strides = array<i32>} : memref<80x128xf32, #tpu.memory_space<vmem>>, vector<1x16xf32>,
      %get3A_250 = vector.shape_cast %get3A_249 : vector<1x16xf32> to vector<16xf32>
      %mul3A_251 = arith.mulf %get3A_250, %gather3A_222 : vector<16xf32>
      %swap3A_252 = arith.index_cast %add3A_226 : i32 to index
      %swap3A_253 = arith.constant 32 : index
      %swap3A_254 = tpu.vector_load %arg10[%swap3A_252, %swap3A_253] {strides = array<i32>} : memref<80x128xf32, #tpu.memory_space<vmem>>, vector<1x16xf32>,
      %swap3A_255 = vector.shape_cast %swap3A_254 : vector<1x16xf32> to vector<16xf32>
      %swap3A_256 = vector.shape_cast %mul3A_251 : vector<16xf32> to vector<1x16xf32>
      tpu.vector_store %arg10[%swap3A_252, %swap3A_253], %swap3A_256 {strides = array<i32>} : memref<80x128xf32, #tpu.memory_space<vmem>>, vector<1x16xf32>,
      %get3A_257 = arith.index_cast %add3A_226 : i32 to index
      %get3A_258 = arith.constant 48 : index
      %get3A_259 = tpu.vector_load %arg10[%get3A_257, %get3A_258] {strides = array<i32>} : memref<80x128xf32, #tpu.memory_space<vmem>>, vector<1x16xf32>,
      %get3A_260 = vector.shape_cast %get3A_259 : vector<1x16xf32> to vector<16xf32>
      %mul3A_261 = arith.mulf %get3A_260, %gather3A_222 : vector<16xf32>
      %swap3A_262 = arith.index_cast %add3A_226 : i32 to index
      %swap3A_263 = arith.constant 48 : index
      %swap3A_264 = tpu.vector_load %arg10[%swap3A_262, %swap3A_263] {strides = array<i32>} : memref<80x128xf32, #tpu.memory_space<vmem>>, vector<1x16xf32>,
      %swap3A_265 = vector.shape_cast %swap3A_264 : vector<1x16xf32> to vector<16xf32>
      %swap3A_266 = vector.shape_cast %mul3A_261 : vector<16xf32> to vector<1x16xf32>
      tpu.vector_store %arg10[%swap3A_262, %swap3A_263], %swap3A_266 {strides = array<i32>} : memref<80x128xf32, #tpu.memory_space<vmem>>, vector<1x16xf32>,
      %get3A_267 = arith.index_cast %add3A_226 : i32 to index
      %get3A_268 = arith.constant 64 : index
      %get3A_269 = tpu.vector_load %arg10[%get3A_267, %get3A_268] {strides = array<i32>} : memref<80x128xf32, #tpu.memory_space<vmem>>, vector<1x16xf32>,
      %get3A_270 = vector.shape_cast %get3A_269 : vector<1x16xf32> to vector<16xf32>
      %mul3A_271 = arith.mulf %get3A_270, %gather3A_222 : vector<16xf32>
      %swap3A_272 = arith.index_cast %add3A_226 : i32 to index
      %swap3A_273 = arith.constant 64 : index
      %swap3A_274 = tpu.vector_load %arg10[%swap3A_272, %swap3A_273] {strides = array<i32>} : memref<80x128xf32, #tpu.memory_space<vmem>>, vector<1x16xf32>,
      %swap3A_275 = vector.shape_cast %swap3A_274 : vector<1x16xf32> to vector<16xf32>
      %swap3A_276 = vector.shape_cast %mul3A_271 : vector<16xf32> to vector<1x16xf32>
      tpu.vector_store %arg10[%swap3A_272, %swap3A_273], %swap3A_276 {strides = array<i32>} : memref<80x128xf32, #tpu.memory_space<vmem>>, vector<1x16xf32>,
      %get3A_277 = arith.index_cast %add3A_226 : i32 to index
      %get3A_278 = arith.constant 80 : index
      %get3A_279 = tpu.vector_load %arg10[%get3A_277, %get3A_278] {strides = array<i32>} : memref<80x128xf32, #tpu.memory_space<vmem>>, vector<1x16xf32>,
      %get3A_280 = vector.shape_cast %get3A_279 : vector<1x16xf32> to vector<16xf32>
      %mul3A_281 = arith.mulf %get3A_280, %gather3A_222 : vector<16xf32>
      %swap3A_282 = arith.index_cast %add3A_226 : i32 to index
      %swap3A_283 = arith.constant 80 : index
      %swap3A_284 = tpu.vector_load %arg10[%swap3A_282, %swap3A_283] {strides = array<i32>} : memref<80x128xf32, #tpu.memory_space<vmem>>, vector<1x16xf32>,
      %swap3A_285 = vector.shape_cast %swap3A_284 : vector<1x16xf32> to vector<16xf32>
      %swap3A_286 = vector.shape_cast %mul3A_281 : vector<16xf32> to vector<1x16xf32>
      tpu.vector_store %arg10[%swap3A_282, %swap3A_283], %swap3A_286 {strides = array<i32>} : memref<80x128xf32, #tpu.memory_space<vmem>>, vector<1x16xf32>,
      %get3A_287 = arith.index_cast %add3A_226 : i32 to index
      %get3A_288 = arith.constant 96 : index
      %get3A_289 = tpu.vector_load %arg10[%get3A_287, %get3A_288] {strides = array<i32>} : memref<80x128xf32, #tpu.memory_space<vmem>>, vector<1x16xf32>,
      %get3A_290 = vector.shape_cast %get3A_289 : vector<1x16xf32> to vector<16xf32>
      %mul3A_291 = arith.mulf %get3A_290, %gather3A_222 : vector<16xf32>
      %swap3A_292 = arith.index_cast %add3A_226 : i32 to index
      %swap3A_293 = arith.constant 96 : index
      %swap3A_294 = tpu.vector_load %arg10[%swap3A_292, %swap3A_293] {strides = array<i32>} : memref<80x128xf32, #tpu.memory_space<vmem>>, vector<1x16xf32>,
      %swap3A_295 = vector.shape_cast %swap3A_294 : vector<1x16xf32> to vector<16xf32>
      %swap3A_296 = vector.shape_cast %mul3A_291 : vector<16xf32> to vector<1x16xf32>
      tpu.vector_store %arg10[%swap3A_292, %swap3A_293], %swap3A_296 {strides = array<i32>} : memref<80x128xf32, #tpu.memory_space<vmem>>, vector<1x16xf32>,
      %get3A_297 = arith.index_cast %add3A_226 : i32 to index
      %get3A_298 = arith.constant 112 : index
      %get3A_299 = tpu.vector_load %arg10[%get3A_297, %get3A_298] {strides = array<i32>} : memref<80x128xf32, #tpu.memory_space<vmem>>, vector<1x16xf32>,
      %get3A_300 = vector.shape_cast %get3A_299 : vector<1x16xf32> to vector<16xf32>
      %mul3A_301 = arith.mulf %get3A_300, %gather3A_222 : vector<16xf32>
      %swap3A_302 = arith.index_cast %add3A_226 : i32 to index
      %swap3A_303 = arith.constant 112 : index
      %swap3A_304 = tpu.vector_load %arg10[%swap3A_302, %swap3A_303] {strides = array<i32>} : memref<80x128xf32, #tpu.memory_space<vmem>>, vector<1x16xf32>,
      %swap3A_305 = vector.shape_cast %swap3A_304 : vector<1x16xf32> to vector<16xf32>
      %swap3A_306 = vector.shape_cast %mul3A_301 : vector<16xf32> to vector<1x16xf32>
      tpu.vector_store %arg10[%swap3A_302, %swap3A_303], %swap3A_306 {strides = array<i32>} : memref<80x128xf32, #tpu.memory_space<vmem>>, vector<1x16xf32>,
      %broadcast_in_dim3A_307 = arith.constant 3 : i32
      %broadcast_in_dim3A_308 = vector.broadcast %broadcast_in_dim3A_307 : i32 to vector<16x1xi32>
      %gather3A_309 = vector.shape_cast %broadcast_in_dim3A_308 : vector<16x1xi32> to vector<16xi32>
      %gather3A_310 = tpu.dynamic_gather %get3A_45[%gather3A_309] in [0] : vector<16xf32>, vector<16xi32> -> vector<16xf32>
      %mul3A_311 = arith.constant 16 : i32
      %mul3A_312 = arith.muli %scan3A_39, %mul3A_311 : i32
      %add3A_313 = arith.constant 3 : i32
      %add3A_314 = arith.addi %mul3A_312, %add3A_313 : i32
      %get3A_315 = arith.index_cast %add3A_314 : i32 to index
      %get3A_316 = arith.constant 0 : index
      %get3A_317 = tpu.vector_load %arg10[%get3A_315, %get3A_316] {strides = array<i32>} : memref<80x128xf32, #tpu.memory_space<vmem>>, vector<1x16xf32>,
      %get3A_318 = vector.shape_cast %get3A_317 : vector<1x16xf32> to vector<16xf32>
      %mul3A_319 = arith.mulf %get3A_318, %gather3A_310 : vector<16xf32>
      %swap3A_320 = arith.index_cast %add3A_314 : i32 to index
      %swap3A_321 = arith.constant 0 : index
      %swap3A_322 = tpu.vector_load %arg10[%swap3A_320, %swap3A_321] {strides = array<i32>} : memref<80x128xf32, #tpu.memory_space<vmem>>, vector<1x16xf32>,
      %swap3A_323 = vector.shape_cast %swap3A_322 : vector<1x16xf32> to vector<16xf32>
      %swap3A_324 = vector.shape_cast %mul3A_319 : vector<16xf32> to vector<1x16xf32>
      tpu.vector_store %arg10[%swap3A_320, %swap3A_321], %swap3A_324 {strides = array<i32>} : memref<80x128xf32, #tpu.memory_space<vmem>>, vector<1x16xf32>,
      %get3A_325 = arith.index_cast %add3A_314 : i32 to index
      %get3A_326 = arith.constant 16 : index
      %get3A_327 = tpu.vector_load %arg10[%get3A_325, %get3A_326] {strides = array<i32>} : memref<80x128xf32, #tpu.memory_space<vmem>>, vector<1x16xf32>,
      %get3A_328 = vector.shape_cast %get3A_327 : vector<1x16xf32> to vector<16xf32>
      %mul3A_329 = arith.mulf %get3A_328, %gather3A_310 : vector<16xf32>
      %swap3A_330 = arith.index_cast %add3A_314 : i32 to index
      %swap3A_331 = arith.constant 16 : index
      %swap3A_332 = tpu.vector_load %arg10[%swap3A_330, %swap3A_331] {strides = array<i32>} : memref<80x128xf32, #tpu.memory_space<vmem>>, vector<1x16xf32>,
      %swap3A_333 = vector.shape_cast %swap3A_332 : vector<1x16xf32> to vector<16xf32>
      %swap3A_334 = vector.shape_cast %mul3A_329 : vector<16xf32> to vector<1x16xf32>
      tpu.vector_store %arg10[%swap3A_330, %swap3A_331], %swap3A_334 {strides = array<i32>} : memref<80x128xf32, #tpu.memory_space<vmem>>, vector<1x16xf32>,
      %get3A_335 = arith.index_cast %add3A_314 : i32 to index
      %get3A_336 = arith.constant 32 : index
      %get3A_337 = tpu.vector_load %arg10[%get3A_335, %get3A_336] {strides = array<i32>} : memref<80x128xf32, #tpu.memory_space<vmem>>, vector<1x16xf32>,
      %get3A_338 = vector.shape_cast %get3A_337 : vector<1x16xf32> to vector<16xf32>
      %mul3A_339 = arith.mulf %get3A_338, %gather3A_310 : vector<16xf32>
      %swap3A_340 = arith.index_cast %add3A_314 : i32 to index
      %swap3A_341 = arith.constant 32 : index
      %swap3A_342 = tpu.vector_load %arg10[%swap3A_340, %swap3A_341] {strides = array<i32>} : memref<80x128xf32, #tpu.memory_space<vmem>>, vector<1x16xf32>,
      %swap3A_343 = vector.shape_cast %swap3A_342 : vector<1x16xf32> to vector<16xf32>
      %swap3A_344 = vector.shape_cast %mul3A_339 : vector<16xf32> to vector<1x16xf32>
      tpu.vector_store %arg10[%swap3A_340, %swap3A_341], %swap3A_344 {strides = array<i32>} : memref<80x128xf32, #tpu.memory_space<vmem>>, vector<1x16xf32>,
      %get3A_345 = arith.index_cast %add3A_314 : i32 to index
      %get3A_346 = arith.constant 48 : index
      %get3A_347 = tpu.vector_load %arg10[%get3A_345, %get3A_346] {strides = array<i32>} : memref<80x128xf32, #tpu.memory_space<vmem>>, vector<1x16xf32>,
      %get3A_348 = vector.shape_cast %get3A_347 : vector<1x16xf32> to vector<16xf32>
      %mul3A_349 = arith.mulf %get3A_348, %gather3A_310 : vector<16xf32>
      %swap3A_350 = arith.index_cast %add3A_314 : i32 to index
      %swap3A_351 = arith.constant 48 : index
      %swap3A_352 = tpu.vector_load %arg10[%swap3A_350, %swap3A_351] {strides = array<i32>} : memref<80x128xf32, #tpu.memory_space<vmem>>, vector<1x16xf32>,
      %swap3A_353 = vector.shape_cast %swap3A_352 : vector<1x16xf32> to vector<16xf32>
      %swap3A_354 = vector.shape_cast %mul3A_349 : vector<16xf32> to vector<1x16xf32>
      tpu.vector_store %arg10[%swap3A_350, %swap3A_351], %swap3A_354 {strides = array<i32>} : memref<80x128xf32, #tpu.memory_space<vmem>>, vector<1x16xf32>,
      %get3A_355 = arith.index_cast %add3A_314 : i32 to index
      %get3A_356 = arith.constant 64 : index
      %get3A_357 = tpu.vector_load %arg10[%get3A_355, %get3A_356] {strides = array<i32>} : memref<80x128xf32, #tpu.memory_space<vmem>>, vector<1x16xf32>,
      %get3A_358 = vector.shape_cast %get3A_357 : vector<1x16xf32> to vector<16xf32>
      %mul3A_359 = arith.mulf %get3A_358, %gather3A_310 : vector<16xf32>
      %swap3A_360 = arith.index_cast %add3A_314 : i32 to index
      %swap3A_361 = arith.constant 64 : index
      %swap3A_362 = tpu.vector_load %arg10[%swap3A_360, %swap3A_361] {strides = array<i32>} : memref<80x128xf32, #tpu.memory_space<vmem>>, vector<1x16xf32>,
      %swap3A_363 = vector.shape_cast %swap3A_362 : vector<1x16xf32> to vector<16xf32>
      %swap3A_364 = vector.shape_cast %mul3A_359 : vector<16xf32> to vector<1x16xf32>
      tpu.vector_store %arg10[%swap3A_360, %swap3A_361], %swap3A_364 {strides = array<i32>} : memref<80x128xf32, #tpu.memory_space<vmem>>, vector<1x16xf32>,
      %get3A_365 = arith.index_cast %add3A_314 : i32 to index
      %get3A_366 = arith.constant 80 : index
      %get3A_367 = tpu.vector_load %arg10[%get3A_365, %get3A_366] {strides = array<i32>} : memref<80x128xf32, #tpu.memory_space<vmem>>, vector<1x16xf32>,
      %get3A_368 = vector.shape_cast %get3A_367 : vector<1x16xf32> to vector<16xf32>
      %mul3A_369 = arith.mulf %get3A_368, %gather3A_310 : vector<16xf32>
      %swap3A_370 = arith.index_cast %add3A_314 : i32 to index
      %swap3A_371 = arith.constant 80 : index
      %swap3A_372 = tpu.vector_load %arg10[%swap3A_370, %swap3A_371] {strides = array<i32>} : memref<80x128xf32, #tpu.memory_space<vmem>>, vector<1x16xf32>,
      %swap3A_373 = vector.shape_cast %swap3A_372 : vector<1x16xf32> to vector<16xf32>
      %swap3A_374 = vector.shape_cast %mul3A_369 : vector<16xf32> to vector<1x16xf32>
      tpu.vector_store %arg10[%swap3A_370, %swap3A_371], %swap3A_374 {strides = array<i32>} : memref<80x128xf32, #tpu.memory_space<vmem>>, vector<1x16xf32>,
      %get3A_375 = arith.index_cast %add3A_314 : i32 to index
      %get3A_376 = arith.constant 96 : index
      %get3A_377 = tpu.vector_load %arg10[%get3A_375, %get3A_376] {strides = array<i32>} : memref<80x128xf32, #tpu.memory_space<vmem>>, vector<1x16xf32>,
      %get3A_378 = vector.shape_cast %get3A_377 : vector<1x16xf32> to vector<16xf32>
      %mul3A_379 = arith.mulf %get3A_378, %gather3A_310 : vector<16xf32>
      %swap3A_380 = arith.index_cast %add3A_314 : i32 to index
      %swap3A_381 = arith.constant 96 : index
      %swap3A_382 = tpu.vector_load %arg10[%swap3A_380, %swap3A_381] {strides = array<i32>} : memref<80x128xf32, #tpu.memory_space<vmem>>, vector<1x16xf32>,
      %swap3A_383 = vector.shape_cast %swap3A_382 : vector<1x16xf32> to vector<16xf32>
      %swap3A_384 = vector.shape_cast %mul3A_379 : vector<16xf32> to vector<1x16xf32>
      tpu.vector_store %arg10[%swap3A_380, %swap3A_381], %swap3A_384 {strides = array<i32>} : memref<80x128xf32, #tpu.memory_space<vmem>>, vector<1x16xf32>,
      %get3A_385 = arith.index_cast %add3A_314 : i32 to index
      %get3A_386 = arith.constant 112 : index
      %get3A_387 = tpu.vector_load %arg10[%get3A_385, %get3A_386] {strides = array<i32>} : memref<80x128xf32, #tpu.memory_space<vmem>>, vector<1x16xf32>,
      %get3A_388 = vector.shape_cast %get3A_387 : vector<1x16xf32> to vector<16xf32>
      %mul3A_389 = arith.mulf %get3A_388, %gather3A_310 : vector<16xf32>
      %swap3A_390 = arith.index_cast %add3A_314 : i32 to index
      %swap3A_391 = arith.constant 112 : index
      %swap3A_392 = tpu.vector_load %arg10[%swap3A_390, %swap3A_391] {strides = array<i32>} : memref<80x128xf32, #tpu.memory_space<vmem>>, vector<1x16xf32>,
      %swap3A_393 = vector.shape_cast %swap3A_392 : vector<1x16xf32> to vector<16xf32>
      %swap3A_394 = vector.shape_cast %mul3A_389 : vector<16xf32> to vector<1x16xf32>
      tpu.vector_store %arg10[%swap3A_390, %swap3A_391], %swap3A_394 {strides = array<i32>} : memref<80x128xf32, #tpu.memory_space<vmem>>, vector<1x16xf32>,
      %broadcast_in_dim3A_395 = arith.constant 4 : i32
      %broadcast_in_dim3A_396 = vector.broadcast %broadcast_in_dim3A_395 : i32 to vector<16x1xi32>
      %gather3A_397 = vector.shape_cast %broadcast_in_dim3A_396 : vector<16x1xi32> to vector<16xi32>
      %gather3A_398 = tpu.dynamic_gather %get3A_45[%gather3A_397] in [0] : vector<16xf32>, vector<16xi32> -> vector<16xf32>
      %mul3A_399 = arith.constant 16 : i32
      %mul3A_400 = arith.muli %scan3A_39, %mul3A_399 : i32
      %add3A_401 = arith.constant 4 : i32
      %add3A_402 = arith.addi %mul3A_400, %add3A_401 : i32
      %get3A_403 = arith.index_cast %add3A_402 : i32 to index
      %get3A_404 = arith.constant 0 : index
      %get3A_405 = tpu.vector_load %arg10[%get3A_403, %get3A_404] {strides = array<i32>} : memref<80x128xf32, #tpu.memory_space<vmem>>, vector<1x16xf32>,
      %get3A_406 = vector.shape_cast %get3A_405 : vector<1x16xf32> to vector<16xf32>
      %mul3A_407 = arith.mulf %get3A_406, %gather3A_398 : vector<16xf32>
      %swap3A_408 = arith.index_cast %add3A_402 : i32 to index
      %swap3A_409 = arith.constant 0 : index
      %swap3A_410 = tpu.vector_load %arg10[%swap3A_408, %swap3A_409] {strides = array<i32>} : memref<80x128xf32, #tpu.memory_space<vmem>>, vector<1x16xf32>,
      %swap3A_411 = vector.shape_cast %swap3A_410 : vector<1x16xf32> to vector<16xf32>
      %swap3A_412 = vector.shape_cast %mul3A_407 : vector<16xf32> to vector<1x16xf32>
      tpu.vector_store %arg10[%swap3A_408, %swap3A_409], %swap3A_412 {strides = array<i32>} : memref<80x128xf32, #tpu.memory_space<vmem>>, vector<1x16xf32>,
      %get3A_413 = arith.index_cast %add3A_402 : i32 to index
      %get3A_414 = arith.constant 16 : index
      %get3A_415 = tpu.vector_load %arg10[%get3A_413, %get3A_414] {strides = array<i32>} : memref<80x128xf32, #tpu.memory_space<vmem>>, vector<1x16xf32>,
      %get3A_416 = vector.shape_cast %get3A_415 : vector<1x16xf32> to vector<16xf32>
      %mul3A_417 = arith.mulf %get3A_416, %gather3A_398 : vector<16xf32>
      %swap3A_418 = arith.index_cast %add3A_402 : i32 to index
      %swap3A_419 = arith.constant 16 : index
      %swap3A_420 = tpu.vector_load %arg10[%swap3A_418, %swap3A_419] {strides = array<i32>} : memref<80x128xf32, #tpu.memory_space<vmem>>, vector<1x16xf32>,
      %swap3A_421 = vector.shape_cast %swap3A_420 : vector<1x16xf32> to vector<16xf32>
      %swap3A_422 = vector.shape_cast %mul3A_417 : vector<16xf32> to vector<1x16xf32>
      tpu.vector_store %arg10[%swap3A_418, %swap3A_419], %swap3A_422 {strides = array<i32>} : memref<80x128xf32, #tpu.memory_space<vmem>>, vector<1x16xf32>,
      %get3A_423 = arith.index_cast %add3A_402 : i32 to index
      %get3A_424 = arith.constant 32 : index
      %get3A_425 = tpu.vector_load %arg10[%get3A_423, %get3A_424] {strides = array<i32>} : memref<80x128xf32, #tpu.memory_space<vmem>>, vector<1x16xf32>,
      %get3A_426 = vector.shape_cast %get3A_425 : vector<1x16xf32> to vector<16xf32>
      %mul3A_427 = arith.mulf %get3A_426, %gather3A_398 : vector<16xf32>
      %swap3A_428 = arith.index_cast %add3A_402 : i32 to index
      %swap3A_429 = arith.constant 32 : index
      %swap3A_430 = tpu.vector_load %arg10[%swap3A_428, %swap3A_429] {strides = array<i32>} : memref<80x128xf32, #tpu.memory_space<vmem>>, vector<1x16xf32>,
      %swap3A_431 = vector.shape_cast %swap3A_430 : vector<1x16xf32> to vector<16xf32>
      %swap3A_432 = vector.shape_cast %mul3A_427 : vector<16xf32> to vector<1x16xf32>
      tpu.vector_store %arg10[%swap3A_428, %swap3A_429], %swap3A_432 {strides = array<i32>} : memref<80x128xf32, #tpu.memory_space<vmem>>, vector<1x16xf32>,
      %get3A_433 = arith.index_cast %add3A_402 : i32 to index
      %get3A_434 = arith.constant 48 : index
      %get3A_435 = tpu.vector_load %arg10[%get3A_433, %get3A_434] {strides = array<i32>} : memref<80x128xf32, #tpu.memory_space<vmem>>, vector<1x16xf32>,
      %get3A_436 = vector.shape_cast %get3A_435 : vector<1x16xf32> to vector<16xf32>
      %mul3A_437 = arith.mulf %get3A_436, %gather3A_398 : vector<16xf32>
      %swap3A_438 = arith.index_cast %add3A_402 : i32 to index
      %swap3A_439 = arith.constant 48 : index
      %swap3A_440 = tpu.vector_load %arg10[%swap3A_438, %swap3A_439] {strides = array<i32>} : memref<80x128xf32, #tpu.memory_space<vmem>>, vector<1x16xf32>,
      %swap3A_441 = vector.shape_cast %swap3A_440 : vector<1x16xf32> to vector<16xf32>
      %swap3A_442 = vector.shape_cast %mul3A_437 : vector<16xf32> to vector<1x16xf32>
      tpu.vector_store %arg10[%swap3A_438, %swap3A_439], %swap3A_442 {strides = array<i32>} : memref<80x128xf32, #tpu.memory_space<vmem>>, vector<1x16xf32>,
      %get3A_443 = arith.index_cast %add3A_402 : i32 to index
      %get3A_444 = arith.constant 64 : index
      %get3A_445 = tpu.vector_load %arg10[%get3A_443, %get3A_444] {strides = array<i32>} : memref<80x128xf32, #tpu.memory_space<vmem>>, vector<1x16xf32>,
      %get3A_446 = vector.shape_cast %get3A_445 : vector<1x16xf32> to vector<16xf32>
      %mul3A_447 = arith.mulf %get3A_446, %gather3A_398 : vector<16xf32>
      %swap3A_448 = arith.index_cast %add3A_402 : i32 to index
      %swap3A_449 = arith.constant 64 : index
      %swap3A_450 = tpu.vector_load %arg10[%swap3A_448, %swap3A_449] {strides = array<i32>} : memref<80x128xf32, #tpu.memory_space<vmem>>, vector<1x16xf32>,
      %swap3A_451 = vector.shape_cast %swap3A_450 : vector<1x16xf32> to vector<16xf32>
      %swap3A_452 = vector.shape_cast %mul3A_447 : vector<16xf32> to vector<1x16xf32>
      tpu.vector_store %arg10[%swap3A_448, %swap3A_449], %swap3A_452 {strides = array<i32>} : memref<80x128xf32, #tpu.memory_space<vmem>>, vector<1x16xf32>,
      %get3A_453 = arith.index_cast %add3A_402 : i32 to index
      %get3A_454 = arith.constant 80 : index
      %get3A_455 = tpu.vector_load %arg10[%get3A_453, %get3A_454] {strides = array<i32>} : memref<80x128xf32, #tpu.memory_space<vmem>>, vector<1x16xf32>,
      %get3A_456 = vector.shape_cast %get3A_455 : vector<1x16xf32> to vector<16xf32>
      %mul3A_457 = arith.mulf %get3A_456, %gather3A_398 : vector<16xf32>
      %swap3A_458 = arith.index_cast %add3A_402 : i32 to index
      %swap3A_459 = arith.constant 80 : index
      %swap3A_460 = tpu.vector_load %arg10[%swap3A_458, %swap3A_459] {strides = array<i32>} : memref<80x128xf32, #tpu.memory_space<vmem>>, vector<1x16xf32>,
      %swap3A_461 = vector.shape_cast %swap3A_460 : vector<1x16xf32> to vector<16xf32>
      %swap3A_462 = vector.shape_cast %mul3A_457 : vector<16xf32> to vector<1x16xf32>
      tpu.vector_store %arg10[%swap3A_458, %swap3A_459], %swap3A_462 {strides = array<i32>} : memref<80x128xf32, #tpu.memory_space<vmem>>, vector<1x16xf32>,
      %get3A_463 = arith.index_cast %add3A_402 : i32 to index
      %get3A_464 = arith.constant 96 : index
      %get3A_465 = tpu.vector_load %arg10[%get3A_463, %get3A_464] {strides = array<i32>} : memref<80x128xf32, #tpu.memory_space<vmem>>, vector<1x16xf32>,
      %get3A_466 = vector.shape_cast %get3A_465 : vector<1x16xf32> to vector<16xf32>
      %mul3A_467 = arith.mulf %get3A_466, %gather3A_398 : vector<16xf32>
      %swap3A_468 = arith.index_cast %add3A_402 : i32 to index
      %swap3A_469 = arith.constant 96 : index
      %swap3A_470 = tpu.vector_load %arg10[%swap3A_468, %swap3A_469] {strides = array<i32>} : memref<80x128xf32, #tpu.memory_space<vmem>>, vector<1x16xf32>,
      %swap3A_471 = vector.shape_cast %swap3A_470 : vector<1x16xf32> to vector<16xf32>
      %swap3A_472 = vector.shape_cast %mul3A_467 : vector<16xf32> to vector<1x16xf32>
      tpu.vector_store %arg10[%swap3A_468, %swap3A_469], %swap3A_472 {strides = array<i32>} : memref<80x128xf32, #tpu.memory_space<vmem>>, vector<1x16xf32>,
      %get3A_473 = arith.index_cast %add3A_402 : i32 to index
      %get3A_474 = arith.constant 112 : index
      %get3A_475 = tpu.vector_load %arg10[%get3A_473, %get3A_474] {strides = array<i32>} : memref<80x128xf32, #tpu.memory_space<vmem>>, vector<1x16xf32>,
      %get3A_476 = vector.shape_cast %get3A_475 : vector<1x16xf32> to vector<16xf32>
      %mul3A_477 = arith.mulf %get3A_476, %gather3A_398 : vector<16xf32>
      %swap3A_478 = arith.index_cast %add3A_402 : i32 to index
      %swap3A_479 = arith.constant 112 : index
      %swap3A_480 = tpu.vector_load %arg10[%swap3A_478, %swap3A_479] {strides = array<i32>} : memref<80x128xf32, #tpu.memory_space<vmem>>, vector<1x16xf32>,
      %swap3A_481 = vector.shape_cast %swap3A_480 : vector<1x16xf32> to vector<16xf32>
      %swap3A_482 = vector.shape_cast %mul3A_477 : vector<16xf32> to vector<1x16xf32>
      tpu.vector_store %arg10[%swap3A_478, %swap3A_479], %swap3A_482 {strides = array<i32>} : memref<80x128xf32, #tpu.memory_space<vmem>>, vector<1x16xf32>,
      %broadcast_in_dim3A_483 = arith.constant 5 : i32
      %broadcast_in_dim3A_484 = vector.broadcast %broadcast_in_dim3A_483 : i32 to vector<16x1xi32>
      %gather3A_485 = vector.shape_cast %broadcast_in_dim3A_484 : vector<16x1xi32> to vector<16xi32>
      %gather3A_486 = tpu.dynamic_gather %get3A_45[%gather3A_485] in [0] : vector<16xf32>, vector<16xi32> -> vector<16xf32>
      %mul3A_487 = arith.constant 16 : i32
      %mul3A_488 = arith.muli %scan3A_39, %mul3A_487 : i32
      %add3A_489 = arith.constant 5 : i32
      %add3A_490 = arith.addi %mul3A_488, %add3A_489 : i32
      %get3A_491 = arith.index_cast %add3A_490 : i32 to index
      %get3A_492 = arith.constant 0 : index
      %get3A_493 = tpu.vector_load %arg10[%get3A_491, %get3A_492] {strides = array<i32>} : memref<80x128xf32, #tpu.memory_space<vmem>>, vector<1x16xf32>,
      %get3A_494 = vector.shape_cast %get3A_493 : vector<1x16xf32> to vector<16xf32>
      %mul3A_495 = arith.mulf %get3A_494, %gather3A_486 : vector<16xf32>
      %swap3A_496 = arith.index_cast %add3A_490 : i32 to index
      %swap3A_497 = arith.constant 0 : index
      %swap3A_498 = tpu.vector_load %arg10[%swap3A_496, %swap3A_497] {strides = array<i32>} : memref<80x128xf32, #tpu.memory_space<vmem>>, vector<1x16xf32>,
      %swap3A_499 = vector.shape_cast %swap3A_498 : vector<1x16xf32> to vector<16xf32>
      %swap3A_500 = vector.shape_cast %mul3A_495 : vector<16xf32> to vector<1x16xf32>
      tpu.vector_store %arg10[%swap3A_496, %swap3A_497], %swap3A_500 {strides = array<i32>} : memref<80x128xf32, #tpu.memory_space<vmem>>, vector<1x16xf32>,
      %get3A_501 = arith.index_cast %add3A_490 : i32 to index
      %get3A_502 = arith.constant 16 : index
      %get3A_503 = tpu.vector_load %arg10[%get3A_501, %get3A_502] {strides = array<i32>} : memref<80x128xf32, #tpu.memory_space<vmem>>, vector<1x16xf32>,
      %get3A_504 = vector.shape_cast %get3A_503 : vector<1x16xf32> to vector<16xf32>
      %mul3A_505 = arith.mulf %get3A_504, %gather3A_486 : vector<16xf32>
      %swap3A_506 = arith.index_cast %add3A_490 : i32 to index
      %swap3A_507 = arith.constant 16 : index
      %swap3A_508 = tpu.vector_load %arg10[%swap3A_506, %swap3A_507] {strides = array<i32>} : memref<80x128xf32, #tpu.memory_space<vmem>>, vector<1x16xf32>,
      %swap3A_509 = vector.shape_cast %swap3A_508 : vector<1x16xf32> to vector<16xf32>
      %swap3A_510 = vector.shape_cast %mul3A_505 : vector<16xf32> to vector<1x16xf32>
      tpu.vector_store %arg10[%swap3A_506, %swap3A_507], %swap3A_510 {strides = array<i32>} : memref<80x128xf32, #tpu.memory_space<vmem>>, vector<1x16xf32>,
      %get3A_511 = arith.index_cast %add3A_490 : i32 to index
      %get3A_512 = arith.constant 32 : index
      %get3A_513 = tpu.vector_load %arg10[%get3A_511, %get3A_512] {strides = array<i32>} : memref<80x128xf32, #tpu.memory_space<vmem>>, vector<1x16xf32>,
      %get3A_514 = vector.shape_cast %get3A_513 : vector<1x16xf32> to vector<16xf32>
      %mul3A_515 = arith.mulf %get3A_514, %gather3A_486 : vector<16xf32>
      %swap3A_516 = arith.index_cast %add3A_490 : i32 to index
      %swap3A_517 = arith.constant 32 : index
      %swap3A_518 = tpu.vector_load %arg10[%swap3A_516, %swap3A_517] {strides = array<i32>} : memref<80x128xf32, #tpu.memory_space<vmem>>, vector<1x16xf32>,
      %swap3A_519 = vector.shape_cast %swap3A_518 : vector<1x16xf32> to vector<16xf32>
      %swap3A_520 = vector.shape_cast %mul3A_515 : vector<16xf32> to vector<1x16xf32>
      tpu.vector_store %arg10[%swap3A_516, %swap3A_517], %swap3A_520 {strides = array<i32>} : memref<80x128xf32, #tpu.memory_space<vmem>>, vector<1x16xf32>,
      %get3A_521 = arith.index_cast %add3A_490 : i32 to index
      %get3A_522 = arith.constant 48 : index
      %get3A_523 = tpu.vector_load %arg10[%get3A_521, %get3A_522] {strides = array<i32>} : memref<80x128xf32, #tpu.memory_space<vmem>>, vector<1x16xf32>,
      %get3A_524 = vector.shape_cast %get3A_523 : vector<1x16xf32> to vector<16xf32>
      %mul3A_525 = arith.mulf %get3A_524, %gather3A_486 : vector<16xf32>
      %swap3A_526 = arith.index_cast %add3A_490 : i32 to index
      %swap3A_527 = arith.constant 48 : index
      %swap3A_528 = tpu.vector_load %arg10[%swap3A_526, %swap3A_527] {strides = array<i32>} : memref<80x128xf32, #tpu.memory_space<vmem>>, vector<1x16xf32>,
      %swap3A_529 = vector.shape_cast %swap3A_528 : vector<1x16xf32> to vector<16xf32>
      %swap3A_530 = vector.shape_cast %mul3A_525 : vector<16xf32> to vector<1x16xf32>
      tpu.vector_store %arg10[%swap3A_526, %swap3A_527], %swap3A_530 {strides = array<i32>} : memref<80x128xf32, #tpu.memory_space<vmem>>, vector<1x16xf32>,
      %get3A_531 = arith.index_cast %add3A_490 : i32 to index
      %get3A_532 = arith.constant 64 : index
      %get3A_533 = tpu.vector_load %arg10[%get3A_531, %get3A_532] {strides = array<i32>} : memref<80x128xf32, #tpu.memory_space<vmem>>, vector<1x16xf32>,
      %get3A_534 = vector.shape_cast %get3A_533 : vector<1x16xf32> to vector<16xf32>
      %mul3A_535 = arith.mulf %get3A_534, %gather3A_486 : vector<16xf32>
      %swap3A_536 = arith.index_cast %add3A_490 : i32 to index
      %swap3A_537 = arith.constant 64 : index
      %swap3A_538 = tpu.vector_load %arg10[%swap3A_536, %swap3A_537] {strides = array<i32>} : memref<80x128xf32, #tpu.memory_space<vmem>>, vector<1x16xf32>,
      %swap3A_539 = vector.shape_cast %swap3A_538 : vector<1x16xf32> to vector<16xf32>
      %swap3A_540 = vector.shape_cast %mul3A_535 : vector<16xf32> to vector<1x16xf32>
      tpu.vector_store %arg10[%swap3A_536, %swap3A_537], %swap3A_540 {strides = array<i32>} : memref<80x128xf32, #tpu.memory_space<vmem>>, vector<1x16xf32>,
      %get3A_541 = arith.index_cast %add3A_490 : i32 to index
      %get3A_542 = arith.constant 80 : index
      %get3A_543 = tpu.vector_load %arg10[%get3A_541, %get3A_542] {strides = array<i32>} : memref<80x128xf32, #tpu.memory_space<vmem>>, vector<1x16xf32>,
      %get3A_544 = vector.shape_cast %get3A_543 : vector<1x16xf32> to vector<16xf32>
      %mul3A_545 = arith.mulf %get3A_544, %gather3A_486 : vector<16xf32>
      %swap3A_546 = arith.index_cast %add3A_490 : i32 to index
      %swap3A_547 = arith.constant 80 : index
      %swap3A_548 = tpu.vector_load %arg10[%swap3A_546, %swap3A_547] {strides = array<i32>} : memref<80x128xf32, #tpu.memory_space<vmem>>, vector<1x16xf32>,
      %swap3A_549 = vector.shape_cast %swap3A_548 : vector<1x16xf32> to vector<16xf32>
      %swap3A_550 = vector.shape_cast %mul3A_545 : vector<16xf32> to vector<1x16xf32>
      tpu.vector_store %arg10[%swap3A_546, %swap3A_547], %swap3A_550 {strides = array<i32>} : memref<80x128xf32, #tpu.memory_space<vmem>>, vector<1x16xf32>,
      %get3A_551 = arith.index_cast %add3A_490 : i32 to index
      %get3A_552 = arith.constant 96 : index
      %get3A_553 = tpu.vector_load %arg10[%get3A_551, %get3A_552] {strides = array<i32>} : memref<80x128xf32, #tpu.memory_space<vmem>>, vector<1x16xf32>,
      %get3A_554 = vector.shape_cast %get3A_553 : vector<1x16xf32> to vector<16xf32>
      %mul3A_555 = arith.mulf %get3A_554, %gather3A_486 : vector<16xf32>
      %swap3A_556 = arith.index_cast %add3A_490 : i32 to index
      %swap3A_557 = arith.constant 96 : index
      %swap3A_558 = tpu.vector_load %arg10[%swap3A_556, %swap3A_557] {strides = array<i32>} : memref<80x128xf32, #tpu.memory_space<vmem>>, vector<1x16xf32>,
      %swap3A_559 = vector.shape_cast %swap3A_558 : vector<1x16xf32> to vector<16xf32>
      %swap3A_560 = vector.shape_cast %mul3A_555 : vector<16xf32> to vector<1x16xf32>
      tpu.vector_store %arg10[%swap3A_556, %swap3A_557], %swap3A_560 {strides = array<i32>} : memref<80x128xf32, #tpu.memory_space<vmem>>, vector<1x16xf32>,
      %get3A_561 = arith.index_cast %add3A_490 : i32 to index
      %get3A_562 = arith.constant 112 : index
      %get3A_563 = tpu.vector_load %arg10[%get3A_561, %get3A_562] {strides = array<i32>} : memref<80x128xf32, #tpu.memory_space<vmem>>, vector<1x16xf32>,
      %get3A_564 = vector.shape_cast %get3A_563 : vector<1x16xf32> to vector<16xf32>
      %mul3A_565 = arith.mulf %get3A_564, %gather3A_486 : vector<16xf32>
      %swap3A_566 = arith.index_cast %add3A_490 : i32 to index
      %swap3A_567 = arith.constant 112 : index
      %swap3A_568 = tpu.vector_load %arg10[%swap3A_566, %swap3A_567] {strides = array<i32>} : memref<80x128xf32, #tpu.memory_space<vmem>>, vector<1x16xf32>,
      %swap3A_569 = vector.shape_cast %swap3A_568 : vector<1x16xf32> to vector<16xf32>
      %swap3A_570 = vector.shape_cast %mul3A_565 : vector<16xf32> to vector<1x16xf32>
      tpu.vector_store %arg10[%swap3A_566, %swap3A_567], %swap3A_570 {strides = array<i32>} : memref<80x128xf32, #tpu.memory_space<vmem>>, vector<1x16xf32>,
      %broadcast_in_dim3A_571 = arith.constant 6 : i32
      %broadcast_in_dim3A_572 = vector.broadcast %broadcast_in_dim3A_571 : i32 to vector<16x1xi32>
      %gather3A_573 = vector.shape_cast %broadcast_in_dim3A_572 : vector<16x1xi32> to vector<16xi32>
      %gather3A_574 = tpu.dynamic_gather %get3A_45[%gather3A_573] in [0] : vector<16xf32>, vector<16xi32> -> vector<16xf32>
      %mul3A_575 = arith.constant 16 : i32
      %mul3A_576 = arith.muli %scan3A_39, %mul3A_575 : i32
      %add3A_577 = arith.constant 6 : i32
      %add3A_578 = arith.addi %mul3A_576, %add3A_577 : i32
      %get3A_579 = arith.index_cast %add3A_578 : i32 to index
      %get3A_580 = arith.constant 0 : index
      %get3A_581 = tpu.vector_load %arg10[%get3A_579, %get3A_580] {strides = array<i32>} : memref<80x128xf32, #tpu.memory_space<vmem>>, vector<1x16xf32>,
      %get3A_582 = vector.shape_cast %get3A_581 : vector<1x16xf32> to vector<16xf32>
      %mul3A_583 = arith.mulf %get3A_582, %gather3A_574 : vector<16xf32>
      %swap3A_584 = arith.index_cast %add3A_578 : i32 to index
      %swap3A_585 = arith.constant 0 : index
      %swap3A_586 = tpu.vector_load %arg10[%swap3A_584, %swap3A_585] {strides = array<i32>} : memref<80x128xf32, #tpu.memory_space<vmem>>, vector<1x16xf32>,
      %swap3A_587 = vector.shape_cast %swap3A_586 : vector<1x16xf32> to vector<16xf32>
      %swap3A_588 = vector.shape_cast %mul3A_583 : vector<16xf32> to vector<1x16xf32>
      tpu.vector_store %arg10[%swap3A_584, %swap3A_585], %swap3A_588 {strides = array<i32>} : memref<80x128xf32, #tpu.memory_space<vmem>>, vector<1x16xf32>,
      %get3A_589 = arith.index_cast %add3A_578 : i32 to index
      %get3A_590 = arith.constant 16 : index
      %get3A_591 = tpu.vector_load %arg10[%get3A_589, %get3A_590] {strides = array<i32>} : memref<80x128xf32, #tpu.memory_space<vmem>>, vector<1x16xf32>,
      %get3A_592 = vector.shape_cast %get3A_591 : vector<1x16xf32> to vector<16xf32>
      %mul3A_593 = arith.mulf %get3A_592, %gather3A_574 : vector<16xf32>
      %swap3A_594 = arith.index_cast %add3A_578 : i32 to index
      %swap3A_595 = arith.constant 16 : index
      %swap3A_596 = tpu.vector_load %arg10[%swap3A_594, %swap3A_595] {strides = array<i32>} : memref<80x128xf32, #tpu.memory_space<vmem>>, vector<1x16xf32>,
      %swap3A_597 = vector.shape_cast %swap3A_596 : vector<1x16xf32> to vector<16xf32>
      %swap3A_598 = vector.shape_cast %mul3A_593 : vector<16xf32> to vector<1x16xf32>
      tpu.vector_store %arg10[%swap3A_594, %swap3A_595], %swap3A_598 {strides = array<i32>} : memref<80x128xf32, #tpu.memory_space<vmem>>, vector<1x16xf32>,
      %get3A_599 = arith.index_cast %add3A_578 : i32 to index
      %get3A_600 = arith.constant 32 : index
      %get3A_601 = tpu.vector_load %arg10[%get3A_599, %get3A_600] {strides = array<i32>} : memref<80x128xf32, #tpu.memory_space<vmem>>, vector<1x16xf32>,
      %get3A_602 = vector.shape_cast %get3A_601 : vector<1x16xf32> to vector<16xf32>
      %mul3A_603 = arith.mulf %get3A_602, %gather3A_574 : vector<16xf32>
      %swap3A_604 = arith.index_cast %add3A_578 : i32 to index
      %swap3A_605 = arith.constant 32 : index
      %swap3A_606 = tpu.vector_load %arg10[%swap3A_604, %swap3A_605] {strides = array<i32>} : memref<80x128xf32, #tpu.memory_space<vmem>>, vector<1x16xf32>,
      %swap3A_607 = vector.shape_cast %swap3A_606 : vector<1x16xf32> to vector<16xf32>
      %swap3A_608 = vector.shape_cast %mul3A_603 : vector<16xf32> to vector<1x16xf32>
      tpu.vector_store %arg10[%swap3A_604, %swap3A_605], %swap3A_608 {strides = array<i32>} : memref<80x128xf32, #tpu.memory_space<vmem>>, vector<1x16xf32>,
      %get3A_609 = arith.index_cast %add3A_578 : i32 to index
      %get3A_610 = arith.constant 48 : index
      %get3A_611 = tpu.vector_load %arg10[%get3A_609, %get3A_610] {strides = array<i32>} : memref<80x128xf32, #tpu.memory_space<vmem>>, vector<1x16xf32>,
      %get3A_612 = vector.shape_cast %get3A_611 : vector<1x16xf32> to vector<16xf32>
      %mul3A_613 = arith.mulf %get3A_612, %gather3A_574 : vector<16xf32>
      %swap3A_614 = arith.index_cast %add3A_578 : i32 to index
      %swap3A_615 = arith.constant 48 : index
      %swap3A_616 = tpu.vector_load %arg10[%swap3A_614, %swap3A_615] {strides = array<i32>} : memref<80x128xf32, #tpu.memory_space<vmem>>, vector<1x16xf32>,
      %swap3A_617 = vector.shape_cast %swap3A_616 : vector<1x16xf32> to vector<16xf32>
      %swap3A_618 = vector.shape_cast %mul3A_613 : vector<16xf32> to vector<1x16xf32>
      tpu.vector_store %arg10[%swap3A_614, %swap3A_615], %swap3A_618 {strides = array<i32>} : memref<80x128xf32, #tpu.memory_space<vmem>>, vector<1x16xf32>,
      %get3A_619 = arith.index_cast %add3A_578 : i32 to index
      %get3A_620 = arith.constant 64 : index
      %get3A_621 = tpu.vector_load %arg10[%get3A_619, %get3A_620] {strides = array<i32>} : memref<80x128xf32, #tpu.memory_space<vmem>>, vector<1x16xf32>,
      %get3A_622 = vector.shape_cast %get3A_621 : vector<1x16xf32> to vector<16xf32>
      %mul3A_623 = arith.mulf %get3A_622, %gather3A_574 : vector<16xf32>
      %swap3A_624 = arith.index_cast %add3A_578 : i32 to index
      %swap3A_625 = arith.constant 64 : index
      %swap3A_626 = tpu.vector_load %arg10[%swap3A_624, %swap3A_625] {strides = array<i32>} : memref<80x128xf32, #tpu.memory_space<vmem>>, vector<1x16xf32>,
      %swap3A_627 = vector.shape_cast %swap3A_626 : vector<1x16xf32> to vector<16xf32>
      %swap3A_628 = vector.shape_cast %mul3A_623 : vector<16xf32> to vector<1x16xf32>
      tpu.vector_store %arg10[%swap3A_624, %swap3A_625], %swap3A_628 {strides = array<i32>} : memref<80x128xf32, #tpu.memory_space<vmem>>, vector<1x16xf32>,
      %get3A_629 = arith.index_cast %add3A_578 : i32 to index
      %get3A_630 = arith.constant 80 : index
      %get3A_631 = tpu.vector_load %arg10[%get3A_629, %get3A_630] {strides = array<i32>} : memref<80x128xf32, #tpu.memory_space<vmem>>, vector<1x16xf32>,
      %get3A_632 = vector.shape_cast %get3A_631 : vector<1x16xf32> to vector<16xf32>
      %mul3A_633 = arith.mulf %get3A_632, %gather3A_574 : vector<16xf32>
      %swap3A_634 = arith.index_cast %add3A_578 : i32 to index
      %swap3A_635 = arith.constant 80 : index
      %swap3A_636 = tpu.vector_load %arg10[%swap3A_634, %swap3A_635] {strides = array<i32>} : memref<80x128xf32, #tpu.memory_space<vmem>>, vector<1x16xf32>,
      %swap3A_637 = vector.shape_cast %swap3A_636 : vector<1x16xf32> to vector<16xf32>
      %swap3A_638 = vector.shape_cast %mul3A_633 : vector<16xf32> to vector<1x16xf32>
      tpu.vector_store %arg10[%swap3A_634, %swap3A_635], %swap3A_638 {strides = array<i32>} : memref<80x128xf32, #tpu.memory_space<vmem>>, vector<1x16xf32>,
      %get3A_639 = arith.index_cast %add3A_578 : i32 to index
      %get3A_640 = arith.constant 96 : index
      %get3A_641 = tpu.vector_load %arg10[%get3A_639, %get3A_640] {strides = array<i32>} : memref<80x128xf32, #tpu.memory_space<vmem>>, vector<1x16xf32>,
      %get3A_642 = vector.shape_cast %get3A_641 : vector<1x16xf32> to vector<16xf32>
      %mul3A_643 = arith.mulf %get3A_642, %gather3A_574 : vector<16xf32>
      %swap3A_644 = arith.index_cast %add3A_578 : i32 to index
      %swap3A_645 = arith.constant 96 : index
      %swap3A_646 = tpu.vector_load %arg10[%swap3A_644, %swap3A_645] {strides = array<i32>} : memref<80x128xf32, #tpu.memory_space<vmem>>, vector<1x16xf32>,
      %swap3A_647 = vector.shape_cast %swap3A_646 : vector<1x16xf32> to vector<16xf32>
      %swap3A_648 = vector.shape_cast %mul3A_643 : vector<16xf32> to vector<1x16xf32>
      tpu.vector_store %arg10[%swap3A_644, %swap3A_645], %swap3A_648 {strides = array<i32>} : memref<80x128xf32, #tpu.memory_space<vmem>>, vector<1x16xf32>,
      %get3A_649 = arith.index_cast %add3A_578 : i32 to index
      %get3A_650 = arith.constant 112 : index
      %get3A_651 = tpu.vector_load %arg10[%get3A_649, %get3A_650] {strides = array<i32>} : memref<80x128xf32, #tpu.memory_space<vmem>>, vector<1x16xf32>,
      %get3A_652 = vector.shape_cast %get3A_651 : vector<1x16xf32> to vector<16xf32>
      %mul3A_653 = arith.mulf %get3A_652, %gather3A_574 : vector<16xf32>
      %swap3A_654 = arith.index_cast %add3A_578 : i32 to index
      %swap3A_655 = arith.constant 112 : index
      %swap3A_656 = tpu.vector_load %arg10[%swap3A_654, %swap3A_655] {strides = array<i32>} : memref<80x128xf32, #tpu.memory_space<vmem>>, vector<1x16xf32>,
      %swap3A_657 = vector.shape_cast %swap3A_656 : vector<1x16xf32> to vector<16xf32>
      %swap3A_658 = vector.shape_cast %mul3A_653 : vector<16xf32> to vector<1x16xf32>
      tpu.vector_store %arg10[%swap3A_654, %swap3A_655], %swap3A_658 {strides = array<i32>} : memref<80x128xf32, #tpu.memory_space<vmem>>, vector<1x16xf32>,
      %broadcast_in_dim3A_659 = arith.constant 7 : i32
      %broadcast_in_dim3A_660 = vector.broadcast %broadcast_in_dim3A_659 : i32 to vector<16x1xi32>
      %gather3A_661 = vector.shape_cast %broadcast_in_dim3A_660 : vector<16x1xi32> to vector<16xi32>
      %gather3A_662 = tpu.dynamic_gather %get3A_45[%gather3A_661] in [0] : vector<16xf32>, vector<16xi32> -> vector<16xf32>
      %mul3A_663 = arith.constant 16 : i32
      %mul3A_664 = arith.muli %scan3A_39, %mul3A_663 : i32
      %add3A_665 = arith.constant 7 : i32
      %add3A_666 = arith.addi %mul3A_664, %add3A_665 : i32
      %get3A_667 = arith.index_cast %add3A_666 : i32 to index
      %get3A_668 = arith.constant 0 : index
      %get3A_669 = tpu.vector_load %arg10[%get3A_667, %get3A_668] {strides = array<i32>} : memref<80x128xf32, #tpu.memory_space<vmem>>, vector<1x16xf32>,
      %get3A_670 = vector.shape_cast %get3A_669 : vector<1x16xf32> to vector<16xf32>
      %mul3A_671 = arith.mulf %get3A_670, %gather3A_662 : vector<16xf32>
      %swap3A_672 = arith.index_cast %add3A_666 : i32 to index
      %swap3A_673 = arith.constant 0 : index
      %swap3A_674 = tpu.vector_load %arg10[%swap3A_672, %swap3A_673] {strides = array<i32>} : memref<80x128xf32, #tpu.memory_space<vmem>>, vector<1x16xf32>,
      %swap3A_675 = vector.shape_cast %swap3A_674 : vector<1x16xf32> to vector<16xf32>
      %swap3A_676 = vector.shape_cast %mul3A_671 : vector<16xf32> to vector<1x16xf32>
      tpu.vector_store %arg10[%swap3A_672, %swap3A_673], %swap3A_676 {strides = array<i32>} : memref<80x128xf32, #tpu.memory_space<vmem>>, vector<1x16xf32>,
      %get3A_677 = arith.index_cast %add3A_666 : i32 to index
      %get3A_678 = arith.constant 16 : index
      %get3A_679 = tpu.vector_load %arg10[%get3A_677, %get3A_678] {strides = array<i32>} : memref<80x128xf32, #tpu.memory_space<vmem>>, vector<1x16xf32>,
      %get3A_680 = vector.shape_cast %get3A_679 : vector<1x16xf32> to vector<16xf32>
      %mul3A_681 = arith.mulf %get3A_680, %gather3A_662 : vector<16xf32>
      %swap3A_682 = arith.index_cast %add3A_666 : i32 to index
      %swap3A_683 = arith.constant 16 : index
      %swap3A_684 = tpu.vector_load %arg10[%swap3A_682, %swap3A_683] {strides = array<i32>} : memref<80x128xf32, #tpu.memory_space<vmem>>, vector<1x16xf32>,
      %swap3A_685 = vector.shape_cast %swap3A_684 : vector<1x16xf32> to vector<16xf32>
      %swap3A_686 = vector.shape_cast %mul3A_681 : vector<16xf32> to vector<1x16xf32>
      tpu.vector_store %arg10[%swap3A_682, %swap3A_683], %swap3A_686 {strides = array<i32>} : memref<80x128xf32, #tpu.memory_space<vmem>>, vector<1x16xf32>,
      %get3A_687 = arith.index_cast %add3A_666 : i32 to index
      %get3A_688 = arith.constant 32 : index
      %get3A_689 = tpu.vector_load %arg10[%get3A_687, %get3A_688] {strides = array<i32>} : memref<80x128xf32, #tpu.memory_space<vmem>>, vector<1x16xf32>,
      %get3A_690 = vector.shape_cast %get3A_689 : vector<1x16xf32> to vector<16xf32>
      %mul3A_691 = arith.mulf %get3A_690, %gather3A_662 : vector<16xf32>
      %swap3A_692 = arith.index_cast %add3A_666 : i32 to index
      %swap3A_693 = arith.constant 32 : index
      %swap3A_694 = tpu.vector_load %arg10[%swap3A_692, %swap3A_693] {strides = array<i32>} : memref<80x128xf32, #tpu.memory_space<vmem>>, vector<1x16xf32>,
      %swap3A_695 = vector.shape_cast %swap3A_694 : vector<1x16xf32> to vector<16xf32>
      %swap3A_696 = vector.shape_cast %mul3A_691 : vector<16xf32> to vector<1x16xf32>
      tpu.vector_store %arg10[%swap3A_692, %swap3A_693], %swap3A_696 {strides = array<i32>} : memref<80x128xf32, #tpu.memory_space<vmem>>, vector<1x16xf32>,
      %get3A_697 = arith.index_cast %add3A_666 : i32 to index
      %get3A_698 = arith.constant 48 : index
      %get3A_699 = tpu.vector_load %arg10[%get3A_697, %get3A_698] {strides = array<i32>} : memref<80x128xf32, #tpu.memory_space<vmem>>, vector<1x16xf32>,
      %get3A_700 = vector.shape_cast %get3A_699 : vector<1x16xf32> to vector<16xf32>
      %mul3A_701 = arith.mulf %get3A_700, %gather3A_662 : vector<16xf32>
      %swap3A_702 = arith.index_cast %add3A_666 : i32 to index
      %swap3A_703 = arith.constant 48 : index
      %swap3A_704 = tpu.vector_load %arg10[%swap3A_702, %swap3A_703] {strides = array<i32>} : memref<80x128xf32, #tpu.memory_space<vmem>>, vector<1x16xf32>,
      %swap3A_705 = vector.shape_cast %swap3A_704 : vector<1x16xf32> to vector<16xf32>
      %swap3A_706 = vector.shape_cast %mul3A_701 : vector<16xf32> to vector<1x16xf32>
      tpu.vector_store %arg10[%swap3A_702, %swap3A_703], %swap3A_706 {strides = array<i32>} : memref<80x128xf32, #tpu.memory_space<vmem>>, vector<1x16xf32>,
      %get3A_707 = arith.index_cast %add3A_666 : i32 to index
      %get3A_708 = arith.constant 64 : index
      %get3A_709 = tpu.vector_load %arg10[%get3A_707, %get3A_708] {strides = array<i32>} : memref<80x128xf32, #tpu.memory_space<vmem>>, vector<1x16xf32>,
      %get3A_710 = vector.shape_cast %get3A_709 : vector<1x16xf32> to vector<16xf32>
      %mul3A_711 = arith.mulf %get3A_710, %gather3A_662 : vector<16xf32>
      %swap3A_712 = arith.index_cast %add3A_666 : i32 to index
      %swap3A_713 = arith.constant 64 : index
      %swap3A_714 = tpu.vector_load %arg10[%swap3A_712, %swap3A_713] {strides = array<i32>} : memref<80x128xf32, #tpu.memory_space<vmem>>, vector<1x16xf32>,
      %swap3A_715 = vector.shape_cast %swap3A_714 : vector<1x16xf32> to vector<16xf32>
      %swap3A_716 = vector.shape_cast %mul3A_711 : vector<16xf32> to vector<1x16xf32>
      tpu.vector_store %arg10[%swap3A_712, %swap3A_713], %swap3A_716 {strides = array<i32>} : memref<80x128xf32, #tpu.memory_space<vmem>>, vector<1x16xf32>,
      %get3A_717 = arith.index_cast %add3A_666 : i32 to index
      %get3A_718 = arith.constant 80 : index
      %get3A_719 = tpu.vector_load %arg10[%get3A_717, %get3A_718] {strides = array<i32>} : memref<80x128xf32, #tpu.memory_space<vmem>>, vector<1x16xf32>,
      %get3A_720 = vector.shape_cast %get3A_719 : vector<1x16xf32> to vector<16xf32>
      %mul3A_721 = arith.mulf %get3A_720, %gather3A_662 : vector<16xf32>
      %swap3A_722 = arith.index_cast %add3A_666 : i32 to index
      %swap3A_723 = arith.constant 80 : index
      %swap3A_724 = tpu.vector_load %arg10[%swap3A_722, %swap3A_723] {strides = array<i32>} : memref<80x128xf32, #tpu.memory_space<vmem>>, vector<1x16xf32>,
      %swap3A_725 = vector.shape_cast %swap3A_724 : vector<1x16xf32> to vector<16xf32>
      %swap3A_726 = vector.shape_cast %mul3A_721 : vector<16xf32> to vector<1x16xf32>
      tpu.vector_store %arg10[%swap3A_722, %swap3A_723], %swap3A_726 {strides = array<i32>} : memref<80x128xf32, #tpu.memory_space<vmem>>, vector<1x16xf32>,
      %get3A_727 = arith.index_cast %add3A_666 : i32 to index
      %get3A_728 = arith.constant 96 : index
      %get3A_729 = tpu.vector_load %arg10[%get3A_727, %get3A_728] {strides = array<i32>} : memref<80x128xf32, #tpu.memory_space<vmem>>, vector<1x16xf32>,
      %get3A_730 = vector.shape_cast %get3A_729 : vector<1x16xf32> to vector<16xf32>
      %mul3A_731 = arith.mulf %get3A_730, %gather3A_662 : vector<16xf32>
      %swap3A_732 = arith.index_cast %add3A_666 : i32 to index
      %swap3A_733 = arith.constant 96 : index
      %swap3A_734 = tpu.vector_load %arg10[%swap3A_732, %swap3A_733] {strides = array<i32>} : memref<80x128xf32, #tpu.memory_space<vmem>>, vector<1x16xf32>,
      %swap3A_735 = vector.shape_cast %swap3A_734 : vector<1x16xf32> to vector<16xf32>
      %swap3A_736 = vector.shape_cast %mul3A_731 : vector<16xf32> to vector<1x16xf32>
      tpu.vector_store %arg10[%swap3A_732, %swap3A_733], %swap3A_736 {strides = array<i32>} : memref<80x128xf32, #tpu.memory_space<vmem>>, vector<1x16xf32>,
      %get3A_737 = arith.index_cast %add3A_666 : i32 to index
      %get3A_738 = arith.constant 112 : index
      %get3A_739 = tpu.vector_load %arg10[%get3A_737, %get3A_738] {strides = array<i32>} : memref<80x128xf32, #tpu.memory_space<vmem>>, vector<1x16xf32>,
      %get3A_740 = vector.shape_cast %get3A_739 : vector<1x16xf32> to vector<16xf32>
      %mul3A_741 = arith.mulf %get3A_740, %gather3A_662 : vector<16xf32>
      %swap3A_742 = arith.index_cast %add3A_666 : i32 to index
      %swap3A_743 = arith.constant 112 : index
      %swap3A_744 = tpu.vector_load %arg10[%swap3A_742, %swap3A_743] {strides = array<i32>} : memref<80x128xf32, #tpu.memory_space<vmem>>, vector<1x16xf32>,
      %swap3A_745 = vector.shape_cast %swap3A_744 : vector<1x16xf32> to vector<16xf32>
      %swap3A_746 = vector.shape_cast %mul3A_741 : vector<16xf32> to vector<1x16xf32>
      tpu.vector_store %arg10[%swap3A_742, %swap3A_743], %swap3A_746 {strides = array<i32>} : memref<80x128xf32, #tpu.memory_space<vmem>>, vector<1x16xf32>,
      %broadcast_in_dim3A_747 = arith.constant 8 : i32
      %broadcast_in_dim3A_748 = vector.broadcast %broadcast_in_dim3A_747 : i32 to vector<16x1xi32>
      %gather3A_749 = vector.shape_cast %broadcast_in_dim3A_748 : vector<16x1xi32> to vector<16xi32>
      %gather3A_750 = tpu.dynamic_gather %get3A_45[%gather3A_749] in [0] : vector<16xf32>, vector<16xi32> -> vector<16xf32>
      %mul3A_751 = arith.constant 16 : i32
      %mul3A_752 = arith.muli %scan3A_39, %mul3A_751 : i32
      %add3A_753 = arith.constant 8 : i32
      %add3A_754 = arith.addi %mul3A_752, %add3A_753 : i32
      %get3A_755 = arith.index_cast %add3A_754 : i32 to index
      %get3A_756 = arith.constant 0 : index
      %get3A_757 = tpu.vector_load %arg10[%get3A_755, %get3A_756] {strides = array<i32>} : memref<80x128xf32, #tpu.memory_space<vmem>>, vector<1x16xf32>,
      %get3A_758 = vector.shape_cast %get3A_757 : vector<1x16xf32> to vector<16xf32>
      %mul3A_759 = arith.mulf %get3A_758, %gather3A_750 : vector<16xf32>
      %swap3A_760 = arith.index_cast %add3A_754 : i32 to index
      %swap3A_761 = arith.constant 0 : index
      %swap3A_762 = tpu.vector_load %arg10[%swap3A_760, %swap3A_761] {strides = array<i32>} : memref<80x128xf32, #tpu.memory_space<vmem>>, vector<1x16xf32>,
      %swap3A_763 = vector.shape_cast %swap3A_762 : vector<1x16xf32> to vector<16xf32>
      %swap3A_764 = vector.shape_cast %mul3A_759 : vector<16xf32> to vector<1x16xf32>
      tpu.vector_store %arg10[%swap3A_760, %swap3A_761], %swap3A_764 {strides = array<i32>} : memref<80x128xf32, #tpu.memory_space<vmem>>, vector<1x16xf32>,
      %get3A_765 = arith.index_cast %add3A_754 : i32 to index
      %get3A_766 = arith.constant 16 : index
      %get3A_767 = tpu.vector_load %arg10[%get3A_765, %get3A_766] {strides = array<i32>} : memref<80x128xf32, #tpu.memory_space<vmem>>, vector<1x16xf32>,
      %get3A_768 = vector.shape_cast %get3A_767 : vector<1x16xf32> to vector<16xf32>
      %mul3A_769 = arith.mulf %get3A_768, %gather3A_750 : vector<16xf32>
      %swap3A_770 = arith.index_cast %add3A_754 : i32 to index
      %swap3A_771 = arith.constant 16 : index
      %swap3A_772 = tpu.vector_load %arg10[%swap3A_770, %swap3A_771] {strides = array<i32>} : memref<80x128xf32, #tpu.memory_space<vmem>>, vector<1x16xf32>,
      %swap3A_773 = vector.shape_cast %swap3A_772 : vector<1x16xf32> to vector<16xf32>
      %swap3A_774 = vector.shape_cast %mul3A_769 : vector<16xf32> to vector<1x16xf32>
      tpu.vector_store %arg10[%swap3A_770, %swap3A_771], %swap3A_774 {strides = array<i32>} : memref<80x128xf32, #tpu.memory_space<vmem>>, vector<1x16xf32>,
      %get3A_775 = arith.index_cast %add3A_754 : i32 to index
      %get3A_776 = arith.constant 32 : index
      %get3A_777 = tpu.vector_load %arg10[%get3A_775, %get3A_776] {strides = array<i32>} : memref<80x128xf32, #tpu.memory_space<vmem>>, vector<1x16xf32>,
      %get3A_778 = vector.shape_cast %get3A_777 : vector<1x16xf32> to vector<16xf32>
      %mul3A_779 = arith.mulf %get3A_778, %gather3A_750 : vector<16xf32>
      %swap3A_780 = arith.index_cast %add3A_754 : i32 to index
      %swap3A_781 = arith.constant 32 : index
      %swap3A_782 = tpu.vector_load %arg10[%swap3A_780, %swap3A_781] {strides = array<i32>} : memref<80x128xf32, #tpu.memory_space<vmem>>, vector<1x16xf32>,
      %swap3A_783 = vector.shape_cast %swap3A_782 : vector<1x16xf32> to vector<16xf32>
      %swap3A_784 = vector.shape_cast %mul3A_779 : vector<16xf32> to vector<1x16xf32>
      tpu.vector_store %arg10[%swap3A_780, %swap3A_781], %swap3A_784 {strides = array<i32>} : memref<80x128xf32, #tpu.memory_space<vmem>>, vector<1x16xf32>,
      %get3A_785 = arith.index_cast %add3A_754 : i32 to index
      %get3A_786 = arith.constant 48 : index
      %get3A_787 = tpu.vector_load %arg10[%get3A_785, %get3A_786] {strides = array<i32>} : memref<80x128xf32, #tpu.memory_space<vmem>>, vector<1x16xf32>,
      %get3A_788 = vector.shape_cast %get3A_787 : vector<1x16xf32> to vector<16xf32>
      %mul3A_789 = arith.mulf %get3A_788, %gather3A_750 : vector<16xf32>
      %swap3A_790 = arith.index_cast %add3A_754 : i32 to index
      %swap3A_791 = arith.constant 48 : index
      %swap3A_792 = tpu.vector_load %arg10[%swap3A_790, %swap3A_791] {strides = array<i32>} : memref<80x128xf32, #tpu.memory_space<vmem>>, vector<1x16xf32>,
      %swap3A_793 = vector.shape_cast %swap3A_792 : vector<1x16xf32> to vector<16xf32>
      %swap3A_794 = vector.shape_cast %mul3A_789 : vector<16xf32> to vector<1x16xf32>
      tpu.vector_store %arg10[%swap3A_790, %swap3A_791], %swap3A_794 {strides = array<i32>} : memref<80x128xf32, #tpu.memory_space<vmem>>, vector<1x16xf32>,
      %get3A_795 = arith.index_cast %add3A_754 : i32 to index
      %get3A_796 = arith.constant 64 : index
      %get3A_797 = tpu.vector_load %arg10[%get3A_795, %get3A_796] {strides = array<i32>} : memref<80x128xf32, #tpu.memory_space<vmem>>, vector<1x16xf32>,
      %get3A_798 = vector.shape_cast %get3A_797 : vector<1x16xf32> to vector<16xf32>
      %mul3A_799 = arith.mulf %get3A_798, %gather3A_750 : vector<16xf32>
      %swap3A_800 = arith.index_cast %add3A_754 : i32 to index
      %swap3A_801 = arith.constant 64 : index
      %swap3A_802 = tpu.vector_load %arg10[%swap3A_800, %swap3A_801] {strides = array<i32>} : memref<80x128xf32, #tpu.memory_space<vmem>>, vector<1x16xf32>,
      %swap3A_803 = vector.shape_cast %swap3A_802 : vector<1x16xf32> to vector<16xf32>
      %swap3A_804 = vector.shape_cast %mul3A_799 : vector<16xf32> to vector<1x16xf32>
      tpu.vector_store %arg10[%swap3A_800, %swap3A_801], %swap3A_804 {strides = array<i32>} : memref<80x128xf32, #tpu.memory_space<vmem>>, vector<1x16xf32>,
      %get3A_805 = arith.index_cast %add3A_754 : i32 to index
      %get3A_806 = arith.constant 80 : index
      %get3A_807 = tpu.vector_load %arg10[%get3A_805, %get3A_806] {strides = array<i32>} : memref<80x128xf32, #tpu.memory_space<vmem>>, vector<1x16xf32>,
      %get3A_808 = vector.shape_cast %get3A_807 : vector<1x16xf32> to vector<16xf32>
      %mul3A_809 = arith.mulf %get3A_808, %gather3A_750 : vector<16xf32>
      %swap3A_810 = arith.index_cast %add3A_754 : i32 to index
      %swap3A_811 = arith.constant 80 : index
      %swap3A_812 = tpu.vector_load %arg10[%swap3A_810, %swap3A_811] {strides = array<i32>} : memref<80x128xf32, #tpu.memory_space<vmem>>, vector<1x16xf32>,
      %swap3A_813 = vector.shape_cast %swap3A_812 : vector<1x16xf32> to vector<16xf32>
      %swap3A_814 = vector.shape_cast %mul3A_809 : vector<16xf32> to vector<1x16xf32>
      tpu.vector_store %arg10[%swap3A_810, %swap3A_811], %swap3A_814 {strides = array<i32>} : memref<80x128xf32, #tpu.memory_space<vmem>>, vector<1x16xf32>,
      %get3A_815 = arith.index_cast %add3A_754 : i32 to index
      %get3A_816 = arith.constant 96 : index
      %get3A_817 = tpu.vector_load %arg10[%get3A_815, %get3A_816] {strides = array<i32>} : memref<80x128xf32, #tpu.memory_space<vmem>>, vector<1x16xf32>,
      %get3A_818 = vector.shape_cast %get3A_817 : vector<1x16xf32> to vector<16xf32>
      %mul3A_819 = arith.mulf %get3A_818, %gather3A_750 : vector<16xf32>
      %swap3A_820 = arith.index_cast %add3A_754 : i32 to index
      %swap3A_821 = arith.constant 96 : index
      %swap3A_822 = tpu.vector_load %arg10[%swap3A_820, %swap3A_821] {strides = array<i32>} : memref<80x128xf32, #tpu.memory_space<vmem>>, vector<1x16xf32>,
      %swap3A_823 = vector.shape_cast %swap3A_822 : vector<1x16xf32> to vector<16xf32>
      %swap3A_824 = vector.shape_cast %mul3A_819 : vector<16xf32> to vector<1x16xf32>
      tpu.vector_store %arg10[%swap3A_820, %swap3A_821], %swap3A_824 {strides = array<i32>} : memref<80x128xf32, #tpu.memory_space<vmem>>, vector<1x16xf32>,
      %get3A_825 = arith.index_cast %add3A_754 : i32 to index
      %get3A_826 = arith.constant 112 : index
      %get3A_827 = tpu.vector_load %arg10[%get3A_825, %get3A_826] {strides = array<i32>} : memref<80x128xf32, #tpu.memory_space<vmem>>, vector<1x16xf32>,
      %get3A_828 = vector.shape_cast %get3A_827 : vector<1x16xf32> to vector<16xf32>
      %mul3A_829 = arith.mulf %get3A_828, %gather3A_750 : vector<16xf32>
      %swap3A_830 = arith.index_cast %add3A_754 : i32 to index
      %swap3A_831 = arith.constant 112 : index
      %swap3A_832 = tpu.vector_load %arg10[%swap3A_830, %swap3A_831] {strides = array<i32>} : memref<80x128xf32, #tpu.memory_space<vmem>>, vector<1x16xf32>,
      %swap3A_833 = vector.shape_cast %swap3A_832 : vector<1x16xf32> to vector<16xf32>
      %swap3A_834 = vector.shape_cast %mul3A_829 : vector<16xf32> to vector<1x16xf32>
      tpu.vector_store %arg10[%swap3A_830, %swap3A_831], %swap3A_834 {strides = array<i32>} : memref<80x128xf32, #tpu.memory_space<vmem>>, vector<1x16xf32>,
      %broadcast_in_dim3A_835 = arith.constant 9 : i32
      %broadcast_in_dim3A_836 = vector.broadcast %broadcast_in_dim3A_835 : i32 to vector<16x1xi32>
      %gather3A_837 = vector.shape_cast %broadcast_in_dim3A_836 : vector<16x1xi32> to vector<16xi32>
      %gather3A_838 = tpu.dynamic_gather %get3A_45[%gather3A_837] in [0] : vector<16xf32>, vector<16xi32> -> vector<16xf32>
      %mul3A_839 = arith.constant 16 : i32
      %mul3A_840 = arith.muli %scan3A_39, %mul3A_839 : i32
      %add3A_841 = arith.constant 9 : i32
      %add3A_842 = arith.addi %mul3A_840, %add3A_841 : i32
      %get3A_843 = arith.index_cast %add3A_842 : i32 to index
      %get3A_844 = arith.constant 0 : index
      %get3A_845 = tpu.vector_load %arg10[%get3A_843, %get3A_844] {strides = array<i32>} : memref<80x128xf32, #tpu.memory_space<vmem>>, vector<1x16xf32>,
      %get3A_846 = vector.shape_cast %get3A_845 : vector<1x16xf32> to vector<16xf32>
      %mul3A_847 = arith.mulf %get3A_846, %gather3A_838 : vector<16xf32>
      %swap3A_848 = arith.index_cast %add3A_842 : i32 to index
      %swap3A_849 = arith.constant 0 : index
      %swap3A_850 = tpu.vector_load %arg10[%swap3A_848, %swap3A_849] {strides = array<i32>} : memref<80x128xf32, #tpu.memory_space<vmem>>, vector<1x16xf32>,
      %swap3A_851 = vector.shape_cast %swap3A_850 : vector<1x16xf32> to vector<16xf32>
      %swap3A_852 = vector.shape_cast %mul3A_847 : vector<16xf32> to vector<1x16xf32>
      tpu.vector_store %arg10[%swap3A_848, %swap3A_849], %swap3A_852 {strides = array<i32>} : memref<80x128xf32, #tpu.memory_space<vmem>>, vector<1x16xf32>,
      %get3A_853 = arith.index_cast %add3A_842 : i32 to index
      %get3A_854 = arith.constant 16 : index
      %get3A_855 = tpu.vector_load %arg10[%get3A_853, %get3A_854] {strides = array<i32>} : memref<80x128xf32, #tpu.memory_space<vmem>>, vector<1x16xf32>,
      %get3A_856 = vector.shape_cast %get3A_855 : vector<1x16xf32> to vector<16xf32>
      %mul3A_857 = arith.mulf %get3A_856, %gather3A_838 : vector<16xf32>
      %swap3A_858 = arith.index_cast %add3A_842 : i32 to index
      %swap3A_859 = arith.constant 16 : index
      %swap3A_860 = tpu.vector_load %arg10[%swap3A_858, %swap3A_859] {strides = array<i32>} : memref<80x128xf32, #tpu.memory_space<vmem>>, vector<1x16xf32>,
      %swap3A_861 = vector.shape_cast %swap3A_860 : vector<1x16xf32> to vector<16xf32>
      %swap3A_862 = vector.shape_cast %mul3A_857 : vector<16xf32> to vector<1x16xf32>
      tpu.vector_store %arg10[%swap3A_858, %swap3A_859], %swap3A_862 {strides = array<i32>} : memref<80x128xf32, #tpu.memory_space<vmem>>, vector<1x16xf32>,
      %get3A_863 = arith.index_cast %add3A_842 : i32 to index
      %get3A_864 = arith.constant 32 : index
      %get3A_865 = tpu.vector_load %arg10[%get3A_863, %get3A_864] {strides = array<i32>} : memref<80x128xf32, #tpu.memory_space<vmem>>, vector<1x16xf32>,
      %get3A_866 = vector.shape_cast %get3A_865 : vector<1x16xf32> to vector<16xf32>
      %mul3A_867 = arith.mulf %get3A_866, %gather3A_838 : vector<16xf32>
      %swap3A_868 = arith.index_cast %add3A_842 : i32 to index
      %swap3A_869 = arith.constant 32 : index
      %swap3A_870 = tpu.vector_load %arg10[%swap3A_868, %swap3A_869] {strides = array<i32>} : memref<80x128xf32, #tpu.memory_space<vmem>>, vector<1x16xf32>,
      %swap3A_871 = vector.shape_cast %swap3A_870 : vector<1x16xf32> to vector<16xf32>
      %swap3A_872 = vector.shape_cast %mul3A_867 : vector<16xf32> to vector<1x16xf32>
      tpu.vector_store %arg10[%swap3A_868, %swap3A_869], %swap3A_872 {strides = array<i32>} : memref<80x128xf32, #tpu.memory_space<vmem>>, vector<1x16xf32>,
      %get3A_873 = arith.index_cast %add3A_842 : i32 to index
      %get3A_874 = arith.constant 48 : index
      %get3A_875 = tpu.vector_load %arg10[%get3A_873, %get3A_874] {strides = array<i32>} : memref<80x128xf32, #tpu.memory_space<vmem>>, vector<1x16xf32>,
      %get3A_876 = vector.shape_cast %get3A_875 : vector<1x16xf32> to vector<16xf32>
      %mul3A_877 = arith.mulf %get3A_876, %gather3A_838 : vector<16xf32>
      %swap3A_878 = arith.index_cast %add3A_842 : i32 to index
      %swap3A_879 = arith.constant 48 : index
      %swap3A_880 = tpu.vector_load %arg10[%swap3A_878, %swap3A_879] {strides = array<i32>} : memref<80x128xf32, #tpu.memory_space<vmem>>, vector<1x16xf32>,
      %swap3A_881 = vector.shape_cast %swap3A_880 : vector<1x16xf32> to vector<16xf32>
      %swap3A_882 = vector.shape_cast %mul3A_877 : vector<16xf32> to vector<1x16xf32>
      tpu.vector_store %arg10[%swap3A_878, %swap3A_879], %swap3A_882 {strides = array<i32>} : memref<80x128xf32, #tpu.memory_space<vmem>>, vector<1x16xf32>,
      %get3A_883 = arith.index_cast %add3A_842 : i32 to index
      %get3A_884 = arith.constant 64 : index
      %get3A_885 = tpu.vector_load %arg10[%get3A_883, %get3A_884] {strides = array<i32>} : memref<80x128xf32, #tpu.memory_space<vmem>>, vector<1x16xf32>,
      %get3A_886 = vector.shape_cast %get3A_885 : vector<1x16xf32> to vector<16xf32>
      %mul3A_887 = arith.mulf %get3A_886, %gather3A_838 : vector<16xf32>
      %swap3A_888 = arith.index_cast %add3A_842 : i32 to index
      %swap3A_889 = arith.constant 64 : index
      %swap3A_890 = tpu.vector_load %arg10[%swap3A_888, %swap3A_889] {strides = array<i32>} : memref<80x128xf32, #tpu.memory_space<vmem>>, vector<1x16xf32>,
      %swap3A_891 = vector.shape_cast %swap3A_890 : vector<1x16xf32> to vector<16xf32>
      %swap3A_892 = vector.shape_cast %mul3A_887 : vector<16xf32> to vector<1x16xf32>
      tpu.vector_store %arg10[%swap3A_888, %swap3A_889], %swap3A_892 {strides = array<i32>} : memref<80x128xf32, #tpu.memory_space<vmem>>, vector<1x16xf32>,
      %get3A_893 = arith.index_cast %add3A_842 : i32 to index
      %get3A_894 = arith.constant 80 : index
      %get3A_895 = tpu.vector_load %arg10[%get3A_893, %get3A_894] {strides = array<i32>} : memref<80x128xf32, #tpu.memory_space<vmem>>, vector<1x16xf32>,
      %get3A_896 = vector.shape_cast %get3A_895 : vector<1x16xf32> to vector<16xf32>
      %mul3A_897 = arith.mulf %get3A_896, %gather3A_838 : vector<16xf32>
      %swap3A_898 = arith.index_cast %add3A_842 : i32 to index
      %swap3A_899 = arith.constant 80 : index
      %swap3A_900 = tpu.vector_load %arg10[%swap3A_898, %swap3A_899] {strides = array<i32>} : memref<80x128xf32, #tpu.memory_space<vmem>>, vector<1x16xf32>,
      %swap3A_901 = vector.shape_cast %swap3A_900 : vector<1x16xf32> to vector<16xf32>
      %swap3A_902 = vector.shape_cast %mul3A_897 : vector<16xf32> to vector<1x16xf32>
      tpu.vector_store %arg10[%swap3A_898, %swap3A_899], %swap3A_902 {strides = array<i32>} : memref<80x128xf32, #tpu.memory_space<vmem>>, vector<1x16xf32>,
      %get3A_903 = arith.index_cast %add3A_842 : i32 to index
      %get3A_904 = arith.constant 96 : index
      %get3A_905 = tpu.vector_load %arg10[%get3A_903, %get3A_904] {strides = array<i32>} : memref<80x128xf32, #tpu.memory_space<vmem>>, vector<1x16xf32>,
      %get3A_906 = vector.shape_cast %get3A_905 : vector<1x16xf32> to vector<16xf32>
      %mul3A_907 = arith.mulf %get3A_906, %gather3A_838 : vector<16xf32>
      %swap3A_908 = arith.index_cast %add3A_842 : i32 to index
      %swap3A_909 = arith.constant 96 : index
      %swap3A_910 = tpu.vector_load %arg10[%swap3A_908, %swap3A_909] {strides = array<i32>} : memref<80x128xf32, #tpu.memory_space<vmem>>, vector<1x16xf32>,
      %swap3A_911 = vector.shape_cast %swap3A_910 : vector<1x16xf32> to vector<16xf32>
      %swap3A_912 = vector.shape_cast %mul3A_907 : vector<16xf32> to vector<1x16xf32>
      tpu.vector_store %arg10[%swap3A_908, %swap3A_909], %swap3A_912 {strides = array<i32>} : memref<80x128xf32, #tpu.memory_space<vmem>>, vector<1x16xf32>,
      %get3A_913 = arith.index_cast %add3A_842 : i32 to index
      %get3A_914 = arith.constant 112 : index
      %get3A_915 = tpu.vector_load %arg10[%get3A_913, %get3A_914] {strides = array<i32>} : memref<80x128xf32, #tpu.memory_space<vmem>>, vector<1x16xf32>,
      %get3A_916 = vector.shape_cast %get3A_915 : vector<1x16xf32> to vector<16xf32>
      %mul3A_917 = arith.mulf %get3A_916, %gather3A_838 : vector<16xf32>
      %swap3A_918 = arith.index_cast %add3A_842 : i32 to index
      %swap3A_919 = arith.constant 112 : index
      %swap3A_920 = tpu.vector_load %arg10[%swap3A_918, %swap3A_919] {strides = array<i32>} : memref<80x128xf32, #tpu.memory_space<vmem>>, vector<1x16xf32>,
      %swap3A_921 = vector.shape_cast %swap3A_920 : vector<1x16xf32> to vector<16xf32>
      %swap3A_922 = vector.shape_cast %mul3A_917 : vector<16xf32> to vector<1x16xf32>
      tpu.vector_store %arg10[%swap3A_918, %swap3A_919], %swap3A_922 {strides = array<i32>} : memref<80x128xf32, #tpu.memory_space<vmem>>, vector<1x16xf32>,
      %broadcast_in_dim3A_923 = arith.constant 10 : i32
      %broadcast_in_dim3A_924 = vector.broadcast %broadcast_in_dim3A_923 : i32 to vector<16x1xi32>
      %gather3A_925 = vector.shape_cast %broadcast_in_dim3A_924 : vector<16x1xi32> to vector<16xi32>
      %gather3A_926 = tpu.dynamic_gather %get3A_45[%gather3A_925] in [0] : vector<16xf32>, vector<16xi32> -> vector<16xf32>
      %mul3A_927 = arith.constant 16 : i32
      %mul3A_928 = arith.muli %scan3A_39, %mul3A_927 : i32
      %add3A_929 = arith.constant 10 : i32
      %add3A_930 = arith.addi %mul3A_928, %add3A_929 : i32
      %get3A_931 = arith.index_cast %add3A_930 : i32 to index
      %get3A_932 = arith.constant 0 : index
      %get3A_933 = tpu.vector_load %arg10[%get3A_931, %get3A_932] {strides = array<i32>} : memref<80x128xf32, #tpu.memory_space<vmem>>, vector<1x16xf32>,
      %get3A_934 = vector.shape_cast %get3A_933 : vector<1x16xf32> to vector<16xf32>
      %mul3A_935 = arith.mulf %get3A_934, %gather3A_926 : vector<16xf32>
      %swap3A_936 = arith.index_cast %add3A_930 : i32 to index
      %swap3A_937 = arith.constant 0 : index
      %swap3A_938 = tpu.vector_load %arg10[%swap3A_936, %swap3A_937] {strides = array<i32>} : memref<80x128xf32, #tpu.memory_space<vmem>>, vector<1x16xf32>,
      %swap3A_939 = vector.shape_cast %swap3A_938 : vector<1x16xf32> to vector<16xf32>
      %swap3A_940 = vector.shape_cast %mul3A_935 : vector<16xf32> to vector<1x16xf32>
      tpu.vector_store %arg10[%swap3A_936, %swap3A_937], %swap3A_940 {strides = array<i32>} : memref<80x128xf32, #tpu.memory_space<vmem>>, vector<1x16xf32>,
      %get3A_941 = arith.index_cast %add3A_930 : i32 to index
      %get3A_942 = arith.constant 16 : index
      %get3A_943 = tpu.vector_load %arg10[%get3A_941, %get3A_942] {strides = array<i32>} : memref<80x128xf32, #tpu.memory_space<vmem>>, vector<1x16xf32>,
      %get3A_944 = vector.shape_cast %get3A_943 : vector<1x16xf32> to vector<16xf32>
      %mul3A_945 = arith.mulf %get3A_944, %gather3A_926 : vector<16xf32>
      %swap3A_946 = arith.index_cast %add3A_930 : i32 to index
      %swap3A_947 = arith.constant 16 : index
      %swap3A_948 = tpu.vector_load %arg10[%swap3A_946, %swap3A_947] {strides = array<i32>} : memref<80x128xf32, #tpu.memory_space<vmem>>, vector<1x16xf32>,
      %swap3A_949 = vector.shape_cast %swap3A_948 : vector<1x16xf32> to vector<16xf32>
      %swap3A_950 = vector.shape_cast %mul3A_945 : vector<16xf32> to vector<1x16xf32>
      tpu.vector_store %arg10[%swap3A_946, %swap3A_947], %swap3A_950 {strides = array<i32>} : memref<80x128xf32, #tpu.memory_space<vmem>>, vector<1x16xf32>,
      %get3A_951 = arith.index_cast %add3A_930 : i32 to index
      %get3A_952 = arith.constant 32 : index
      %get3A_953 = tpu.vector_load %arg10[%get3A_951, %get3A_952] {strides = array<i32>} : memref<80x128xf32, #tpu.memory_space<vmem>>, vector<1x16xf32>,
      %get3A_954 = vector.shape_cast %get3A_953 : vector<1x16xf32> to vector<16xf32>
      %mul3A_955 = arith.mulf %get3A_954, %gather3A_926 : vector<16xf32>
      %swap3A_956 = arith.index_cast %add3A_930 : i32 to index
      %swap3A_957 = arith.constant 32 : index
      %swap3A_958 = tpu.vector_load %arg10[%swap3A_956, %swap3A_957] {strides = array<i32>} : memref<80x128xf32, #tpu.memory_space<vmem>>, vector<1x16xf32>,
      %swap3A_959 = vector.shape_cast %swap3A_958 : vector<1x16xf32> to vector<16xf32>
      %swap3A_960 = vector.shape_cast %mul3A_955 : vector<16xf32> to vector<1x16xf32>
      tpu.vector_store %arg10[%swap3A_956, %swap3A_957], %swap3A_960 {strides = array<i32>} : memref<80x128xf32, #tpu.memory_space<vmem>>, vector<1x16xf32>,
      %get3A_961 = arith.index_cast %add3A_930 : i32 to index
      %get3A_962 = arith.constant 48 : index
      %get3A_963 = tpu.vector_load %arg10[%get3A_961, %get3A_962] {strides = array<i32>} : memref<80x128xf32, #tpu.memory_space<vmem>>, vector<1x16xf32>,
      %get3A_964 = vector.shape_cast %get3A_963 : vector<1x16xf32> to vector<16xf32>
      %mul3A_965 = arith.mulf %get3A_964, %gather3A_926 : vector<16xf32>
      %swap3A_966 = arith.index_cast %add3A_930 : i32 to index
      %swap3A_967 = arith.constant 48 : index
      %swap3A_968 = tpu.vector_load %arg10[%swap3A_966, %swap3A_967] {strides = array<i32>} : memref<80x128xf32, #tpu.memory_space<vmem>>, vector<1x16xf32>,
      %swap3A_969 = vector.shape_cast %swap3A_968 : vector<1x16xf32> to vector<16xf32>
      %swap3A_970 = vector.shape_cast %mul3A_965 : vector<16xf32> to vector<1x16xf32>
      tpu.vector_store %arg10[%swap3A_966, %swap3A_967], %swap3A_970 {strides = array<i32>} : memref<80x128xf32, #tpu.memory_space<vmem>>, vector<1x16xf32>,
      %get3A_971 = arith.index_cast %add3A_930 : i32 to index
      %get3A_972 = arith.constant 64 : index
      %get3A_973 = tpu.vector_load %arg10[%get3A_971, %get3A_972] {strides = array<i32>} : memref<80x128xf32, #tpu.memory_space<vmem>>, vector<1x16xf32>,
      %get3A_974 = vector.shape_cast %get3A_973 : vector<1x16xf32> to vector<16xf32>
      %mul3A_975 = arith.mulf %get3A_974, %gather3A_926 : vector<16xf32>
      %swap3A_976 = arith.index_cast %add3A_930 : i32 to index
      %swap3A_977 = arith.constant 64 : index
      %swap3A_978 = tpu.vector_load %arg10[%swap3A_976, %swap3A_977] {strides = array<i32>} : memref<80x128xf32, #tpu.memory_space<vmem>>, vector<1x16xf32>,
      %swap3A_979 = vector.shape_cast %swap3A_978 : vector<1x16xf32> to vector<16xf32>
      %swap3A_980 = vector.shape_cast %mul3A_975 : vector<16xf32> to vector<1x16xf32>
      tpu.vector_store %arg10[%swap3A_976, %swap3A_977], %swap3A_980 {strides = array<i32>} : memref<80x128xf32, #tpu.memory_space<vmem>>, vector<1x16xf32>,
      %get3A_981 = arith.index_cast %add3A_930 : i32 to index
      %get3A_982 = arith.constant 80 : index
      %get3A_983 = tpu.vector_load %arg10[%get3A_981, %get3A_982] {strides = array<i32>} : memref<80x128xf32, #tpu.memory_space<vmem>>, vector<1x16xf32>,
      %get3A_984 = vector.shape_cast %get3A_983 : vector<1x16xf32> to vector<16xf32>
      %mul3A_985 = arith.mulf %get3A_984, %gather3A_926 : vector<16xf32>
      %swap3A_986 = arith.index_cast %add3A_930 : i32 to index
      %swap3A_987 = arith.constant 80 : index
      %swap3A_988 = tpu.vector_load %arg10[%swap3A_986, %swap3A_987] {strides = array<i32>} : memref<80x128xf32, #tpu.memory_space<vmem>>, vector<1x16xf32>,
      %swap3A_989 = vector.shape_cast %swap3A_988 : vector<1x16xf32> to vector<16xf32>
      %swap3A_990 = vector.shape_cast %mul3A_985 : vector<16xf32> to vector<1x16xf32>
      tpu.vector_store %arg10[%swap3A_986, %swap3A_987], %swap3A_990 {strides = array<i32>} : memref<80x128xf32, #tpu.memory_space<vmem>>, vector<1x16xf32>,
      %get3A_991 = arith.index_cast %add3A_930 : i32 to index
      %get3A_992 = arith.constant 96 : index
      %get3A_993 = tpu.vector_load %arg10[%get3A_991, %get3A_992] {strides = array<i32>} : memref<80x128xf32, #tpu.memory_space<vmem>>, vector<1x16xf32>,
      %get3A_994 = vector.shape_cast %get3A_993 : vector<1x16xf32> to vector<16xf32>
      %mul3A_995 = arith.mulf %get3A_994, %gather3A_926 : vector<16xf32>
      %swap3A_996 = arith.index_cast %add3A_930 : i32 to index
      %swap3A_997 = arith.constant 96 : index
      %swap3A_998 = tpu.vector_load %arg10[%swap3A_996, %swap3A_997] {strides = array<i32>} : memref<80x128xf32, #tpu.memory_space<vmem>>, vector<1x16xf32>,
      %swap3A_999 = vector.shape_cast %swap3A_998 : vector<1x16xf32> to vector<16xf32>
      %swap3A_1000 = vector.shape_cast %mul3A_995 : vector<16xf32> to vector<1x16xf32>
      tpu.vector_store %arg10[%swap3A_996, %swap3A_997], %swap3A_1000 {strides = array<i32>} : memref<80x128xf32, #tpu.memory_space<vmem>>, vector<1x16xf32>,
      %get3A_1001 = arith.index_cast %add3A_930 : i32 to index
      %get3A_1002 = arith.constant 112 : index
      %get3A_1003 = tpu.vector_load %arg10[%get3A_1001, %get3A_1002] {strides = array<i32>} : memref<80x128xf32, #tpu.memory_space<vmem>>, vector<1x16xf32>,
      %get3A_1004 = vector.shape_cast %get3A_1003 : vector<1x16xf32> to vector<16xf32>
      %mul3A_1005 = arith.mulf %get3A_1004, %gather3A_926 : vector<16xf32>
      %swap3A_1006 = arith.index_cast %add3A_930 : i32 to index
      %swap3A_1007 = arith.constant 112 : index
      %swap3A_1008 = tpu.vector_load %arg10[%swap3A_1006, %swap3A_1007] {strides = array<i32>} : memref<80x128xf32, #tpu.memory_space<vmem>>, vector<1x16xf32>,
      %swap3A_1009 = vector.shape_cast %swap3A_1008 : vector<1x16xf32> to vector<16xf32>
      %swap3A_1010 = vector.shape_cast %mul3A_1005 : vector<16xf32> to vector<1x16xf32>
      tpu.vector_store %arg10[%swap3A_1006, %swap3A_1007], %swap3A_1010 {strides = array<i32>} : memref<80x128xf32, #tpu.memory_space<vmem>>, vector<1x16xf32>,
      %broadcast_in_dim3A_1011 = arith.constant 11 : i32
      %broadcast_in_dim3A_1012 = vector.broadcast %broadcast_in_dim3A_1011 : i32 to vector<16x1xi32>
      %gather3A_1013 = vector.shape_cast %broadcast_in_dim3A_1012 : vector<16x1xi32> to vector<16xi32>
      %gather3A_1014 = tpu.dynamic_gather %get3A_45[%gather3A_1013] in [0] : vector<16xf32>, vector<16xi32> -> vector<16xf32>
      %mul3A_1015 = arith.constant 16 : i32
      %mul3A_1016 = arith.muli %scan3A_39, %mul3A_1015 : i32
      %add3A_1017 = arith.constant 11 : i32
      %add3A_1018 = arith.addi %mul3A_1016, %add3A_1017 : i32
      %get3A_1019 = arith.index_cast %add3A_1018 : i32 to index
      %get3A_1020 = arith.constant 0 : index
      %get3A_1021 = tpu.vector_load %arg10[%get3A_1019, %get3A_1020] {strides = array<i32>} : memref<80x128xf32, #tpu.memory_space<vmem>>, vector<1x16xf32>,
      %get3A_1022 = vector.shape_cast %get3A_1021 : vector<1x16xf32> to vector<16xf32>
      %mul3A_1023 = arith.mulf %get3A_1022, %gather3A_1014 : vector<16xf32>
      %swap3A_1024 = arith.index_cast %add3A_1018 : i32 to index
      %swap3A_1025 = arith.constant 0 : index
      %swap3A_1026 = tpu.vector_load %arg10[%swap3A_1024, %swap3A_1025] {strides = array<i32>} : memref<80x128xf32, #tpu.memory_space<vmem>>, vector<1x16xf32>,
      %swap3A_1027 = vector.shape_cast %swap3A_1026 : vector<1x16xf32> to vector<16xf32>
      %swap3A_1028 = vector.shape_cast %mul3A_1023 : vector<16xf32> to vector<1x16xf32>
      tpu.vector_store %arg10[%swap3A_1024, %swap3A_1025], %swap3A_1028 {strides = array<i32>} : memref<80x128xf32, #tpu.memory_space<vmem>>, vector<1x16xf32>,
      %get3A_1029 = arith.index_cast %add3A_1018 : i32 to index
      %get3A_1030 = arith.constant 16 : index
      %get3A_1031 = tpu.vector_load %arg10[%get3A_1029, %get3A_1030] {strides = array<i32>} : memref<80x128xf32, #tpu.memory_space<vmem>>, vector<1x16xf32>,
      %get3A_1032 = vector.shape_cast %get3A_1031 : vector<1x16xf32> to vector<16xf32>
      %mul3A_1033 = arith.mulf %get3A_1032, %gather3A_1014 : vector<16xf32>
      %swap3A_1034 = arith.index_cast %add3A_1018 : i32 to index
      %swap3A_1035 = arith.constant 16 : index
      %swap3A_1036 = tpu.vector_load %arg10[%swap3A_1034, %swap3A_1035] {strides = array<i32>} : memref<80x128xf32, #tpu.memory_space<vmem>>, vector<1x16xf32>,
      %swap3A_1037 = vector.shape_cast %swap3A_1036 : vector<1x16xf32> to vector<16xf32>
      %swap3A_1038 = vector.shape_cast %mul3A_1033 : vector<16xf32> to vector<1x16xf32>
      tpu.vector_store %arg10[%swap3A_1034, %swap3A_1035], %swap3A_1038 {strides = array<i32>} : memref<80x128xf32, #tpu.memory_space<vmem>>, vector<1x16xf32>,
      %get3A_1039 = arith.index_cast %add3A_1018 : i32 to index
      %get3A_1040 = arith.constant 32 : index
      %get3A_1041 = tpu.vector_load %arg10[%get3A_1039, %get3A_1040] {strides = array<i32>} : memref<80x128xf32, #tpu.memory_space<vmem>>, vector<1x16xf32>,
      %get3A_1042 = vector.shape_cast %get3A_1041 : vector<1x16xf32> to vector<16xf32>
      %mul3A_1043 = arith.mulf %get3A_1042, %gather3A_1014 : vector<16xf32>
      %swap3A_1044 = arith.index_cast %add3A_1018 : i32 to index
      %swap3A_1045 = arith.constant 32 : index
      %swap3A_1046 = tpu.vector_load %arg10[%swap3A_1044, %swap3A_1045] {strides = array<i32>} : memref<80x128xf32, #tpu.memory_space<vmem>>, vector<1x16xf32>,
      %swap3A_1047 = vector.shape_cast %swap3A_1046 : vector<1x16xf32> to vector<16xf32>
      %swap3A_1048 = vector.shape_cast %mul3A_1043 : vector<16xf32> to vector<1x16xf32>
      tpu.vector_store %arg10[%swap3A_1044, %swap3A_1045], %swap3A_1048 {strides = array<i32>} : memref<80x128xf32, #tpu.memory_space<vmem>>, vector<1x16xf32>,
      %get3A_1049 = arith.index_cast %add3A_1018 : i32 to index
      %get3A_1050 = arith.constant 48 : index
      %get3A_1051 = tpu.vector_load %arg10[%get3A_1049, %get3A_1050] {strides = array<i32>} : memref<80x128xf32, #tpu.memory_space<vmem>>, vector<1x16xf32>,
      %get3A_1052 = vector.shape_cast %get3A_1051 : vector<1x16xf32> to vector<16xf32>
      %mul3A_1053 = arith.mulf %get3A_1052, %gather3A_1014 : vector<16xf32>
      %swap3A_1054 = arith.index_cast %add3A_1018 : i32 to index
      %swap3A_1055 = arith.constant 48 : index
      %swap3A_1056 = tpu.vector_load %arg10[%swap3A_1054, %swap3A_1055] {strides = array<i32>} : memref<80x128xf32, #tpu.memory_space<vmem>>, vector<1x16xf32>,
      %swap3A_1057 = vector.shape_cast %swap3A_1056 : vector<1x16xf32> to vector<16xf32>
      %swap3A_1058 = vector.shape_cast %mul3A_1053 : vector<16xf32> to vector<1x16xf32>
      tpu.vector_store %arg10[%swap3A_1054, %swap3A_1055], %swap3A_1058 {strides = array<i32>} : memref<80x128xf32, #tpu.memory_space<vmem>>, vector<1x16xf32>,
      %get3A_1059 = arith.index_cast %add3A_1018 : i32 to index
      %get3A_1060 = arith.constant 64 : index
      %get3A_1061 = tpu.vector_load %arg10[%get3A_1059, %get3A_1060] {strides = array<i32>} : memref<80x128xf32, #tpu.memory_space<vmem>>, vector<1x16xf32>,
      %get3A_1062 = vector.shape_cast %get3A_1061 : vector<1x16xf32> to vector<16xf32>
      %mul3A_1063 = arith.mulf %get3A_1062, %gather3A_1014 : vector<16xf32>
      %swap3A_1064 = arith.index_cast %add3A_1018 : i32 to index
      %swap3A_1065 = arith.constant 64 : index
      %swap3A_1066 = tpu.vector_load %arg10[%swap3A_1064, %swap3A_1065] {strides = array<i32>} : memref<80x128xf32, #tpu.memory_space<vmem>>, vector<1x16xf32>,
      %swap3A_1067 = vector.shape_cast %swap3A_1066 : vector<1x16xf32> to vector<16xf32>
      %swap3A_1068 = vector.shape_cast %mul3A_1063 : vector<16xf32> to vector<1x16xf32>
      tpu.vector_store %arg10[%swap3A_1064, %swap3A_1065], %swap3A_1068 {strides = array<i32>} : memref<80x128xf32, #tpu.memory_space<vmem>>, vector<1x16xf32>,
      %get3A_1069 = arith.index_cast %add3A_1018 : i32 to index
      %get3A_1070 = arith.constant 80 : index
      %get3A_1071 = tpu.vector_load %arg10[%get3A_1069, %get3A_1070] {strides = array<i32>} : memref<80x128xf32, #tpu.memory_space<vmem>>, vector<1x16xf32>,
      %get3A_1072 = vector.shape_cast %get3A_1071 : vector<1x16xf32> to vector<16xf32>
      %mul3A_1073 = arith.mulf %get3A_1072, %gather3A_1014 : vector<16xf32>
      %swap3A_1074 = arith.index_cast %add3A_1018 : i32 to index
      %swap3A_1075 = arith.constant 80 : index
      %swap3A_1076 = tpu.vector_load %arg10[%swap3A_1074, %swap3A_1075] {strides = array<i32>} : memref<80x128xf32, #tpu.memory_space<vmem>>, vector<1x16xf32>,
      %swap3A_1077 = vector.shape_cast %swap3A_1076 : vector<1x16xf32> to vector<16xf32>
      %swap3A_1078 = vector.shape_cast %mul3A_1073 : vector<16xf32> to vector<1x16xf32>
      tpu.vector_store %arg10[%swap3A_1074, %swap3A_1075], %swap3A_1078 {strides = array<i32>} : memref<80x128xf32, #tpu.memory_space<vmem>>, vector<1x16xf32>,
      %get3A_1079 = arith.index_cast %add3A_1018 : i32 to index
      %get3A_1080 = arith.constant 96 : index
      %get3A_1081 = tpu.vector_load %arg10[%get3A_1079, %get3A_1080] {strides = array<i32>} : memref<80x128xf32, #tpu.memory_space<vmem>>, vector<1x16xf32>,
      %get3A_1082 = vector.shape_cast %get3A_1081 : vector<1x16xf32> to vector<16xf32>
      %mul3A_1083 = arith.mulf %get3A_1082, %gather3A_1014 : vector<16xf32>
      %swap3A_1084 = arith.index_cast %add3A_1018 : i32 to index
      %swap3A_1085 = arith.constant 96 : index
      %swap3A_1086 = tpu.vector_load %arg10[%swap3A_1084, %swap3A_1085] {strides = array<i32>} : memref<80x128xf32, #tpu.memory_space<vmem>>, vector<1x16xf32>,
      %swap3A_1087 = vector.shape_cast %swap3A_1086 : vector<1x16xf32> to vector<16xf32>
      %swap3A_1088 = vector.shape_cast %mul3A_1083 : vector<16xf32> to vector<1x16xf32>
      tpu.vector_store %arg10[%swap3A_1084, %swap3A_1085], %swap3A_1088 {strides = array<i32>} : memref<80x128xf32, #tpu.memory_space<vmem>>, vector<1x16xf32>,
      %get3A_1089 = arith.index_cast %add3A_1018 : i32 to index
      %get3A_1090 = arith.constant 112 : index
      %get3A_1091 = tpu.vector_load %arg10[%get3A_1089, %get3A_1090] {strides = array<i32>} : memref<80x128xf32, #tpu.memory_space<vmem>>, vector<1x16xf32>,
      %get3A_1092 = vector.shape_cast %get3A_1091 : vector<1x16xf32> to vector<16xf32>
      %mul3A_1093 = arith.mulf %get3A_1092, %gather3A_1014 : vector<16xf32>
      %swap3A_1094 = arith.index_cast %add3A_1018 : i32 to index
      %swap3A_1095 = arith.constant 112 : index
      %swap3A_1096 = tpu.vector_load %arg10[%swap3A_1094, %swap3A_1095] {strides = array<i32>} : memref<80x128xf32, #tpu.memory_space<vmem>>, vector<1x16xf32>,
      %swap3A_1097 = vector.shape_cast %swap3A_1096 : vector<1x16xf32> to vector<16xf32>
      %swap3A_1098 = vector.shape_cast %mul3A_1093 : vector<16xf32> to vector<1x16xf32>
      tpu.vector_store %arg10[%swap3A_1094, %swap3A_1095], %swap3A_1098 {strides = array<i32>} : memref<80x128xf32, #tpu.memory_space<vmem>>, vector<1x16xf32>,
      %broadcast_in_dim3A_1099 = arith.constant 12 : i32
      %broadcast_in_dim3A_1100 = vector.broadcast %broadcast_in_dim3A_1099 : i32 to vector<16x1xi32>
      %gather3A_1101 = vector.shape_cast %broadcast_in_dim3A_1100 : vector<16x1xi32> to vector<16xi32>
      %gather3A_1102 = tpu.dynamic_gather %get3A_45[%gather3A_1101] in [0] : vector<16xf32>, vector<16xi32> -> vector<16xf32>
      %mul3A_1103 = arith.constant 16 : i32
      %mul3A_1104 = arith.muli %scan3A_39, %mul3A_1103 : i32
      %add3A_1105 = arith.constant 12 : i32
      %add3A_1106 = arith.addi %mul3A_1104, %add3A_1105 : i32
      %get3A_1107 = arith.index_cast %add3A_1106 : i32 to index
      %get3A_1108 = arith.constant 0 : index
      %get3A_1109 = tpu.vector_load %arg10[%get3A_1107, %get3A_1108] {strides = array<i32>} : memref<80x128xf32, #tpu.memory_space<vmem>>, vector<1x16xf32>,
      %get3A_1110 = vector.shape_cast %get3A_1109 : vector<1x16xf32> to vector<16xf32>
      %mul3A_1111 = arith.mulf %get3A_1110, %gather3A_1102 : vector<16xf32>
      %swap3A_1112 = arith.index_cast %add3A_1106 : i32 to index
      %swap3A_1113 = arith.constant 0 : index
      %swap3A_1114 = tpu.vector_load %arg10[%swap3A_1112, %swap3A_1113] {strides = array<i32>} : memref<80x128xf32, #tpu.memory_space<vmem>>, vector<1x16xf32>,
      %swap3A_1115 = vector.shape_cast %swap3A_1114 : vector<1x16xf32> to vector<16xf32>
      %swap3A_1116 = vector.shape_cast %mul3A_1111 : vector<16xf32> to vector<1x16xf32>
      tpu.vector_store %arg10[%swap3A_1112, %swap3A_1113], %swap3A_1116 {strides = array<i32>} : memref<80x128xf32, #tpu.memory_space<vmem>>, vector<1x16xf32>,
      %get3A_1117 = arith.index_cast %add3A_1106 : i32 to index
      %get3A_1118 = arith.constant 16 : index
      %get3A_1119 = tpu.vector_load %arg10[%get3A_1117, %get3A_1118] {strides = array<i32>} : memref<80x128xf32, #tpu.memory_space<vmem>>, vector<1x16xf32>,
      %get3A_1120 = vector.shape_cast %get3A_1119 : vector<1x16xf32> to vector<16xf32>
      %mul3A_1121 = arith.mulf %get3A_1120, %gather3A_1102 : vector<16xf32>
      %swap3A_1122 = arith.index_cast %add3A_1106 : i32 to index
      %swap3A_1123 = arith.constant 16 : index
      %swap3A_1124 = tpu.vector_load %arg10[%swap3A_1122, %swap3A_1123] {strides = array<i32>} : memref<80x128xf32, #tpu.memory_space<vmem>>, vector<1x16xf32>,
      %swap3A_1125 = vector.shape_cast %swap3A_1124 : vector<1x16xf32> to vector<16xf32>
      %swap3A_1126 = vector.shape_cast %mul3A_1121 : vector<16xf32> to vector<1x16xf32>
      tpu.vector_store %arg10[%swap3A_1122, %swap3A_1123], %swap3A_1126 {strides = array<i32>} : memref<80x128xf32, #tpu.memory_space<vmem>>, vector<1x16xf32>,
      %get3A_1127 = arith.index_cast %add3A_1106 : i32 to index
      %get3A_1128 = arith.constant 32 : index
      %get3A_1129 = tpu.vector_load %arg10[%get3A_1127, %get3A_1128] {strides = array<i32>} : memref<80x128xf32, #tpu.memory_space<vmem>>, vector<1x16xf32>,
      %get3A_1130 = vector.shape_cast %get3A_1129 : vector<1x16xf32> to vector<16xf32>
      %mul3A_1131 = arith.mulf %get3A_1130, %gather3A_1102 : vector<16xf32>
      %swap3A_1132 = arith.index_cast %add3A_1106 : i32 to index
      %swap3A_1133 = arith.constant 32 : index
      %swap3A_1134 = tpu.vector_load %arg10[%swap3A_1132, %swap3A_1133] {strides = array<i32>} : memref<80x128xf32, #tpu.memory_space<vmem>>, vector<1x16xf32>,
      %swap3A_1135 = vector.shape_cast %swap3A_1134 : vector<1x16xf32> to vector<16xf32>
      %swap3A_1136 = vector.shape_cast %mul3A_1131 : vector<16xf32> to vector<1x16xf32>
      tpu.vector_store %arg10[%swap3A_1132, %swap3A_1133], %swap3A_1136 {strides = array<i32>} : memref<80x128xf32, #tpu.memory_space<vmem>>, vector<1x16xf32>,
      %get3A_1137 = arith.index_cast %add3A_1106 : i32 to index
      %get3A_1138 = arith.constant 48 : index
      %get3A_1139 = tpu.vector_load %arg10[%get3A_1137, %get3A_1138] {strides = array<i32>} : memref<80x128xf32, #tpu.memory_space<vmem>>, vector<1x16xf32>,
      %get3A_1140 = vector.shape_cast %get3A_1139 : vector<1x16xf32> to vector<16xf32>
      %mul3A_1141 = arith.mulf %get3A_1140, %gather3A_1102 : vector<16xf32>
      %swap3A_1142 = arith.index_cast %add3A_1106 : i32 to index
      %swap3A_1143 = arith.constant 48 : index
      %swap3A_1144 = tpu.vector_load %arg10[%swap3A_1142, %swap3A_1143] {strides = array<i32>} : memref<80x128xf32, #tpu.memory_space<vmem>>, vector<1x16xf32>,
      %swap3A_1145 = vector.shape_cast %swap3A_1144 : vector<1x16xf32> to vector<16xf32>
      %swap3A_1146 = vector.shape_cast %mul3A_1141 : vector<16xf32> to vector<1x16xf32>
      tpu.vector_store %arg10[%swap3A_1142, %swap3A_1143], %swap3A_1146 {strides = array<i32>} : memref<80x128xf32, #tpu.memory_space<vmem>>, vector<1x16xf32>,
      %get3A_1147 = arith.index_cast %add3A_1106 : i32 to index
      %get3A_1148 = arith.constant 64 : index
      %get3A_1149 = tpu.vector_load %arg10[%get3A_1147, %get3A_1148] {strides = array<i32>} : memref<80x128xf32, #tpu.memory_space<vmem>>, vector<1x16xf32>,
      %get3A_1150 = vector.shape_cast %get3A_1149 : vector<1x16xf32> to vector<16xf32>
      %mul3A_1151 = arith.mulf %get3A_1150, %gather3A_1102 : vector<16xf32>
      %swap3A_1152 = arith.index_cast %add3A_1106 : i32 to index
      %swap3A_1153 = arith.constant 64 : index
      %swap3A_1154 = tpu.vector_load %arg10[%swap3A_1152, %swap3A_1153] {strides = array<i32>} : memref<80x128xf32, #tpu.memory_space<vmem>>, vector<1x16xf32>,
      %swap3A_1155 = vector.shape_cast %swap3A_1154 : vector<1x16xf32> to vector<16xf32>
      %swap3A_1156 = vector.shape_cast %mul3A_1151 : vector<16xf32> to vector<1x16xf32>
      tpu.vector_store %arg10[%swap3A_1152, %swap3A_1153], %swap3A_1156 {strides = array<i32>} : memref<80x128xf32, #tpu.memory_space<vmem>>, vector<1x16xf32>,
      %get3A_1157 = arith.index_cast %add3A_1106 : i32 to index
      %get3A_1158 = arith.constant 80 : index
      %get3A_1159 = tpu.vector_load %arg10[%get3A_1157, %get3A_1158] {strides = array<i32>} : memref<80x128xf32, #tpu.memory_space<vmem>>, vector<1x16xf32>,
      %get3A_1160 = vector.shape_cast %get3A_1159 : vector<1x16xf32> to vector<16xf32>
      %mul3A_1161 = arith.mulf %get3A_1160, %gather3A_1102 : vector<16xf32>
      %swap3A_1162 = arith.index_cast %add3A_1106 : i32 to index
      %swap3A_1163 = arith.constant 80 : index
      %swap3A_1164 = tpu.vector_load %arg10[%swap3A_1162, %swap3A_1163] {strides = array<i32>} : memref<80x128xf32, #tpu.memory_space<vmem>>, vector<1x16xf32>,
      %swap3A_1165 = vector.shape_cast %swap3A_1164 : vector<1x16xf32> to vector<16xf32>
      %swap3A_1166 = vector.shape_cast %mul3A_1161 : vector<16xf32> to vector<1x16xf32>
      tpu.vector_store %arg10[%swap3A_1162, %swap3A_1163], %swap3A_1166 {strides = array<i32>} : memref<80x128xf32, #tpu.memory_space<vmem>>, vector<1x16xf32>,
      %get3A_1167 = arith.index_cast %add3A_1106 : i32 to index
      %get3A_1168 = arith.constant 96 : index
      %get3A_1169 = tpu.vector_load %arg10[%get3A_1167, %get3A_1168] {strides = array<i32>} : memref<80x128xf32, #tpu.memory_space<vmem>>, vector<1x16xf32>,
      %get3A_1170 = vector.shape_cast %get3A_1169 : vector<1x16xf32> to vector<16xf32>
      %mul3A_1171 = arith.mulf %get3A_1170, %gather3A_1102 : vector<16xf32>
      %swap3A_1172 = arith.index_cast %add3A_1106 : i32 to index
      %swap3A_1173 = arith.constant 96 : index
      %swap3A_1174 = tpu.vector_load %arg10[%swap3A_1172, %swap3A_1173] {strides = array<i32>} : memref<80x128xf32, #tpu.memory_space<vmem>>, vector<1x16xf32>,
      %swap3A_1175 = vector.shape_cast %swap3A_1174 : vector<1x16xf32> to vector<16xf32>
      %swap3A_1176 = vector.shape_cast %mul3A_1171 : vector<16xf32> to vector<1x16xf32>
      tpu.vector_store %arg10[%swap3A_1172, %swap3A_1173], %swap3A_1176 {strides = array<i32>} : memref<80x128xf32, #tpu.memory_space<vmem>>, vector<1x16xf32>,
      %get3A_1177 = arith.index_cast %add3A_1106 : i32 to index
      %get3A_1178 = arith.constant 112 : index
      %get3A_1179 = tpu.vector_load %arg10[%get3A_1177, %get3A_1178] {strides = array<i32>} : memref<80x128xf32, #tpu.memory_space<vmem>>, vector<1x16xf32>,
      %get3A_1180 = vector.shape_cast %get3A_1179 : vector<1x16xf32> to vector<16xf32>
      %mul3A_1181 = arith.mulf %get3A_1180, %gather3A_1102 : vector<16xf32>
      %swap3A_1182 = arith.index_cast %add3A_1106 : i32 to index
      %swap3A_1183 = arith.constant 112 : index
      %swap3A_1184 = tpu.vector_load %arg10[%swap3A_1182, %swap3A_1183] {strides = array<i32>} : memref<80x128xf32, #tpu.memory_space<vmem>>, vector<1x16xf32>,
      %swap3A_1185 = vector.shape_cast %swap3A_1184 : vector<1x16xf32> to vector<16xf32>
      %swap3A_1186 = vector.shape_cast %mul3A_1181 : vector<16xf32> to vector<1x16xf32>
      tpu.vector_store %arg10[%swap3A_1182, %swap3A_1183], %swap3A_1186 {strides = array<i32>} : memref<80x128xf32, #tpu.memory_space<vmem>>, vector<1x16xf32>,
      %broadcast_in_dim3A_1187 = arith.constant 13 : i32
      %broadcast_in_dim3A_1188 = vector.broadcast %broadcast_in_dim3A_1187 : i32 to vector<16x1xi32>
      %gather3A_1189 = vector.shape_cast %broadcast_in_dim3A_1188 : vector<16x1xi32> to vector<16xi32>
      %gather3A_1190 = tpu.dynamic_gather %get3A_45[%gather3A_1189] in [0] : vector<16xf32>, vector<16xi32> -> vector<16xf32>
      %mul3A_1191 = arith.constant 16 : i32
      %mul3A_1192 = arith.muli %scan3A_39, %mul3A_1191 : i32
      %add3A_1193 = arith.constant 13 : i32
      %add3A_1194 = arith.addi %mul3A_1192, %add3A_1193 : i32
      %get3A_1195 = arith.index_cast %add3A_1194 : i32 to index
      %get3A_1196 = arith.constant 0 : index
      %get3A_1197 = tpu.vector_load %arg10[%get3A_1195, %get3A_1196] {strides = array<i32>} : memref<80x128xf32, #tpu.memory_space<vmem>>, vector<1x16xf32>,
      %get3A_1198 = vector.shape_cast %get3A_1197 : vector<1x16xf32> to vector<16xf32>
      %mul3A_1199 = arith.mulf %get3A_1198, %gather3A_1190 : vector<16xf32>
      %swap3A_1200 = arith.index_cast %add3A_1194 : i32 to index
      %swap3A_1201 = arith.constant 0 : index
      %swap3A_1202 = tpu.vector_load %arg10[%swap3A_1200, %swap3A_1201] {strides = array<i32>} : memref<80x128xf32, #tpu.memory_space<vmem>>, vector<1x16xf32>,
      %swap3A_1203 = vector.shape_cast %swap3A_1202 : vector<1x16xf32> to vector<16xf32>
      %swap3A_1204 = vector.shape_cast %mul3A_1199 : vector<16xf32> to vector<1x16xf32>
      tpu.vector_store %arg10[%swap3A_1200, %swap3A_1201], %swap3A_1204 {strides = array<i32>} : memref<80x128xf32, #tpu.memory_space<vmem>>, vector<1x16xf32>,
      %get3A_1205 = arith.index_cast %add3A_1194 : i32 to index
      %get3A_1206 = arith.constant 16 : index
      %get3A_1207 = tpu.vector_load %arg10[%get3A_1205, %get3A_1206] {strides = array<i32>} : memref<80x128xf32, #tpu.memory_space<vmem>>, vector<1x16xf32>,
      %get3A_1208 = vector.shape_cast %get3A_1207 : vector<1x16xf32> to vector<16xf32>
      %mul3A_1209 = arith.mulf %get3A_1208, %gather3A_1190 : vector<16xf32>
      %swap3A_1210 = arith.index_cast %add3A_1194 : i32 to index
      %swap3A_1211 = arith.constant 16 : index
      %swap3A_1212 = tpu.vector_load %arg10[%swap3A_1210, %swap3A_1211] {strides = array<i32>} : memref<80x128xf32, #tpu.memory_space<vmem>>, vector<1x16xf32>,
      %swap3A_1213 = vector.shape_cast %swap3A_1212 : vector<1x16xf32> to vector<16xf32>
      %swap3A_1214 = vector.shape_cast %mul3A_1209 : vector<16xf32> to vector<1x16xf32>
      tpu.vector_store %arg10[%swap3A_1210, %swap3A_1211], %swap3A_1214 {strides = array<i32>} : memref<80x128xf32, #tpu.memory_space<vmem>>, vector<1x16xf32>,
      %get3A_1215 = arith.index_cast %add3A_1194 : i32 to index
      %get3A_1216 = arith.constant 32 : index
      %get3A_1217 = tpu.vector_load %arg10[%get3A_1215, %get3A_1216] {strides = array<i32>} : memref<80x128xf32, #tpu.memory_space<vmem>>, vector<1x16xf32>,
      %get3A_1218 = vector.shape_cast %get3A_1217 : vector<1x16xf32> to vector<16xf32>
      %mul3A_1219 = arith.mulf %get3A_1218, %gather3A_1190 : vector<16xf32>
      %swap3A_1220 = arith.index_cast %add3A_1194 : i32 to index
      %swap3A_1221 = arith.constant 32 : index
      %swap3A_1222 = tpu.vector_load %arg10[%swap3A_1220, %swap3A_1221] {strides = array<i32>} : memref<80x128xf32, #tpu.memory_space<vmem>>, vector<1x16xf32>,
      %swap3A_1223 = vector.shape_cast %swap3A_1222 : vector<1x16xf32> to vector<16xf32>
      %swap3A_1224 = vector.shape_cast %mul3A_1219 : vector<16xf32> to vector<1x16xf32>
      tpu.vector_store %arg10[%swap3A_1220, %swap3A_1221], %swap3A_1224 {strides = array<i32>} : memref<80x128xf32, #tpu.memory_space<vmem>>, vector<1x16xf32>,
      %get3A_1225 = arith.index_cast %add3A_1194 : i32 to index
      %get3A_1226 = arith.constant 48 : index
      %get3A_1227 = tpu.vector_load %arg10[%get3A_1225, %get3A_1226] {strides = array<i32>} : memref<80x128xf32, #tpu.memory_space<vmem>>, vector<1x16xf32>,
      %get3A_1228 = vector.shape_cast %get3A_1227 : vector<1x16xf32> to vector<16xf32>
      %mul3A_1229 = arith.mulf %get3A_1228, %gather3A_1190 : vector<16xf32>
      %swap3A_1230 = arith.index_cast %add3A_1194 : i32 to index
      %swap3A_1231 = arith.constant 48 : index
      %swap3A_1232 = tpu.vector_load %arg10[%swap3A_1230, %swap3A_1231] {strides = array<i32>} : memref<80x128xf32, #tpu.memory_space<vmem>>, vector<1x16xf32>,
      %swap3A_1233 = vector.shape_cast %swap3A_1232 : vector<1x16xf32> to vector<16xf32>
      %swap3A_1234 = vector.shape_cast %mul3A_1229 : vector<16xf32> to vector<1x16xf32>
      tpu.vector_store %arg10[%swap3A_1230, %swap3A_1231], %swap3A_1234 {strides = array<i32>} : memref<80x128xf32, #tpu.memory_space<vmem>>, vector<1x16xf32>,
      %get3A_1235 = arith.index_cast %add3A_1194 : i32 to index
      %get3A_1236 = arith.constant 64 : index
      %get3A_1237 = tpu.vector_load %arg10[%get3A_1235, %get3A_1236] {strides = array<i32>} : memref<80x128xf32, #tpu.memory_space<vmem>>, vector<1x16xf32>,
      %get3A_1238 = vector.shape_cast %get3A_1237 : vector<1x16xf32> to vector<16xf32>
      %mul3A_1239 = arith.mulf %get3A_1238, %gather3A_1190 : vector<16xf32>
      %swap3A_1240 = arith.index_cast %add3A_1194 : i32 to index
      %swap3A_1241 = arith.constant 64 : index
      %swap3A_1242 = tpu.vector_load %arg10[%swap3A_1240, %swap3A_1241] {strides = array<i32>} : memref<80x128xf32, #tpu.memory_space<vmem>>, vector<1x16xf32>,
      %swap3A_1243 = vector.shape_cast %swap3A_1242 : vector<1x16xf32> to vector<16xf32>
      %swap3A_1244 = vector.shape_cast %mul3A_1239 : vector<16xf32> to vector<1x16xf32>
      tpu.vector_store %arg10[%swap3A_1240, %swap3A_1241], %swap3A_1244 {strides = array<i32>} : memref<80x128xf32, #tpu.memory_space<vmem>>, vector<1x16xf32>,
      %get3A_1245 = arith.index_cast %add3A_1194 : i32 to index
      %get3A_1246 = arith.constant 80 : index
      %get3A_1247 = tpu.vector_load %arg10[%get3A_1245, %get3A_1246] {strides = array<i32>} : memref<80x128xf32, #tpu.memory_space<vmem>>, vector<1x16xf32>,
      %get3A_1248 = vector.shape_cast %get3A_1247 : vector<1x16xf32> to vector<16xf32>
      %mul3A_1249 = arith.mulf %get3A_1248, %gather3A_1190 : vector<16xf32>
      %swap3A_1250 = arith.index_cast %add3A_1194 : i32 to index
      %swap3A_1251 = arith.constant 80 : index
      %swap3A_1252 = tpu.vector_load %arg10[%swap3A_1250, %swap3A_1251] {strides = array<i32>} : memref<80x128xf32, #tpu.memory_space<vmem>>, vector<1x16xf32>,
      %swap3A_1253 = vector.shape_cast %swap3A_1252 : vector<1x16xf32> to vector<16xf32>
      %swap3A_1254 = vector.shape_cast %mul3A_1249 : vector<16xf32> to vector<1x16xf32>
      tpu.vector_store %arg10[%swap3A_1250, %swap3A_1251], %swap3A_1254 {strides = array<i32>} : memref<80x128xf32, #tpu.memory_space<vmem>>, vector<1x16xf32>,
      %get3A_1255 = arith.index_cast %add3A_1194 : i32 to index
      %get3A_1256 = arith.constant 96 : index
      %get3A_1257 = tpu.vector_load %arg10[%get3A_1255, %get3A_1256] {strides = array<i32>} : memref<80x128xf32, #tpu.memory_space<vmem>>, vector<1x16xf32>,
      %get3A_1258 = vector.shape_cast %get3A_1257 : vector<1x16xf32> to vector<16xf32>
      %mul3A_1259 = arith.mulf %get3A_1258, %gather3A_1190 : vector<16xf32>
      %swap3A_1260 = arith.index_cast %add3A_1194 : i32 to index
      %swap3A_1261 = arith.constant 96 : index
      %swap3A_1262 = tpu.vector_load %arg10[%swap3A_1260, %swap3A_1261] {strides = array<i32>} : memref<80x128xf32, #tpu.memory_space<vmem>>, vector<1x16xf32>,
      %swap3A_1263 = vector.shape_cast %swap3A_1262 : vector<1x16xf32> to vector<16xf32>
      %swap3A_1264 = vector.shape_cast %mul3A_1259 : vector<16xf32> to vector<1x16xf32>
      tpu.vector_store %arg10[%swap3A_1260, %swap3A_1261], %swap3A_1264 {strides = array<i32>} : memref<80x128xf32, #tpu.memory_space<vmem>>, vector<1x16xf32>,
      %get3A_1265 = arith.index_cast %add3A_1194 : i32 to index
      %get3A_1266 = arith.constant 112 : index
      %get3A_1267 = tpu.vector_load %arg10[%get3A_1265, %get3A_1266] {strides = array<i32>} : memref<80x128xf32, #tpu.memory_space<vmem>>, vector<1x16xf32>,
      %get3A_1268 = vector.shape_cast %get3A_1267 : vector<1x16xf32> to vector<16xf32>
      %mul3A_1269 = arith.mulf %get3A_1268, %gather3A_1190 : vector<16xf32>
      %swap3A_1270 = arith.index_cast %add3A_1194 : i32 to index
      %swap3A_1271 = arith.constant 112 : index
      %swap3A_1272 = tpu.vector_load %arg10[%swap3A_1270, %swap3A_1271] {strides = array<i32>} : memref<80x128xf32, #tpu.memory_space<vmem>>, vector<1x16xf32>,
      %swap3A_1273 = vector.shape_cast %swap3A_1272 : vector<1x16xf32> to vector<16xf32>
      %swap3A_1274 = vector.shape_cast %mul3A_1269 : vector<16xf32> to vector<1x16xf32>
      tpu.vector_store %arg10[%swap3A_1270, %swap3A_1271], %swap3A_1274 {strides = array<i32>} : memref<80x128xf32, #tpu.memory_space<vmem>>, vector<1x16xf32>,
      %broadcast_in_dim3A_1275 = arith.constant 14 : i32
      %broadcast_in_dim3A_1276 = vector.broadcast %broadcast_in_dim3A_1275 : i32 to vector<16x1xi32>
      %gather3A_1277 = vector.shape_cast %broadcast_in_dim3A_1276 : vector<16x1xi32> to vector<16xi32>
      %gather3A_1278 = tpu.dynamic_gather %get3A_45[%gather3A_1277] in [0] : vector<16xf32>, vector<16xi32> -> vector<16xf32>
      %mul3A_1279 = arith.constant 16 : i32
      %mul3A_1280 = arith.muli %scan3A_39, %mul3A_1279 : i32
      %add3A_1281 = arith.constant 14 : i32
      %add3A_1282 = arith.addi %mul3A_1280, %add3A_1281 : i32
      %get3A_1283 = arith.index_cast %add3A_1282 : i32 to index
      %get3A_1284 = arith.constant 0 : index
      %get3A_1285 = tpu.vector_load %arg10[%get3A_1283, %get3A_1284] {strides = array<i32>} : memref<80x128xf32, #tpu.memory_space<vmem>>, vector<1x16xf32>,
      %get3A_1286 = vector.shape_cast %get3A_1285 : vector<1x16xf32> to vector<16xf32>
      %mul3A_1287 = arith.mulf %get3A_1286, %gather3A_1278 : vector<16xf32>
      %swap3A_1288 = arith.index_cast %add3A_1282 : i32 to index
      %swap3A_1289 = arith.constant 0 : index
      %swap3A_1290 = tpu.vector_load %arg10[%swap3A_1288, %swap3A_1289] {strides = array<i32>} : memref<80x128xf32, #tpu.memory_space<vmem>>, vector<1x16xf32>,
      %swap3A_1291 = vector.shape_cast %swap3A_1290 : vector<1x16xf32> to vector<16xf32>
      %swap3A_1292 = vector.shape_cast %mul3A_1287 : vector<16xf32> to vector<1x16xf32>
      tpu.vector_store %arg10[%swap3A_1288, %swap3A_1289], %swap3A_1292 {strides = array<i32>} : memref<80x128xf32, #tpu.memory_space<vmem>>, vector<1x16xf32>,
      %get3A_1293 = arith.index_cast %add3A_1282 : i32 to index
      %get3A_1294 = arith.constant 16 : index
      %get3A_1295 = tpu.vector_load %arg10[%get3A_1293, %get3A_1294] {strides = array<i32>} : memref<80x128xf32, #tpu.memory_space<vmem>>, vector<1x16xf32>,
      %get3A_1296 = vector.shape_cast %get3A_1295 : vector<1x16xf32> to vector<16xf32>
      %mul3A_1297 = arith.mulf %get3A_1296, %gather3A_1278 : vector<16xf32>
      %swap3A_1298 = arith.index_cast %add3A_1282 : i32 to index
      %swap3A_1299 = arith.constant 16 : index
      %swap3A_1300 = tpu.vector_load %arg10[%swap3A_1298, %swap3A_1299] {strides = array<i32>} : memref<80x128xf32, #tpu.memory_space<vmem>>, vector<1x16xf32>,
      %swap3A_1301 = vector.shape_cast %swap3A_1300 : vector<1x16xf32> to vector<16xf32>
      %swap3A_1302 = vector.shape_cast %mul3A_1297 : vector<16xf32> to vector<1x16xf32>
      tpu.vector_store %arg10[%swap3A_1298, %swap3A_1299], %swap3A_1302 {strides = array<i32>} : memref<80x128xf32, #tpu.memory_space<vmem>>, vector<1x16xf32>,
      %get3A_1303 = arith.index_cast %add3A_1282 : i32 to index
      %get3A_1304 = arith.constant 32 : index
      %get3A_1305 = tpu.vector_load %arg10[%get3A_1303, %get3A_1304] {strides = array<i32>} : memref<80x128xf32, #tpu.memory_space<vmem>>, vector<1x16xf32>,
      %get3A_1306 = vector.shape_cast %get3A_1305 : vector<1x16xf32> to vector<16xf32>
      %mul3A_1307 = arith.mulf %get3A_1306, %gather3A_1278 : vector<16xf32>
      %swap3A_1308 = arith.index_cast %add3A_1282 : i32 to index
      %swap3A_1309 = arith.constant 32 : index
      %swap3A_1310 = tpu.vector_load %arg10[%swap3A_1308, %swap3A_1309] {strides = array<i32>} : memref<80x128xf32, #tpu.memory_space<vmem>>, vector<1x16xf32>,
      %swap3A_1311 = vector.shape_cast %swap3A_1310 : vector<1x16xf32> to vector<16xf32>
      %swap3A_1312 = vector.shape_cast %mul3A_1307 : vector<16xf32> to vector<1x16xf32>
      tpu.vector_store %arg10[%swap3A_1308, %swap3A_1309], %swap3A_1312 {strides = array<i32>} : memref<80x128xf32, #tpu.memory_space<vmem>>, vector<1x16xf32>,
      %get3A_1313 = arith.index_cast %add3A_1282 : i32 to index
      %get3A_1314 = arith.constant 48 : index
      %get3A_1315 = tpu.vector_load %arg10[%get3A_1313, %get3A_1314] {strides = array<i32>} : memref<80x128xf32, #tpu.memory_space<vmem>>, vector<1x16xf32>,
      %get3A_1316 = vector.shape_cast %get3A_1315 : vector<1x16xf32> to vector<16xf32>
      %mul3A_1317 = arith.mulf %get3A_1316, %gather3A_1278 : vector<16xf32>
      %swap3A_1318 = arith.index_cast %add3A_1282 : i32 to index
      %swap3A_1319 = arith.constant 48 : index
      %swap3A_1320 = tpu.vector_load %arg10[%swap3A_1318, %swap3A_1319] {strides = array<i32>} : memref<80x128xf32, #tpu.memory_space<vmem>>, vector<1x16xf32>,
      %swap3A_1321 = vector.shape_cast %swap3A_1320 : vector<1x16xf32> to vector<16xf32>
      %swap3A_1322 = vector.shape_cast %mul3A_1317 : vector<16xf32> to vector<1x16xf32>
      tpu.vector_store %arg10[%swap3A_1318, %swap3A_1319], %swap3A_1322 {strides = array<i32>} : memref<80x128xf32, #tpu.memory_space<vmem>>, vector<1x16xf32>,
      %get3A_1323 = arith.index_cast %add3A_1282 : i32 to index
      %get3A_1324 = arith.constant 64 : index
      %get3A_1325 = tpu.vector_load %arg10[%get3A_1323, %get3A_1324] {strides = array<i32>} : memref<80x128xf32, #tpu.memory_space<vmem>>, vector<1x16xf32>,
      %get3A_1326 = vector.shape_cast %get3A_1325 : vector<1x16xf32> to vector<16xf32>
      %mul3A_1327 = arith.mulf %get3A_1326, %gather3A_1278 : vector<16xf32>
      %swap3A_1328 = arith.index_cast %add3A_1282 : i32 to index
      %swap3A_1329 = arith.constant 64 : index
      %swap3A_1330 = tpu.vector_load %arg10[%swap3A_1328, %swap3A_1329] {strides = array<i32>} : memref<80x128xf32, #tpu.memory_space<vmem>>, vector<1x16xf32>,
      %swap3A_1331 = vector.shape_cast %swap3A_1330 : vector<1x16xf32> to vector<16xf32>
      %swap3A_1332 = vector.shape_cast %mul3A_1327 : vector<16xf32> to vector<1x16xf32>
      tpu.vector_store %arg10[%swap3A_1328, %swap3A_1329], %swap3A_1332 {strides = array<i32>} : memref<80x128xf32, #tpu.memory_space<vmem>>, vector<1x16xf32>,
      %get3A_1333 = arith.index_cast %add3A_1282 : i32 to index
      %get3A_1334 = arith.constant 80 : index
      %get3A_1335 = tpu.vector_load %arg10[%get3A_1333, %get3A_1334] {strides = array<i32>} : memref<80x128xf32, #tpu.memory_space<vmem>>, vector<1x16xf32>,
      %get3A_1336 = vector.shape_cast %get3A_1335 : vector<1x16xf32> to vector<16xf32>
      %mul3A_1337 = arith.mulf %get3A_1336, %gather3A_1278 : vector<16xf32>
      %swap3A_1338 = arith.index_cast %add3A_1282 : i32 to index
      %swap3A_1339 = arith.constant 80 : index
      %swap3A_1340 = tpu.vector_load %arg10[%swap3A_1338, %swap3A_1339] {strides = array<i32>} : memref<80x128xf32, #tpu.memory_space<vmem>>, vector<1x16xf32>,
      %swap3A_1341 = vector.shape_cast %swap3A_1340 : vector<1x16xf32> to vector<16xf32>
      %swap3A_1342 = vector.shape_cast %mul3A_1337 : vector<16xf32> to vector<1x16xf32>
      tpu.vector_store %arg10[%swap3A_1338, %swap3A_1339], %swap3A_1342 {strides = array<i32>} : memref<80x128xf32, #tpu.memory_space<vmem>>, vector<1x16xf32>,
      %get3A_1343 = arith.index_cast %add3A_1282 : i32 to index
      %get3A_1344 = arith.constant 96 : index
      %get3A_1345 = tpu.vector_load %arg10[%get3A_1343, %get3A_1344] {strides = array<i32>} : memref<80x128xf32, #tpu.memory_space<vmem>>, vector<1x16xf32>,
      %get3A_1346 = vector.shape_cast %get3A_1345 : vector<1x16xf32> to vector<16xf32>
      %mul3A_1347 = arith.mulf %get3A_1346, %gather3A_1278 : vector<16xf32>
      %swap3A_1348 = arith.index_cast %add3A_1282 : i32 to index
      %swap3A_1349 = arith.constant 96 : index
      %swap3A_1350 = tpu.vector_load %arg10[%swap3A_1348, %swap3A_1349] {strides = array<i32>} : memref<80x128xf32, #tpu.memory_space<vmem>>, vector<1x16xf32>,
      %swap3A_1351 = vector.shape_cast %swap3A_1350 : vector<1x16xf32> to vector<16xf32>
      %swap3A_1352 = vector.shape_cast %mul3A_1347 : vector<16xf32> to vector<1x16xf32>
      tpu.vector_store %arg10[%swap3A_1348, %swap3A_1349], %swap3A_1352 {strides = array<i32>} : memref<80x128xf32, #tpu.memory_space<vmem>>, vector<1x16xf32>,
      %get3A_1353 = arith.index_cast %add3A_1282 : i32 to index
      %get3A_1354 = arith.constant 112 : index
      %get3A_1355 = tpu.vector_load %arg10[%get3A_1353, %get3A_1354] {strides = array<i32>} : memref<80x128xf32, #tpu.memory_space<vmem>>, vector<1x16xf32>,
      %get3A_1356 = vector.shape_cast %get3A_1355 : vector<1x16xf32> to vector<16xf32>
      %mul3A_1357 = arith.mulf %get3A_1356, %gather3A_1278 : vector<16xf32>
      %swap3A_1358 = arith.index_cast %add3A_1282 : i32 to index
      %swap3A_1359 = arith.constant 112 : index
      %swap3A_1360 = tpu.vector_load %arg10[%swap3A_1358, %swap3A_1359] {strides = array<i32>} : memref<80x128xf32, #tpu.memory_space<vmem>>, vector<1x16xf32>,
      %swap3A_1361 = vector.shape_cast %swap3A_1360 : vector<1x16xf32> to vector<16xf32>
      %swap3A_1362 = vector.shape_cast %mul3A_1357 : vector<16xf32> to vector<1x16xf32>
      tpu.vector_store %arg10[%swap3A_1358, %swap3A_1359], %swap3A_1362 {strides = array<i32>} : memref<80x128xf32, #tpu.memory_space<vmem>>, vector<1x16xf32>,
      %broadcast_in_dim3A_1363 = arith.constant 15 : i32
      %broadcast_in_dim3A_1364 = vector.broadcast %broadcast_in_dim3A_1363 : i32 to vector<16x1xi32>
      %gather3A_1365 = vector.shape_cast %broadcast_in_dim3A_1364 : vector<16x1xi32> to vector<16xi32>
      %gather3A_1366 = tpu.dynamic_gather %get3A_45[%gather3A_1365] in [0] : vector<16xf32>, vector<16xi32> -> vector<16xf32>
      %mul3A_1367 = arith.constant 16 : i32
      %mul3A_1368 = arith.muli %scan3A_39, %mul3A_1367 : i32
      %add3A_1369 = arith.constant 15 : i32
      %add3A_1370 = arith.addi %mul3A_1368, %add3A_1369 : i32
      %get3A_1371 = arith.index_cast %add3A_1370 : i32 to index
      %get3A_1372 = arith.constant 0 : index
      %get3A_1373 = tpu.vector_load %arg10[%get3A_1371, %get3A_1372] {strides = array<i32>} : memref<80x128xf32, #tpu.memory_space<vmem>>, vector<1x16xf32>,
      %get3A_1374 = vector.shape_cast %get3A_1373 : vector<1x16xf32> to vector<16xf32>
      %mul3A_1375 = arith.mulf %get3A_1374, %gather3A_1366 : vector<16xf32>
      %swap3A_1376 = arith.index_cast %add3A_1370 : i32 to index
      %swap3A_1377 = arith.constant 0 : index
      %swap3A_1378 = tpu.vector_load %arg10[%swap3A_1376, %swap3A_1377] {strides = array<i32>} : memref<80x128xf32, #tpu.memory_space<vmem>>, vector<1x16xf32>,
      %swap3A_1379 = vector.shape_cast %swap3A_1378 : vector<1x16xf32> to vector<16xf32>
      %swap3A_1380 = vector.shape_cast %mul3A_1375 : vector<16xf32> to vector<1x16xf32>
      tpu.vector_store %arg10[%swap3A_1376, %swap3A_1377], %swap3A_1380 {strides = array<i32>} : memref<80x128xf32, #tpu.memory_space<vmem>>, vector<1x16xf32>,
      %get3A_1381 = arith.index_cast %add3A_1370 : i32 to index
      %get3A_1382 = arith.constant 16 : index
      %get3A_1383 = tpu.vector_load %arg10[%get3A_1381, %get3A_1382] {strides = array<i32>} : memref<80x128xf32, #tpu.memory_space<vmem>>, vector<1x16xf32>,
      %get3A_1384 = vector.shape_cast %get3A_1383 : vector<1x16xf32> to vector<16xf32>
      %mul3A_1385 = arith.mulf %get3A_1384, %gather3A_1366 : vector<16xf32>
      %swap3A_1386 = arith.index_cast %add3A_1370 : i32 to index
      %swap3A_1387 = arith.constant 16 : index
      %swap3A_1388 = tpu.vector_load %arg10[%swap3A_1386, %swap3A_1387] {strides = array<i32>} : memref<80x128xf32, #tpu.memory_space<vmem>>, vector<1x16xf32>,
      %swap3A_1389 = vector.shape_cast %swap3A_1388 : vector<1x16xf32> to vector<16xf32>
      %swap3A_1390 = vector.shape_cast %mul3A_1385 : vector<16xf32> to vector<1x16xf32>
      tpu.vector_store %arg10[%swap3A_1386, %swap3A_1387], %swap3A_1390 {strides = array<i32>} : memref<80x128xf32, #tpu.memory_space<vmem>>, vector<1x16xf32>,
      %get3A_1391 = arith.index_cast %add3A_1370 : i32 to index
      %get3A_1392 = arith.constant 32 : index
      %get3A_1393 = tpu.vector_load %arg10[%get3A_1391, %get3A_1392] {strides = array<i32>} : memref<80x128xf32, #tpu.memory_space<vmem>>, vector<1x16xf32>,
      %get3A_1394 = vector.shape_cast %get3A_1393 : vector<1x16xf32> to vector<16xf32>
      %mul3A_1395 = arith.mulf %get3A_1394, %gather3A_1366 : vector<16xf32>
      %swap3A_1396 = arith.index_cast %add3A_1370 : i32 to index
      %swap3A_1397 = arith.constant 32 : index
      %swap3A_1398 = tpu.vector_load %arg10[%swap3A_1396, %swap3A_1397] {strides = array<i32>} : memref<80x128xf32, #tpu.memory_space<vmem>>, vector<1x16xf32>,
      %swap3A_1399 = vector.shape_cast %swap3A_1398 : vector<1x16xf32> to vector<16xf32>
      %swap3A_1400 = vector.shape_cast %mul3A_1395 : vector<16xf32> to vector<1x16xf32>
      tpu.vector_store %arg10[%swap3A_1396, %swap3A_1397], %swap3A_1400 {strides = array<i32>} : memref<80x128xf32, #tpu.memory_space<vmem>>, vector<1x16xf32>,
      %get3A_1401 = arith.index_cast %add3A_1370 : i32 to index
      %get3A_1402 = arith.constant 48 : index
      %get3A_1403 = tpu.vector_load %arg10[%get3A_1401, %get3A_1402] {strides = array<i32>} : memref<80x128xf32, #tpu.memory_space<vmem>>, vector<1x16xf32>,
      %get3A_1404 = vector.shape_cast %get3A_1403 : vector<1x16xf32> to vector<16xf32>
      %mul3A_1405 = arith.mulf %get3A_1404, %gather3A_1366 : vector<16xf32>
      %swap3A_1406 = arith.index_cast %add3A_1370 : i32 to index
      %swap3A_1407 = arith.constant 48 : index
      %swap3A_1408 = tpu.vector_load %arg10[%swap3A_1406, %swap3A_1407] {strides = array<i32>} : memref<80x128xf32, #tpu.memory_space<vmem>>, vector<1x16xf32>,
      %swap3A_1409 = vector.shape_cast %swap3A_1408 : vector<1x16xf32> to vector<16xf32>
      %swap3A_1410 = vector.shape_cast %mul3A_1405 : vector<16xf32> to vector<1x16xf32>
      tpu.vector_store %arg10[%swap3A_1406, %swap3A_1407], %swap3A_1410 {strides = array<i32>} : memref<80x128xf32, #tpu.memory_space<vmem>>, vector<1x16xf32>,
      %get3A_1411 = arith.index_cast %add3A_1370 : i32 to index
      %get3A_1412 = arith.constant 64 : index
      %get3A_1413 = tpu.vector_load %arg10[%get3A_1411, %get3A_1412] {strides = array<i32>} : memref<80x128xf32, #tpu.memory_space<vmem>>, vector<1x16xf32>,
      %get3A_1414 = vector.shape_cast %get3A_1413 : vector<1x16xf32> to vector<16xf32>
      %mul3A_1415 = arith.mulf %get3A_1414, %gather3A_1366 : vector<16xf32>
      %swap3A_1416 = arith.index_cast %add3A_1370 : i32 to index
      %swap3A_1417 = arith.constant 64 : index
      %swap3A_1418 = tpu.vector_load %arg10[%swap3A_1416, %swap3A_1417] {strides = array<i32>} : memref<80x128xf32, #tpu.memory_space<vmem>>, vector<1x16xf32>,
      %swap3A_1419 = vector.shape_cast %swap3A_1418 : vector<1x16xf32> to vector<16xf32>
      %swap3A_1420 = vector.shape_cast %mul3A_1415 : vector<16xf32> to vector<1x16xf32>
      tpu.vector_store %arg10[%swap3A_1416, %swap3A_1417], %swap3A_1420 {strides = array<i32>} : memref<80x128xf32, #tpu.memory_space<vmem>>, vector<1x16xf32>,
      %get3A_1421 = arith.index_cast %add3A_1370 : i32 to index
      %get3A_1422 = arith.constant 80 : index
      %get3A_1423 = tpu.vector_load %arg10[%get3A_1421, %get3A_1422] {strides = array<i32>} : memref<80x128xf32, #tpu.memory_space<vmem>>, vector<1x16xf32>,
      %get3A_1424 = vector.shape_cast %get3A_1423 : vector<1x16xf32> to vector<16xf32>
      %mul3A_1425 = arith.mulf %get3A_1424, %gather3A_1366 : vector<16xf32>
      %swap3A_1426 = arith.index_cast %add3A_1370 : i32 to index
      %swap3A_1427 = arith.constant 80 : index
      %swap3A_1428 = tpu.vector_load %arg10[%swap3A_1426, %swap3A_1427] {strides = array<i32>} : memref<80x128xf32, #tpu.memory_space<vmem>>, vector<1x16xf32>,
      %swap3A_1429 = vector.shape_cast %swap3A_1428 : vector<1x16xf32> to vector<16xf32>
      %swap3A_1430 = vector.shape_cast %mul3A_1425 : vector<16xf32> to vector<1x16xf32>
      tpu.vector_store %arg10[%swap3A_1426, %swap3A_1427], %swap3A_1430 {strides = array<i32>} : memref<80x128xf32, #tpu.memory_space<vmem>>, vector<1x16xf32>,
      %get3A_1431 = arith.index_cast %add3A_1370 : i32 to index
      %get3A_1432 = arith.constant 96 : index
      %get3A_1433 = tpu.vector_load %arg10[%get3A_1431, %get3A_1432] {strides = array<i32>} : memref<80x128xf32, #tpu.memory_space<vmem>>, vector<1x16xf32>,
      %get3A_1434 = vector.shape_cast %get3A_1433 : vector<1x16xf32> to vector<16xf32>
      %mul3A_1435 = arith.mulf %get3A_1434, %gather3A_1366 : vector<16xf32>
      %swap3A_1436 = arith.index_cast %add3A_1370 : i32 to index
      %swap3A_1437 = arith.constant 96 : index
      %swap3A_1438 = tpu.vector_load %arg10[%swap3A_1436, %swap3A_1437] {strides = array<i32>} : memref<80x128xf32, #tpu.memory_space<vmem>>, vector<1x16xf32>,
      %swap3A_1439 = vector.shape_cast %swap3A_1438 : vector<1x16xf32> to vector<16xf32>
      %swap3A_1440 = vector.shape_cast %mul3A_1435 : vector<16xf32> to vector<1x16xf32>
      tpu.vector_store %arg10[%swap3A_1436, %swap3A_1437], %swap3A_1440 {strides = array<i32>} : memref<80x128xf32, #tpu.memory_space<vmem>>, vector<1x16xf32>,
      %get3A_1441 = arith.index_cast %add3A_1370 : i32 to index
      %get3A_1442 = arith.constant 112 : index
      %get3A_1443 = tpu.vector_load %arg10[%get3A_1441, %get3A_1442] {strides = array<i32>} : memref<80x128xf32, #tpu.memory_space<vmem>>, vector<1x16xf32>,
      %get3A_1444 = vector.shape_cast %get3A_1443 : vector<1x16xf32> to vector<16xf32>
      %mul3A_1445 = arith.mulf %get3A_1444, %gather3A_1366 : vector<16xf32>
      %swap3A_1446 = arith.index_cast %add3A_1370 : i32 to index
      %swap3A_1447 = arith.constant 112 : index
      %swap3A_1448 = tpu.vector_load %arg10[%swap3A_1446, %swap3A_1447] {strides = array<i32>} : memref<80x128xf32, #tpu.memory_space<vmem>>, vector<1x16xf32>,
      %swap3A_1449 = vector.shape_cast %swap3A_1448 : vector<1x16xf32> to vector<16xf32>
      %swap3A_1450 = vector.shape_cast %mul3A_1445 : vector<16xf32> to vector<1x16xf32>
      tpu.vector_store %arg10[%swap3A_1446, %swap3A_1447], %swap3A_1450 {strides = array<i32>} : memref<80x128xf32, #tpu.memory_space<vmem>>, vector<1x16xf32>,
    }
    %scan3A_31 = arith.constant 5 : i32
    "tpu.region"() ({
      %run_scoped3A = tpu.sem_alloc : memref<!tpu.dma_semaphore, #tpu.memory_space<semaphore_mem>>
      %dma_start3A_39 = arith.constant 9920 : i32
      %dma_start3A_40 = tpu.memref_slice %arg8[%dma_start3A_39] : memref<10000xi32, #tpu.memory_space<vmem>> -> memref<80xi32, #tpu.memory_space<vmem>>
      %dma_start3A_41 = arith.constant 0 : i32
      %dma_start3A_42 = arith.constant 0 : i32
      %dma_start3A_43 = tpu.memref_slice %arg12[%dma_start3A_41, %dma_start3A_42] : memref<10000x128xf32, #tpu.memory_space<vmem_shared>> -> memref<10000x128xf32, #tpu.memory_space<vmem_shared>>
      tpu.enqueue_indirect_dma source(%arg10 : memref<80x128xf32, #tpu.memory_space<vmem>>) target(%dma_start3A_43 : memref<10000x128xf32, #tpu.memory_space<vmem_shared>>) offsets(%dma_start3A_40 : memref<80xi32, #tpu.memory_space<vmem>>) semaphore(%run_scoped3A : memref<!tpu.dma_semaphore, #tpu.memory_space<semaphore_mem>>) {add = true}
      %dma_wait3A_44 = arith.constant 9920 : i32
      %dma_wait3A_45 = tpu.memref_slice %arg8[%dma_wait3A_44] : memref<10000xi32, #tpu.memory_space<vmem>> -> memref<80xi32, #tpu.memory_space<vmem>>
      %dma_wait3A_46 = arith.constant 0 : i32
      %dma_wait3A_47 = arith.constant 0 : i32
      %dma_wait3A_48 = tpu.memref_slice %arg12[%dma_wait3A_46, %dma_wait3A_47] : memref<10000x128xf32, #tpu.memory_space<vmem_shared>> -> memref<10000x128xf32, #tpu.memory_space<vmem_shared>>
      tpu.wait_indirect_dma semaphore(%run_scoped3A : memref<!tpu.dma_semaphore, #tpu.memory_space<semaphore_mem>>) src(%arg10 : memref<80x128xf32, #tpu.memory_space<vmem>>) dst(%dma_wait3A_48 : memref<10000x128xf32, #tpu.memory_space<vmem_shared>>)
      tpu.yield
    }) : () -> ()
    %barrier3A_32 = arith.constant 0 : index
    tpu.barrier barrier_id(%barrier3A_32)
    %scan3A_33 = arith.constant 0 : i32
    %scan3A_34 = arith.constant 0 : i32
    %scan3A_35 = arith.constant 8 : i32
    %scan3A_36 = arith.addi %scan3A_34, %scan3A_35 : i32
    %scan3A_37 = arith.constant 1 : i32
    scf.for %scan3A_39 = %scan3A_34 to %scan3A_36 step %scan3A_37  : i32 {
      %mul3A_40 = arith.constant 16 : i32
      %mul3A_41 = arith.muli %scan3A_39, %mul3A_40 : i32
      %add3A_42 = arith.addi %arg1, %mul3A_41 : i32
      %lt3A = arith.constant 125 : i32
      %lt3A_43 = arith.cmpi slt, %add3A_42, %lt3A : i32
      %convert_element_type3A = arith.extui %lt3A_43 : i1 to i32
      %cond3A = arith.constant 0 : i32
      %cond3A_44 = arith.cmpi ne, %convert_element_type3A, %cond3A : i32
      scf.if %cond3A_44 {
        %mul3A_45 = arith.constant 80 : i32
        %mul3A_46 = arith.muli %add3A_42, %mul3A_45 : i32
        %mul3A_47 = arith.constant 80 : i32
        %mul3A_48 = arith.muli %add3A_42, %mul3A_47 : i32
        "tpu.region"() ({
          %run_scoped3A = tpu.sem_alloc : memref<!tpu.dma_semaphore, #tpu.memory_space<semaphore_mem>>
          %dma_start3A_49 = arith.constant 0 : i32
          %dma_start3A_50 = tpu.memref_slice %arg6[%arg0, %mul3A_48, %dma_start3A_49] : memref<2x10000x128xf32, #tpu.memory_space<hbm>> -> memref<1x80x128xf32, #tpu.memory_space<hbm>>
          %dma_start3A_51 = tpu.memref_squeeze %dma_start3A_50 : memref<1x80x128xf32, #tpu.memory_space<hbm>> -> memref<80x128xf32, #tpu.memory_space<hbm>>
          %dma_start3A_52 = arith.constant 0 : i32
          %dma_start3A_53 = tpu.memref_slice %arg12[%mul3A_46, %dma_start3A_52] : memref<10000x128xf32, #tpu.memory_space<vmem_shared>> -> memref<80x128xf32, #tpu.memory_space<vmem_shared>>
          tpu.enqueue_dma source(%dma_start3A_53 : memref<80x128xf32, #tpu.memory_space<vmem_shared>>) target(%dma_start3A_51 : memref<80x128xf32, #tpu.memory_space<hbm>>) target_semaphore(%run_scoped3A : memref<!tpu.dma_semaphore, #tpu.memory_space<semaphore_mem>>)
          %dma_wait3A_54 = arith.constant 0 : i32
          %dma_wait3A_55 = tpu.memref_slice %arg6[%arg0, %mul3A_48, %dma_wait3A_54] : memref<2x10000x128xf32, #tpu.memory_space<hbm>> -> memref<1x80x128xf32, #tpu.memory_space<hbm>>
          %dma_wait3A_56 = tpu.memref_squeeze %dma_wait3A_55 : memref<1x80x128xf32, #tpu.memory_space<hbm>> -> memref<80x128xf32, #tpu.memory_space<hbm>>
          %dma_wait3A_57 = arith.constant 0 : i32
          %dma_wait3A_58 = tpu.memref_slice %arg12[%mul3A_46, %dma_wait3A_57] : memref<10000x128xf32, #tpu.memory_space<vmem_shared>> -> memref<80x128xf32, #tpu.memory_space<vmem_shared>>
          tpu.wait_dma2 semaphore(%run_scoped3A : memref<!tpu.dma_semaphore, #tpu.memory_space<semaphore_mem>>) src(%dma_wait3A_58 : memref<80x128xf32, #tpu.memory_space<vmem_shared>>) dst(%dma_wait3A_56 : memref<80x128xf32, #tpu.memory_space<hbm>>)
          tpu.yield
        }) : () -> ()
      } else {
      }
    }
    %scan3A_38 = arith.constant 8 : i32
    return
  }
}

module attributes {stable_mosaic.version = 14 : i64} {
  func.func @_mm_body(%arg0: i32, %arg1: memref<1000x128xf32, #tpu.memory_space<vmem>>, %arg2: memref<128x128xf32, #tpu.memory_space<vmem>>, %arg3: memref<1000x128xf32, #tpu.memory_space<vmem>>) attributes {dimension_semantics = [#tpu.dimension_semantics<arbitrary>], iteration_bounds = array<i64: 10>, scalar_prefetch = 0 : i64, scratch_operands = 0 : i64, tpu.core_type = #tpu.core_type<tc>, window_params = [{transform_indices = @transform_0, window_bounds = array<i64: 1000, 128>}, {pipeline_mode = #tpu.pipeline_mode<synchronous>, transform_indices = @transform_1, window_bounds = array<i64: 128, 128>}, {transform_indices = @transform_2, window_bounds = array<i64: 1000, 128>}]} {
    %get3A = arith.constant 0 : index
    %get3A_0 = arith.constant 0 : index
    %get3A_1 = vector.load %arg1[%get3A, %get3A_0] : memref<1000x128xf32, #tpu.memory_space<vmem>>, vector<1000x128xf32>
    %get3A_2 = arith.constant 0 : index
    %get3A_3 = arith.constant 0 : index
    %get3A_4 = vector.load %arg2[%get3A_2, %get3A_3] : memref<128x128xf32, #tpu.memory_space<vmem>>, vector<128x128xf32>
    %dot_general3A = arith.constant dense<0.000000e+00> : vector<1000x128xf32>
    %dot_general3A_5 = tpu.matmul %get3A_1, %get3A_4, %dot_general3A {dimension_numbers = #tpu.dot_dimension_numbers<[1], [0], [0], [1], [0, 0, 1, 1], [], []>, transpose_lhs_hint = false} : vector<1000x128xf32>, vector<128x128xf32>, vector<1000x128xf32> -> vector<1000x128xf32>
    %ge3A = arith.constant 0.000000e+00 : f32
    %ge3A_6 = vector.broadcast %ge3A : f32 to vector<1000x128xf32>
    %ge3A_7 = arith.cmpf oge, %dot_general3A_5, %ge3A_6 : vector<1000x128xf32>
    %mul3A = arith.constant 0.00999999977 : f32
    %mul3A_8 = vector.broadcast %mul3A : f32 to vector<1000x128xf32>
    %mul3A_9 = arith.mulf %mul3A_8, %dot_general3A_5 : vector<1000x128xf32>
    %select_n3A = arith.select %ge3A_7, %dot_general3A_5, %mul3A_9 : vector<1000x128xi1>, vector<1000x128xf32>
    %swap3A = arith.constant 0 : index
    %swap3A_10 = arith.constant 0 : index
    %swap3A_11 = vector.load %arg3[%swap3A, %swap3A_10] : memref<1000x128xf32, #tpu.memory_space<vmem>>, vector<1000x128xf32>
    tpu.vector_store %arg3[%swap3A, %swap3A_10], %select_n3A {strides = array<i32>} : memref<1000x128xf32, #tpu.memory_space<vmem>>, vector<1000x128xf32>,
    return
  }
  func.func @transform_0(%arg0: i32) -> (i32, i32) {
    %c0_i32 = arith.constant 0 : i32
    %c0_i32_0 = arith.constant 0 : i32
    return %arg0, %c0_i32 : i32, i32
  }
  func.func @transform_1(%arg0: i32) -> (i32, i32) {
    %c0_i32 = arith.constant 0 : i32
    %c0_i32_0 = arith.constant 0 : i32
    %c0_i32_1 = arith.constant 0 : i32
    return %c0_i32, %c0_i32_0 : i32, i32
  }
  func.func @transform_2(%arg0: i32) -> (i32, i32) {
    %c0_i32 = arith.constant 0 : i32
    %c0_i32_0 = arith.constant 0 : i32
    return %arg0, %c0_i32 : i32, i32
  }
}

module attributes {stable_mosaic.version = 14 : i64} {
  func.func @_combine_body(%arg0: i32, %arg1: memref<2x1000x128xf32, #tpu.memory_space<vmem>>, %arg2: memref<1000x128xf32, #tpu.memory_space<vmem>>) attributes {dimension_semantics = [#tpu.dimension_semantics<arbitrary>], iteration_bounds = array<i64: 10>, scalar_prefetch = 0 : i64, scratch_operands = 0 : i64, tpu.core_type = #tpu.core_type<tc>, window_params = [{transform_indices = @transform_0, window_bounds = array<i64: 2, 1000, 128>}, {transform_indices = @transform_1, window_bounds = array<i64: 1000, 128>}]} {
    %get3A = arith.constant 0 : index
    %get3A_0 = arith.constant 0 : index
    %get3A_1 = arith.constant 0 : index
    %get3A_2 = vector.load %arg1[%get3A, %get3A_0, %get3A_1] : memref<2x1000x128xf32, #tpu.memory_space<vmem>>, vector<1x1000x128xf32>
    %get3A_3 = vector.shape_cast %get3A_2 : vector<1x1000x128xf32> to vector<1000x128xf32>
    %get3A_4 = arith.constant 1 : index
    %get3A_5 = arith.constant 0 : index
    %get3A_6 = arith.constant 0 : index
    %get3A_7 = vector.load %arg1[%get3A_4, %get3A_5, %get3A_6] : memref<2x1000x128xf32, #tpu.memory_space<vmem>>, vector<1x1000x128xf32>
    %get3A_8 = vector.shape_cast %get3A_7 : vector<1x1000x128xf32> to vector<1000x128xf32>
    %add3A = arith.addf %get3A_3, %get3A_8 : vector<1000x128xf32>
    %swap3A = arith.constant 0 : index
    %swap3A_9 = arith.constant 0 : index
    %swap3A_10 = vector.load %arg2[%swap3A, %swap3A_9] : memref<1000x128xf32, #tpu.memory_space<vmem>>, vector<1000x128xf32>
    tpu.vector_store %arg2[%swap3A, %swap3A_9], %add3A {strides = array<i32>} : memref<1000x128xf32, #tpu.memory_space<vmem>>, vector<1000x128xf32>,
    return
  }
  func.func @transform_0(%arg0: i32) -> (i32, i32, i32) {
    %c0_i32 = arith.constant 0 : i32
    %c0_i32_0 = arith.constant 0 : i32
    %c0_i32_1 = arith.constant 0 : i32
    return %c0_i32, %arg0, %c0_i32_0 : i32, i32, i32
  }
  func.func @transform_1(%arg0: i32) -> (i32, i32) {
    %c0_i32 = arith.constant 0 : i32
    %c0_i32_0 = arith.constant 0 : i32
    return %arg0, %c0_i32 : i32, i32
  }
}

</mosaic_0001>

<sc_bundles>
// kernel: kernel.5.cloned.1.call-start
scs
__scs_entry_jumppad:
0x0: {  	(pc) =	sbr.rel $0x88, $3  }
0x1: {  	(tag) =	ssettag $0x0;
	lr =	simm.s32 $0x1  }
0x2: {  	[smem:$0x3F9D] =	sst lr;
	_ =	strace $0xD0000000  }
0x3: {  	_ = 	snop  }
0x4: {  	_ = 	snop  }
0x5: {  	_ = 	snop  }
0x6: {  	_ = 	snop  }
0x7: {  	_ = 	snop  }
__scs_overlays_trampoline_lowered:
0x8: {  	[smem:$0x3FAC] =	sst s0  }
0x9: {  	[smem:$0x3FAD] =	sst s1  }
0xa: {  	[smem:$0x3FAE] =	sst s2  }
0xb: {  	[smem:$0x3FAF] =	sst s3  }
0xc: {  	[smem:$0x3FB0] =	sst s4  }
0xd: {  	[smem:$0x3FB1] =	sst s5  }
0xe: {  	[smem:$0x3FB2] =	sst s6  }
0xf: {  	[smem:$0x3FB3] =	sst s7  }
0x10: {  	[smem:$0x3FB4] =	sst s8  }
0x11: {  	[smem:$0x3FB5] =	sst s9;
	s0 =	simm.s32 @!p0 $0x0  }
0x12: {  	s1 =	sld [smem:$0x3F9B];
	s0 =	simm.s32 @p0 $0x1  }
0x13: {  	[smem:$0x3FB6] =	sst s0;
	s0 =	simm.s32 @!p1 $0x0  }
0x14: {  	s2 =	sld [smem:$0x3F9A];
	s0 =	simm.s32 @p1 $0x1  }
0x15: {  	[smem:$0x3FB7] =	sst s0;
	s0 =	simm.s32 @!p2 $0x0  }
0x16: {  	s3 =	sld [smem:$0x3FDB];
	s0 =	simm.s32 @p2 $0x1  }
0x17: {  	s4 =	simm.s32 $0x1BF5;
	[smem:$0x3FB9] =	sst s0  }
0x18: {  	s0 =	sld [smem:$0x3F9C];
	_ =	swait.ge [sflag:s4], $0x0  }
0x19: {  	s7 =	sld [smem:$0x3F9D]  }
0x1a: {  	s8 =	sadd.s32 $0xFFFFE003, lr  }
0x1b: {  	s9 =	sadd.s32 $0xFFFFFEF7, lr;
	s5 =	simm.s32 $0xFFFFFFFF;
	p2 =	slt.u32 s8, $0xFFFFF086  }
0x1c: {  	p1 =	slt.u32 s9, $0xF7A;
	s5 =	simm.s32 @!p2 $0x0  }
0x1d: {  	s5 =	simm.s32 @p1 $0x1;
	p0 =	seq.s32 s7, s2  }
0x1e: {  	s7 =	smul.u32 @!p0 $0xF7A, s2;
	p2 =	seq.s32 @!p0 s5, $0x0  }
0x1f: {  	s9 =	smul.u32 $0xF7A, s1;
	s8 =	simm.s32 @!p0 $0x1BF5;
	p2 =	por !p2, p0  }
0x20: {  	[sflag:s8] =	ssyncset.s32 @!p0 $0xFFFFF086;
	s6 =	sadd.s32 @!p0 s3, s7;
	s7 =	simm.s32 @!p0 $0x108  }
0x21: {  	s3 =	sadd.s32 s3, s9;
	s6 =	sadd.s32 @!p0 $0x88, s6;
	s7 =	simm.s32 @p2 $0x1082  }
0x22: {  	[simem:s7], [sflag:s8] =	dma.local @!p0 [hbm:s6], $0xF7A  }
0x23: {  	s9 =	sor.u32 $0xD0000000, s2;
	s6 =	simm.s32 $0x108;
	_ =	swait.ge @!p0 [sflag:s8], $0x0  }
0x24: {  	s3 =	sadd.s32 $0x88, s3;
	s6 =	simm.s32 @!p1 $0x1082;
	[sflag:s4] =	ssyncset.s32 $0xFFFFF086  }
0x25: {  	[simem:s6], [sflag:s4] =	dma.local [hbm:s3], $0xF7A  }
0x26: {  	[smem:$0x3F9D] =	sst s1;
	(tag) =	ssettag s2;
	_ =	strace s9  }
0x27: {  	s1 =	sld [smem:$0x3FAD]  }
0x28: {  	s2 =	sld [smem:$0x3FAE]  }
0x29: {  	s4 =	sld [smem:$0x3FB0]  }
0x2a: {  	p0 =	seq.s32 s5, $0x0;
	s5 =	sld [smem:$0x3FB1]  }
0x2b: {  	s6 =	sld [smem:$0x3FB2]  }
0x2c: {  	s7 =	sld [smem:$0x3FB3]  }
0x2d: {  	s3 =	simm.s32 $0x108;
	s8 =	sld [smem:$0x3FB4]  }
0x2e: {  	s3 =	simm.s32 @!p0 $0x1082;
	s9 =	sld [smem:$0x3FB5]  }
0x2f: {  	lr =	sadd.s32 s0, s3;
	s0 =	sld [smem:$0x3FAC]  }
0x30: {  	s3 =	sld [smem:$0x3FAF]  }
0x31: {  	[smem:$0x3FB8] =	sst s10  }
0x32: {  	s10 =	sld [smem:$0x3FB6];
	_ =	sdelay $0x3  }
0x33: {  	p0 =	seq.s32 s10, $0x1;
	s10 =	sld [smem:$0x3FB8];
	_ =	sdelay $0x3  }
0x34: {  	[smem:$0x3FB8] =	sst s10  }
0x35: {  	s10 =	sld [smem:$0x3FB7];
	_ =	sdelay $0x3  }
0x36: {  	p1 =	seq.s32 s10, $0x1;
	s10 =	sld [smem:$0x3FB8];
	_ =	sdelay $0x3  }
0x37: {  	[smem:$0x3FB8] =	sst s10  }
0x38: {  	s10 =	sld [smem:$0x3FB9]  }
0x39: {  	_ = 	snop;
	(pc) =	sbr.ind lr, $3  }
0x3a: {  	_ = 	snop  }
0x3b: {  	_ = 	snop  }
0x3c: {  	p2 =	seq.s32 s10, $0x1;
	s10 =	sld [smem:$0x3FB8]  }
0x3d: {  	_ =	shalt  }
0x3e: {  	_ =	shalt  }
0x3f: {  	_ =	shalt  }
0x40: {  	_ =	shalt  }
0x41: {  	_ =	shalt  }
0x42: {  	_ =	shalt  }
0x43: {  	_ =	shalt  }
0x44: {  	_ =	shalt  }
0x45: {  	_ =	shalt  }
0x46: {  	_ =	shalt  }
0x47: {  	_ =	shalt  }
0x48: {  	_ =	shalt  }
0x49: {  	_ =	shalt  }
0x4a: {  	_ =	shalt  }
0x4b: {  	_ =	shalt  }
0x4c: {  	_ =	shalt  }
0x4d: {  	_ =	shalt  }
0x4e: {  	_ =	shalt  }
0x4f: {  	_ =	shalt  }
0x50: {  	_ =	shalt  }
0x51: {  	_ =	shalt  }
0x52: {  	_ =	shalt  }
0x53: {  	_ =	shalt  }
0x54: {  	_ =	shalt  }
0x55: {  	_ =	shalt  }
0x56: {  	_ =	shalt  }
0x57: {  	_ =	shalt  }
0x58: {  	_ =	shalt  }
0x59: {  	_ =	shalt  }
0x5a: {  	_ =	shalt  }
0x5b: {  	_ =	shalt  }
0x5c: {  	_ =	shalt  }
0x5d: {  	_ =	shalt  }
0x5e: {  	_ =	shalt  }
0x5f: {  	_ =	shalt  }
0x60: {  	_ =	shalt  }
0x61: {  	_ =	shalt  }
0x62: {  	_ =	shalt  }
0x63: {  	_ =	shalt  }
0x64: {  	_ =	shalt  }
0x65: {  	_ =	shalt  }
0x66: {  	_ =	shalt  }
0x67: {  	_ =	shalt  }
0x68: {  	_ =	shalt  }
0x69: {  	_ =	shalt  }
0x6a: {  	_ =	shalt  }
0x6b: {  	_ =	shalt  }
0x6c: {  	_ =	shalt  }
0x6d: {  	_ =	shalt  }
0x6e: {  	_ =	shalt  }
0x6f: {  	_ =	shalt  }
0x70: {  	_ =	shalt  }
0x71: {  	_ =	shalt  }
0x72: {  	_ =	shalt  }
0x73: {  	_ =	shalt  }
0x74: {  	_ =	shalt  }
0x75: {  	_ =	shalt  }
0x76: {  	_ =	shalt  }
0x77: {  	_ =	shalt  }
0x78: {  	_ =	shalt  }
0x79: {  	_ =	shalt  }
0x7a: {  	_ =	shalt  }
0x7b: {  	_ =	shalt  }
0x7c: {  	_ =	shalt  }
0x7d: {  	_ =	shalt  }
0x7e: {  	_ =	shalt  }
0x7f: {  	_ =	shalt  }
0x80: {  	_ =	shalt  }
0x81: {  	_ =	shalt  }
0x82: {  	_ =	shalt  }
0x83: {  	_ =	shalt  }
0x84: {  	_ =	shalt  }
0x85: {  	_ =	shalt  }
0x86: {  	_ =	shalt  }
0x87: {  	_ =	shalt  }
.Lfunc_end0:
.L_simem_size_0:
called_computation_lowered:
.L_overlay_start_0:
0x88: {  	s2 =	sld [smem:$0x3FD9]  }
0x89: {  	s3 =	sld [smem:$0x3FFE];
	_ =	sdelay $0x1  }
0x8a: {  	s1 =	srdreg.scid  }
0x8b: {  	s0 =	sand.u32 $0x1, s1  }
0x8c: {  	s17 =	sshll.u32 s0, $0xA;
	s2 =	sadd.s32 s3, s2  }
0x8d: {  	s2 =	sadd.s32 s2, s17  }
0x8e: {  	[smem:$0x3FC4] =	sst s2  }
0x8f: {  	_ = 	snop  }
0x90: {  	s2 =	sld [smem:$0x3FD0];
	(tm) =	ssettm $0x1  }
0x91: {  	s18 =	sld [smem:$0x3FFB];
	_ =	sdelay $0x3  }
0x92: {  	_ =	strace s18  }
0x93: {  	s3 =	sld [smem:$0x3FFC];
	_ =	sdelay $0x3  }
0x94: {  	_ =	strace s3  }
0x95: {  	s3 =	sld [smem:$0x3FFD];
	_ =	sdelay $0x3  }
0x96: {  	_ =	strace s3  }
0x97: {  	_ =	strace $0x8FFFFFFF  }
0x98: {  	s19 =	sld [smem:$0x3FDB];
	_ =	sdelay $0x1  }
0x99: {  	s4 =	simm.s32 $_scs_section_size  }
0x9a: {  	s5 =	simm.s32 $_size__tile_overlayer_lowered;
	s6 =	simm.s32 $_tile_overlayer_lowered  }
0x9b: {  	s22 =	simm.s32 $0x1BFF;
	s21 =	sshll.u32 s6, $0x1;
	s3 =	sadd.s32 s4, s19  }
0x9c: {  	s7 =	simm.s32 $0x0;
	s20 =	sshll.u32 s5, $0x1;
	s5 =	sadd.s32 s21, s3  }
0x9d: {  	[timem:s7], [sflag:s22] =	dma.local [hbm:s5], s20  }
0x9e: {  	_ =	swait.ge [sflag:s22], s20  }
0x9f: {  	s4 =	ssub.s32 $0x0, s20;
	[sflag:s22] =	ssyncset.done $0x0  }
0xa0: {  	[sflag:s22] =	ssyncadd.s32 s4;
	_ =	sdelay $0x1  }
0xa1: {  	s23 =	simm.s32 $0x1B8B  }
0xa2: {  	_ =	swait.ge [sflag:s23], $0x1  }
0xa3: {  	[sflag:s23] =	ssyncset.done $0x0  }
0xa4: {  	s25 =	simm.s32 $0x1B8E;
	s24 =	sld [smem:$0x3FFE];
	[sflag:s23] =	ssyncadd.s32 $0xFFFFFFFF  }
0xa5: {  	s26 =	simm.s32 $execute0_lowered;
	[smem:$0x3FD2] =	sst s25  }
0xa6: {  	s5 =	sshll.u32 s26, $0x1;
	_ =	strace $0x80000046;
	[dreg:$0x1] =	wrdreg $0xFFFFFFFF  }
0xa7: {  	s28 =	simm.s32 $_size_execute0_lowered;
	s3 =	sadd.s32 s3, s5;
	[dreg:$0x0] =	wrdreg $0x0  }
0xa8: {  	s5 =	sshll.u32 s28, $0x1;
	[dreg:$0x2] =	wrdreg s3  }
0xa9: {  	[dreg:$0x3] =	wrdreg s5  }
0xaa: {  	[dreg:$0x4] =	wrdreg $0xC0  }
0xab: {  	_ =	task [dreg:s7], $0x5FFFF  }
0xac: {  	[dreg:$0x1] =	wrdreg $0xFFFFFFFF  }
0xad: {  	[dreg:$0x0] =	wrdreg $0x60  }
0xae: {  	[dreg:$0x2] =	wrdreg s2  }
0xaf: {  	[dreg:$0x3] =	wrdreg s24  }
0xb0: {  	[dreg:$0x4] =	wrdreg $0xC6800  }
0xb1: {  	[dreg:$0x5] =	wrdreg $0x9  }
0xb2: {  	_ =	task.clear_ibuf [dreg:s7], $0x6FFFF;
	_ =	strace $0x90000046  }
0xb3: {  	s29 =	simm.s32 $0x9;
	_ =	strace $0x80000048  }
0xb4: {  	_ =	swait.ge [sflag:s29], $0x1  }
0xb5: {  	[sflag:s29] =	ssyncadd.s32 $0xFFFFFFFF  }
0xb6: {  	_ =	strace $0x90000048  }
0xb7: {  	_ =	sfence  }
0xb8: {  	s30 =	sld [smem:$0x0];
	_ =	sdelay $0x2  }
0xb9: {  	s31 =	sshll.u32 s1, $0xD;
	s1 =	sshrl.u32 s1, $0x2  }
0xba: {  	s3 =	sand.u32 $0x4000, s31;
	s1 =	sadd.s32 s1, s30  }
0xbb: {  	s0 =	sor.u32 s3, s0;
	s1 =	sshll.u32 s1, $0x11  }
0xbc: {  	s0 =	sor.u32 s1, s0  }
0xbd: {  	s0 =	sadd.s32 $0x8F2B, s0  }
0xbe: {  	[sflag:s0] =	ssyncadd.remote.s32 $0x1  }
0xbf: {  	_ =	sfence.sel $0xFFFF  }
0xc0: {  	[dreg:$0x0] =	wrdreg $0xFFFFFFFF;
	(pc) =	sbr.abs _section_cstart, $3  }
0xc1: {  	[dreg:$0x1] =	wrdreg $0xFFFFFFFF  }
0xc2: {  	_ =	task.clear_ibuf [dreg:s7], $0x2FFFF;
	_ =	strace $0x9FFFFFFF  }
0xc3: {  	(tm) =	ssettm $0x7FFFFFFF  }
tec
execute0_lowered:
.L_overlay_start_1:
0x0: {  	(tag) =	ssettag $0x1  }
0x1: {  	s1 =	rddreg [dreg:$0x0]  }
0x2: {  	s0 =	rddreg [dreg:$0x1]  }
0x3: {  	s3 =	rddreg [dreg:$0x2];
	s4 =	simm.s32 $0x0;
	s19 =	stileid.u32  }
0x4: {  	s2 =	srdreg.scid;
	s5 =	sshrl.u32 s19, $0x2;
	s10 =	smul.u32 $0x2800, s19  }
0x5: {  	s28 =	simm.s32 $0x80;
	s2 =	sand.u32 $0x1, s2;
	s5 =	smul.u32 $0x13C00, s5  }
0x6: {  	s29 =	simm.s32 $0x400;
	s8 =	sor.u32 $0x10, s19;
	s26 =	smul.u32 $0x138800, s2  }
0x7: {  	s30 =	simm.s32 $0x9E80;
	s31 =	simm.s32 $0x1;
	s9 =	smul.u32 $0xA000, s8  }
0x8: {  	s6 =	sshll.u32 s19, $0x8;
	s11 =	sor.u32 $0x20, s19;
	s8 =	smul.u32 $0x2800, s8  }
0x9: {  	[smem:$0x7FF] =	sst s4;
	s13 =	sor.u32 $0x30, s19;
	s14 =	smul.u32 $0x2800, s11  }
0xa: {  	s18 =	sor.u32 $0x60, s19;
	s25 =	sor.u32 $0x70, s19;
	s15 =	smul.u32 $0x2800, s13  }
0xb: {  	s7 =	sshll.u32 s2, $0x7;
	s6 =	sand.u32 $0x300, s6;
	s23 =	smul.u32 $0x2800, s18  }
0xc: {  	_ =	strace $0x80000047;
	s2 =	ssub.s32 $0x2, s2;
	s21 =	smul.u32 $0x2800, s25  }
0xd: {  	s11 =	smul.u32 $0xA000, s11;
	p0 =	sgt.u32 s25, $0x7C;
	s6 =	sor.u32 s7, s6  }
0xe: {  	s12 =	sshrl.u32 s2, $0x1;
	s5 =	sor.u32 s5, s6;
	s6 =	smul.u32 $0xA000, s19  }
0xf: {  	s2 =	ssub.s32 s2, s12;
	s12 =	sor.u32 $0x40, s19;
	s20 =	sadd.s32 s26, s10  }
0x10: {  	s8 =	sadd.s32 s26, s8;
	s14 =	sadd.s32 s26, s14;
	s15 =	sadd.s32 s26, s15  }
0x11: {  	s7 =	sadd.s32 s26, s21;
	s10 =	sshrl.u32 s9, $0x2;
	s11 =	sshrl.u32 s11, $0x2  }
0x12: {  	s5 =	sshrl.u32 s5, $0x3;
	s17 =	smul.u32 $0x2800, s12;
	s2 =	smax.u32 s2, $0x1  }
0x13: {  	s12 =	smul.u32 $0xA000, s12;
	s10 =	sadd.s32 s10, s3;
	s8 =	sshrl.u32 s8, $0x3  }
0x14: {  	s14 =	sshrl.u32 s14, $0x3;
	s7 =	sshrl.u32 s7, $0x3;
	s5 =	sadd.s32 s5, s0  }
0x15: {  	s0 =	sadd.s32 $0x1E400, s0;
	[dreg:$0x7] =	wrdreg s2;
	s16 =	sadd.s32 $0x14600, s5  }
0x16: {  	s6 =	sshrl.u32 s6, $0x2;
	[dreg:$0x4] =	wrdreg s16;
	s16 =	sor.u32 $0x50, s19  }
0x17: {  	s17 =	sadd.s32 s26, s17;
	s24 =	sadd.s32 $0xA800, s5;
	s22 =	smul.u32 $0x2800, s16  }
0x18: {  	s5 =	sadd.s32 $0xA00, s5;
	s9 =	sadd.s32 s6, s3;
	[dreg:$0x5] =	wrdreg s24  }
0x19: {  	[dreg:$0x6] =	wrdreg s5;
	s24 =	sshrl.u32 s12, $0x2;
	s19 =	sadd.s32 s26, s22  }
0x1a: {  	s22 =	sadd.s32 s26, s23;
	s26 =	smul.u32 $0xA000, s13;
	s13 =	sshrl.u32 s20, $0x3  }
0x1b: {  	s23 =	smul.u32 $0xA000, s18;
	s18 =	sshrl.u32 s17, $0x3;
	s12 =	sadd.s32 s0, s13  }
0x1c: {  	s13 =	sadd.s32 s0, s14;
	s20 =	sshrl.u32 s19, $0x3;
	s21 =	sshrl.u32 s22, $0x3  }
0x1d: {  	s22 =	smul.u32 $0xA000, s25;
	s19 =	sadd.s32 s11, s3;
	s25 =	simm.s32 $0x7680  }
0x1e: {  	s2 =	sshrl.u32 s26, $0x2;
	s26 =	smul.u32 $0xA000, s16;
	[dreg:$0x8] =	wrdreg s12  }
0x1f: {  	v0 =	vimm.f32 $0.0e+00;
	v1 =	vimm.s32 $0x0;
	s12 =	sadd.s32 s0, s8;
	s16 =	sshrl.u32 s15, $0x3;
	s15 =	sadd.s32 s0, s18  }
0x20: {  	v2 =	vimm.s32 $0x1;
	v3 =	vimm.s32 $0x2;
	v4 =	vimm.s32 $0x3;
	s17 =	sadd.s32 s0, s21;
	s18 =	sadd.s32 s0, s7;
	s21 =	sadd.s32 s24, s3  }
0x21: {  	v5 =	vimm.s32 $0x4;
	v6 =	vimm.s32 $0x5;
	v7 =	vimm.s32 $0x6;
	s14 =	sadd.s32 s0, s16;
	s16 =	sadd.s32 s0, s20;
	s20 =	sadd.s32 s2, s3  }
0x22: {  	v8 =	vimm.s32 $0x7;
	v9 =	vimm.s32 $0x8;
	v10 =	vimm.s32 $0x9;
	s0 =	sshrl.u32 s22, $0x2;
	s24 =	sshrl.u32 s26, $0x2;
	s26 =	sshrl.u32 s23, $0x2  }
0x23: {  	v11 =	vimm.s32 $0xA;
	v12 =	vimm.s32 $0xB;
	v13 =	vimm.s32 $0xC;
	s2 =	simm.s32 $0x2;
	s22 =	sadd.s32 s24, s3;
	s23 =	sadd.s32 s26, s3  }
0x24: {  	v14 =	vimm.s32 $0xD;
	v15 =	vimm.s32 $0xE;
	v16 =	vimm.s32 $0xF;
	s24 =	sadd.s32 s0, s3;
	s26 =	simm.s32 $0x3;
	s0 =	simm.s32 $0x50  }
.LBB2_1:
0x25: {  	s5 =	simm.s32 $0x0;
	s6 =	simm.s32 $0x200  }
.LBB2_2:
0x26: {  	p1 =	sne.s32 s6, $0x9E00;
	[tilespmem:s5+$0x76F0] =	vst v0  }
0x27: {  	[tilespmem:s5+$0x7680] =	vst v0  }
0x28: {  	[tilespmem:s5+$0x7690] =	vst v0  }
.Ltmp0:
0x29: {  	[tilespmem:s5+$0x76A0] =	vst v0;
	(pc) =	sbr.rel @p1 .LBB2_2-.Ltmp0, $4  }
0x2a: {  	[tilespmem:s5+$0x76B0] =	vst v0  }
0x2b: {  	[tilespmem:s5+$0x76C0] =	vst v0  }
0x2c: {  	[tilespmem:s5+$0x76D0] =	vst v0  }
0x2d: {  	[tilespmem:s5+$0x76E0] =	vst v0;
	s5 =	sshra.s32 s6, $0x2;
	s6 =	sadd.s32 $0x200, s6  }
0x2e: {  	[tilespmem:s5+$0x76F0] =	vst v0  }
0x2f: {  	[tilespmem:s5+$0x7680] =	vst v0  }
0x30: {  	[tilespmem:s5+$0x7690] =	vst v0  }
0x31: {  	[tilespmem:s5+$0x76A0] =	vst v0  }
0x32: {  	[tilespmem:s5+$0x76B0] =	vst v0  }
0x33: {  	[tilespmem:s5+$0x76C0] =	vst v0  }
0x34: {  	[tilespmem:s5+$0x76D0] =	vst v0  }
0x35: {  	[tilespmem:s5+$0x76E0] =	vst v0  }
0x36: {  	[spmem:s9] =	stream.linear.scatter [tilespmem:s25], [sflag:$0x3], $0x2800, $0x38;
	[tilespmem:$0x1FF00] =	vst v63  }
0x37: {  	_ =	swait.ge [sflag:s26], $0x2800  }
0x38: {  	[sflag:s26] =	ssyncset.done $0x0  }
0x39: {  	[sflag:s26] =	ssyncadd.s32 $0xFFFFD800  }
0x3a: {  	[spmem:s10] =	stream.linear.scatter [tilespmem:s25], [sflag:$0x3], $0x2800, $0x38;
	[tilespmem:$0x1FF00] =	vst v63  }
0x3b: {  	_ =	swait.ge [sflag:s26], $0x2800  }
0x3c: {  	[sflag:s26] =	ssyncset.done $0x0  }
0x3d: {  	[sflag:s26] =	ssyncadd.s32 $0xFFFFD800  }
0x3e: {  	[spmem:s19] =	stream.linear.scatter [tilespmem:s25], [sflag:$0x3], $0x2800, $0x38;
	[tilespmem:$0x1FF00] =	vst v63  }
0x3f: {  	_ =	swait.ge [sflag:s26], $0x2800  }
0x40: {  	[sflag:s26] =	ssyncset.done $0x0  }
0x41: {  	[sflag:s26] =	ssyncadd.s32 $0xFFFFD800  }
0x42: {  	[spmem:s20] =	stream.linear.scatter [tilespmem:s25], [sflag:$0x3], $0x2800, $0x38;
	[tilespmem:$0x1FF00] =	vst v63  }
0x43: {  	_ =	swait.ge [sflag:s26], $0x2800  }
0x44: {  	[sflag:s26] =	ssyncset.done $0x0  }
0x45: {  	[sflag:s26] =	ssyncadd.s32 $0xFFFFD800  }
0x46: {  	[spmem:s21] =	stream.linear.scatter [tilespmem:s25], [sflag:$0x3], $0x2800, $0x38;
	[tilespmem:$0x1FF00] =	vst v63  }
0x47: {  	_ =	swait.ge [sflag:s26], $0x2800  }
0x48: {  	[sflag:s26] =	ssyncset.done $0x0  }
0x49: {  	[sflag:s26] =	ssyncadd.s32 $0xFFFFD800  }
0x4a: {  	[spmem:s22] =	stream.linear.scatter [tilespmem:s25], [sflag:$0x3], $0x2800, $0x38;
	[tilespmem:$0x1FF00] =	vst v63  }
0x4b: {  	_ =	swait.ge [sflag:s26], $0x2800  }
0x4c: {  	[sflag:s26] =	ssyncset.done $0x0  }
0x4d: {  	[sflag:s26] =	ssyncadd.s32 $0xFFFFD800  }
0x4e: {  	[spmem:s23] =	stream.linear.scatter [tilespmem:s25], [sflag:$0x3], $0x2800, $0x38;
	[tilespmem:$0x1FF00] =	vst v63  }
0x4f: {  	_ =	swait.ge [sflag:s26], $0x2800  }
0x50: {  	[sflag:s26] =	ssyncset.done $0x0  }
0x51: {  	s5 =	simm.s32 @!p0 $0x7680;
	[sflag:s26] =	ssyncadd.s32 $0xFFFFD800  }
0x52: {  	[spmem:s24] =	stream.linear.scatter @!p0 [tilespmem:s5], [sflag:$0x3], $0x2800, $0x38;
	[tilespmem:$0x1FF00] =	vst v63  }
0x53: {  	s5 =	simm.s32 @!p0 $0x3  }
0x54: {  	_ =	swait.ge @!p0 [sflag:s5], $0x2800  }
0x55: {  	[sflag:s5] =	ssyncset.done @!p0 $0x0  }
0x56: {  	s6 =	rddreg [dreg:$0x4];
	[sflag:s5] =	ssyncadd.s32 @!p0 $0xFFFFD800;
	s5 =	simm.s32 $0x0  }
0x57: {  	[tilespmem:s5], [sflag:$0x3] =	stream.strided.gather [hbm4b:s6+s28], $0x2780, s29, s28, $0x38;
	[tilespmem:$0x1FF00] =	vst v63  }
0x58: {  	_ =	swait.ge [sflag:s26], $0x2780  }
0x59: {  	[sflag:s26] =	ssyncset.done $0x0  }
0x5a: {  	s7 =	simm.s32 $0x2780;
	s11 =	rddreg [dreg:$0x5];
	[sflag:s26] =	ssyncadd.s32 $0xFFFFD880  }
0x5b: {  	[tilespmem:s7], [sflag:$0x3] =	stream.strided.gather [hbm4b:s11+s28], $0x2780, s29, s28, $0x38;
	[tilespmem:$0x1FF00] =	vst v63  }
0x5c: {  	_ =	swait.ge [sflag:s26], $0x2780  }
0x5d: {  	[sflag:s26] =	ssyncset.done $0x0  }
0x5e: {  	s11 =	simm.s32 $0x4F00;
	s8 =	rddreg [dreg:$0x6];
	[sflag:s26] =	ssyncadd.s32 $0xFFFFD880  }
0x5f: {  	[tilespmem:s11], [sflag:$0x3] =	stream.strided.gather [hbm4b:s8+s28], $0x2780, s29, s28, $0x38;
	[tilespmem:$0x1FF00] =	vst v63  }
0x60: {  	_ =	swait.ge [sflag:s26], $0x2780  }
0x61: {  	[sflag:s26] =	ssyncset.done $0x0  }
0x62: {  	[sflag:s26] =	ssyncadd.s32 $0xFFFFD880  }
0x63: {  	[bflag:$0x0] =	sbarrier.arrive $0xFFFF  }
0x64: {  	[tilespmem:s25], [sflag:$0x1] =	stream.indirect.gather [hbm4b:s1+s0], $0x80, s5, s0, $0xb8;
	[tilespmem:$0x1FF00] =	vst v63  }
.LBB2_4:
0x65: {  	s6 =	smul.u32 $0xA0, s5  }
0x66: {  	s7 =	smul.u32 $0x280, s5;
	_ =	sdelay $0x1  }
0x67: {  	s6 =	sadd.s32 $0x50, s6;
	s7 =	sshra.s32 s7, $0x2  }
0x68: {  	[tilespmem:s30], [sflag:$0x2] =	stream.indirect.gather [hbm4b:s1+s0], $0x80, s6, s0, $0xb8;
	[tilespmem:$0x1FF00] =	vst v63  }
0x69: {  	s8 =	sadd.s32 $0x4F00, s7  }
0x6a: {  	_ =	swait.ge [sflag:s31], $0x2800;
	v17 =	vmov s8  }
0x6b: {  	[sflag:s31] =	ssyncset.done $0x0  }
0x6c: {  	s8 =	simm.s32 $0x0;
	[sflag:s31] =	ssyncadd.s32 $0xFFFFD800  }
.LBB2_5:
0x6d: {  	s11 =	sshll.u32 s8, $0x4  }
0x6e: {  	s11 =	sand.u32 $0x3FFFFFF0, s11  }
0x6f: {  	v18 =	vld.idx.msk [tilespmem:v17+s11+$0x0 ss:$0x1], $0xffff;
	s11 =	sshll.u32 s8, $0xB  }
0x70: {  	s11 =	sand.u32 $0x3FFFF800, s11  }
0x71: {  	v19 =	vld [tilespmem:s11+$0x7680]  }
0x72: {  	v20 =	vld [tilespmem:s11+$0x7690]  }
0x73: {  	v21 =	vld [tilespmem:s11+$0x76A0]  }
0x74: {  	v23 =	vld [tilespmem:s11+$0x76B0];
	v22 =	vperm.xlane v18, v1  }
0x75: {  	v24 =	vld [tilespmem:s11+$0x76C0]  }
0x76: {  	v25 =	vld [tilespmem:s11+$0x76D0];
	v19 =	vmul.f32 v19, v22  }
0x77: {  	v26 =	vld [tilespmem:s11+$0x76E0];
	v20 =	vmul.f32 v20, v22  }
0x78: {  	v43 =	vld [tilespmem:s11+$0x76F0];
	[tilespmem:s11+$0x7680] =	vst v19;
	v19 =	vmul.f32 v21, v22  }
0x79: {  	v45 =	vld [tilespmem:s11+$0x7700];
	v44 =	vmul.f32 v23, v22;
	[tilespmem:s11+$0x7690] =	vst v20  }
0x7a: {  	v46 =	vld [tilespmem:s11+$0x7710];
	[tilespmem:s11+$0x76A0] =	vst v19;
	v19 =	vmul.f32 v24, v22  }
0x7b: {  	v48 =	vld [tilespmem:s11+$0x7720];
	v47 =	vmul.f32 v25, v22;
	[tilespmem:s11+$0x76B0] =	vst v44  }
0x7c: {  	v27 =	vld [tilespmem:s11+$0x7730];
	v49 =	vperm.xlane v18, v2;
	[tilespmem:s11+$0x76C0] =	vst v19;
	v19 =	vmul.f32 v26, v22  }
0x7d: {  	v51 =	vld [tilespmem:s11+$0x7740];
	v50 =	vmul.f32 v43, v22;
	[tilespmem:s11+$0x76D0] =	vst v47  }
0x7e: {  	v52 =	vld [tilespmem:s11+$0x7750];
	[tilespmem:s11+$0x76E0] =	vst v19;
	v19 =	vmul.f32 v45, v49  }
0x7f: {  	v54 =	vld [tilespmem:s11+$0x7760];
	v53 =	vmul.f32 v46, v49;
	[tilespmem:s11+$0x76F0] =	vst v50  }
0x80: {  	v55 =	vld [tilespmem:s11+$0x7770];
	[tilespmem:s11+$0x7700] =	vst v19;
	v19 =	vmul.f32 v48, v49  }
0x81: {  	v57 =	vld [tilespmem:s11+$0x7780];
	v56 =	vmul.f32 v27, v49;
	[tilespmem:s11+$0x7710] =	vst v53  }
0x82: {  	v58 =	vld [tilespmem:s11+$0x7790];
	[tilespmem:s11+$0x7720] =	vst v19;
	v19 =	vmul.f32 v51, v49  }
0x83: {  	v60 =	vld [tilespmem:s11+$0x77A0];
	v59 =	vmul.f32 v52, v49;
	[tilespmem:s11+$0x7730] =	vst v56  }
0x84: {  	v62 =	vld [tilespmem:s11+$0x77B0];
	v61 =	vperm.xlane v18, v3;
	[tilespmem:s11+$0x7740] =	vst v19;
	v19 =	vmul.f32 v54, v49  }
0x85: {  	v28 =	vld [tilespmem:s11+$0x77C0];
	v63 =	vmul.f32 v55, v49;
	[tilespmem:s11+$0x7750] =	vst v59  }
0x86: {  	v29 =	vld [tilespmem:s11+$0x77D0];
	[tilespmem:s11+$0x7760] =	vst v19;
	v19 =	vmul.f32 v57, v61  }
0x87: {  	v31 =	vld [tilespmem:s11+$0x77E0];
	v30 =	vmul.f32 v58, v61;
	[tilespmem:s11+$0x7770] =	vst v63  }
0x88: {  	v32 =	vld [tilespmem:s11+$0x77F0];
	[tilespmem:s11+$0x7780] =	vst v19;
	v19 =	vmul.f32 v60, v61  }
0x89: {  	v34 =	vld [tilespmem:s11+$0x7800];
	v33 =	vmul.f32 v62, v61;
	[tilespmem:s11+$0x7790] =	vst v30  }
0x8a: {  	v35 =	vld [tilespmem:s11+$0x7810];
	[tilespmem:s11+$0x77A0] =	vst v19;
	v19 =	vmul.f32 v28, v61  }
0x8b: {  	v37 =	vld [tilespmem:s11+$0x7820];
	v36 =	vmul.f32 v29, v61;
	[tilespmem:s11+$0x77B0] =	vst v33  }
0x8c: {  	v39 =	vld [tilespmem:s11+$0x7830];
	v38 =	vperm.xlane v18, v4;
	[tilespmem:s11+$0x77C0] =	vst v19;
	v19 =	vmul.f32 v31, v61  }
0x8d: {  	v41 =	vld [tilespmem:s11+$0x7840];
	v40 =	vmul.f32 v32, v61;
	[tilespmem:s11+$0x77D0] =	vst v36  }
0x8e: {  	v45 =	vld [tilespmem:s11+$0x7870];
	[tilespmem:s11+$0x77E0] =	vst v19;
	v19 =	vmul.f32 v34, v38  }
0x8f: {  	v43 =	vmul.f32 v35, v38;
	[tilespmem:s11+$0x77F0] =	vst v40;
	v44 =	vld [tilespmem:s11+$0x7860]  }
0x90: {  	v42 =	vld [tilespmem:s11+$0x7850];
	[tilespmem:s11+$0x7800] =	vst v19;
	v19 =	vmul.f32 v37, v38  }
0x91: {  	v46 =	vmul.f32 v39, v38;
	[tilespmem:s11+$0x7810] =	vst v43;
	v47 =	vld [tilespmem:s11+$0x7880]  }
0x92: {  	v52 =	vld [tilespmem:s11+$0x78B0];
	[tilespmem:s11+$0x7820] =	vst v19;
	v19 =	vmul.f32 v41, v38  }
0x93: {  	[tilespmem:s11+$0x7830] =	vst v46;
	v50 =	vld [tilespmem:s11+$0x78A0];
	v53 =	vmul.f32 v45, v38  }
0x94: {  	v55 =	vld [tilespmem:s11+$0x78D0];
	v51 =	vperm.xlane v18, v5;
	[tilespmem:s11+$0x7840] =	vst v19;
	v19 =	vmul.f32 v44, v38  }
0x95: {  	v49 =	vmul.f32 v42, v38;
	v54 =	vld [tilespmem:s11+$0x78C0];
	[tilespmem:s11+$0x7870] =	vst v53  }
0x96: {  	v58 =	vld [tilespmem:s11+$0x78F0];
	[tilespmem:s11+$0x7860] =	vst v19;
	v19 =	vmul.f32 v47, v51  }
0x97: {  	v59 =	vmul.f32 v52, v51;
	[tilespmem:s11+$0x7850] =	vst v49;
	v57 =	vld [tilespmem:s11+$0x78E0]  }
0x98: {  	v48 =	vld [tilespmem:s11+$0x7890];
	[tilespmem:s11+$0x7880] =	vst v19;
	v19 =	vmul.f32 v50, v51  }
0x99: {  	v62 =	vmul.f32 v55, v51;
	[tilespmem:s11+$0x78B0] =	vst v59;
	v60 =	vld [tilespmem:s11+$0x7900]  }
0x9a: {  	v40 =	vld [tilespmem:s11+$0x7990];
	[tilespmem:s11+$0x78A0] =	vst v19;
	v19 =	vmul.f32 v54, v51  }
0x9b: {  	v63 =	vld [tilespmem:s11+$0x7920];
	v32 =	vmul.f32 v58, v51;
	[tilespmem:s11+$0x78D0] =	vst v62  }
0x9c: {  	v30 =	vperm.xlane v18, v6;
	v61 =	vld [tilespmem:s11+$0x7910];
	[tilespmem:s11+$0x78C0] =	vst v19;
	v19 =	vmul.f32 v57, v51  }
0x9d: {  	v33 =	vld [tilespmem:s11+$0x7940];
	v43 =	vperm.xlane v18, v7;
	v56 =	vmul.f32 v48, v51;
	[tilespmem:s11+$0x78F0] =	vst v32  }
0x9e: {  	v53 =	vld [tilespmem:s11+$0x7A10];
	[tilespmem:s11+$0x78E0] =	vst v19;
	v19 =	vmul.f32 v60, v30  }
0x9f: {  	v36 =	vld [tilespmem:s11+$0x7960];
	v48 =	vmul.f32 v40, v43;
	[tilespmem:s11+$0x7890] =	vst v56  }
0xa0: {  	v31 =	vld [tilespmem:s11+$0x7930];
	[tilespmem:s11+$0x7900] =	vst v19;
	v19 =	vmul.f32 v63, v30  }
0xa1: {  	v39 =	vld [tilespmem:s11+$0x7980];
	[tilespmem:s11+$0x7990] =	vst v48;
	v56 =	vperm.xlane v18, v8;
	v35 =	vmul.f32 v61, v30  }
0xa2: {  	v34 =	vld [tilespmem:s11+$0x7950];
	[tilespmem:s11+$0x7920] =	vst v19;
	v19 =	vmul.f32 v33, v30  }
0xa3: {  	v42 =	vld [tilespmem:s11+$0x79A0];
	v61 =	vmul.f32 v53, v56;
	[tilespmem:s11+$0x7910] =	vst v35  }
0xa4: {  	v37 =	vld [tilespmem:s11+$0x7970];
	[tilespmem:s11+$0x7940] =	vst v19;
	v19 =	vmul.f32 v36, v30  }
0xa5: {  	v46 =	vld [tilespmem:s11+$0x79C0];
	[tilespmem:s11+$0x7A10] =	vst v61;
	v38 =	vmul.f32 v31, v30  }
0xa6: {  	v47 =	vld [tilespmem:s11+$0x79D0];
	[tilespmem:s11+$0x7960] =	vst v19;
	v19 =	vmul.f32 v39, v43  }
0xa7: {  	v49 =	vld [tilespmem:s11+$0x79E0];
	v41 =	vmul.f32 v34, v30;
	[tilespmem:s11+$0x7930] =	vst v38  }
0xa8: {  	v38 =	vld [tilespmem:s11+$0x7AD0];
	[tilespmem:s11+$0x7980] =	vst v19;
	v19 =	vmul.f32 v42, v43  }
0xa9: {  	v52 =	vld [tilespmem:s11+$0x7A00];
	[tilespmem:s11+$0x7950] =	vst v41;
	v45 =	vmul.f32 v37, v30  }
0xaa: {  	v44 =	vld [tilespmem:s11+$0x79B0];
	[tilespmem:s11+$0x79A0] =	vst v19;
	v19 =	vmul.f32 v46, v43  }
0xab: {  	v55 =	vld [tilespmem:s11+$0x7A20];
	v34 =	vperm.xlane v18, v9;
	[tilespmem:s11+$0x7970] =	vst v45;
	v54 =	vmul.f32 v47, v43  }
0xac: {  	v50 =	vld [tilespmem:s11+$0x79F0];
	[tilespmem:s11+$0x79C0] =	vst v19;
	v19 =	vmul.f32 v49, v43  }
0xad: {  	v59 =	vld [tilespmem:s11+$0x7A40];
	v45 =	vmul.f32 v38, v34;
	[tilespmem:s11+$0x79D0] =	vst v54  }
0xae: {  	v57 =	vld [tilespmem:s11+$0x7A30];
	[tilespmem:s11+$0x79E0] =	vst v19;
	v19 =	vmul.f32 v52, v56  }
0xaf: {  	v62 =	vld [tilespmem:s11+$0x7A60];
	v51 =	vmul.f32 v44, v43;
	[tilespmem:s11+$0x7AD0] =	vst v45  }
0xb0: {  	v60 =	vld [tilespmem:s11+$0x7A50];
	[tilespmem:s11+$0x7A00] =	vst v19;
	v19 =	vmul.f32 v55, v56  }
0xb1: {  	v58 =	vmul.f32 v50, v43;
	[tilespmem:s11+$0x79B0] =	vst v51;
	v30 =	vld [tilespmem:s11+$0x7A80]  }
0xb2: {  	v51 =	vld [tilespmem:s11+$0x7B50];
	[tilespmem:s11+$0x7A20] =	vst v19;
	v19 =	vmul.f32 v59, v56  }
0xb3: {  	[tilespmem:s11+$0x79F0] =	vst v58;
	v29 =	vmul.f32 v57, v56;
	v33 =	vld [tilespmem:s11+$0x7AA0]  }
0xb4: {  	v63 =	vld [tilespmem:s11+$0x7A70];
	[tilespmem:s11+$0x7A40] =	vst v19;
	v19 =	vmul.f32 v62, v56  }
0xb5: {  	v37 =	vld [tilespmem:s11+$0x7AC0];
	v47 =	vperm.xlane v18, v10;
	[tilespmem:s11+$0x7A30] =	vst v29;
	v32 =	vmul.f32 v60, v56  }
0xb6: {  	v61 =	vld [tilespmem:s11+$0x7BB0];
	[tilespmem:s11+$0x7A60] =	vst v19;
	v19 =	vmul.f32 v30, v34  }
0xb7: {  	v40 =	vld [tilespmem:s11+$0x7AE0];
	v58 =	vmul.f32 v51, v47;
	[tilespmem:s11+$0x7A50] =	vst v32  }
0xb8: {  	v31 =	vld [tilespmem:s11+$0x7A90];
	[tilespmem:s11+$0x7A80] =	vst v19;
	v19 =	vmul.f32 v33, v34  }
0xb9: {  	v60 =	vperm.xlane v18, v11;
	v36 =	vmul.f32 v63, v56;
	[tilespmem:s11+$0x7B50] =	vst v58;
	v43 =	vld [tilespmem:s11+$0x7B00]  }
0xba: {  	v57 =	vld [tilespmem:s11+$0x7B90];
	[tilespmem:s11+$0x7AA0] =	vst v19;
	v19 =	vmul.f32 v37, v34  }
0xbb: {  	v32 =	vmul.f32 v61, v60;
	[tilespmem:s11+$0x7A70] =	vst v36;
	v46 =	vld [tilespmem:s11+$0x7B20]  }
0xbc: {  	v35 =	vld [tilespmem:s11+$0x7AB0];
	[tilespmem:s11+$0x7AC0] =	vst v19;
	v19 =	vmul.f32 v40, v34  }
0xbd: {  	v50 =	vld [tilespmem:s11+$0x7B40];
	v39 =	vmul.f32 v31, v34;
	[tilespmem:s11+$0x7BB0] =	vst v32  }
0xbe: {  	v28 =	vld [tilespmem:s11+$0x7BD0];
	[tilespmem:s11+$0x7AE0] =	vst v19;
	v19 =	vmul.f32 v43, v47  }
0xbf: {  	v53 =	vld [tilespmem:s11+$0x7B60];
	v29 =	vmul.f32 v57, v60;
	[tilespmem:s11+$0x7A90] =	vst v39  }
0xc0: {  	v31 =	vld [tilespmem:s11+$0x7BF0];
	[tilespmem:s11+$0x7B00] =	vst v19;
	v19 =	vmul.f32 v46, v47  }
0xc1: {  	v42 =	vmul.f32 v35, v34;
	[tilespmem:s11+$0x7B90] =	vst v29;
	v56 =	vld [tilespmem:s11+$0x7B80]  }
0xc2: {  	v41 =	vld [tilespmem:s11+$0x7AF0];
	[tilespmem:s11+$0x7B20] =	vst v19;
	v19 =	vmul.f32 v50, v47  }
0xc3: {  	v35 =	vmul.f32 v28, v60;
	[tilespmem:s11+$0x7AB0] =	vst v42;
	v59 =	vld [tilespmem:s11+$0x7BA0]  }
0xc4: {  	v44 =	vld [tilespmem:s11+$0x7B10];
	[tilespmem:s11+$0x7B40] =	vst v19;
	v19 =	vmul.f32 v53, v47  }
0xc5: {  	v63 =	vld [tilespmem:s11+$0x7BC0];
	[tilespmem:s11+$0x7BD0] =	vst v35;
	v39 =	vmul.f32 v31, v60  }
0xc6: {  	v48 =	vld [tilespmem:s11+$0x7B30];
	[tilespmem:s11+$0x7B60] =	vst v19;
	v19 =	vmul.f32 v56, v60  }
0xc7: {  	v49 =	vmul.f32 v41, v34;
	[tilespmem:s11+$0x7BF0] =	vst v39;
	v30 =	vld [tilespmem:s11+$0x7BE0]  }
0xc8: {  	v54 =	vld [tilespmem:s11+$0x7B70];
	[tilespmem:s11+$0x7B80] =	vst v19;
	v19 =	vmul.f32 v59, v60  }
0xc9: {  	[tilespmem:s11+$0x7AF0] =	vst v49;
	v52 =	vmul.f32 v44, v47;
	v33 =	vld [tilespmem:s11+$0x7C00]  }
0xca: {  	v38 =	vld [tilespmem:s11+$0x7C30];
	[tilespmem:s11+$0x7BA0] =	vst v19;
	v19 =	vmul.f32 v63, v60  }
0xcb: {  	v36 =	vld [tilespmem:s11+$0x7C20];
	[tilespmem:s11+$0x7B10] =	vst v52;
	v55 =	vmul.f32 v48, v47  }
0xcc: {  	v41 =	vld [tilespmem:s11+$0x7C50];
	v37 =	vperm.xlane v18, v12;
	[tilespmem:s11+$0x7BC0] =	vst v19;
	v19 =	vmul.f32 v30, v60  }
0xcd: {  	[tilespmem:s11+$0x7B30] =	vst v55;
	v62 =	vmul.f32 v54, v47;
	v40 =	vld [tilespmem:s11+$0x7C40]  }
0xce: {  	v44 =	vld [tilespmem:s11+$0x7C70];
	[tilespmem:s11+$0x7BE0] =	vst v19;
	v19 =	vmul.f32 v33, v37  }
0xcf: {  	[tilespmem:s11+$0x7B70] =	vst v62;
	v45 =	vmul.f32 v38, v37;
	v43 =	vld [tilespmem:s11+$0x7C60]  }
0xd0: {  	v34 =	vld [tilespmem:s11+$0x7C10];
	[tilespmem:s11+$0x7C00] =	vst v19;
	v19 =	vmul.f32 v36, v37  }
0xd1: {  	v48 =	vmul.f32 v41, v37;
	[tilespmem:s11+$0x7C30] =	vst v45;
	v46 =	vld [tilespmem:s11+$0x7C80]  }
0xd2: {  	v51 =	vld [tilespmem:s11+$0x7CB0];
	[tilespmem:s11+$0x7C20] =	vst v19;
	v19 =	vmul.f32 v40, v37  }
0xd3: {  	v49 =	vld [tilespmem:s11+$0x7CA0];
	v52 =	vmul.f32 v44, v37;
	[tilespmem:s11+$0x7C50] =	vst v48  }
0xd4: {  	v54 =	vld [tilespmem:s11+$0x7CD0];
	v50 =	vperm.xlane v18, v13;
	[tilespmem:s11+$0x7C40] =	vst v19;
	v19 =	vmul.f32 v43, v37  }
0xd5: {  	[tilespmem:s11+$0x7C70] =	vst v52;
	v42 =	vmul.f32 v34, v37;
	v53 =	vld [tilespmem:s11+$0x7CC0]  }
0xd6: {  	v57 =	vld [tilespmem:s11+$0x7CF0];
	[tilespmem:s11+$0x7C60] =	vst v19;
	v19 =	vmul.f32 v46, v50  }
0xd7: {  	[tilespmem:s11+$0x7C10] =	vst v42;
	v58 =	vmul.f32 v51, v50;
	v56 =	vld [tilespmem:s11+$0x7CE0]  }
0xd8: {  	v47 =	vld [tilespmem:s11+$0x7C90];
	[tilespmem:s11+$0x7C80] =	vst v19;
	v19 =	vmul.f32 v49, v50  }
0xd9: {  	v61 =	vmul.f32 v54, v50;
	[tilespmem:s11+$0x7CB0] =	vst v58;
	v59 =	vld [tilespmem:s11+$0x7D00]  }
0xda: {  	v39 =	vld [tilespmem:s11+$0x7D90];
	[tilespmem:s11+$0x7CA0] =	vst v19;
	v19 =	vmul.f32 v53, v50  }
0xdb: {  	v62 =	vld [tilespmem:s11+$0x7D20];
	v31 =	vmul.f32 v57, v50;
	[tilespmem:s11+$0x7CD0] =	vst v61  }
0xdc: {  	v63 =	vperm.xlane v18, v14;
	v60 =	vld [tilespmem:s11+$0x7D10];
	[tilespmem:s11+$0x7CC0] =	vst v19;
	v19 =	vmul.f32 v56, v50  }
0xdd: {  	v32 =	vld [tilespmem:s11+$0x7D40];
	v42 =	vperm.xlane v18, v15;
	[tilespmem:s11+$0x7CF0] =	vst v31;
	v55 =	vmul.f32 v47, v50  }
0xde: {  	v33 =	vld [tilespmem:s11+$0x7D50];
	[tilespmem:s11+$0x7CE0] =	vst v19;
	v19 =	vmul.f32 v59, v63  }
0xdf: {  	v35 =	vld [tilespmem:s11+$0x7D60];
	v47 =	vmul.f32 v39, v42;
	[tilespmem:s11+$0x7C90] =	vst v55  }
0xe0: {  	v30 =	vld [tilespmem:s11+$0x7D30];
	[tilespmem:s11+$0x7D00] =	vst v19;
	v19 =	vmul.f32 v62, v63  }
0xe1: {  	v38 =	vld [tilespmem:s11+$0x7D80];
	[tilespmem:s11+$0x7D90] =	vst v47;
	v34 =	vmul.f32 v60, v63  }
0xe2: {  	v36 =	vld [tilespmem:s11+$0x7D70];
	[tilespmem:s11+$0x7D20] =	vst v19;
	v19 =	vmul.f32 v32, v63  }
0xe3: {  	v41 =	vld [tilespmem:s11+$0x7DA0];
	[tilespmem:s11+$0x7D10] =	vst v34;
	v40 =	vmul.f32 v33, v63  }
0xe4: {  	v46 =	vld [tilespmem:s11+$0x7DD0];
	[tilespmem:s11+$0x7D40] =	vst v19;
	v19 =	vmul.f32 v35, v63  }
0xe5: {  	v45 =	vld [tilespmem:s11+$0x7DC0];
	v37 =	vmul.f32 v30, v63;
	[tilespmem:s11+$0x7D50] =	vst v40  }
0xe6: {  	v43 =	vld [tilespmem:s11+$0x7DB0];
	[tilespmem:s11+$0x7D60] =	vst v19;
	v19 =	vmul.f32 v38, v42  }
0xe7: {  	v48 =	vld [tilespmem:s11+$0x7DE0];
	v44 =	vmul.f32 v36, v63;
	[tilespmem:s11+$0x7D30] =	vst v37  }
0xe8: {  	v49 =	vld [tilespmem:s11+$0x7DF0];
	[tilespmem:s11+$0x7D80] =	vst v19;
	v19 =	vmul.f32 v41, v42  }
0xe9: {  	v51 =	vld [tilespmem:s11+$0x7E00];
	[tilespmem:s11+$0x7D70] =	vst v44;
	v53 =	vmul.f32 v46, v42  }
0xea: {  	v52 =	vld [tilespmem:s11+$0x7E10];
	[tilespmem:s11+$0x7DA0] =	vst v19;
	v19 =	vmul.f32 v45, v42  }
0xeb: {  	v54 =	vld [tilespmem:s11+$0x7E20];
	v50 =	vmul.f32 v43, v42;
	[tilespmem:s11+$0x7DD0] =	vst v53  }
0xec: {  	v18 =	vperm.xlane v18, v16;
	v55 =	vld [tilespmem:s11+$0x7E30];
	[tilespmem:s11+$0x7DC0] =	vst v19;
	v19 =	vmul.f32 v48, v42  }
0xed: {  	v57 =	vld [tilespmem:s11+$0x7E40];
	v56 =	vmul.f32 v49, v42;
	[tilespmem:s11+$0x7DB0] =	vst v50  }
0xee: {  	v58 =	vld [tilespmem:s11+$0x7E50];
	[tilespmem:s11+$0x7DE0] =	vst v19;
	v19 =	vmul.f32 v51, v18  }
0xef: {  	v60 =	vld [tilespmem:s11+$0x7E60];
	v59 =	vmul.f32 v52, v18;
	[tilespmem:s11+$0x7DF0] =	vst v56  }
0xf0: {  	v61 =	vld [tilespmem:s11+$0x7E70];
	[tilespmem:s11+$0x7E00] =	vst v19;
	v19 =	vmul.f32 v54, v18  }
0xf1: {  	[tilespmem:s11+$0x7E10] =	vst v59;
	v62 =	vmul.f32 v55, v18  }
0xf2: {  	p1 =	sne.s32 s8, $0x4;
	[tilespmem:s11+$0x7E20] =	vst v19;
	v19 =	vmul.f32 v57, v18  }
.Ltmp1:
0xf3: {  	[tilespmem:s11+$0x7E30] =	vst v62;
	v63 =	vmul.f32 v58, v18;
	(pc) =	sbr.rel @p1 .LBB2_5-.Ltmp1, $4  }
0xf4: {  	[tilespmem:s11+$0x7E40] =	vst v19;
	v19 =	vmul.f32 v60, v18  }
0xf5: {  	[tilespmem:s11+$0x7E50] =	vst v63;
	v18 =	vmul.f32 v61, v18  }
0xf6: {  	[tilespmem:s11+$0x7E60] =	vst v19  }
0xf7: {  	s8 =	sadd.s32 $0x1, s8;
	[tilespmem:s11+$0x7E70] =	vst v18  }
0xf8: {  	s8 =	sadd.s32 $0x2780, s7  }
0xf9: {  	[spmem:s3] =	stream.indirect.scatter.add.f32 [tilespmem:s25], [sflag:$0x3], $0x80, s8, s0, $0xb8;
	[tilespmem:$0x1FF00] =	vst v63  }
0xfa: {  	_ =	swait.ge [sflag:s26], $0x2800  }
0xfb: {  	[sflag:s26] =	ssyncset.done $0x0  }
0xfc: {  	s11 =	sadd.s32 $0x4F00, s6;
	s8 =	sadd.s32 $0xA0, s7;
	[sflag:s26] =	ssyncadd.s32 $0xFFFFD800  }
0xfd: {  	[tilespmem:s25], [sflag:$0x1] =	stream.indirect.gather [hbm4b:s1+s0], $0x80, s8, s0, $0xb8;
	[tilespmem:$0x1FF00] =	vst v63  }
0xfe: {  	v17 =	vmov s11;
	_ =	swait.ge [sflag:s2], $0x2800  }
0xff: {  	[sflag:s2] =	ssyncset.done $0x0  }
0x100: {  	s7 =	simm.s32 $0x0;
	[sflag:s2] =	ssyncadd.s32 $0xFFFFD800  }
.LBB2_7:
0x101: {  	s8 =	sshll.u32 s7, $0x4  }
0x102: {  	s8 =	sand.u32 $0x3FFFFFF0, s8  }
0x103: {  	s11 =	sshll.u32 s7, $0xB;
	v18 =	vld.idx.msk [tilespmem:v17+s8+$0x0 ss:$0x1], $0xffff  }
0x104: {  	s8 =	sand.u32 $0x3FFFF800, s11  }
0x105: {  	v19 =	vld [tilespmem:s8+$0x9E80]  }
0x106: {  	v20 =	vld [tilespmem:s8+$0x9E90]  }
0x107: {  	v21 =	vld [tilespmem:s8+$0x9EA0]  }
0x108: {  	v23 =	vld [tilespmem:s8+$0x9EB0];
	v22 =	vperm.xlane v18, v1  }
0x109: {  	v24 =	vld [tilespmem:s8+$0x9EC0]  }
0x10a: {  	v25 =	vld [tilespmem:s8+$0x9ED0];
	v19 =	vmul.f32 v19, v22  }
0x10b: {  	v26 =	vld [tilespmem:s8+$0x9EE0];
	v20 =	vmul.f32 v20, v22  }
0x10c: {  	v43 =	vld [tilespmem:s8+$0x9EF0];
	[tilespmem:s8+$0x9E80] =	vst v19;
	v19 =	vmul.f32 v21, v22  }
0x10d: {  	v45 =	vld [tilespmem:s8+$0x9F00];
	v44 =	vmul.f32 v23, v22;
	[tilespmem:s8+$0x9E90] =	vst v20  }
0x10e: {  	v46 =	vld [tilespmem:s8+$0x9F10];
	[tilespmem:s8+$0x9EA0] =	vst v19;
	v19 =	vmul.f32 v24, v22  }
0x10f: {  	v48 =	vld [tilespmem:s8+$0x9F20];
	v47 =	vmul.f32 v25, v22;
	[tilespmem:s8+$0x9EB0] =	vst v44  }
0x110: {  	v27 =	vld [tilespmem:s8+$0x9F30];
	v49 =	vperm.xlane v18, v2;
	[tilespmem:s8+$0x9EC0] =	vst v19;
	v19 =	vmul.f32 v26, v22  }
0x111: {  	v51 =	vld [tilespmem:s8+$0x9F40];
	v50 =	vmul.f32 v43, v22;
	[tilespmem:s8+$0x9ED0] =	vst v47  }
0x112: {  	v52 =	vld [tilespmem:s8+$0x9F50];
	[tilespmem:s8+$0x9EE0] =	vst v19;
	v19 =	vmul.f32 v45, v49  }
0x113: {  	v54 =	vld [tilespmem:s8+$0x9F60];
	v53 =	vmul.f32 v46, v49;
	[tilespmem:s8+$0x9EF0] =	vst v50  }
0x114: {  	v55 =	vld [tilespmem:s8+$0x9F70];
	[tilespmem:s8+$0x9F00] =	vst v19;
	v19 =	vmul.f32 v48, v49  }
0x115: {  	v57 =	vld [tilespmem:s8+$0x9F80];
	v56 =	vmul.f32 v27, v49;
	[tilespmem:s8+$0x9F10] =	vst v53  }
0x116: {  	v58 =	vld [tilespmem:s8+$0x9F90];
	[tilespmem:s8+$0x9F20] =	vst v19;
	v19 =	vmul.f32 v51, v49  }
0x117: {  	v60 =	vld [tilespmem:s8+$0x9FA0];
	v59 =	vmul.f32 v52, v49;
	[tilespmem:s8+$0x9F30] =	vst v56  }
0x118: {  	v62 =	vld [tilespmem:s8+$0x9FB0];
	v61 =	vperm.xlane v18, v3;
	[tilespmem:s8+$0x9F40] =	vst v19;
	v19 =	vmul.f32 v54, v49  }
0x119: {  	v28 =	vld [tilespmem:s8+$0x9FC0];
	v63 =	vmul.f32 v55, v49;
	[tilespmem:s8+$0x9F50] =	vst v59  }
0x11a: {  	v29 =	vld [tilespmem:s8+$0x9FD0];
	[tilespmem:s8+$0x9F60] =	vst v19;
	v19 =	vmul.f32 v57, v61  }
0x11b: {  	v31 =	vld [tilespmem:s8+$0x9FE0];
	v30 =	vmul.f32 v58, v61;
	[tilespmem:s8+$0x9F70] =	vst v63  }
0x11c: {  	v32 =	vld [tilespmem:s8+$0x9FF0];
	[tilespmem:s8+$0x9F80] =	vst v19;
	v19 =	vmul.f32 v60, v61  }
0x11d: {  	v34 =	vld [tilespmem:s8+$0xA000];
	v33 =	vmul.f32 v62, v61;
	[tilespmem:s8+$0x9F90] =	vst v30  }
0x11e: {  	v35 =	vld [tilespmem:s8+$0xA010];
	[tilespmem:s8+$0x9FA0] =	vst v19;
	v19 =	vmul.f32 v28, v61  }
0x11f: {  	v37 =	vld [tilespmem:s8+$0xA020];
	v36 =	vmul.f32 v29, v61;
	[tilespmem:s8+$0x9FB0] =	vst v33  }
0x120: {  	v39 =	vld [tilespmem:s8+$0xA030];
	v38 =	vperm.xlane v18, v4;
	[tilespmem:s8+$0x9FC0] =	vst v19;
	v19 =	vmul.f32 v31, v61  }
0x121: {  	v41 =	vld [tilespmem:s8+$0xA040];
	v40 =	vmul.f32 v32, v61;
	[tilespmem:s8+$0x9FD0] =	vst v36  }
0x122: {  	v45 =	vld [tilespmem:s8+$0xA070];
	[tilespmem:s8+$0x9FE0] =	vst v19;
	v19 =	vmul.f32 v34, v38  }
0x123: {  	v43 =	vmul.f32 v35, v38;
	[tilespmem:s8+$0x9FF0] =	vst v40;
	v44 =	vld [tilespmem:s8+$0xA060]  }
0x124: {  	v42 =	vld [tilespmem:s8+$0xA050];
	[tilespmem:s8+$0xA000] =	vst v19;
	v19 =	vmul.f32 v37, v38  }
0x125: {  	v46 =	vmul.f32 v39, v38;
	[tilespmem:s8+$0xA010] =	vst v43;
	v47 =	vld [tilespmem:s8+$0xA080]  }
0x126: {  	v52 =	vld [tilespmem:s8+$0xA0B0];
	[tilespmem:s8+$0xA020] =	vst v19;
	v19 =	vmul.f32 v41, v38  }
0x127: {  	[tilespmem:s8+$0xA030] =	vst v46;
	v50 =	vld [tilespmem:s8+$0xA0A0];
	v53 =	vmul.f32 v45, v38  }
0x128: {  	v55 =	vld [tilespmem:s8+$0xA0D0];
	v51 =	vperm.xlane v18, v5;
	[tilespmem:s8+$0xA040] =	vst v19;
	v19 =	vmul.f32 v44, v38  }
0x129: {  	v49 =	vmul.f32 v42, v38;
	v54 =	vld [tilespmem:s8+$0xA0C0];
	[tilespmem:s8+$0xA070] =	vst v53  }
0x12a: {  	v58 =	vld [tilespmem:s8+$0xA0F0];
	[tilespmem:s8+$0xA060] =	vst v19;
	v19 =	vmul.f32 v47, v51  }
0x12b: {  	v59 =	vmul.f32 v52, v51;
	[tilespmem:s8+$0xA050] =	vst v49;
	v57 =	vld [tilespmem:s8+$0xA0E0]  }
0x12c: {  	v48 =	vld [tilespmem:s8+$0xA090];
	[tilespmem:s8+$0xA080] =	vst v19;
	v19 =	vmul.f32 v50, v51  }
0x12d: {  	v62 =	vmul.f32 v55, v51;
	[tilespmem:s8+$0xA0B0] =	vst v59;
	v60 =	vld [tilespmem:s8+$0xA100]  }
0x12e: {  	v40 =	vld [tilespmem:s8+$0xA190];
	[tilespmem:s8+$0xA0A0] =	vst v19;
	v19 =	vmul.f32 v54, v51  }
0x12f: {  	v63 =	vld [tilespmem:s8+$0xA120];
	v32 =	vmul.f32 v58, v51;
	[tilespmem:s8+$0xA0D0] =	vst v62  }
0x130: {  	v30 =	vperm.xlane v18, v6;
	v61 =	vld [tilespmem:s8+$0xA110];
	[tilespmem:s8+$0xA0C0] =	vst v19;
	v19 =	vmul.f32 v57, v51  }
0x131: {  	v33 =	vld [tilespmem:s8+$0xA140];
	v43 =	vperm.xlane v18, v7;
	v56 =	vmul.f32 v48, v51;
	[tilespmem:s8+$0xA0F0] =	vst v32  }
0x132: {  	v53 =	vld [tilespmem:s8+$0xA210];
	[tilespmem:s8+$0xA0E0] =	vst v19;
	v19 =	vmul.f32 v60, v30  }
0x133: {  	v36 =	vld [tilespmem:s8+$0xA160];
	v48 =	vmul.f32 v40, v43;
	[tilespmem:s8+$0xA090] =	vst v56  }
0x134: {  	v31 =	vld [tilespmem:s8+$0xA130];
	[tilespmem:s8+$0xA100] =	vst v19;
	v19 =	vmul.f32 v63, v30  }
0x135: {  	v39 =	vld [tilespmem:s8+$0xA180];
	[tilespmem:s8+$0xA190] =	vst v48;
	v56 =	vperm.xlane v18, v8;
	v35 =	vmul.f32 v61, v30  }
0x136: {  	v34 =	vld [tilespmem:s8+$0xA150];
	[tilespmem:s8+$0xA120] =	vst v19;
	v19 =	vmul.f32 v33, v30  }
0x137: {  	v42 =	vld [tilespmem:s8+$0xA1A0];
	v61 =	vmul.f32 v53, v56;
	[tilespmem:s8+$0xA110] =	vst v35  }
0x138: {  	v37 =	vld [tilespmem:s8+$0xA170];
	[tilespmem:s8+$0xA140] =	vst v19;
	v19 =	vmul.f32 v36, v30  }
0x139: {  	v46 =	vld [tilespmem:s8+$0xA1C0];
	[tilespmem:s8+$0xA210] =	vst v61;
	v38 =	vmul.f32 v31, v30  }
0x13a: {  	v47 =	vld [tilespmem:s8+$0xA1D0];
	[tilespmem:s8+$0xA160] =	vst v19;
	v19 =	vmul.f32 v39, v43  }
0x13b: {  	v49 =	vld [tilespmem:s8+$0xA1E0];
	v41 =	vmul.f32 v34, v30;
	[tilespmem:s8+$0xA130] =	vst v38  }
0x13c: {  	v38 =	vld [tilespmem:s8+$0xA2D0];
	[tilespmem:s8+$0xA180] =	vst v19;
	v19 =	vmul.f32 v42, v43  }
0x13d: {  	v52 =	vld [tilespmem:s8+$0xA200];
	[tilespmem:s8+$0xA150] =	vst v41;
	v45 =	vmul.f32 v37, v30  }
0x13e: {  	v44 =	vld [tilespmem:s8+$0xA1B0];
	[tilespmem:s8+$0xA1A0] =	vst v19;
	v19 =	vmul.f32 v46, v43  }
0x13f: {  	v55 =	vld [tilespmem:s8+$0xA220];
	v34 =	vperm.xlane v18, v9;
	[tilespmem:s8+$0xA170] =	vst v45;
	v54 =	vmul.f32 v47, v43  }
0x140: {  	v50 =	vld [tilespmem:s8+$0xA1F0];
	[tilespmem:s8+$0xA1C0] =	vst v19;
	v19 =	vmul.f32 v49, v43  }
0x141: {  	v59 =	vld [tilespmem:s8+$0xA240];
	v45 =	vmul.f32 v38, v34;
	[tilespmem:s8+$0xA1D0] =	vst v54  }
0x142: {  	v57 =	vld [tilespmem:s8+$0xA230];
	[tilespmem:s8+$0xA1E0] =	vst v19;
	v19 =	vmul.f32 v52, v56  }
0x143: {  	v62 =	vld [tilespmem:s8+$0xA260];
	v51 =	vmul.f32 v44, v43;
	[tilespmem:s8+$0xA2D0] =	vst v45  }
0x144: {  	v60 =	vld [tilespmem:s8+$0xA250];
	[tilespmem:s8+$0xA200] =	vst v19;
	v19 =	vmul.f32 v55, v56  }
0x145: {  	v58 =	vmul.f32 v50, v43;
	[tilespmem:s8+$0xA1B0] =	vst v51;
	v30 =	vld [tilespmem:s8+$0xA280]  }
0x146: {  	v51 =	vld [tilespmem:s8+$0xA350];
	[tilespmem:s8+$0xA220] =	vst v19;
	v19 =	vmul.f32 v59, v56  }
0x147: {  	[tilespmem:s8+$0xA1F0] =	vst v58;
	v29 =	vmul.f32 v57, v56;
	v33 =	vld [tilespmem:s8+$0xA2A0]  }
0x148: {  	v63 =	vld [tilespmem:s8+$0xA270];
	[tilespmem:s8+$0xA240] =	vst v19;
	v19 =	vmul.f32 v62, v56  }
0x149: {  	v37 =	vld [tilespmem:s8+$0xA2C0];
	v47 =	vperm.xlane v18, v10;
	[tilespmem:s8+$0xA230] =	vst v29;
	v32 =	vmul.f32 v60, v56  }
0x14a: {  	v61 =	vld [tilespmem:s8+$0xA3B0];
	[tilespmem:s8+$0xA260] =	vst v19;
	v19 =	vmul.f32 v30, v34  }
0x14b: {  	v40 =	vld [tilespmem:s8+$0xA2E0];
	v58 =	vmul.f32 v51, v47;
	[tilespmem:s8+$0xA250] =	vst v32  }
0x14c: {  	v31 =	vld [tilespmem:s8+$0xA290];
	[tilespmem:s8+$0xA280] =	vst v19;
	v19 =	vmul.f32 v33, v34  }
0x14d: {  	v60 =	vperm.xlane v18, v11;
	v36 =	vmul.f32 v63, v56;
	[tilespmem:s8+$0xA350] =	vst v58;
	v43 =	vld [tilespmem:s8+$0xA300]  }
0x14e: {  	v57 =	vld [tilespmem:s8+$0xA390];
	[tilespmem:s8+$0xA2A0] =	vst v19;
	v19 =	vmul.f32 v37, v34  }
0x14f: {  	v32 =	vmul.f32 v61, v60;
	[tilespmem:s8+$0xA270] =	vst v36;
	v46 =	vld [tilespmem:s8+$0xA320]  }
0x150: {  	v35 =	vld [tilespmem:s8+$0xA2B0];
	[tilespmem:s8+$0xA2C0] =	vst v19;
	v19 =	vmul.f32 v40, v34  }
0x151: {  	v50 =	vld [tilespmem:s8+$0xA340];
	v39 =	vmul.f32 v31, v34;
	[tilespmem:s8+$0xA3B0] =	vst v32  }
0x152: {  	v28 =	vld [tilespmem:s8+$0xA3D0];
	[tilespmem:s8+$0xA2E0] =	vst v19;
	v19 =	vmul.f32 v43, v47  }
0x153: {  	v53 =	vld [tilespmem:s8+$0xA360];
	v29 =	vmul.f32 v57, v60;
	[tilespmem:s8+$0xA290] =	vst v39  }
0x154: {  	v31 =	vld [tilespmem:s8+$0xA3F0];
	[tilespmem:s8+$0xA300] =	vst v19;
	v19 =	vmul.f32 v46, v47  }
0x155: {  	v42 =	vmul.f32 v35, v34;
	[tilespmem:s8+$0xA390] =	vst v29;
	v56 =	vld [tilespmem:s8+$0xA380]  }
0x156: {  	v41 =	vld [tilespmem:s8+$0xA2F0];
	[tilespmem:s8+$0xA320] =	vst v19;
	v19 =	vmul.f32 v50, v47  }
0x157: {  	v35 =	vmul.f32 v28, v60;
	[tilespmem:s8+$0xA2B0] =	vst v42;
	v59 =	vld [tilespmem:s8+$0xA3A0]  }
0x158: {  	v44 =	vld [tilespmem:s8+$0xA310];
	[tilespmem:s8+$0xA340] =	vst v19;
	v19 =	vmul.f32 v53, v47  }
0x159: {  	v63 =	vld [tilespmem:s8+$0xA3C0];
	[tilespmem:s8+$0xA3D0] =	vst v35;
	v39 =	vmul.f32 v31, v60  }
0x15a: {  	v48 =	vld [tilespmem:s8+$0xA330];
	[tilespmem:s8+$0xA360] =	vst v19;
	v19 =	vmul.f32 v56, v60  }
0x15b: {  	v49 =	vmul.f32 v41, v34;
	[tilespmem:s8+$0xA3F0] =	vst v39;
	v30 =	vld [tilespmem:s8+$0xA3E0]  }
0x15c: {  	v54 =	vld [tilespmem:s8+$0xA370];
	[tilespmem:s8+$0xA380] =	vst v19;
	v19 =	vmul.f32 v59, v60  }
0x15d: {  	[tilespmem:s8+$0xA2F0] =	vst v49;
	v52 =	vmul.f32 v44, v47;
	v33 =	vld [tilespmem:s8+$0xA400]  }
0x15e: {  	v38 =	vld [tilespmem:s8+$0xA430];
	[tilespmem:s8+$0xA3A0] =	vst v19;
	v19 =	vmul.f32 v63, v60  }
0x15f: {  	v36 =	vld [tilespmem:s8+$0xA420];
	[tilespmem:s8+$0xA310] =	vst v52;
	v55 =	vmul.f32 v48, v47  }
0x160: {  	v41 =	vld [tilespmem:s8+$0xA450];
	v37 =	vperm.xlane v18, v12;
	[tilespmem:s8+$0xA3C0] =	vst v19;
	v19 =	vmul.f32 v30, v60  }
0x161: {  	[tilespmem:s8+$0xA330] =	vst v55;
	v62 =	vmul.f32 v54, v47;
	v40 =	vld [tilespmem:s8+$0xA440]  }
0x162: {  	v44 =	vld [tilespmem:s8+$0xA470];
	[tilespmem:s8+$0xA3E0] =	vst v19;
	v19 =	vmul.f32 v33, v37  }
0x163: {  	[tilespmem:s8+$0xA370] =	vst v62;
	v45 =	vmul.f32 v38, v37;
	v43 =	vld [tilespmem:s8+$0xA460]  }
0x164: {  	v34 =	vld [tilespmem:s8+$0xA410];
	[tilespmem:s8+$0xA400] =	vst v19;
	v19 =	vmul.f32 v36, v37  }
0x165: {  	v48 =	vmul.f32 v41, v37;
	[tilespmem:s8+$0xA430] =	vst v45;
	v46 =	vld [tilespmem:s8+$0xA480]  }
0x166: {  	v51 =	vld [tilespmem:s8+$0xA4B0];
	[tilespmem:s8+$0xA420] =	vst v19;
	v19 =	vmul.f32 v40, v37  }
0x167: {  	v49 =	vld [tilespmem:s8+$0xA4A0];
	v52 =	vmul.f32 v44, v37;
	[tilespmem:s8+$0xA450] =	vst v48  }
0x168: {  	v54 =	vld [tilespmem:s8+$0xA4D0];
	v50 =	vperm.xlane v18, v13;
	[tilespmem:s8+$0xA440] =	vst v19;
	v19 =	vmul.f32 v43, v37  }
0x169: {  	[tilespmem:s8+$0xA470] =	vst v52;
	v42 =	vmul.f32 v34, v37;
	v53 =	vld [tilespmem:s8+$0xA4C0]  }
0x16a: {  	v57 =	vld [tilespmem:s8+$0xA4F0];
	[tilespmem:s8+$0xA460] =	vst v19;
	v19 =	vmul.f32 v46, v50  }
0x16b: {  	[tilespmem:s8+$0xA410] =	vst v42;
	v58 =	vmul.f32 v51, v50;
	v56 =	vld [tilespmem:s8+$0xA4E0]  }
0x16c: {  	v47 =	vld [tilespmem:s8+$0xA490];
	[tilespmem:s8+$0xA480] =	vst v19;
	v19 =	vmul.f32 v49, v50  }
0x16d: {  	v61 =	vmul.f32 v54, v50;
	[tilespmem:s8+$0xA4B0] =	vst v58;
	v59 =	vld [tilespmem:s8+$0xA500]  }
0x16e: {  	v39 =	vld [tilespmem:s8+$0xA590];
	[tilespmem:s8+$0xA4A0] =	vst v19;
	v19 =	vmul.f32 v53, v50  }
0x16f: {  	v62 =	vld [tilespmem:s8+$0xA520];
	v31 =	vmul.f32 v57, v50;
	[tilespmem:s8+$0xA4D0] =	vst v61  }
0x170: {  	v63 =	vperm.xlane v18, v14;
	v60 =	vld [tilespmem:s8+$0xA510];
	[tilespmem:s8+$0xA4C0] =	vst v19;
	v19 =	vmul.f32 v56, v50  }
0x171: {  	v32 =	vld [tilespmem:s8+$0xA540];
	v42 =	vperm.xlane v18, v15;
	[tilespmem:s8+$0xA4F0] =	vst v31;
	v55 =	vmul.f32 v47, v50  }
0x172: {  	v33 =	vld [tilespmem:s8+$0xA550];
	[tilespmem:s8+$0xA4E0] =	vst v19;
	v19 =	vmul.f32 v59, v63  }
0x173: {  	v35 =	vld [tilespmem:s8+$0xA560];
	v47 =	vmul.f32 v39, v42;
	[tilespmem:s8+$0xA490] =	vst v55  }
0x174: {  	v30 =	vld [tilespmem:s8+$0xA530];
	[tilespmem:s8+$0xA500] =	vst v19;
	v19 =	vmul.f32 v62, v63  }
0x175: {  	v38 =	vld [tilespmem:s8+$0xA580];
	[tilespmem:s8+$0xA590] =	vst v47;
	v34 =	vmul.f32 v60, v63  }
0x176: {  	v36 =	vld [tilespmem:s8+$0xA570];
	[tilespmem:s8+$0xA520] =	vst v19;
	v19 =	vmul.f32 v32, v63  }
0x177: {  	v41 =	vld [tilespmem:s8+$0xA5A0];
	[tilespmem:s8+$0xA510] =	vst v34;
	v40 =	vmul.f32 v33, v63  }
0x178: {  	v46 =	vld [tilespmem:s8+$0xA5D0];
	[tilespmem:s8+$0xA540] =	vst v19;
	v19 =	vmul.f32 v35, v63  }
0x179: {  	v45 =	vld [tilespmem:s8+$0xA5C0];
	v37 =	vmul.f32 v30, v63;
	[tilespmem:s8+$0xA550] =	vst v40  }
0x17a: {  	v43 =	vld [tilespmem:s8+$0xA5B0];
	[tilespmem:s8+$0xA560] =	vst v19;
	v19 =	vmul.f32 v38, v42  }
0x17b: {  	v48 =	vld [tilespmem:s8+$0xA5E0];
	v44 =	vmul.f32 v36, v63;
	[tilespmem:s8+$0xA530] =	vst v37  }
0x17c: {  	v49 =	vld [tilespmem:s8+$0xA5F0];
	[tilespmem:s8+$0xA580] =	vst v19;
	v19 =	vmul.f32 v41, v42  }
0x17d: {  	v51 =	vld [tilespmem:s8+$0xA600];
	[tilespmem:s8+$0xA570] =	vst v44;
	v53 =	vmul.f32 v46, v42  }
0x17e: {  	v52 =	vld [tilespmem:s8+$0xA610];
	[tilespmem:s8+$0xA5A0] =	vst v19;
	v19 =	vmul.f32 v45, v42  }
0x17f: {  	v54 =	vld [tilespmem:s8+$0xA620];
	v50 =	vmul.f32 v43, v42;
	[tilespmem:s8+$0xA5D0] =	vst v53  }
0x180: {  	v18 =	vperm.xlane v18, v16;
	v55 =	vld [tilespmem:s8+$0xA630];
	[tilespmem:s8+$0xA5C0] =	vst v19;
	v19 =	vmul.f32 v48, v42  }
0x181: {  	v57 =	vld [tilespmem:s8+$0xA640];
	v56 =	vmul.f32 v49, v42;
	[tilespmem:s8+$0xA5B0] =	vst v50  }
0x182: {  	v58 =	vld [tilespmem:s8+$0xA650];
	[tilespmem:s8+$0xA5E0] =	vst v19;
	v19 =	vmul.f32 v51, v18  }
0x183: {  	v60 =	vld [tilespmem:s8+$0xA660];
	v59 =	vmul.f32 v52, v18;
	[tilespmem:s8+$0xA5F0] =	vst v56  }
0x184: {  	v61 =	vld [tilespmem:s8+$0xA670];
	[tilespmem:s8+$0xA600] =	vst v19;
	v19 =	vmul.f32 v54, v18  }
0x185: {  	[tilespmem:s8+$0xA610] =	vst v59;
	v62 =	vmul.f32 v55, v18  }
0x186: {  	p1 =	sne.s32 s7, $0x4;
	[tilespmem:s8+$0xA620] =	vst v19;
	v19 =	vmul.f32 v57, v18  }
.Ltmp2:
0x187: {  	[tilespmem:s8+$0xA630] =	vst v62;
	v63 =	vmul.f32 v58, v18;
	(pc) =	sbr.rel @p1 .LBB2_7-.Ltmp2, $4  }
0x188: {  	[tilespmem:s8+$0xA640] =	vst v19;
	v19 =	vmul.f32 v60, v18  }
0x189: {  	[tilespmem:s8+$0xA650] =	vst v63;
	v18 =	vmul.f32 v61, v18  }
0x18a: {  	[tilespmem:s8+$0xA660] =	vst v19  }
0x18b: {  	s7 =	sadd.s32 $0x1, s7;
	[tilespmem:s8+$0xA670] =	vst v18  }
0x18c: {  	s5 =	sadd.s32 $0x1, s5  }
0x18d: {  	p1 =	sne.s32 s5, $0x3E  }
.Ltmp3:
0x18e: {  	s6 =	sadd.s32 $0x2780, s6;
	(pc) =	sbr.rel @p1 .LBB2_4-.Ltmp3, $4  }
0x18f: {  	[spmem:s3] =	stream.indirect.scatter.add.f32 [tilespmem:s30], [sflag:$0x3], $0x80, s6, s0, $0xb8;
	[tilespmem:$0x1FF00] =	vst v63  }
0x190: {  	_ =	swait.ge [sflag:s26], $0x2800  }
0x191: {  	[sflag:s26] =	ssyncset.done $0x0  }
0x192: {  	[sflag:s26] =	ssyncadd.s32 $0xFFFFD800  }
0x193: {  	_ =	swait.ge [sflag:s31], $0x2800  }
0x194: {  	[sflag:s31] =	ssyncset.done $0x0  }
0x195: {  	s5 =	simm.s32 $0x0;
	[sflag:s31] =	ssyncadd.s32 $0xFFFFD800  }
.LBB2_10:
0x196: {  	s6 =	sshll.u32 s5, $0x4  }
0x197: {  	s6 =	sand.u32 $0x3FFFFFF0, s6  }
0x198: {  	s11 =	sshll.u32 s5, $0xB;
	v17 =	vld [tilespmem:s6+$0x75C0]  }
0x199: {  	s6 =	sand.u32 $0x3FFFF800, s11  }
0x19a: {  	v18 =	vld [tilespmem:s6+$0x7680]  }
0x19b: {  	v19 =	vld [tilespmem:s6+$0x7690]  }
0x19c: {  	v20 =	vld [tilespmem:s6+$0x76A0]  }
0x19d: {  	v22 =	vld [tilespmem:s6+$0x76B0];
	v21 =	vperm.xlane v17, v1  }
0x19e: {  	v23 =	vld [tilespmem:s6+$0x76C0]  }
0x19f: {  	v24 =	vld [tilespmem:s6+$0x76D0];
	v18 =	vmul.f32 v18, v21  }
0x1a0: {  	v25 =	vld [tilespmem:s6+$0x76E0];
	v19 =	vmul.f32 v19, v21  }
0x1a1: {  	v38 =	vld [tilespmem:s6+$0x76F0];
	[tilespmem:s6+$0x7680] =	vst v18;
	v18 =	vmul.f32 v20, v21  }
0x1a2: {  	v39 =	vld [tilespmem:s6+$0x7700];
	[tilespmem:s6+$0x7690] =	vst v19;
	v19 =	vmul.f32 v22, v21  }
0x1a3: {  	v40 =	vld [tilespmem:s6+$0x7710];
	[tilespmem:s6+$0x76A0] =	vst v18;
	v18 =	vmul.f32 v23, v21  }
0x1a4: {  	v41 =	vld [tilespmem:s6+$0x7720];
	[tilespmem:s6+$0x76B0] =	vst v19;
	v19 =	vmul.f32 v24, v21  }
0x1a5: {  	v26 =	vld [tilespmem:s6+$0x7730];
	v42 =	vperm.xlane v17, v2;
	[tilespmem:s6+$0x76C0] =	vst v18;
	v18 =	vmul.f32 v25, v21  }
0x1a6: {  	v43 =	vld [tilespmem:s6+$0x7740];
	[tilespmem:s6+$0x76D0] =	vst v19;
	v19 =	vmul.f32 v38, v21  }
0x1a7: {  	v44 =	vld [tilespmem:s6+$0x7750];
	[tilespmem:s6+$0x76E0] =	vst v18;
	v18 =	vmul.f32 v39, v42  }
0x1a8: {  	v45 =	vld [tilespmem:s6+$0x7760];
	[tilespmem:s6+$0x76F0] =	vst v19;
	v19 =	vmul.f32 v40, v42  }
0x1a9: {  	v46 =	vld [tilespmem:s6+$0x7770];
	[tilespmem:s6+$0x7700] =	vst v18;
	v18 =	vmul.f32 v41, v42  }
0x1aa: {  	v47 =	vld [tilespmem:s6+$0x7780];
	[tilespmem:s6+$0x7710] =	vst v19;
	v19 =	vmul.f32 v26, v42  }
0x1ab: {  	v48 =	vld [tilespmem:s6+$0x7790];
	[tilespmem:s6+$0x7720] =	vst v18;
	v18 =	vmul.f32 v43, v42  }
0x1ac: {  	v49 =	vld [tilespmem:s6+$0x77A0];
	[tilespmem:s6+$0x7730] =	vst v19;
	v19 =	vmul.f32 v44, v42  }
0x1ad: {  	v51 =	vld [tilespmem:s6+$0x77B0];
	v50 =	vperm.xlane v17, v3;
	[tilespmem:s6+$0x7740] =	vst v18;
	v18 =	vmul.f32 v45, v42  }
0x1ae: {  	v52 =	vld [tilespmem:s6+$0x77C0];
	[tilespmem:s6+$0x7750] =	vst v19;
	v19 =	vmul.f32 v46, v42  }
0x1af: {  	v53 =	vld [tilespmem:s6+$0x77D0];
	[tilespmem:s6+$0x7760] =	vst v18;
	v18 =	vmul.f32 v47, v50  }
0x1b0: {  	v54 =	vld [tilespmem:s6+$0x77E0];
	[tilespmem:s6+$0x7770] =	vst v19;
	v19 =	vmul.f32 v48, v50  }
0x1b1: {  	v55 =	vld [tilespmem:s6+$0x77F0];
	[tilespmem:s6+$0x7780] =	vst v18;
	v18 =	vmul.f32 v49, v50  }
0x1b2: {  	v56 =	vld [tilespmem:s6+$0x7800];
	[tilespmem:s6+$0x7790] =	vst v19;
	v19 =	vmul.f32 v51, v50  }
0x1b3: {  	v57 =	vld [tilespmem:s6+$0x7810];
	[tilespmem:s6+$0x77A0] =	vst v18;
	v18 =	vmul.f32 v52, v50  }
0x1b4: {  	v58 =	vld [tilespmem:s6+$0x7820];
	[tilespmem:s6+$0x77B0] =	vst v19;
	v19 =	vmul.f32 v53, v50  }
0x1b5: {  	v60 =	vld [tilespmem:s6+$0x7830];
	v59 =	vperm.xlane v17, v4;
	[tilespmem:s6+$0x77C0] =	vst v18;
	v18 =	vmul.f32 v54, v50  }
0x1b6: {  	v61 =	vld [tilespmem:s6+$0x7840];
	[tilespmem:s6+$0x77D0] =	vst v19;
	v19 =	vmul.f32 v55, v50  }
0x1b7: {  	v62 =	vld [tilespmem:s6+$0x7850];
	[tilespmem:s6+$0x77E0] =	vst v18;
	v18 =	vmul.f32 v56, v59  }
0x1b8: {  	v63 =	vld [tilespmem:s6+$0x7860];
	[tilespmem:s6+$0x77F0] =	vst v19;
	v19 =	vmul.f32 v57, v59  }
0x1b9: {  	v28 =	vld [tilespmem:s6+$0x7870];
	[tilespmem:s6+$0x7800] =	vst v18;
	v18 =	vmul.f32 v58, v59  }
0x1ba: {  	v29 =	vld [tilespmem:s6+$0x7880];
	[tilespmem:s6+$0x7810] =	vst v19;
	v19 =	vmul.f32 v60, v59  }
0x1bb: {  	v30 =	vld [tilespmem:s6+$0x7890];
	[tilespmem:s6+$0x7820] =	vst v18;
	v18 =	vmul.f32 v61, v59  }
0x1bc: {  	v31 =	vld [tilespmem:s6+$0x78A0];
	[tilespmem:s6+$0x7830] =	vst v19;
	v19 =	vmul.f32 v62, v59  }
0x1bd: {  	v33 =	vld [tilespmem:s6+$0x78B0];
	v32 =	vperm.xlane v17, v5;
	[tilespmem:s6+$0x7840] =	vst v18;
	v18 =	vmul.f32 v63, v59  }
0x1be: {  	v34 =	vld [tilespmem:s6+$0x78C0];
	[tilespmem:s6+$0x7850] =	vst v19;
	v19 =	vmul.f32 v28, v59  }
0x1bf: {  	v35 =	vld [tilespmem:s6+$0x78D0];
	[tilespmem:s6+$0x7860] =	vst v18;
	v18 =	vmul.f32 v29, v32  }
0x1c0: {  	v36 =	vld [tilespmem:s6+$0x78E0];
	[tilespmem:s6+$0x7870] =	vst v19;
	v19 =	vmul.f32 v30, v32  }
0x1c1: {  	v37 =	vld [tilespmem:s6+$0x78F0];
	[tilespmem:s6+$0x7880] =	vst v18;
	v18 =	vmul.f32 v31, v32  }
0x1c2: {  	v38 =	vld [tilespmem:s6+$0x7900];
	[tilespmem:s6+$0x7890] =	vst v19;
	v19 =	vmul.f32 v33, v32  }
0x1c3: {  	v39 =	vld [tilespmem:s6+$0x7910];
	[tilespmem:s6+$0x78A0] =	vst v18;
	v18 =	vmul.f32 v34, v32  }
0x1c4: {  	v40 =	vld [tilespmem:s6+$0x7920];
	[tilespmem:s6+$0x78B0] =	vst v19;
	v19 =	vmul.f32 v35, v32  }
0x1c5: {  	v41 =	vperm.xlane v17, v6;
	v42 =	vld [tilespmem:s6+$0x7930];
	[tilespmem:s6+$0x78C0] =	vst v18;
	v18 =	vmul.f32 v36, v32  }
0x1c6: {  	v43 =	vld [tilespmem:s6+$0x7940];
	[tilespmem:s6+$0x78D0] =	vst v19;
	v19 =	vmul.f32 v37, v32  }
0x1c7: {  	v44 =	vld [tilespmem:s6+$0x7950];
	[tilespmem:s6+$0x78E0] =	vst v18;
	v18 =	vmul.f32 v38, v41  }
0x1c8: {  	v45 =	vld [tilespmem:s6+$0x7960];
	[tilespmem:s6+$0x78F0] =	vst v19;
	v19 =	vmul.f32 v39, v41  }
0x1c9: {  	v46 =	vld [tilespmem:s6+$0x7970];
	[tilespmem:s6+$0x7900] =	vst v18;
	v18 =	vmul.f32 v40, v41  }
0x1ca: {  	v47 =	vld [tilespmem:s6+$0x7980];
	[tilespmem:s6+$0x7910] =	vst v19;
	v19 =	vmul.f32 v42, v41  }
0x1cb: {  	v48 =	vld [tilespmem:s6+$0x7990];
	[tilespmem:s6+$0x7920] =	vst v18;
	v18 =	vmul.f32 v43, v41  }
0x1cc: {  	v49 =	vld [tilespmem:s6+$0x79A0];
	[tilespmem:s6+$0x7930] =	vst v19;
	v19 =	vmul.f32 v44, v41  }
0x1cd: {  	v51 =	vld [tilespmem:s6+$0x79B0];
	v50 =	vperm.xlane v17, v7;
	[tilespmem:s6+$0x7940] =	vst v18;
	v18 =	vmul.f32 v45, v41  }
0x1ce: {  	v52 =	vld [tilespmem:s6+$0x79C0];
	[tilespmem:s6+$0x7950] =	vst v19;
	v19 =	vmul.f32 v46, v41  }
0x1cf: {  	v53 =	vld [tilespmem:s6+$0x79D0];
	[tilespmem:s6+$0x7960] =	vst v18;
	v18 =	vmul.f32 v47, v50  }
0x1d0: {  	v54 =	vld [tilespmem:s6+$0x79E0];
	[tilespmem:s6+$0x7970] =	vst v19;
	v19 =	vmul.f32 v48, v50  }
0x1d1: {  	v55 =	vld [tilespmem:s6+$0x79F0];
	[tilespmem:s6+$0x7980] =	vst v18;
	v18 =	vmul.f32 v49, v50  }
0x1d2: {  	v56 =	vld [tilespmem:s6+$0x7A00];
	[tilespmem:s6+$0x7990] =	vst v19;
	v19 =	vmul.f32 v51, v50  }
0x1d3: {  	v57 =	vld [tilespmem:s6+$0x7A10];
	[tilespmem:s6+$0x79A0] =	vst v18;
	v18 =	vmul.f32 v52, v50  }
0x1d4: {  	v58 =	vld [tilespmem:s6+$0x7A20];
	[tilespmem:s6+$0x79B0] =	vst v19;
	v19 =	vmul.f32 v53, v50  }
0x1d5: {  	v60 =	vld [tilespmem:s6+$0x7A30];
	v59 =	vperm.xlane v17, v8;
	[tilespmem:s6+$0x79C0] =	vst v18;
	v18 =	vmul.f32 v54, v50  }
0x1d6: {  	v61 =	vld [tilespmem:s6+$0x7A40];
	[tilespmem:s6+$0x79D0] =	vst v19;
	v19 =	vmul.f32 v55, v50  }
0x1d7: {  	v62 =	vld [tilespmem:s6+$0x7A50];
	[tilespmem:s6+$0x79E0] =	vst v18;
	v18 =	vmul.f32 v56, v59  }
0x1d8: {  	v63 =	vld [tilespmem:s6+$0x7A60];
	[tilespmem:s6+$0x79F0] =	vst v19;
	v19 =	vmul.f32 v57, v59  }
0x1d9: {  	v28 =	vld [tilespmem:s6+$0x7A70];
	[tilespmem:s6+$0x7A00] =	vst v18;
	v18 =	vmul.f32 v58, v59  }
0x1da: {  	v29 =	vld [tilespmem:s6+$0x7A80];
	[tilespmem:s6+$0x7A10] =	vst v19;
	v19 =	vmul.f32 v60, v59  }
0x1db: {  	v30 =	vld [tilespmem:s6+$0x7A90];
	[tilespmem:s6+$0x7A20] =	vst v18;
	v18 =	vmul.f32 v61, v59  }
0x1dc: {  	v31 =	vld [tilespmem:s6+$0x7AA0];
	[tilespmem:s6+$0x7A30] =	vst v19;
	v19 =	vmul.f32 v62, v59  }
0x1dd: {  	v33 =	vld [tilespmem:s6+$0x7AB0];
	v32 =	vperm.xlane v17, v9;
	[tilespmem:s6+$0x7A40] =	vst v18;
	v18 =	vmul.f32 v63, v59  }
0x1de: {  	v34 =	vld [tilespmem:s6+$0x7AC0];
	[tilespmem:s6+$0x7A50] =	vst v19;
	v19 =	vmul.f32 v28, v59  }
0x1df: {  	v35 =	vld [tilespmem:s6+$0x7AD0];
	[tilespmem:s6+$0x7A60] =	vst v18;
	v18 =	vmul.f32 v29, v32  }
0x1e0: {  	v36 =	vld [tilespmem:s6+$0x7AE0];
	[tilespmem:s6+$0x7A70] =	vst v19;
	v19 =	vmul.f32 v30, v32  }
0x1e1: {  	v37 =	vld [tilespmem:s6+$0x7AF0];
	[tilespmem:s6+$0x7A80] =	vst v18;
	v18 =	vmul.f32 v31, v32  }
0x1e2: {  	v38 =	vld [tilespmem:s6+$0x7B00];
	[tilespmem:s6+$0x7A90] =	vst v19;
	v19 =	vmul.f32 v33, v32  }
0x1e3: {  	v39 =	vld [tilespmem:s6+$0x7B10];
	[tilespmem:s6+$0x7AA0] =	vst v18;
	v18 =	vmul.f32 v34, v32  }
0x1e4: {  	v40 =	vld [tilespmem:s6+$0x7B20];
	[tilespmem:s6+$0x7AB0] =	vst v19;
	v19 =	vmul.f32 v35, v32  }
0x1e5: {  	v42 =	vld [tilespmem:s6+$0x7B30];
	v41 =	vperm.xlane v17, v10;
	[tilespmem:s6+$0x7AC0] =	vst v18;
	v18 =	vmul.f32 v36, v32  }
0x1e6: {  	v43 =	vld [tilespmem:s6+$0x7B40];
	[tilespmem:s6+$0x7AD0] =	vst v19;
	v19 =	vmul.f32 v37, v32  }
0x1e7: {  	v44 =	vld [tilespmem:s6+$0x7B50];
	[tilespmem:s6+$0x7AE0] =	vst v18;
	v18 =	vmul.f32 v38, v41  }
0x1e8: {  	v45 =	vld [tilespmem:s6+$0x7B60];
	[tilespmem:s6+$0x7AF0] =	vst v19;
	v19 =	vmul.f32 v39, v41  }
0x1e9: {  	v46 =	vld [tilespmem:s6+$0x7B70];
	[tilespmem:s6+$0x7B00] =	vst v18;
	v18 =	vmul.f32 v40, v41  }
0x1ea: {  	v47 =	vld [tilespmem:s6+$0x7B80];
	[tilespmem:s6+$0x7B10] =	vst v19;
	v19 =	vmul.f32 v42, v41  }
0x1eb: {  	v48 =	vld [tilespmem:s6+$0x7B90];
	[tilespmem:s6+$0x7B20] =	vst v18;
	v18 =	vmul.f32 v43, v41  }
0x1ec: {  	v49 =	vld [tilespmem:s6+$0x7BA0];
	[tilespmem:s6+$0x7B30] =	vst v19;
	v19 =	vmul.f32 v44, v41  }
0x1ed: {  	v51 =	vld [tilespmem:s6+$0x7BB0];
	v50 =	vperm.xlane v17, v11;
	[tilespmem:s6+$0x7B40] =	vst v18;
	v18 =	vmul.f32 v45, v41  }
0x1ee: {  	v52 =	vld [tilespmem:s6+$0x7BC0];
	[tilespmem:s6+$0x7B50] =	vst v19;
	v19 =	vmul.f32 v46, v41  }
0x1ef: {  	v53 =	vld [tilespmem:s6+$0x7BD0];
	[tilespmem:s6+$0x7B60] =	vst v18;
	v18 =	vmul.f32 v47, v50  }
0x1f0: {  	v54 =	vld [tilespmem:s6+$0x7BE0];
	[tilespmem:s6+$0x7B70] =	vst v19;
	v19 =	vmul.f32 v48, v50  }
0x1f1: {  	v55 =	vld [tilespmem:s6+$0x7BF0];
	[tilespmem:s6+$0x7B80] =	vst v18;
	v18 =	vmul.f32 v49, v50  }
0x1f2: {  	v56 =	vld [tilespmem:s6+$0x7C00];
	[tilespmem:s6+$0x7B90] =	vst v19;
	v19 =	vmul.f32 v51, v50  }
0x1f3: {  	v57 =	vld [tilespmem:s6+$0x7C10];
	[tilespmem:s6+$0x7BA0] =	vst v18;
	v18 =	vmul.f32 v52, v50  }
0x1f4: {  	v58 =	vld [tilespmem:s6+$0x7C20];
	[tilespmem:s6+$0x7BB0] =	vst v19;
	v19 =	vmul.f32 v53, v50  }
0x1f5: {  	v60 =	vld [tilespmem:s6+$0x7C30];
	v59 =	vperm.xlane v17, v12;
	[tilespmem:s6+$0x7BC0] =	vst v18;
	v18 =	vmul.f32 v54, v50  }
0x1f6: {  	v61 =	vld [tilespmem:s6+$0x7C40];
	[tilespmem:s6+$0x7BD0] =	vst v19;
	v19 =	vmul.f32 v55, v50  }
0x1f7: {  	v62 =	vld [tilespmem:s6+$0x7C50];
	[tilespmem:s6+$0x7BE0] =	vst v18;
	v18 =	vmul.f32 v56, v59  }
0x1f8: {  	v63 =	vld [tilespmem:s6+$0x7C60];
	[tilespmem:s6+$0x7BF0] =	vst v19;
	v19 =	vmul.f32 v57, v59  }
0x1f9: {  	v28 =	vld [tilespmem:s6+$0x7C70];
	[tilespmem:s6+$0x7C00] =	vst v18;
	v18 =	vmul.f32 v58, v59  }
0x1fa: {  	v29 =	vld [tilespmem:s6+$0x7C80];
	[tilespmem:s6+$0x7C10] =	vst v19;
	v19 =	vmul.f32 v60, v59  }
0x1fb: {  	v30 =	vld [tilespmem:s6+$0x7C90];
	[tilespmem:s6+$0x7C20] =	vst v18;
	v18 =	vmul.f32 v61, v59  }
0x1fc: {  	v31 =	vld [tilespmem:s6+$0x7CA0];
	[tilespmem:s6+$0x7C30] =	vst v19;
	v19 =	vmul.f32 v62, v59  }
0x1fd: {  	v33 =	vld [tilespmem:s6+$0x7CB0];
	v32 =	vperm.xlane v17, v13;
	[tilespmem:s6+$0x7C40] =	vst v18;
	v18 =	vmul.f32 v63, v59  }
0x1fe: {  	v34 =	vld [tilespmem:s6+$0x7CC0];
	[tilespmem:s6+$0x7C50] =	vst v19;
	v19 =	vmul.f32 v28, v59  }
0x1ff: {  	v35 =	vld [tilespmem:s6+$0x7CD0];
	[tilespmem:s6+$0x7C60] =	vst v18;
	v18 =	vmul.f32 v29, v32  }
0x200: {  	v36 =	vld [tilespmem:s6+$0x7CE0];
	[tilespmem:s6+$0x7C70] =	vst v19;
	v19 =	vmul.f32 v30, v32  }
0x201: {  	v37 =	vld [tilespmem:s6+$0x7CF0];
	[tilespmem:s6+$0x7C80] =	vst v18;
	v18 =	vmul.f32 v31, v32  }
0x202: {  	v38 =	vld [tilespmem:s6+$0x7D00];
	[tilespmem:s6+$0x7C90] =	vst v19;
	v19 =	vmul.f32 v33, v32  }
0x203: {  	v39 =	vld [tilespmem:s6+$0x7D10];
	[tilespmem:s6+$0x7CA0] =	vst v18;
	v18 =	vmul.f32 v34, v32  }
0x204: {  	v40 =	vld [tilespmem:s6+$0x7D20];
	[tilespmem:s6+$0x7CB0] =	vst v19;
	v19 =	vmul.f32 v35, v32  }
0x205: {  	v42 =	vld [tilespmem:s6+$0x7D30];
	v41 =	vperm.xlane v17, v14;
	[tilespmem:s6+$0x7CC0] =	vst v18;
	v18 =	vmul.f32 v36, v32  }
0x206: {  	v43 =	vld [tilespmem:s6+$0x7D40];
	[tilespmem:s6+$0x7CD0] =	vst v19;
	v19 =	vmul.f32 v37, v32  }
0x207: {  	v44 =	vld [tilespmem:s6+$0x7D50];
	[tilespmem:s6+$0x7CE0] =	vst v18;
	v18 =	vmul.f32 v38, v41  }
0x208: {  	v45 =	vld [tilespmem:s6+$0x7D60];
	[tilespmem:s6+$0x7CF0] =	vst v19;
	v19 =	vmul.f32 v39, v41  }
0x209: {  	v46 =	vld [tilespmem:s6+$0x7D70];
	[tilespmem:s6+$0x7D00] =	vst v18;
	v18 =	vmul.f32 v40, v41  }
0x20a: {  	v47 =	vld [tilespmem:s6+$0x7D80];
	[tilespmem:s6+$0x7D10] =	vst v19;
	v19 =	vmul.f32 v42, v41  }
0x20b: {  	v48 =	vld [tilespmem:s6+$0x7D90];
	[tilespmem:s6+$0x7D20] =	vst v18;
	v18 =	vmul.f32 v43, v41  }
0x20c: {  	v49 =	vld [tilespmem:s6+$0x7DA0];
	[tilespmem:s6+$0x7D30] =	vst v19;
	v19 =	vmul.f32 v44, v41  }
0x20d: {  	v51 =	vld [tilespmem:s6+$0x7DB0];
	v50 =	vperm.xlane v17, v15;
	[tilespmem:s6+$0x7D40] =	vst v18;
	v18 =	vmul.f32 v45, v41  }
0x20e: {  	v52 =	vld [tilespmem:s6+$0x7DC0];
	[tilespmem:s6+$0x7D50] =	vst v19;
	v19 =	vmul.f32 v46, v41  }
0x20f: {  	v53 =	vld [tilespmem:s6+$0x7DD0];
	[tilespmem:s6+$0x7D60] =	vst v18;
	v18 =	vmul.f32 v47, v50  }
0x210: {  	v54 =	vld [tilespmem:s6+$0x7DE0];
	[tilespmem:s6+$0x7D70] =	vst v19;
	v19 =	vmul.f32 v48, v50  }
0x211: {  	v55 =	vld [tilespmem:s6+$0x7DF0];
	[tilespmem:s6+$0x7D80] =	vst v18;
	v18 =	vmul.f32 v49, v50  }
0x212: {  	v56 =	vld [tilespmem:s6+$0x7E00];
	[tilespmem:s6+$0x7D90] =	vst v19;
	v19 =	vmul.f32 v51, v50  }
0x213: {  	v57 =	vld [tilespmem:s6+$0x7E10];
	[tilespmem:s6+$0x7DA0] =	vst v18;
	v18 =	vmul.f32 v52, v50  }
0x214: {  	v58 =	vld [tilespmem:s6+$0x7E20];
	[tilespmem:s6+$0x7DB0] =	vst v19;
	v19 =	vmul.f32 v53, v50  }
0x215: {  	v17 =	vperm.xlane v17, v16;
	v59 =	vld [tilespmem:s6+$0x7E30];
	[tilespmem:s6+$0x7DC0] =	vst v18;
	v18 =	vmul.f32 v54, v50  }
0x216: {  	v60 =	vld [tilespmem:s6+$0x7E40];
	[tilespmem:s6+$0x7DD0] =	vst v19;
	v19 =	vmul.f32 v55, v50  }
0x217: {  	v61 =	vld [tilespmem:s6+$0x7E50];
	[tilespmem:s6+$0x7DE0] =	vst v18;
	v18 =	vmul.f32 v56, v17  }
0x218: {  	v62 =	vld [tilespmem:s6+$0x7E60];
	[tilespmem:s6+$0x7DF0] =	vst v19;
	v19 =	vmul.f32 v57, v17  }
0x219: {  	v63 =	vld [tilespmem:s6+$0x7E70];
	[tilespmem:s6+$0x7E00] =	vst v18;
	v18 =	vmul.f32 v58, v17  }
0x21a: {  	[tilespmem:s6+$0x7E10] =	vst v19;
	v19 =	vmul.f32 v59, v17  }
0x21b: {  	p1 =	sne.s32 s5, $0x4;
	[tilespmem:s6+$0x7E20] =	vst v18;
	v18 =	vmul.f32 v60, v17  }
.Ltmp4:
0x21c: {  	[tilespmem:s6+$0x7E30] =	vst v19;
	v19 =	vmul.f32 v61, v17;
	(pc) =	sbr.rel @p1 .LBB2_10-.Ltmp4, $4  }
0x21d: {  	[tilespmem:s6+$0x7E40] =	vst v18;
	v18 =	vmul.f32 v62, v17  }
0x21e: {  	[tilespmem:s6+$0x7E50] =	vst v19;
	v17 =	vmul.f32 v63, v17  }
0x21f: {  	[tilespmem:s6+$0x7E60] =	vst v18  }
0x220: {  	s5 =	sadd.s32 $0x1, s5;
	[tilespmem:s6+$0x7E70] =	vst v17  }
0x221: {  	s5 =	simm.s32 $0x4E40  }
0x222: {  	[spmem:s3] =	stream.indirect.scatter.add.f32 [tilespmem:s25], [sflag:$0x3], $0x80, s5, s0, $0xb8;
	[tilespmem:$0x1FF00] =	vst v63  }
0x223: {  	_ =	swait.ge [sflag:s26], $0x2800  }
0x224: {  	[sflag:s26] =	ssyncset.done $0x0  }
0x225: {  	s8 =	stileid.u32;
	[sflag:s26] =	ssyncadd.s32 $0xFFFFD800  }
0x226: {  	s5 =	sshll.u32 s8, $0x6;
	[bflag:$0x0] =	sbarrier.arrive $0xFFFF  }
0x227: {  	s6 =	sshrl.u32 s9, $0x3;
	s5 =	sor.u32 $0x1C03, s5;
	s7 =	rddreg [dreg:$0x8]  }
0x228: {  	[hbm:s7], [sflag:s5] =	dma.local [spmem:s6], $0x500  }
0x229: {  	_ =	swait.ge [sflag:s26], $0x500  }
0x22a: {  	[sflag:s26] =	ssyncset.done $0x0  }
0x22b: {  	s11 =	sshrl.u32 s10, $0x3;
	[sflag:s26] =	ssyncadd.s32 $0xFFFFFB00  }
0x22c: {  	[hbm:s12], [sflag:s5] =	dma.local [spmem:s11], $0x500  }
0x22d: {  	_ =	swait.ge [sflag:s26], $0x500  }
0x22e: {  	[sflag:s26] =	ssyncset.done $0x0  }
0x22f: {  	s7 =	sshrl.u32 s19, $0x3;
	[sflag:s26] =	ssyncadd.s32 $0xFFFFFB00  }
0x230: {  	[hbm:s13], [sflag:s5] =	dma.local [spmem:s7], $0x500  }
0x231: {  	_ =	swait.ge [sflag:s26], $0x500  }
0x232: {  	[sflag:s26] =	ssyncset.done $0x0  }
0x233: {  	s8 =	sshrl.u32 s20, $0x3;
	[sflag:s26] =	ssyncadd.s32 $0xFFFFFB00  }
0x234: {  	[hbm:s14], [sflag:s5] =	dma.local [spmem:s8], $0x500  }
0x235: {  	_ =	swait.ge [sflag:s26], $0x500  }
0x236: {  	[sflag:s26] =	ssyncset.done $0x0  }
0x237: {  	s11 =	sshrl.u32 s21, $0x3;
	[sflag:s26] =	ssyncadd.s32 $0xFFFFFB00  }
0x238: {  	[hbm:s15], [sflag:s5] =	dma.local [spmem:s11], $0x500  }
0x239: {  	_ =	swait.ge [sflag:s26], $0x500  }
0x23a: {  	[sflag:s26] =	ssyncset.done $0x0  }
0x23b: {  	s7 =	sshrl.u32 s22, $0x3;
	[sflag:s26] =	ssyncadd.s32 $0xFFFFFB00  }
0x23c: {  	[hbm:s16], [sflag:s5] =	dma.local [spmem:s7], $0x500  }
0x23d: {  	_ =	swait.ge [sflag:s26], $0x500  }
0x23e: {  	[sflag:s26] =	ssyncset.done $0x0  }
0x23f: {  	s8 =	sshrl.u32 s23, $0x3;
	[sflag:s26] =	ssyncadd.s32 $0xFFFFFB00  }
0x240: {  	[hbm:s17], [sflag:s5] =	dma.local [spmem:s8], $0x500  }
0x241: {  	_ =	swait.ge [sflag:s26], $0x500  }
0x242: {  	[sflag:s26] =	ssyncset.done $0x0  }
0x243: {  	s6 =	sshrl.u32 @!p0 s24, $0x3;
	[sflag:s26] =	ssyncadd.s32 $0xFFFFFB00  }
0x244: {  	[hbm:s18], [sflag:s5] =	dma.local @!p0 [spmem:s6], $0x500  }
0x245: {  	s5 =	simm.s32 @!p0 $0x3  }
0x246: {  	_ =	swait.ge @!p0 [sflag:s5], $0x500  }
0x247: {  	s4 =	sadd.s32 $0x1, s4;
	s11 =	rddreg [dreg:$0x7]  }
0x248: {  	p1 =	sne.s32 s4, s11  }
.Ltmp5:
0x249: {  	_ = 	snop;
	(pc) =	sbr.rel @p1 .LBB2_1-.Ltmp5, $3  }
0x24a: {  	_ =	sdelay $0x1  }
0x24b: {  	[sflag:s5] =	ssyncset.done @!p0 $0x0  }
0x24c: {  	[sflag:s5] =	ssyncadd.s32 @!p0 $0xFFFFFB00  }
0x24d: {  	_ =	sfence.sel $0x180000  }
0x24e: {  	[bflag:$0x0] =	sbarrier.arrive $0xFFFF  }
0x24f: {  	_ =	strace $0x90000047  }
0x250: {  	s0 =	stileid.u32;
	[bflag:$0x2] =	sbarrier.arrive $0xFFFF  }
0x251: {  	p0 =	sne.s32 s0, $0x0;
	s0 =	rddreg [dreg:$0x3]  }
0x252: {  	s0 =	sadd.s32 @!p0 $0x100000, s0  }
0x253: {  	[sflag:s0] =	ssyncadd.tile.s32 @!p0 $0x1;
	_ =	shalt  }
.Lfunc_end2:
_tile_overlayer_lowered:
.L_overlay_start_2:
0x254: {  	(tag) =	ssettag $0x2  }
0x255: {  	s0 =	rddreg [dreg:$0x0];
	s2 =	stileid.u32  }
0x256: {  	s1 =	rddreg [dreg:$0x1];
	p0 =	sne.s32 s2, $0x0  }
0x257: {  	s3 =	rddreg [dreg:$0x2];
	[bflag:$0x3] =	sbarrier.arrive $0xFFFF;
	s2 =	simm.s32 @!p0 $0x1C03  }
0x258: {  	[timem:s3], [sflag:s2] =	dma.local @!p0 [hbm:s0], s1  }
0x259: {  	s0 =	simm.s32 @!p0 $0x3  }
0x25a: {  	_ =	swait.ge @!p0 [sflag:s0], s1  }
0x25b: {  	s1 =	ssub.s32 @!p0 $0x0, s1;
	[sflag:s0] =	ssyncset.done @!p0 $0x0  }
0x25c: {  	[sflag:s0] =	ssyncadd.s32 @!p0 s1  }
0x25d: {  	[bflag:$0x3] =	sbarrier.arrive $0xFFFF  }
0x25e: {  	_ =	shalt  }

</sc_bundles>
